<compile_context>
chip_gen: v7x
topology: tpu7x:2x2x1
jax: 0.10.2.dev20260603
libtpu: 0.0.44.dev20260713+nightly
codegen_flags: <defaults>
</compile_context>

<pallas_src>
import functools

import jax
import jax.numpy as jnp
from jax import lax
from jax.experimental import pallas as pl
from jax.experimental.pallas import tpu as pltpu
from jax.experimental.pallas import tpu_sc as plsc

NC = 2
NS = 16
L = 16
CHUNK = 128

f32 = jnp.float32
i32 = jnp.int32


def _splat(ref, i):
    return plsc.load_gather(ref, [jnp.full((L,), i, i32)])


def _rn_tc(rT):
    def body(r_ref, o_ref):
        x = r_ref[...]
        n2 = x[0:1, :] * x[0:1, :] + x[1:2, :] * x[1:2, :] + x[2:3, :] * x[2:3, :]
        o_ref[...] = x * lax.rsqrt(n2 + 1e-35)

    return pl.pallas_call(
        body, out_shape=jax.ShapeDtypeStruct(rT.shape, f32))(rT)


def _dinv_tc(d0, d1):
    def body(a_ref, b_ref, o_ref):
        o_ref[...] = 1.0 / (a_ref[...] + b_ref[...] + 1e-9)

    return pl.pallas_call(
        body, out_shape=jax.ShapeDtypeStruct(d0.shape, f32))(d0, d1)


@functools.lru_cache(maxsize=None)
def _build_k2(NPAD, EPAD, C):
    EW = EPAD // (NC * NS)
    NCHUNK = EW // CHUNK
    SLICE = NPAD // NS
    mesh = plsc.VectorSubcoreMesh(core_axis_name="c", subcore_axis_name="s")

    def body(src_hbm, dst_hbm, xij_hbm, rn16_hbm, attn_hbm,
             aexp_hbm, den_hbm,
             sidx0, didx0, xs0, xd0, rs0, rd0,
             sidx1, didx1, xs1, xd1, rs1, rd1,
             xsum, rnS, rnD, aexp_v, attn_v, zbuf, den_sp, sem0, sem1):
        cid = lax.axis_index("c")
        sid = lax.axis_index("s")
        wid = cid * NS + sid
        zeros16 = jnp.zeros((L,), f32)
        iota_s = lax.iota(i32, L) * CHUNK

        pltpu.sync_copy(attn_hbm, attn_v)

        def zbody(i, c):
            zbuf[pl.ds(i * L, L)] = zeros16
            return c
        lax.fori_loop(0, SLICE // L, zbody, 0)
        pltpu.sync_copy(zbuf, den_sp.at[pl.ds(sid * SLICE, SLICE)])
        plsc.subcore_barrier()

        bufs = ((sidx0, didx0, xs0, xd0, rs0, rd0, sem0),
                (sidx1, didx1, xs1, xd1, rs1, rd1, sem1))

        def issue(off, b):
            sidx, didx, xs, xd, rs16, rd16, sem = b
            pltpu.sync_copy(src_hbm.at[pl.ds(off, CHUNK)], sidx)
            pltpu.sync_copy(dst_hbm.at[pl.ds(off, CHUNK)], didx)
            pltpu.async_copy(xij_hbm.at[sidx], xs, sem)
            pltpu.async_copy(xij_hbm.at[didx], xd, sem)
            pltpu.async_copy(rn16_hbm.at[sidx], rs16, sem)
            pltpu.async_copy(rn16_hbm.at[didx], rd16, sem)

        def drain(b):
            sidx, didx, xs, xd, rs16, rd16, sem = b
            pltpu.make_async_copy(xij_hbm.at[sidx], xs, sem).wait()
            pltpu.make_async_copy(xij_hbm.at[didx], xd, sem).wait()
            pltpu.make_async_copy(rn16_hbm.at[sidx], rs16, sem).wait()
            pltpu.make_async_copy(rn16_hbm.at[didx], rd16, sem).wait()

        def compute(off, b):
            sidx, didx, xs, xd, rs16, rd16, sem = b
            def e_body(e4, cc):
                for d in range(8):
                    e = e4 * 8 + d
                    for j in range(C // L):
                        v = xs[e, pl.ds(j * L, L)] + xd[e, pl.ds(j * L, L)]
                        plsc.store_scatter(
                            xsum, [iota_s + (j * L * CHUNK + e)], v)
                    plsc.store_scatter(rnS, [iota_s + e], rs16[e, pl.ds(0, L)])
                    plsc.store_scatter(rnD, [iota_s + e], rd16[e, pl.ds(0, L)])
                return cc
            lax.fori_loop(0, CHUNK // 8, e_body, 0)

            def group(g, cc):
                g16 = g * L
                cos = (rnS[pl.ds(g16, L)] * rnD[pl.ds(g16, L)]
                       + rnS[pl.ds(CHUNK + g16, L)] * rnD[pl.ds(CHUNK + g16, L)]
                       + rnS[pl.ds(2 * CHUNK + g16, L)] * rnD[pl.ds(2 * CHUNK + g16, L)])
                c2x = cos + cos

                def kbody(k8, carry):
                    t0, t1, a = carry
                    terms = []
                    for d in range(16):
                        k = k8 * 16 + d
                        s = t1 + xsum[pl.ds(k * CHUNK + g16, L)]
                        terms.append(_splat(attn_v, k)
                                     * (s / (1.0 + jnp.exp(-s))))
                        t0, t1 = t1, c2x * t1 - t0
                    while len(terms) > 1:
                        terms = [terms[i] + terms[i + 1]
                                 for i in range(0, len(terms), 2)]
                    return (t0, t1, a + terms[0])

                _, _, acc = lax.fori_loop(
                    0, C // 16, kbody, (cos, jnp.ones((L,), f32),
                                       jnp.zeros((L,), f32)))
                aexp_v[pl.ds(g16, L)] = jnp.exp(acc)
                return cc
            lax.fori_loop(0, CHUNK // L, group, 0)

            pltpu.sync_copy(aexp_v, aexp_hbm.at[pl.ds(off, CHUNK)])
            pltpu.sync_copy(aexp_v, den_sp.at[didx], add=True)

        base = wid * EW
        issue(base, bufs[0])

        def pair(i, c):
            offa = base + (2 * i) * CHUNK
            issue(offa + CHUNK, bufs[1])
            drain(bufs[0])
            compute(offa, bufs[0])
            issue(offa + 2 * CHUNK, bufs[0])
            drain(bufs[1])
            compute(offa + CHUNK, bufs[1])
            return c
        lax.fori_loop(0, NCHUNK // 2, pair, 0)
        drain(bufs[0])

        plsc.subcore_barrier()
        pltpu.sync_copy(den_sp.at[pl.ds(sid * SLICE, SLICE)],
                        den_hbm.at[pl.ds(cid * NPAD + sid * SLICE, SLICE)])

    return pl.kernel(
        body,
        out_type=(jax.ShapeDtypeStruct((EPAD,), f32),
                  jax.ShapeDtypeStruct((NC * NPAD,), f32)),
        mesh=mesh,
        compiler_params=pltpu.CompilerParams(needs_layout_passes=False, use_tc_tiling_on_sc=False),
        scratch_types=[
            pltpu.VMEM((CHUNK,), i32),
            pltpu.VMEM((CHUNK,), i32),
            pltpu.VMEM((CHUNK, C), f32),
            pltpu.VMEM((CHUNK, C), f32),
            pltpu.VMEM((CHUNK, L), f32),
            pltpu.VMEM((CHUNK, L), f32),
            pltpu.VMEM((CHUNK,), i32),
            pltpu.VMEM((CHUNK,), i32),
            pltpu.VMEM((CHUNK, C), f32),
            pltpu.VMEM((CHUNK, C), f32),
            pltpu.VMEM((CHUNK, L), f32),
            pltpu.VMEM((CHUNK, L), f32),
            pltpu.VMEM((C * CHUNK,), f32),
            pltpu.VMEM((L * CHUNK,), f32),
            pltpu.VMEM((L * CHUNK,), f32),
            pltpu.VMEM((CHUNK,), f32),
            pltpu.VMEM((C,), f32),
            pltpu.VMEM((NPAD // NS,), f32),
            pltpu.VMEM_SHARED((NPAD,), f32),
            pltpu.SemaphoreType.DMA,
            pltpu.SemaphoreType.DMA,
        ],
    )


@functools.lru_cache(maxsize=None)
def _build_k3(NPAD, EPAD, CH):
    EW3 = EPAD // NS
    NCHUNK3 = EW3 // CHUNK
    SLICE = NPAD // NS
    ZR = 64 if SLICE % 64 == 0 else 8
    NZ = SLICE // ZR
    mesh = plsc.VectorSubcoreMesh(core_axis_name="c", subcore_axis_name="s")

    def body(src2_hbm, dst_hbm, aexp_hbm, dinv16_hbm, xsplit_hbm,
             ft_hbm,
             sidx, didx, aexp_v, dv16, xsb, stage, zrow, ft_sp,
             sem):
        cid = lax.axis_index("c")
        sid = lax.axis_index("s")
        zeros16 = jnp.zeros((L,), f32)

        def zr_body(i, c):
            zrow[i, pl.ds(0, L)] = zeros16
            zrow[i, pl.ds(L, L)] = zeros16
            return c
        lax.fori_loop(0, ZR, zr_body, 0)

        def zf_body(j, c):
            pltpu.sync_copy(zrow, ft_sp.at[pl.ds(sid * SLICE + j * ZR, ZR)])
            return c
        lax.fori_loop(0, NZ, zf_body, 0)
        plsc.subcore_barrier()

        def chunk_body(ch, c):
            off = sid * EW3 + ch * CHUNK
            pltpu.sync_copy(src2_hbm.at[pl.ds(cid * EPAD + off, CHUNK)], sidx)
            pltpu.sync_copy(dst_hbm.at[pl.ds(off, CHUNK)], didx)
            pltpu.sync_copy(aexp_hbm.at[pl.ds(off, CHUNK)], aexp_v)
            c1 = pltpu.async_copy(dinv16_hbm.at[didx], dv16, sem)
            c2 = pltpu.async_copy(xsplit_hbm.at[sidx], xsb, sem)
            c1.wait(); c2.wait()

            def e_body(e4, cc):
                for d in range(4):
                    e = e4 * 4 + d
                    al = _splat(aexp_v, e) * dv16[e, pl.ds(0, L)]
                    stage[e, pl.ds(0, L)] = xsb[e, pl.ds(0, L)] * al
                    stage[e, pl.ds(L, L)] = xsb[e, pl.ds(L, L)] * al
                return cc
            lax.fori_loop(0, CHUNK // 4, e_body, 0)

            pltpu.sync_copy(stage, ft_sp.at[didx], add=True)
            return c
        lax.fori_loop(0, NCHUNK3, chunk_body, 0)

        plsc.subcore_barrier()
        pltpu.sync_copy(ft_sp.at[pl.ds(sid * SLICE, SLICE)],
                        ft_hbm.at[pl.ds(cid * NPAD + sid * SLICE, SLICE)])

    return pl.kernel(
        body,
        out_type=jax.ShapeDtypeStruct((NC * NPAD, CH), f32),
        mesh=mesh,
        compiler_params=pltpu.CompilerParams(needs_layout_passes=False, use_tc_tiling_on_sc=False),
        scratch_types=[
            pltpu.VMEM((CHUNK,), i32),
            pltpu.VMEM((CHUNK,), i32),
            pltpu.VMEM((CHUNK,), f32),
            pltpu.VMEM((CHUNK, L), f32),
            pltpu.VMEM((CHUNK, CH), f32),
            pltpu.VMEM((CHUNK, CH), f32),
            pltpu.VMEM((ZR, CH), f32),
            pltpu.VMEM_SHARED((NPAD, CH), f32),
            pltpu.SemaphoreType.DMA,
        ],
    )


def kernel(xij, r, attn, edge_index):
    N, C = xij.shape
    E = edge_index.shape[1]
    NPAD = ((N + 1 + 255) // 256) * 256
    BLK = NC * NS * CHUNK
    EPAD = ((E + BLK - 1) // BLK) * BLK

    src = jnp.concatenate([edge_index[0], jnp.full((EPAD - E,), N, i32)])
    dst = jnp.concatenate([edge_index[1], jnp.full((EPAD - E,), N, i32)])
    srck2 = jnp.concatenate([src, jnp.full((CHUNK,), N, i32)])
    dstk2 = jnp.concatenate([dst, jnp.full((CHUNK,), N, i32)])
    xijf = jnp.concatenate([xij, jnp.zeros((NPAD - N, C), f32)], axis=0)
    rT = jnp.concatenate([r.T, jnp.zeros((3, NPAD - N), f32)], axis=1)

    rn = _rn_tc(rT)
    rn16 = jnp.concatenate([rn.T, jnp.zeros((NPAD, L - 3), f32)], axis=1)

    aexp, den = _build_k2(NPAD, EPAD, C)(srck2, dstk2, xijf, rn16,
                                         attn.reshape(-1).astype(f32))

    d0 = den[:NPAD].reshape(-1, 128)
    d1 = den[NPAD:].reshape(-1, 128)
    dinv = _dinv_tc(d0, d1).reshape(-1)
    dinv16 = jnp.broadcast_to(dinv[:, None], (NPAD, L))

    CH = C // 2
    xsplit = jnp.concatenate([xijf[:, :CH], xijf[:, CH:]], axis=0)
    src2 = jnp.concatenate([src, src + NPAD])

    ftflat = _build_k3(NPAD, EPAD, CH)(src2, dst, aexp, dinv16, xsplit)
    return jnp.concatenate([ftflat[:N], ftflat[NPAD:NPAD + N]], axis=1)

# --- scband reference (transcript-rebuilt; emitter-appended) ---
"""Pipeline reference for scband-tersoff-attention-12128987644521 (READ-ONLY COPY).

The authoritative reference and input builder live on the scoring server;
editing this copy changes nothing except your own understanding.
"""

import jax, jax.numpy as jnp
import numpy as np

N_NODES = 50000   # nodes of line graph t = bonds of g
N_EDGES = 800000  # edges of t = angle triplets j-i-k
CHANNELS = 64


def _cheb_expand(x, channels):
    # Chebyshev polynomial expansion T_0..T_{channels-1} of scalar x in [-1, 1]
    t0 = jnp.ones_like(x)
    t1 = x
    polys = [t0, t1]
    for _ in range(channels - 2):
        polys.append(2.0 * x * polys[-1] - polys[-2])
    return jnp.stack(polys[:channels], axis=-1)


def setup_inputs(seed: int = 0) -> dict:
    key = jax.random.key(seed)
    k1, k2, k3, k4 = jax.random.split(key, 4)
    xij = jax.random.normal(k1, (N_NODES, CHANNELS), dtype=jnp.float32)
    r = jax.random.normal(k2, (N_NODES, 3), dtype=jnp.float32)
    attn = jax.random.normal(k3, (1, CHANNELS), dtype=jnp.float32) * 0.1
    edge_index = jax.random.randint(k4, (2, N_EDGES), 0, N_NODES, dtype=jnp.int32)
    return {"xij": xij, "r": r, "attn": attn, "edge_index": edge_index}


def reference(xij, r, attn, edge_index):
    n = xij.shape[0]
    src = edge_index[0]
    dst = edge_index[1]
    # rnorm = -r / ||r||
    rnorm = -r / jnp.linalg.norm(r, axis=1, keepdims=True)
    # u_dot_v('rnorm','rnorm') -> cos of angle between bonds
    cos_jik = jnp.sum(rnorm[src] * rnorm[dst], axis=-1)  # [E]
    z_jik = _cheb_expand(cos_jik, attn.shape[-1])          # [E, C]
    # u_add_v('xij','xij')
    x_jik = xij[src] + xij[dst]                            # [E, C]
    e_jik = jax.nn.silu(z_jik + x_jik)                     # [E, C]
    a = jnp.sum(e_jik * attn, axis=-1)                     # [E]
    # edge softmax over incoming edges of each dst node
    a_max = jax.ops.segment_max(a, dst, num_segments=n)
    a_max = jax.lax.stop_gradient(a_max)
    a_exp = jnp.exp(a - a_max[dst])
    denom = jax.ops.segment_sum(a_exp, dst, num_segments=n)
    alpha = a_exp / (denom[dst] + 1e-9)                    # [E]
    # update_all(u_mul_e('xij','a'), sum) -> ft per node
    ft = jax.ops.segment_sum(xij[src] * alpha[:, None], dst, num_segments=n)
    return ft

if __name__ == "__main__":
    import jax
    _d = setup_inputs()
    print(jax.jit(kernel)(*tuple(_d.values())))

</pallas_src>

<mosaic_0001>
#map = affine_map<(d0, d1) -> (0)>
#map1 = affine_map<(d0, d1) -> (0, 0)>
module attributes {stable_mosaic.version = 14 : i64} {
  func.func @body(%arg0: i32, %arg1: i32, %arg2: memref<802944xi32, #tpu.memory_space<hbm>>, %arg3: memref<802944xi32, #tpu.memory_space<hbm>>, %arg4: memref<50176x64xf32, #tpu.memory_space<hbm>>, %arg5: memref<50176x16xf32, #tpu.memory_space<hbm>>, %arg6: memref<64xf32, #tpu.memory_space<hbm>>, %arg7: memref<802816xf32, #tpu.memory_space<hbm>>, %arg8: memref<100352xf32, #tpu.memory_space<hbm>>, %arg9: memref<128xi32, #tpu.memory_space<vmem>>, %arg10: memref<128xi32, #tpu.memory_space<vmem>>, %arg11: memref<128x64xf32, #tpu.memory_space<vmem>>, %arg12: memref<128x64xf32, #tpu.memory_space<vmem>>, %arg13: memref<128x16xf32, #tpu.memory_space<vmem>>, %arg14: memref<128x16xf32, #tpu.memory_space<vmem>>, %arg15: memref<128xi32, #tpu.memory_space<vmem>>, %arg16: memref<128xi32, #tpu.memory_space<vmem>>, %arg17: memref<128x64xf32, #tpu.memory_space<vmem>>, %arg18: memref<128x64xf32, #tpu.memory_space<vmem>>, %arg19: memref<128x16xf32, #tpu.memory_space<vmem>>, %arg20: memref<128x16xf32, #tpu.memory_space<vmem>>, %arg21: memref<8192xf32, #tpu.memory_space<vmem>>, %arg22: memref<2048xf32, #tpu.memory_space<vmem>>, %arg23: memref<2048xf32, #tpu.memory_space<vmem>>, %arg24: memref<128xf32, #tpu.memory_space<vmem>>, %arg25: memref<64xf32, #tpu.memory_space<vmem>>, %arg26: memref<3136xf32, #tpu.memory_space<vmem>>, %arg27: memref<50176xf32, #tpu.memory_space<vmem_shared>>, %arg28: memref<!tpu.dma_semaphore, #tpu.memory_space<semaphore_mem>>, %arg29: memref<!tpu.dma_semaphore, #tpu.memory_space<semaphore_mem>>) attributes {dimension_semantics = [#tpu.dimension_semantics<core_parallel>, #tpu.dimension_semantics<subcore_parallel>], iteration_bounds = array<i64: 2, 16>, scalar_prefetch = 0 : i64, scratch_operands = 21 : i64, tpu.core_type = #tpu.core_type<sc_vector_subcore>, window_params = [{transform_indices = #map}, {transform_indices = #map}, {transform_indices = #map1}, {transform_indices = #map1}, {transform_indices = #map}, {transform_indices = #map}, {transform_indices = #map}]} {
    %mul3A = arith.constant 16 : i32
    %mul3A_0 = arith.muli %arg0, %mul3A : i32
    %add3A = arith.addi %mul3A_0, %arg1 : i32
    %broadcast_in_dim3A = arith.constant 0.000000e+00 : f32
    %broadcast_in_dim3A_1 = vector.broadcast %broadcast_in_dim3A : f32 to vector<16xf32>
    %iota3A = tpu.iota {dimensions = array<i32: 0>} : vector<16xi32>
    %mul3A_2 = arith.constant 128 : i32
    %mul3A_3 = vector.broadcast %mul3A_2 : i32 to vector<16xi32>
    %mul3A_4 = arith.muli %iota3A, %mul3A_3 : vector<16xi32>
    "tpu.region"() ({
      %run_scoped3A = tpu.sem_alloc : memref<!tpu.dma_semaphore, #tpu.memory_space<semaphore_mem>>
      tpu.enqueue_dma source(%arg6 : memref<64xf32, #tpu.memory_space<hbm>>) target(%arg25 : memref<64xf32, #tpu.memory_space<vmem>>) target_semaphore(%run_scoped3A : memref<!tpu.dma_semaphore, #tpu.memory_space<semaphore_mem>>)
      tpu.wait_dma2 semaphore(%run_scoped3A : memref<!tpu.dma_semaphore, #tpu.memory_space<semaphore_mem>>) src(%arg6 : memref<64xf32, #tpu.memory_space<hbm>>) dst(%arg25 : memref<64xf32, #tpu.memory_space<vmem>>)
      tpu.yield
    }) : () -> ()
    %scan3A = arith.constant 0 : i32
    %scan3A_5 = arith.constant 0 : i32
    %scan3A_6 = arith.constant 196 : i32
    %scan3A_7 = arith.addi %scan3A_5, %scan3A_6 : i32
    %scan3A_8 = arith.constant 1 : i32
    scf.for %scan3A_50 = %scan3A_5 to %scan3A_7 step %scan3A_8  : i32 {
      %mul3A_51 = arith.constant 16 : i32
      %mul3A_52 = arith.muli %scan3A_50, %mul3A_51 : i32
      %swap3A = arith.index_cast %mul3A_52 : i32 to index
      %swap3A_53 = tpu.vector_load %arg26[%swap3A] {strides = array<i32>} : memref<3136xf32, #tpu.memory_space<vmem>>, vector<16xf32>,
      tpu.vector_store %arg26[%swap3A], %broadcast_in_dim3A_1 {strides = array<i32>} : memref<3136xf32, #tpu.memory_space<vmem>>, vector<16xf32>,
    }
    %scan3A_9 = arith.constant 196 : i32
    %mul3A_10 = arith.constant 3136 : i32
    %mul3A_11 = arith.muli %arg1, %mul3A_10 : i32
    "tpu.region"() ({
      %run_scoped3A = tpu.sem_alloc : memref<!tpu.dma_semaphore, #tpu.memory_space<semaphore_mem>>
      %dma_start3A_50 = tpu.memref_slice %arg27[%mul3A_11] : memref<50176xf32, #tpu.memory_space<vmem_shared>> -> memref<3136xf32, #tpu.memory_space<vmem_shared>>
      %dma_start3A_51 = tpu.memref_slice %arg27[%mul3A_11] : memref<50176xf32, #tpu.memory_space<vmem_shared>> -> memref<3136xf32, #tpu.memory_space<vmem_shared>>
      tpu.enqueue_dma source(%arg26 : memref<3136xf32, #tpu.memory_space<vmem>>) target(%dma_start3A_51 : memref<3136xf32, #tpu.memory_space<vmem_shared>>) target_semaphore(%run_scoped3A : memref<!tpu.dma_semaphore, #tpu.memory_space<semaphore_mem>>)
      %dma_wait3A_52 = tpu.memref_slice %arg27[%mul3A_11] : memref<50176xf32, #tpu.memory_space<vmem_shared>> -> memref<3136xf32, #tpu.memory_space<vmem_shared>>
      %dma_wait3A_53 = tpu.memref_slice %arg27[%mul3A_11] : memref<50176xf32, #tpu.memory_space<vmem_shared>> -> memref<3136xf32, #tpu.memory_space<vmem_shared>>
      tpu.wait_dma2 semaphore(%run_scoped3A : memref<!tpu.dma_semaphore, #tpu.memory_space<semaphore_mem>>) src(%arg26 : memref<3136xf32, #tpu.memory_space<vmem>>) dst(%dma_wait3A_53 : memref<3136xf32, #tpu.memory_space<vmem_shared>>)
      tpu.yield
    }) : () -> ()
    %barrier3A = arith.constant 0 : index
    tpu.barrier barrier_id(%barrier3A)
    %mul3A_12 = arith.constant 25088 : i32
    %mul3A_13 = arith.muli %add3A, %mul3A_12 : i32
    "tpu.region"() ({
      %run_scoped3A = tpu.sem_alloc : memref<!tpu.dma_semaphore, #tpu.memory_space<semaphore_mem>>
      %dma_start3A_50 = tpu.memref_slice %arg2[%mul3A_13] : memref<802944xi32, #tpu.memory_space<hbm>> -> memref<128xi32, #tpu.memory_space<hbm>>
      %dma_start3A_51 = tpu.memref_slice %arg2[%mul3A_13] : memref<802944xi32, #tpu.memory_space<hbm>> -> memref<128xi32, #tpu.memory_space<hbm>>
      tpu.enqueue_dma source(%dma_start3A_51 : memref<128xi32, #tpu.memory_space<hbm>>) target(%arg9 : memref<128xi32, #tpu.memory_space<vmem>>) target_semaphore(%run_scoped3A : memref<!tpu.dma_semaphore, #tpu.memory_space<semaphore_mem>>)
      %dma_wait3A_52 = tpu.memref_slice %arg2[%mul3A_13] : memref<802944xi32, #tpu.memory_space<hbm>> -> memref<128xi32, #tpu.memory_space<hbm>>
      %dma_wait3A_53 = tpu.memref_slice %arg2[%mul3A_13] : memref<802944xi32, #tpu.memory_space<hbm>> -> memref<128xi32, #tpu.memory_space<hbm>>
      tpu.wait_dma2 semaphore(%run_scoped3A : memref<!tpu.dma_semaphore, #tpu.memory_space<semaphore_mem>>) src(%dma_wait3A_53 : memref<128xi32, #tpu.memory_space<hbm>>) dst(%arg9 : memref<128xi32, #tpu.memory_space<vmem>>)
      tpu.yield
    }) : () -> ()
    "tpu.region"() ({
      %run_scoped3A = tpu.sem_alloc : memref<!tpu.dma_semaphore, #tpu.memory_space<semaphore_mem>>
      %dma_start3A_50 = tpu.memref_slice %arg3[%mul3A_13] : memref<802944xi32, #tpu.memory_space<hbm>> -> memref<128xi32, #tpu.memory_space<hbm>>
      %dma_start3A_51 = tpu.memref_slice %arg3[%mul3A_13] : memref<802944xi32, #tpu.memory_space<hbm>> -> memref<128xi32, #tpu.memory_space<hbm>>
      tpu.enqueue_dma source(%dma_start3A_51 : memref<128xi32, #tpu.memory_space<hbm>>) target(%arg10 : memref<128xi32, #tpu.memory_space<vmem>>) target_semaphore(%run_scoped3A : memref<!tpu.dma_semaphore, #tpu.memory_space<semaphore_mem>>)
      %dma_wait3A_52 = tpu.memref_slice %arg3[%mul3A_13] : memref<802944xi32, #tpu.memory_space<hbm>> -> memref<128xi32, #tpu.memory_space<hbm>>
      %dma_wait3A_53 = tpu.memref_slice %arg3[%mul3A_13] : memref<802944xi32, #tpu.memory_space<hbm>> -> memref<128xi32, #tpu.memory_space<hbm>>
      tpu.wait_dma2 semaphore(%run_scoped3A : memref<!tpu.dma_semaphore, #tpu.memory_space<semaphore_mem>>) src(%dma_wait3A_53 : memref<128xi32, #tpu.memory_space<hbm>>) dst(%arg10 : memref<128xi32, #tpu.memory_space<vmem>>)
      tpu.yield
    }) : () -> ()
    %dma_start3A = arith.constant 0 : i32
    %dma_start3A_14 = arith.constant 0 : i32
    %dma_start3A_15 = tpu.memref_slice %arg4[%dma_start3A, %dma_start3A_14] : memref<50176x64xf32, #tpu.memory_space<hbm>> -> memref<50176x64xf32, #tpu.memory_space<hbm>>
    tpu.enqueue_indirect_dma source(%dma_start3A_15 : memref<50176x64xf32, #tpu.memory_space<hbm>>) target(%arg11 : memref<128x64xf32, #tpu.memory_space<vmem>>) offsets(%arg9 : memref<128xi32, #tpu.memory_space<vmem>>) semaphore(%arg28 : memref<!tpu.dma_semaphore, #tpu.memory_space<semaphore_mem>>)
    %dma_start3A_16 = arith.constant 0 : i32
    %dma_start3A_17 = arith.constant 0 : i32
    %dma_start3A_18 = tpu.memref_slice %arg4[%dma_start3A_16, %dma_start3A_17] : memref<50176x64xf32, #tpu.memory_space<hbm>> -> memref<50176x64xf32, #tpu.memory_space<hbm>>
    tpu.enqueue_indirect_dma source(%dma_start3A_18 : memref<50176x64xf32, #tpu.memory_space<hbm>>) target(%arg12 : memref<128x64xf32, #tpu.memory_space<vmem>>) offsets(%arg10 : memref<128xi32, #tpu.memory_space<vmem>>) semaphore(%arg28 : memref<!tpu.dma_semaphore, #tpu.memory_space<semaphore_mem>>)
    %dma_start3A_19 = arith.constant 0 : i32
    %dma_start3A_20 = arith.constant 0 : i32
    %dma_start3A_21 = tpu.memref_slice %arg5[%dma_start3A_19, %dma_start3A_20] : memref<50176x16xf32, #tpu.memory_space<hbm>> -> memref<50176x16xf32, #tpu.memory_space<hbm>>
    tpu.enqueue_indirect_dma source(%dma_start3A_21 : memref<50176x16xf32, #tpu.memory_space<hbm>>) target(%arg13 : memref<128x16xf32, #tpu.memory_space<vmem>>) offsets(%arg9 : memref<128xi32, #tpu.memory_space<vmem>>) semaphore(%arg28 : memref<!tpu.dma_semaphore, #tpu.memory_space<semaphore_mem>>)
    %dma_start3A_22 = arith.constant 0 : i32
    %dma_start3A_23 = arith.constant 0 : i32
    %dma_start3A_24 = tpu.memref_slice %arg5[%dma_start3A_22, %dma_start3A_23] : memref<50176x16xf32, #tpu.memory_space<hbm>> -> memref<50176x16xf32, #tpu.memory_space<hbm>>
    tpu.enqueue_indirect_dma source(%dma_start3A_24 : memref<50176x16xf32, #tpu.memory_space<hbm>>) target(%arg14 : memref<128x16xf32, #tpu.memory_space<vmem>>) offsets(%arg10 : memref<128xi32, #tpu.memory_space<vmem>>) semaphore(%arg28 : memref<!tpu.dma_semaphore, #tpu.memory_space<semaphore_mem>>)
    %scan3A_25 = arith.constant 0 : i32
    %scan3A_26 = arith.constant 0 : i32
    %scan3A_27 = arith.constant 98 : i32
    %scan3A_28 = arith.addi %scan3A_26, %scan3A_27 : i32
    %scan3A_29 = arith.constant 1 : i32
    scf.for %scan3A_50 = %scan3A_26 to %scan3A_28 step %scan3A_29  : i32 {
      %mul3A_51 = arith.constant 2 : i32
      %mul3A_52 = arith.muli %mul3A_51, %scan3A_50 : i32
      %mul3A_53 = arith.constant 128 : i32
      %mul3A_54 = arith.muli %mul3A_52, %mul3A_53 : i32
      %add3A_55 = arith.addi %mul3A_13, %mul3A_54 : i32
      %add3A_56 = arith.constant 128 : i32
      %add3A_57 = arith.addi %add3A_55, %add3A_56 : i32
      "tpu.region"() ({
        %run_scoped3A = tpu.sem_alloc : memref<!tpu.dma_semaphore, #tpu.memory_space<semaphore_mem>>
        %dma_start3A_134 = tpu.memref_slice %arg2[%add3A_57] : memref<802944xi32, #tpu.memory_space<hbm>> -> memref<128xi32, #tpu.memory_space<hbm>>
        %dma_start3A_135 = tpu.memref_slice %arg2[%add3A_57] : memref<802944xi32, #tpu.memory_space<hbm>> -> memref<128xi32, #tpu.memory_space<hbm>>
        tpu.enqueue_dma source(%dma_start3A_135 : memref<128xi32, #tpu.memory_space<hbm>>) target(%arg15 : memref<128xi32, #tpu.memory_space<vmem>>) target_semaphore(%run_scoped3A : memref<!tpu.dma_semaphore, #tpu.memory_space<semaphore_mem>>)
        %dma_wait3A_136 = tpu.memref_slice %arg2[%add3A_57] : memref<802944xi32, #tpu.memory_space<hbm>> -> memref<128xi32, #tpu.memory_space<hbm>>
        %dma_wait3A_137 = tpu.memref_slice %arg2[%add3A_57] : memref<802944xi32, #tpu.memory_space<hbm>> -> memref<128xi32, #tpu.memory_space<hbm>>
        tpu.wait_dma2 semaphore(%run_scoped3A : memref<!tpu.dma_semaphore, #tpu.memory_space<semaphore_mem>>) src(%dma_wait3A_137 : memref<128xi32, #tpu.memory_space<hbm>>) dst(%arg15 : memref<128xi32, #tpu.memory_space<vmem>>)
        tpu.yield
      }) : () -> ()
      "tpu.region"() ({
        %run_scoped3A = tpu.sem_alloc : memref<!tpu.dma_semaphore, #tpu.memory_space<semaphore_mem>>
        %dma_start3A_134 = tpu.memref_slice %arg3[%add3A_57] : memref<802944xi32, #tpu.memory_space<hbm>> -> memref<128xi32, #tpu.memory_space<hbm>>
        %dma_start3A_135 = tpu.memref_slice %arg3[%add3A_57] : memref<802944xi32, #tpu.memory_space<hbm>> -> memref<128xi32, #tpu.memory_space<hbm>>
        tpu.enqueue_dma source(%dma_start3A_135 : memref<128xi32, #tpu.memory_space<hbm>>) target(%arg16 : memref<128xi32, #tpu.memory_space<vmem>>) target_semaphore(%run_scoped3A : memref<!tpu.dma_semaphore, #tpu.memory_space<semaphore_mem>>)
        %dma_wait3A_136 = tpu.memref_slice %arg3[%add3A_57] : memref<802944xi32, #tpu.memory_space<hbm>> -> memref<128xi32, #tpu.memory_space<hbm>>
        %dma_wait3A_137 = tpu.memref_slice %arg3[%add3A_57] : memref<802944xi32, #tpu.memory_space<hbm>> -> memref<128xi32, #tpu.memory_space<hbm>>
        tpu.wait_dma2 semaphore(%run_scoped3A : memref<!tpu.dma_semaphore, #tpu.memory_space<semaphore_mem>>) src(%dma_wait3A_137 : memref<128xi32, #tpu.memory_space<hbm>>) dst(%arg16 : memref<128xi32, #tpu.memory_space<vmem>>)
        tpu.yield
      }) : () -> ()
      %dma_start3A_58 = arith.constant 0 : i32
      %dma_start3A_59 = arith.constant 0 : i32
      %dma_start3A_60 = tpu.memref_slice %arg4[%dma_start3A_58, %dma_start3A_59] : memref<50176x64xf32, #tpu.memory_space<hbm>> -> memref<50176x64xf32, #tpu.memory_space<hbm>>
      tpu.enqueue_indirect_dma source(%dma_start3A_60 : memref<50176x64xf32, #tpu.memory_space<hbm>>) target(%arg17 : memref<128x64xf32, #tpu.memory_space<vmem>>) offsets(%arg15 : memref<128xi32, #tpu.memory_space<vmem>>) semaphore(%arg29 : memref<!tpu.dma_semaphore, #tpu.memory_space<semaphore_mem>>)
      %dma_start3A_61 = arith.constant 0 : i32
      %dma_start3A_62 = arith.constant 0 : i32
      %dma_start3A_63 = tpu.memref_slice %arg4[%dma_start3A_61, %dma_start3A_62] : memref<50176x64xf32, #tpu.memory_space<hbm>> -> memref<50176x64xf32, #tpu.memory_space<hbm>>
      tpu.enqueue_indirect_dma source(%dma_start3A_63 : memref<50176x64xf32, #tpu.memory_space<hbm>>) target(%arg18 : memref<128x64xf32, #tpu.memory_space<vmem>>) offsets(%arg16 : memref<128xi32, #tpu.memory_space<vmem>>) semaphore(%arg29 : memref<!tpu.dma_semaphore, #tpu.memory_space<semaphore_mem>>)
      %dma_start3A_64 = arith.constant 0 : i32
      %dma_start3A_65 = arith.constant 0 : i32
      %dma_start3A_66 = tpu.memref_slice %arg5[%dma_start3A_64, %dma_start3A_65] : memref<50176x16xf32, #tpu.memory_space<hbm>> -> memref<50176x16xf32, #tpu.memory_space<hbm>>
      tpu.enqueue_indirect_dma source(%dma_start3A_66 : memref<50176x16xf32, #tpu.memory_space<hbm>>) target(%arg19 : memref<128x16xf32, #tpu.memory_space<vmem>>) offsets(%arg15 : memref<128xi32, #tpu.memory_space<vmem>>) semaphore(%arg29 : memref<!tpu.dma_semaphore, #tpu.memory_space<semaphore_mem>>)
      %dma_start3A_67 = arith.constant 0 : i32
      %dma_start3A_68 = arith.constant 0 : i32
      %dma_start3A_69 = tpu.memref_slice %arg5[%dma_start3A_67, %dma_start3A_68] : memref<50176x16xf32, #tpu.memory_space<hbm>> -> memref<50176x16xf32, #tpu.memory_space<hbm>>
      tpu.enqueue_indirect_dma source(%dma_start3A_69 : memref<50176x16xf32, #tpu.memory_space<hbm>>) target(%arg20 : memref<128x16xf32, #tpu.memory_space<vmem>>) offsets(%arg16 : memref<128xi32, #tpu.memory_space<vmem>>) semaphore(%arg29 : memref<!tpu.dma_semaphore, #tpu.memory_space<semaphore_mem>>)
      %dma_wait3A_70 = arith.constant 0 : i32
      %dma_wait3A_71 = arith.constant 0 : i32
      %dma_wait3A_72 = tpu.memref_slice %arg4[%dma_wait3A_70, %dma_wait3A_71] : memref<50176x64xf32, #tpu.memory_space<hbm>> -> memref<50176x64xf32, #tpu.memory_space<hbm>>
      tpu.wait_indirect_dma semaphore(%arg28 : memref<!tpu.dma_semaphore, #tpu.memory_space<semaphore_mem>>) src(%dma_wait3A_72 : memref<50176x64xf32, #tpu.memory_space<hbm>>) dst(%arg11 : memref<128x64xf32, #tpu.memory_space<vmem>>)
      %dma_wait3A_73 = arith.constant 0 : i32
      %dma_wait3A_74 = arith.constant 0 : i32
      %dma_wait3A_75 = tpu.memref_slice %arg4[%dma_wait3A_73, %dma_wait3A_74] : memref<50176x64xf32, #tpu.memory_space<hbm>> -> memref<50176x64xf32, #tpu.memory_space<hbm>>
      tpu.wait_indirect_dma semaphore(%arg28 : memref<!tpu.dma_semaphore, #tpu.memory_space<semaphore_mem>>) src(%dma_wait3A_75 : memref<50176x64xf32, #tpu.memory_space<hbm>>) dst(%arg12 : memref<128x64xf32, #tpu.memory_space<vmem>>)
      %dma_wait3A_76 = arith.constant 0 : i32
      %dma_wait3A_77 = arith.constant 0 : i32
      %dma_wait3A_78 = tpu.memref_slice %arg5[%dma_wait3A_76, %dma_wait3A_77] : memref<50176x16xf32, #tpu.memory_space<hbm>> -> memref<50176x16xf32, #tpu.memory_space<hbm>>
      tpu.wait_indirect_dma semaphore(%arg28 : memref<!tpu.dma_semaphore, #tpu.memory_space<semaphore_mem>>) src(%dma_wait3A_78 : memref<50176x16xf32, #tpu.memory_space<hbm>>) dst(%arg13 : memref<128x16xf32, #tpu.memory_space<vmem>>)
      %dma_wait3A_79 = arith.constant 0 : i32
      %dma_wait3A_80 = arith.constant 0 : i32
      %dma_wait3A_81 = tpu.memref_slice %arg5[%dma_wait3A_79, %dma_wait3A_80] : memref<50176x16xf32, #tpu.memory_space<hbm>> -> memref<50176x16xf32, #tpu.memory_space<hbm>>
      tpu.wait_indirect_dma semaphore(%arg28 : memref<!tpu.dma_semaphore, #tpu.memory_space<semaphore_mem>>) src(%dma_wait3A_81 : memref<50176x16xf32, #tpu.memory_space<hbm>>) dst(%arg14 : memref<128x16xf32, #tpu.memory_space<vmem>>)
      %scan3A_82 = arith.constant 0 : i32
      %scan3A_83 = arith.constant 0 : i32
      %scan3A_84 = arith.constant 16 : i32
      %scan3A_85 = arith.addi %scan3A_83, %scan3A_84 : i32
      %scan3A_86 = arith.constant 1 : i32
      scf.for %scan3A_134 = %scan3A_83 to %scan3A_85 step %scan3A_86  : i32 {
        %mul3A_135 = arith.constant 8 : i32
        %mul3A_136 = arith.muli %scan3A_134, %mul3A_135 : i32
        %add3A_137 = arith.constant 0 : i32
        %add3A_138 = arith.addi %mul3A_136, %add3A_137 : i32
        %get3A = arith.index_cast %add3A_138 : i32 to index
        %get3A_139 = arith.constant 0 : index
        %get3A_140 = tpu.vector_load %arg11[%get3A, %get3A_139] {strides = array<i32>} : memref<128x64xf32, #tpu.memory_space<vmem>>, vector<16xf32>,
        %get3A_141 = arith.index_cast %add3A_138 : i32 to index
        %get3A_142 = arith.constant 0 : index
        %get3A_143 = tpu.vector_load %arg12[%get3A_141, %get3A_142] {strides = array<i32>} : memref<128x64xf32, #tpu.memory_space<vmem>>, vector<16xf32>,
        %add3A_144 = arith.addf %get3A_140, %get3A_143 : vector<16xf32>
        %add3A_145 = arith.constant 0 : i32
        %add3A_146 = arith.addi %add3A_145, %add3A_138 : i32
        %add3A_147 = vector.broadcast %add3A_146 : i32 to vector<16xi32>
        %add3A_148 = arith.addi %mul3A_4, %add3A_147 : vector<16xi32>
        tpu.vector_store_idx %arg21[%add3A_148], %add3A_144 : memref<8192xf32, #tpu.memory_space<vmem>>[vector<16xi32>], vector<16xf32>,
        %get3A_149 = arith.index_cast %add3A_138 : i32 to index
        %get3A_150 = arith.constant 16 : index
        %get3A_151 = tpu.vector_load %arg11[%get3A_149, %get3A_150] {strides = array<i32>} : memref<128x64xf32, #tpu.memory_space<vmem>>, vector<16xf32>,
        %get3A_152 = arith.index_cast %add3A_138 : i32 to index
        %get3A_153 = arith.constant 16 : index
        %get3A_154 = tpu.vector_load %arg12[%get3A_152, %get3A_153] {strides = array<i32>} : memref<128x64xf32, #tpu.memory_space<vmem>>, vector<16xf32>,
        %add3A_155 = arith.addf %get3A_151, %get3A_154 : vector<16xf32>
        %add3A_156 = arith.constant 2048 : i32
        %add3A_157 = arith.addi %add3A_156, %add3A_138 : i32
        %add3A_158 = vector.broadcast %add3A_157 : i32 to vector<16xi32>
        %add3A_159 = arith.addi %mul3A_4, %add3A_158 : vector<16xi32>
        tpu.vector_store_idx %arg21[%add3A_159], %add3A_155 : memref<8192xf32, #tpu.memory_space<vmem>>[vector<16xi32>], vector<16xf32>,
        %get3A_160 = arith.index_cast %add3A_138 : i32 to index
        %get3A_161 = arith.constant 32 : index
        %get3A_162 = tpu.vector_load %arg11[%get3A_160, %get3A_161] {strides = array<i32>} : memref<128x64xf32, #tpu.memory_space<vmem>>, vector<16xf32>,
        %get3A_163 = arith.index_cast %add3A_138 : i32 to index
        %get3A_164 = arith.constant 32 : index
        %get3A_165 = tpu.vector_load %arg12[%get3A_163, %get3A_164] {strides = array<i32>} : memref<128x64xf32, #tpu.memory_space<vmem>>, vector<16xf32>,
        %add3A_166 = arith.addf %get3A_162, %get3A_165 : vector<16xf32>
        %add3A_167 = arith.constant 4096 : i32
        %add3A_168 = arith.addi %add3A_167, %add3A_138 : i32
        %add3A_169 = vector.broadcast %add3A_168 : i32 to vector<16xi32>
        %add3A_170 = arith.addi %mul3A_4, %add3A_169 : vector<16xi32>
        tpu.vector_store_idx %arg21[%add3A_170], %add3A_166 : memref<8192xf32, #tpu.memory_space<vmem>>[vector<16xi32>], vector<16xf32>,
        %get3A_171 = arith.index_cast %add3A_138 : i32 to index
        %get3A_172 = arith.constant 48 : index
        %get3A_173 = tpu.vector_load %arg11[%get3A_171, %get3A_172] {strides = array<i32>} : memref<128x64xf32, #tpu.memory_space<vmem>>, vector<16xf32>,
        %get3A_174 = arith.index_cast %add3A_138 : i32 to index
        %get3A_175 = arith.constant 48 : index
        %get3A_176 = tpu.vector_load %arg12[%get3A_174, %get3A_175] {strides = array<i32>} : memref<128x64xf32, #tpu.memory_space<vmem>>, vector<16xf32>,
        %add3A_177 = arith.addf %get3A_173, %get3A_176 : vector<16xf32>
        %add3A_178 = arith.constant 6144 : i32
        %add3A_179 = arith.addi %add3A_178, %add3A_138 : i32
        %add3A_180 = vector.broadcast %add3A_179 : i32 to vector<16xi32>
        %add3A_181 = arith.addi %mul3A_4, %add3A_180 : vector<16xi32>
        tpu.vector_store_idx %arg21[%add3A_181], %add3A_177 : memref<8192xf32, #tpu.memory_space<vmem>>[vector<16xi32>], vector<16xf32>,
        %add3A_182 = vector.broadcast %add3A_138 : i32 to vector<16xi32>
        %add3A_183 = arith.addi %mul3A_4, %add3A_182 : vector<16xi32>
        %get3A_184 = arith.index_cast %add3A_138 : i32 to index
        %get3A_185 = arith.constant 0 : index
        %get3A_186 = tpu.vector_load %arg13[%get3A_184, %get3A_185] {strides = array<i32>} : memref<128x16xf32, #tpu.memory_space<vmem>>, vector<16xf32>,
        tpu.vector_store_idx %arg22[%add3A_183], %get3A_186 : memref<2048xf32, #tpu.memory_space<vmem>>[vector<16xi32>], vector<16xf32>,
        %add3A_187 = vector.broadcast %add3A_138 : i32 to vector<16xi32>
        %add3A_188 = arith.addi %mul3A_4, %add3A_187 : vector<16xi32>
        %get3A_189 = arith.index_cast %add3A_138 : i32 to index
        %get3A_190 = arith.constant 0 : index
        %get3A_191 = tpu.vector_load %arg14[%get3A_189, %get3A_190] {strides = array<i32>} : memref<128x16xf32, #tpu.memory_space<vmem>>, vector<16xf32>,
        tpu.vector_store_idx %arg23[%add3A_188], %get3A_191 : memref<2048xf32, #tpu.memory_space<vmem>>[vector<16xi32>], vector<16xf32>,
        %mul3A_192 = arith.constant 8 : i32
        %mul3A_193 = arith.muli %scan3A_134, %mul3A_192 : i32
        %add3A_194 = arith.constant 1 : i32
        %add3A_195 = arith.addi %mul3A_193, %add3A_194 : i32
        %get3A_196 = arith.index_cast %add3A_195 : i32 to index
        %get3A_197 = arith.constant 0 : index
        %get3A_198 = tpu.vector_load %arg11[%get3A_196, %get3A_197] {strides = array<i32>} : memref<128x64xf32, #tpu.memory_space<vmem>>, vector<16xf32>,
        %get3A_199 = arith.index_cast %add3A_195 : i32 to index
        %get3A_200 = arith.constant 0 : index
        %get3A_201 = tpu.vector_load %arg12[%get3A_199, %get3A_200] {strides = array<i32>} : memref<128x64xf32, #tpu.memory_space<vmem>>, vector<16xf32>,
        %add3A_202 = arith.addf %get3A_198, %get3A_201 : vector<16xf32>
        %add3A_203 = arith.constant 0 : i32
        %add3A_204 = arith.addi %add3A_203, %add3A_195 : i32
        %add3A_205 = vector.broadcast %add3A_204 : i32 to vector<16xi32>
        %add3A_206 = arith.addi %mul3A_4, %add3A_205 : vector<16xi32>
        tpu.vector_store_idx %arg21[%add3A_206], %add3A_202 : memref<8192xf32, #tpu.memory_space<vmem>>[vector<16xi32>], vector<16xf32>,
        %get3A_207 = arith.index_cast %add3A_195 : i32 to index
        %get3A_208 = arith.constant 16 : index
        %get3A_209 = tpu.vector_load %arg11[%get3A_207, %get3A_208] {strides = array<i32>} : memref<128x64xf32, #tpu.memory_space<vmem>>, vector<16xf32>,
        %get3A_210 = arith.index_cast %add3A_195 : i32 to index
        %get3A_211 = arith.constant 16 : index
        %get3A_212 = tpu.vector_load %arg12[%get3A_210, %get3A_211] {strides = array<i32>} : memref<128x64xf32, #tpu.memory_space<vmem>>, vector<16xf32>,
        %add3A_213 = arith.addf %get3A_209, %get3A_212 : vector<16xf32>
        %add3A_214 = arith.constant 2048 : i32
        %add3A_215 = arith.addi %add3A_214, %add3A_195 : i32
        %add3A_216 = vector.broadcast %add3A_215 : i32 to vector<16xi32>
        %add3A_217 = arith.addi %mul3A_4, %add3A_216 : vector<16xi32>
        tpu.vector_store_idx %arg21[%add3A_217], %add3A_213 : memref<8192xf32, #tpu.memory_space<vmem>>[vector<16xi32>], vector<16xf32>,
        %get3A_218 = arith.index_cast %add3A_195 : i32 to index
        %get3A_219 = arith.constant 32 : index
        %get3A_220 = tpu.vector_load %arg11[%get3A_218, %get3A_219] {strides = array<i32>} : memref<128x64xf32, #tpu.memory_space<vmem>>, vector<16xf32>,
        %get3A_221 = arith.index_cast %add3A_195 : i32 to index
        %get3A_222 = arith.constant 32 : index
        %get3A_223 = tpu.vector_load %arg12[%get3A_221, %get3A_222] {strides = array<i32>} : memref<128x64xf32, #tpu.memory_space<vmem>>, vector<16xf32>,
        %add3A_224 = arith.addf %get3A_220, %get3A_223 : vector<16xf32>
        %add3A_225 = arith.constant 4096 : i32
        %add3A_226 = arith.addi %add3A_225, %add3A_195 : i32
        %add3A_227 = vector.broadcast %add3A_226 : i32 to vector<16xi32>
        %add3A_228 = arith.addi %mul3A_4, %add3A_227 : vector<16xi32>
        tpu.vector_store_idx %arg21[%add3A_228], %add3A_224 : memref<8192xf32, #tpu.memory_space<vmem>>[vector<16xi32>], vector<16xf32>,
        %get3A_229 = arith.index_cast %add3A_195 : i32 to index
        %get3A_230 = arith.constant 48 : index
        %get3A_231 = tpu.vector_load %arg11[%get3A_229, %get3A_230] {strides = array<i32>} : memref<128x64xf32, #tpu.memory_space<vmem>>, vector<16xf32>,
        %get3A_232 = arith.index_cast %add3A_195 : i32 to index
        %get3A_233 = arith.constant 48 : index
        %get3A_234 = tpu.vector_load %arg12[%get3A_232, %get3A_233] {strides = array<i32>} : memref<128x64xf32, #tpu.memory_space<vmem>>, vector<16xf32>,
        %add3A_235 = arith.addf %get3A_231, %get3A_234 : vector<16xf32>
        %add3A_236 = arith.constant 6144 : i32
        %add3A_237 = arith.addi %add3A_236, %add3A_195 : i32
        %add3A_238 = vector.broadcast %add3A_237 : i32 to vector<16xi32>
        %add3A_239 = arith.addi %mul3A_4, %add3A_238 : vector<16xi32>
        tpu.vector_store_idx %arg21[%add3A_239], %add3A_235 : memref<8192xf32, #tpu.memory_space<vmem>>[vector<16xi32>], vector<16xf32>,
        %add3A_240 = vector.broadcast %add3A_195 : i32 to vector<16xi32>
        %add3A_241 = arith.addi %mul3A_4, %add3A_240 : vector<16xi32>
        %get3A_242 = arith.index_cast %add3A_195 : i32 to index
        %get3A_243 = arith.constant 0 : index
        %get3A_244 = tpu.vector_load %arg13[%get3A_242, %get3A_243] {strides = array<i32>} : memref<128x16xf32, #tpu.memory_space<vmem>>, vector<16xf32>,
        tpu.vector_store_idx %arg22[%add3A_241], %get3A_244 : memref<2048xf32, #tpu.memory_space<vmem>>[vector<16xi32>], vector<16xf32>,
        %add3A_245 = vector.broadcast %add3A_195 : i32 to vector<16xi32>
        %add3A_246 = arith.addi %mul3A_4, %add3A_245 : vector<16xi32>
        %get3A_247 = arith.index_cast %add3A_195 : i32 to index
        %get3A_248 = arith.constant 0 : index
        %get3A_249 = tpu.vector_load %arg14[%get3A_247, %get3A_248] {strides = array<i32>} : memref<128x16xf32, #tpu.memory_space<vmem>>, vector<16xf32>,
        tpu.vector_store_idx %arg23[%add3A_246], %get3A_249 : memref<2048xf32, #tpu.memory_space<vmem>>[vector<16xi32>], vector<16xf32>,
        %mul3A_250 = arith.constant 8 : i32
        %mul3A_251 = arith.muli %scan3A_134, %mul3A_250 : i32
        %add3A_252 = arith.constant 2 : i32
        %add3A_253 = arith.addi %mul3A_251, %add3A_252 : i32
        %get3A_254 = arith.index_cast %add3A_253 : i32 to index
        %get3A_255 = arith.constant 0 : index
        %get3A_256 = tpu.vector_load %arg11[%get3A_254, %get3A_255] {strides = array<i32>} : memref<128x64xf32, #tpu.memory_space<vmem>>, vector<16xf32>,
        %get3A_257 = arith.index_cast %add3A_253 : i32 to index
        %get3A_258 = arith.constant 0 : index
        %get3A_259 = tpu.vector_load %arg12[%get3A_257, %get3A_258] {strides = array<i32>} : memref<128x64xf32, #tpu.memory_space<vmem>>, vector<16xf32>,
        %add3A_260 = arith.addf %get3A_256, %get3A_259 : vector<16xf32>
        %add3A_261 = arith.constant 0 : i32
        %add3A_262 = arith.addi %add3A_261, %add3A_253 : i32
        %add3A_263 = vector.broadcast %add3A_262 : i32 to vector<16xi32>
        %add3A_264 = arith.addi %mul3A_4, %add3A_263 : vector<16xi32>
        tpu.vector_store_idx %arg21[%add3A_264], %add3A_260 : memref<8192xf32, #tpu.memory_space<vmem>>[vector<16xi32>], vector<16xf32>,
        %get3A_265 = arith.index_cast %add3A_253 : i32 to index
        %get3A_266 = arith.constant 16 : index
        %get3A_267 = tpu.vector_load %arg11[%get3A_265, %get3A_266] {strides = array<i32>} : memref<128x64xf32, #tpu.memory_space<vmem>>, vector<16xf32>,
        %get3A_268 = arith.index_cast %add3A_253 : i32 to index
        %get3A_269 = arith.constant 16 : index
        %get3A_270 = tpu.vector_load %arg12[%get3A_268, %get3A_269] {strides = array<i32>} : memref<128x64xf32, #tpu.memory_space<vmem>>, vector<16xf32>,
        %add3A_271 = arith.addf %get3A_267, %get3A_270 : vector<16xf32>
        %add3A_272 = arith.constant 2048 : i32
        %add3A_273 = arith.addi %add3A_272, %add3A_253 : i32
        %add3A_274 = vector.broadcast %add3A_273 : i32 to vector<16xi32>
        %add3A_275 = arith.addi %mul3A_4, %add3A_274 : vector<16xi32>
        tpu.vector_store_idx %arg21[%add3A_275], %add3A_271 : memref<8192xf32, #tpu.memory_space<vmem>>[vector<16xi32>], vector<16xf32>,
        %get3A_276 = arith.index_cast %add3A_253 : i32 to index
        %get3A_277 = arith.constant 32 : index
        %get3A_278 = tpu.vector_load %arg11[%get3A_276, %get3A_277] {strides = array<i32>} : memref<128x64xf32, #tpu.memory_space<vmem>>, vector<16xf32>,
        %get3A_279 = arith.index_cast %add3A_253 : i32 to index
        %get3A_280 = arith.constant 32 : index
        %get3A_281 = tpu.vector_load %arg12[%get3A_279, %get3A_280] {strides = array<i32>} : memref<128x64xf32, #tpu.memory_space<vmem>>, vector<16xf32>,
        %add3A_282 = arith.addf %get3A_278, %get3A_281 : vector<16xf32>
        %add3A_283 = arith.constant 4096 : i32
        %add3A_284 = arith.addi %add3A_283, %add3A_253 : i32
        %add3A_285 = vector.broadcast %add3A_284 : i32 to vector<16xi32>
        %add3A_286 = arith.addi %mul3A_4, %add3A_285 : vector<16xi32>
        tpu.vector_store_idx %arg21[%add3A_286], %add3A_282 : memref<8192xf32, #tpu.memory_space<vmem>>[vector<16xi32>], vector<16xf32>,
        %get3A_287 = arith.index_cast %add3A_253 : i32 to index
        %get3A_288 = arith.constant 48 : index
        %get3A_289 = tpu.vector_load %arg11[%get3A_287, %get3A_288] {strides = array<i32>} : memref<128x64xf32, #tpu.memory_space<vmem>>, vector<16xf32>,
        %get3A_290 = arith.index_cast %add3A_253 : i32 to index
        %get3A_291 = arith.constant 48 : index
        %get3A_292 = tpu.vector_load %arg12[%get3A_290, %get3A_291] {strides = array<i32>} : memref<128x64xf32, #tpu.memory_space<vmem>>, vector<16xf32>,
        %add3A_293 = arith.addf %get3A_289, %get3A_292 : vector<16xf32>
        %add3A_294 = arith.constant 6144 : i32
        %add3A_295 = arith.addi %add3A_294, %add3A_253 : i32
        %add3A_296 = vector.broadcast %add3A_295 : i32 to vector<16xi32>
        %add3A_297 = arith.addi %mul3A_4, %add3A_296 : vector<16xi32>
        tpu.vector_store_idx %arg21[%add3A_297], %add3A_293 : memref<8192xf32, #tpu.memory_space<vmem>>[vector<16xi32>], vector<16xf32>,
        %add3A_298 = vector.broadcast %add3A_253 : i32 to vector<16xi32>
        %add3A_299 = arith.addi %mul3A_4, %add3A_298 : vector<16xi32>
        %get3A_300 = arith.index_cast %add3A_253 : i32 to index
        %get3A_301 = arith.constant 0 : index
        %get3A_302 = tpu.vector_load %arg13[%get3A_300, %get3A_301] {strides = array<i32>} : memref<128x16xf32, #tpu.memory_space<vmem>>, vector<16xf32>,
        tpu.vector_store_idx %arg22[%add3A_299], %get3A_302 : memref<2048xf32, #tpu.memory_space<vmem>>[vector<16xi32>], vector<16xf32>,
        %add3A_303 = vector.broadcast %add3A_253 : i32 to vector<16xi32>
        %add3A_304 = arith.addi %mul3A_4, %add3A_303 : vector<16xi32>
        %get3A_305 = arith.index_cast %add3A_253 : i32 to index
        %get3A_306 = arith.constant 0 : index
        %get3A_307 = tpu.vector_load %arg14[%get3A_305, %get3A_306] {strides = array<i32>} : memref<128x16xf32, #tpu.memory_space<vmem>>, vector<16xf32>,
        tpu.vector_store_idx %arg23[%add3A_304], %get3A_307 : memref<2048xf32, #tpu.memory_space<vmem>>[vector<16xi32>], vector<16xf32>,
        %mul3A_308 = arith.constant 8 : i32
        %mul3A_309 = arith.muli %scan3A_134, %mul3A_308 : i32
        %add3A_310 = arith.constant 3 : i32
        %add3A_311 = arith.addi %mul3A_309, %add3A_310 : i32
        %get3A_312 = arith.index_cast %add3A_311 : i32 to index
        %get3A_313 = arith.constant 0 : index
        %get3A_314 = tpu.vector_load %arg11[%get3A_312, %get3A_313] {strides = array<i32>} : memref<128x64xf32, #tpu.memory_space<vmem>>, vector<16xf32>,
        %get3A_315 = arith.index_cast %add3A_311 : i32 to index
        %get3A_316 = arith.constant 0 : index
        %get3A_317 = tpu.vector_load %arg12[%get3A_315, %get3A_316] {strides = array<i32>} : memref<128x64xf32, #tpu.memory_space<vmem>>, vector<16xf32>,
        %add3A_318 = arith.addf %get3A_314, %get3A_317 : vector<16xf32>
        %add3A_319 = arith.constant 0 : i32
        %add3A_320 = arith.addi %add3A_319, %add3A_311 : i32
        %add3A_321 = vector.broadcast %add3A_320 : i32 to vector<16xi32>
        %add3A_322 = arith.addi %mul3A_4, %add3A_321 : vector<16xi32>
        tpu.vector_store_idx %arg21[%add3A_322], %add3A_318 : memref<8192xf32, #tpu.memory_space<vmem>>[vector<16xi32>], vector<16xf32>,
        %get3A_323 = arith.index_cast %add3A_311 : i32 to index
        %get3A_324 = arith.constant 16 : index
        %get3A_325 = tpu.vector_load %arg11[%get3A_323, %get3A_324] {strides = array<i32>} : memref<128x64xf32, #tpu.memory_space<vmem>>, vector<16xf32>,
        %get3A_326 = arith.index_cast %add3A_311 : i32 to index
        %get3A_327 = arith.constant 16 : index
        %get3A_328 = tpu.vector_load %arg12[%get3A_326, %get3A_327] {strides = array<i32>} : memref<128x64xf32, #tpu.memory_space<vmem>>, vector<16xf32>,
        %add3A_329 = arith.addf %get3A_325, %get3A_328 : vector<16xf32>
        %add3A_330 = arith.constant 2048 : i32
        %add3A_331 = arith.addi %add3A_330, %add3A_311 : i32
        %add3A_332 = vector.broadcast %add3A_331 : i32 to vector<16xi32>
        %add3A_333 = arith.addi %mul3A_4, %add3A_332 : vector<16xi32>
        tpu.vector_store_idx %arg21[%add3A_333], %add3A_329 : memref<8192xf32, #tpu.memory_space<vmem>>[vector<16xi32>], vector<16xf32>,
        %get3A_334 = arith.index_cast %add3A_311 : i32 to index
        %get3A_335 = arith.constant 32 : index
        %get3A_336 = tpu.vector_load %arg11[%get3A_334, %get3A_335] {strides = array<i32>} : memref<128x64xf32, #tpu.memory_space<vmem>>, vector<16xf32>,
        %get3A_337 = arith.index_cast %add3A_311 : i32 to index
        %get3A_338 = arith.constant 32 : index
        %get3A_339 = tpu.vector_load %arg12[%get3A_337, %get3A_338] {strides = array<i32>} : memref<128x64xf32, #tpu.memory_space<vmem>>, vector<16xf32>,
        %add3A_340 = arith.addf %get3A_336, %get3A_339 : vector<16xf32>
        %add3A_341 = arith.constant 4096 : i32
        %add3A_342 = arith.addi %add3A_341, %add3A_311 : i32
        %add3A_343 = vector.broadcast %add3A_342 : i32 to vector<16xi32>
        %add3A_344 = arith.addi %mul3A_4, %add3A_343 : vector<16xi32>
        tpu.vector_store_idx %arg21[%add3A_344], %add3A_340 : memref<8192xf32, #tpu.memory_space<vmem>>[vector<16xi32>], vector<16xf32>,
        %get3A_345 = arith.index_cast %add3A_311 : i32 to index
        %get3A_346 = arith.constant 48 : index
        %get3A_347 = tpu.vector_load %arg11[%get3A_345, %get3A_346] {strides = array<i32>} : memref<128x64xf32, #tpu.memory_space<vmem>>, vector<16xf32>,
        %get3A_348 = arith.index_cast %add3A_311 : i32 to index
        %get3A_349 = arith.constant 48 : index
        %get3A_350 = tpu.vector_load %arg12[%get3A_348, %get3A_349] {strides = array<i32>} : memref<128x64xf32, #tpu.memory_space<vmem>>, vector<16xf32>,
        %add3A_351 = arith.addf %get3A_347, %get3A_350 : vector<16xf32>
        %add3A_352 = arith.constant 6144 : i32
        %add3A_353 = arith.addi %add3A_352, %add3A_311 : i32
        %add3A_354 = vector.broadcast %add3A_353 : i32 to vector<16xi32>
        %add3A_355 = arith.addi %mul3A_4, %add3A_354 : vector<16xi32>
        tpu.vector_store_idx %arg21[%add3A_355], %add3A_351 : memref<8192xf32, #tpu.memory_space<vmem>>[vector<16xi32>], vector<16xf32>,
        %add3A_356 = vector.broadcast %add3A_311 : i32 to vector<16xi32>
        %add3A_357 = arith.addi %mul3A_4, %add3A_356 : vector<16xi32>
        %get3A_358 = arith.index_cast %add3A_311 : i32 to index
        %get3A_359 = arith.constant 0 : index
        %get3A_360 = tpu.vector_load %arg13[%get3A_358, %get3A_359] {strides = array<i32>} : memref<128x16xf32, #tpu.memory_space<vmem>>, vector<16xf32>,
        tpu.vector_store_idx %arg22[%add3A_357], %get3A_360 : memref<2048xf32, #tpu.memory_space<vmem>>[vector<16xi32>], vector<16xf32>,
        %add3A_361 = vector.broadcast %add3A_311 : i32 to vector<16xi32>
        %add3A_362 = arith.addi %mul3A_4, %add3A_361 : vector<16xi32>
        %get3A_363 = arith.index_cast %add3A_311 : i32 to index
        %get3A_364 = arith.constant 0 : index
        %get3A_365 = tpu.vector_load %arg14[%get3A_363, %get3A_364] {strides = array<i32>} : memref<128x16xf32, #tpu.memory_space<vmem>>, vector<16xf32>,
        tpu.vector_store_idx %arg23[%add3A_362], %get3A_365 : memref<2048xf32, #tpu.memory_space<vmem>>[vector<16xi32>], vector<16xf32>,
        %mul3A_366 = arith.constant 8 : i32
        %mul3A_367 = arith.muli %scan3A_134, %mul3A_366 : i32
        %add3A_368 = arith.constant 4 : i32
        %add3A_369 = arith.addi %mul3A_367, %add3A_368 : i32
        %get3A_370 = arith.index_cast %add3A_369 : i32 to index
        %get3A_371 = arith.constant 0 : index
        %get3A_372 = tpu.vector_load %arg11[%get3A_370, %get3A_371] {strides = array<i32>} : memref<128x64xf32, #tpu.memory_space<vmem>>, vector<16xf32>,
        %get3A_373 = arith.index_cast %add3A_369 : i32 to index
        %get3A_374 = arith.constant 0 : index
        %get3A_375 = tpu.vector_load %arg12[%get3A_373, %get3A_374] {strides = array<i32>} : memref<128x64xf32, #tpu.memory_space<vmem>>, vector<16xf32>,
        %add3A_376 = arith.addf %get3A_372, %get3A_375 : vector<16xf32>
        %add3A_377 = arith.constant 0 : i32
        %add3A_378 = arith.addi %add3A_377, %add3A_369 : i32
        %add3A_379 = vector.broadcast %add3A_378 : i32 to vector<16xi32>
        %add3A_380 = arith.addi %mul3A_4, %add3A_379 : vector<16xi32>
        tpu.vector_store_idx %arg21[%add3A_380], %add3A_376 : memref<8192xf32, #tpu.memory_space<vmem>>[vector<16xi32>], vector<16xf32>,
        %get3A_381 = arith.index_cast %add3A_369 : i32 to index
        %get3A_382 = arith.constant 16 : index
        %get3A_383 = tpu.vector_load %arg11[%get3A_381, %get3A_382] {strides = array<i32>} : memref<128x64xf32, #tpu.memory_space<vmem>>, vector<16xf32>,
        %get3A_384 = arith.index_cast %add3A_369 : i32 to index
        %get3A_385 = arith.constant 16 : index
        %get3A_386 = tpu.vector_load %arg12[%get3A_384, %get3A_385] {strides = array<i32>} : memref<128x64xf32, #tpu.memory_space<vmem>>, vector<16xf32>,
        %add3A_387 = arith.addf %get3A_383, %get3A_386 : vector<16xf32>
        %add3A_388 = arith.constant 2048 : i32
        %add3A_389 = arith.addi %add3A_388, %add3A_369 : i32
        %add3A_390 = vector.broadcast %add3A_389 : i32 to vector<16xi32>
        %add3A_391 = arith.addi %mul3A_4, %add3A_390 : vector<16xi32>
        tpu.vector_store_idx %arg21[%add3A_391], %add3A_387 : memref<8192xf32, #tpu.memory_space<vmem>>[vector<16xi32>], vector<16xf32>,
        %get3A_392 = arith.index_cast %add3A_369 : i32 to index
        %get3A_393 = arith.constant 32 : index
        %get3A_394 = tpu.vector_load %arg11[%get3A_392, %get3A_393] {strides = array<i32>} : memref<128x64xf32, #tpu.memory_space<vmem>>, vector<16xf32>,
        %get3A_395 = arith.index_cast %add3A_369 : i32 to index
        %get3A_396 = arith.constant 32 : index
        %get3A_397 = tpu.vector_load %arg12[%get3A_395, %get3A_396] {strides = array<i32>} : memref<128x64xf32, #tpu.memory_space<vmem>>, vector<16xf32>,
        %add3A_398 = arith.addf %get3A_394, %get3A_397 : vector<16xf32>
        %add3A_399 = arith.constant 4096 : i32
        %add3A_400 = arith.addi %add3A_399, %add3A_369 : i32
        %add3A_401 = vector.broadcast %add3A_400 : i32 to vector<16xi32>
        %add3A_402 = arith.addi %mul3A_4, %add3A_401 : vector<16xi32>
        tpu.vector_store_idx %arg21[%add3A_402], %add3A_398 : memref<8192xf32, #tpu.memory_space<vmem>>[vector<16xi32>], vector<16xf32>,
        %get3A_403 = arith.index_cast %add3A_369 : i32 to index
        %get3A_404 = arith.constant 48 : index
        %get3A_405 = tpu.vector_load %arg11[%get3A_403, %get3A_404] {strides = array<i32>} : memref<128x64xf32, #tpu.memory_space<vmem>>, vector<16xf32>,
        %get3A_406 = arith.index_cast %add3A_369 : i32 to index
        %get3A_407 = arith.constant 48 : index
        %get3A_408 = tpu.vector_load %arg12[%get3A_406, %get3A_407] {strides = array<i32>} : memref<128x64xf32, #tpu.memory_space<vmem>>, vector<16xf32>,
        %add3A_409 = arith.addf %get3A_405, %get3A_408 : vector<16xf32>
        %add3A_410 = arith.constant 6144 : i32
        %add3A_411 = arith.addi %add3A_410, %add3A_369 : i32
        %add3A_412 = vector.broadcast %add3A_411 : i32 to vector<16xi32>
        %add3A_413 = arith.addi %mul3A_4, %add3A_412 : vector<16xi32>
        tpu.vector_store_idx %arg21[%add3A_413], %add3A_409 : memref<8192xf32, #tpu.memory_space<vmem>>[vector<16xi32>], vector<16xf32>,
        %add3A_414 = vector.broadcast %add3A_369 : i32 to vector<16xi32>
        %add3A_415 = arith.addi %mul3A_4, %add3A_414 : vector<16xi32>
        %get3A_416 = arith.index_cast %add3A_369 : i32 to index
        %get3A_417 = arith.constant 0 : index
        %get3A_418 = tpu.vector_load %arg13[%get3A_416, %get3A_417] {strides = array<i32>} : memref<128x16xf32, #tpu.memory_space<vmem>>, vector<16xf32>,
        tpu.vector_store_idx %arg22[%add3A_415], %get3A_418 : memref<2048xf32, #tpu.memory_space<vmem>>[vector<16xi32>], vector<16xf32>,
        %add3A_419 = vector.broadcast %add3A_369 : i32 to vector<16xi32>
        %add3A_420 = arith.addi %mul3A_4, %add3A_419 : vector<16xi32>
        %get3A_421 = arith.index_cast %add3A_369 : i32 to index
        %get3A_422 = arith.constant 0 : index
        %get3A_423 = tpu.vector_load %arg14[%get3A_421, %get3A_422] {strides = array<i32>} : memref<128x16xf32, #tpu.memory_space<vmem>>, vector<16xf32>,
        tpu.vector_store_idx %arg23[%add3A_420], %get3A_423 : memref<2048xf32, #tpu.memory_space<vmem>>[vector<16xi32>], vector<16xf32>,
        %mul3A_424 = arith.constant 8 : i32
        %mul3A_425 = arith.muli %scan3A_134, %mul3A_424 : i32
        %add3A_426 = arith.constant 5 : i32
        %add3A_427 = arith.addi %mul3A_425, %add3A_426 : i32
        %get3A_428 = arith.index_cast %add3A_427 : i32 to index
        %get3A_429 = arith.constant 0 : index
        %get3A_430 = tpu.vector_load %arg11[%get3A_428, %get3A_429] {strides = array<i32>} : memref<128x64xf32, #tpu.memory_space<vmem>>, vector<16xf32>,
        %get3A_431 = arith.index_cast %add3A_427 : i32 to index
        %get3A_432 = arith.constant 0 : index
        %get3A_433 = tpu.vector_load %arg12[%get3A_431, %get3A_432] {strides = array<i32>} : memref<128x64xf32, #tpu.memory_space<vmem>>, vector<16xf32>,
        %add3A_434 = arith.addf %get3A_430, %get3A_433 : vector<16xf32>
        %add3A_435 = arith.constant 0 : i32
        %add3A_436 = arith.addi %add3A_435, %add3A_427 : i32
        %add3A_437 = vector.broadcast %add3A_436 : i32 to vector<16xi32>
        %add3A_438 = arith.addi %mul3A_4, %add3A_437 : vector<16xi32>
        tpu.vector_store_idx %arg21[%add3A_438], %add3A_434 : memref<8192xf32, #tpu.memory_space<vmem>>[vector<16xi32>], vector<16xf32>,
        %get3A_439 = arith.index_cast %add3A_427 : i32 to index
        %get3A_440 = arith.constant 16 : index
        %get3A_441 = tpu.vector_load %arg11[%get3A_439, %get3A_440] {strides = array<i32>} : memref<128x64xf32, #tpu.memory_space<vmem>>, vector<16xf32>,
        %get3A_442 = arith.index_cast %add3A_427 : i32 to index
        %get3A_443 = arith.constant 16 : index
        %get3A_444 = tpu.vector_load %arg12[%get3A_442, %get3A_443] {strides = array<i32>} : memref<128x64xf32, #tpu.memory_space<vmem>>, vector<16xf32>,
        %add3A_445 = arith.addf %get3A_441, %get3A_444 : vector<16xf32>
        %add3A_446 = arith.constant 2048 : i32
        %add3A_447 = arith.addi %add3A_446, %add3A_427 : i32
        %add3A_448 = vector.broadcast %add3A_447 : i32 to vector<16xi32>
        %add3A_449 = arith.addi %mul3A_4, %add3A_448 : vector<16xi32>
        tpu.vector_store_idx %arg21[%add3A_449], %add3A_445 : memref<8192xf32, #tpu.memory_space<vmem>>[vector<16xi32>], vector<16xf32>,
        %get3A_450 = arith.index_cast %add3A_427 : i32 to index
        %get3A_451 = arith.constant 32 : index
        %get3A_452 = tpu.vector_load %arg11[%get3A_450, %get3A_451] {strides = array<i32>} : memref<128x64xf32, #tpu.memory_space<vmem>>, vector<16xf32>,
        %get3A_453 = arith.index_cast %add3A_427 : i32 to index
        %get3A_454 = arith.constant 32 : index
        %get3A_455 = tpu.vector_load %arg12[%get3A_453, %get3A_454] {strides = array<i32>} : memref<128x64xf32, #tpu.memory_space<vmem>>, vector<16xf32>,
        %add3A_456 = arith.addf %get3A_452, %get3A_455 : vector<16xf32>
        %add3A_457 = arith.constant 4096 : i32
        %add3A_458 = arith.addi %add3A_457, %add3A_427 : i32
        %add3A_459 = vector.broadcast %add3A_458 : i32 to vector<16xi32>
        %add3A_460 = arith.addi %mul3A_4, %add3A_459 : vector<16xi32>
        tpu.vector_store_idx %arg21[%add3A_460], %add3A_456 : memref<8192xf32, #tpu.memory_space<vmem>>[vector<16xi32>], vector<16xf32>,
        %get3A_461 = arith.index_cast %add3A_427 : i32 to index
        %get3A_462 = arith.constant 48 : index
        %get3A_463 = tpu.vector_load %arg11[%get3A_461, %get3A_462] {strides = array<i32>} : memref<128x64xf32, #tpu.memory_space<vmem>>, vector<16xf32>,
        %get3A_464 = arith.index_cast %add3A_427 : i32 to index
        %get3A_465 = arith.constant 48 : index
        %get3A_466 = tpu.vector_load %arg12[%get3A_464, %get3A_465] {strides = array<i32>} : memref<128x64xf32, #tpu.memory_space<vmem>>, vector<16xf32>,
        %add3A_467 = arith.addf %get3A_463, %get3A_466 : vector<16xf32>
        %add3A_468 = arith.constant 6144 : i32
        %add3A_469 = arith.addi %add3A_468, %add3A_427 : i32
        %add3A_470 = vector.broadcast %add3A_469 : i32 to vector<16xi32>
        %add3A_471 = arith.addi %mul3A_4, %add3A_470 : vector<16xi32>
        tpu.vector_store_idx %arg21[%add3A_471], %add3A_467 : memref<8192xf32, #tpu.memory_space<vmem>>[vector<16xi32>], vector<16xf32>,
        %add3A_472 = vector.broadcast %add3A_427 : i32 to vector<16xi32>
        %add3A_473 = arith.addi %mul3A_4, %add3A_472 : vector<16xi32>
        %get3A_474 = arith.index_cast %add3A_427 : i32 to index
        %get3A_475 = arith.constant 0 : index
        %get3A_476 = tpu.vector_load %arg13[%get3A_474, %get3A_475] {strides = array<i32>} : memref<128x16xf32, #tpu.memory_space<vmem>>, vector<16xf32>,
        tpu.vector_store_idx %arg22[%add3A_473], %get3A_476 : memref<2048xf32, #tpu.memory_space<vmem>>[vector<16xi32>], vector<16xf32>,
        %add3A_477 = vector.broadcast %add3A_427 : i32 to vector<16xi32>
        %add3A_478 = arith.addi %mul3A_4, %add3A_477 : vector<16xi32>
        %get3A_479 = arith.index_cast %add3A_427 : i32 to index
        %get3A_480 = arith.constant 0 : index
        %get3A_481 = tpu.vector_load %arg14[%get3A_479, %get3A_480] {strides = array<i32>} : memref<128x16xf32, #tpu.memory_space<vmem>>, vector<16xf32>,
        tpu.vector_store_idx %arg23[%add3A_478], %get3A_481 : memref<2048xf32, #tpu.memory_space<vmem>>[vector<16xi32>], vector<16xf32>,
        %mul3A_482 = arith.constant 8 : i32
        %mul3A_483 = arith.muli %scan3A_134, %mul3A_482 : i32
        %add3A_484 = arith.constant 6 : i32
        %add3A_485 = arith.addi %mul3A_483, %add3A_484 : i32
        %get3A_486 = arith.index_cast %add3A_485 : i32 to index
        %get3A_487 = arith.constant 0 : index
        %get3A_488 = tpu.vector_load %arg11[%get3A_486, %get3A_487] {strides = array<i32>} : memref<128x64xf32, #tpu.memory_space<vmem>>, vector<16xf32>,
        %get3A_489 = arith.index_cast %add3A_485 : i32 to index
        %get3A_490 = arith.constant 0 : index
        %get3A_491 = tpu.vector_load %arg12[%get3A_489, %get3A_490] {strides = array<i32>} : memref<128x64xf32, #tpu.memory_space<vmem>>, vector<16xf32>,
        %add3A_492 = arith.addf %get3A_488, %get3A_491 : vector<16xf32>
        %add3A_493 = arith.constant 0 : i32
        %add3A_494 = arith.addi %add3A_493, %add3A_485 : i32
        %add3A_495 = vector.broadcast %add3A_494 : i32 to vector<16xi32>
        %add3A_496 = arith.addi %mul3A_4, %add3A_495 : vector<16xi32>
        tpu.vector_store_idx %arg21[%add3A_496], %add3A_492 : memref<8192xf32, #tpu.memory_space<vmem>>[vector<16xi32>], vector<16xf32>,
        %get3A_497 = arith.index_cast %add3A_485 : i32 to index
        %get3A_498 = arith.constant 16 : index
        %get3A_499 = tpu.vector_load %arg11[%get3A_497, %get3A_498] {strides = array<i32>} : memref<128x64xf32, #tpu.memory_space<vmem>>, vector<16xf32>,
        %get3A_500 = arith.index_cast %add3A_485 : i32 to index
        %get3A_501 = arith.constant 16 : index
        %get3A_502 = tpu.vector_load %arg12[%get3A_500, %get3A_501] {strides = array<i32>} : memref<128x64xf32, #tpu.memory_space<vmem>>, vector<16xf32>,
        %add3A_503 = arith.addf %get3A_499, %get3A_502 : vector<16xf32>
        %add3A_504 = arith.constant 2048 : i32
        %add3A_505 = arith.addi %add3A_504, %add3A_485 : i32
        %add3A_506 = vector.broadcast %add3A_505 : i32 to vector<16xi32>
        %add3A_507 = arith.addi %mul3A_4, %add3A_506 : vector<16xi32>
        tpu.vector_store_idx %arg21[%add3A_507], %add3A_503 : memref<8192xf32, #tpu.memory_space<vmem>>[vector<16xi32>], vector<16xf32>,
        %get3A_508 = arith.index_cast %add3A_485 : i32 to index
        %get3A_509 = arith.constant 32 : index
        %get3A_510 = tpu.vector_load %arg11[%get3A_508, %get3A_509] {strides = array<i32>} : memref<128x64xf32, #tpu.memory_space<vmem>>, vector<16xf32>,
        %get3A_511 = arith.index_cast %add3A_485 : i32 to index
        %get3A_512 = arith.constant 32 : index
        %get3A_513 = tpu.vector_load %arg12[%get3A_511, %get3A_512] {strides = array<i32>} : memref<128x64xf32, #tpu.memory_space<vmem>>, vector<16xf32>,
        %add3A_514 = arith.addf %get3A_510, %get3A_513 : vector<16xf32>
        %add3A_515 = arith.constant 4096 : i32
        %add3A_516 = arith.addi %add3A_515, %add3A_485 : i32
        %add3A_517 = vector.broadcast %add3A_516 : i32 to vector<16xi32>
        %add3A_518 = arith.addi %mul3A_4, %add3A_517 : vector<16xi32>
        tpu.vector_store_idx %arg21[%add3A_518], %add3A_514 : memref<8192xf32, #tpu.memory_space<vmem>>[vector<16xi32>], vector<16xf32>,
        %get3A_519 = arith.index_cast %add3A_485 : i32 to index
        %get3A_520 = arith.constant 48 : index
        %get3A_521 = tpu.vector_load %arg11[%get3A_519, %get3A_520] {strides = array<i32>} : memref<128x64xf32, #tpu.memory_space<vmem>>, vector<16xf32>,
        %get3A_522 = arith.index_cast %add3A_485 : i32 to index
        %get3A_523 = arith.constant 48 : index
        %get3A_524 = tpu.vector_load %arg12[%get3A_522, %get3A_523] {strides = array<i32>} : memref<128x64xf32, #tpu.memory_space<vmem>>, vector<16xf32>,
        %add3A_525 = arith.addf %get3A_521, %get3A_524 : vector<16xf32>
        %add3A_526 = arith.constant 6144 : i32
        %add3A_527 = arith.addi %add3A_526, %add3A_485 : i32
        %add3A_528 = vector.broadcast %add3A_527 : i32 to vector<16xi32>
        %add3A_529 = arith.addi %mul3A_4, %add3A_528 : vector<16xi32>
        tpu.vector_store_idx %arg21[%add3A_529], %add3A_525 : memref<8192xf32, #tpu.memory_space<vmem>>[vector<16xi32>], vector<16xf32>,
        %add3A_530 = vector.broadcast %add3A_485 : i32 to vector<16xi32>
        %add3A_531 = arith.addi %mul3A_4, %add3A_530 : vector<16xi32>
        %get3A_532 = arith.index_cast %add3A_485 : i32 to index
        %get3A_533 = arith.constant 0 : index
        %get3A_534 = tpu.vector_load %arg13[%get3A_532, %get3A_533] {strides = array<i32>} : memref<128x16xf32, #tpu.memory_space<vmem>>, vector<16xf32>,
        tpu.vector_store_idx %arg22[%add3A_531], %get3A_534 : memref<2048xf32, #tpu.memory_space<vmem>>[vector<16xi32>], vector<16xf32>,
        %add3A_535 = vector.broadcast %add3A_485 : i32 to vector<16xi32>
        %add3A_536 = arith.addi %mul3A_4, %add3A_535 : vector<16xi32>
        %get3A_537 = arith.index_cast %add3A_485 : i32 to index
        %get3A_538 = arith.constant 0 : index
        %get3A_539 = tpu.vector_load %arg14[%get3A_537, %get3A_538] {strides = array<i32>} : memref<128x16xf32, #tpu.memory_space<vmem>>, vector<16xf32>,
        tpu.vector_store_idx %arg23[%add3A_536], %get3A_539 : memref<2048xf32, #tpu.memory_space<vmem>>[vector<16xi32>], vector<16xf32>,
        %mul3A_540 = arith.constant 8 : i32
        %mul3A_541 = arith.muli %scan3A_134, %mul3A_540 : i32
        %add3A_542 = arith.constant 7 : i32
        %add3A_543 = arith.addi %mul3A_541, %add3A_542 : i32
        %get3A_544 = arith.index_cast %add3A_543 : i32 to index
        %get3A_545 = arith.constant 0 : index
        %get3A_546 = tpu.vector_load %arg11[%get3A_544, %get3A_545] {strides = array<i32>} : memref<128x64xf32, #tpu.memory_space<vmem>>, vector<16xf32>,
        %get3A_547 = arith.index_cast %add3A_543 : i32 to index
        %get3A_548 = arith.constant 0 : index
        %get3A_549 = tpu.vector_load %arg12[%get3A_547, %get3A_548] {strides = array<i32>} : memref<128x64xf32, #tpu.memory_space<vmem>>, vector<16xf32>,
        %add3A_550 = arith.addf %get3A_546, %get3A_549 : vector<16xf32>
        %add3A_551 = arith.constant 0 : i32
        %add3A_552 = arith.addi %add3A_551, %add3A_543 : i32
        %add3A_553 = vector.broadcast %add3A_552 : i32 to vector<16xi32>
        %add3A_554 = arith.addi %mul3A_4, %add3A_553 : vector<16xi32>
        tpu.vector_store_idx %arg21[%add3A_554], %add3A_550 : memref<8192xf32, #tpu.memory_space<vmem>>[vector<16xi32>], vector<16xf32>,
        %get3A_555 = arith.index_cast %add3A_543 : i32 to index
        %get3A_556 = arith.constant 16 : index
        %get3A_557 = tpu.vector_load %arg11[%get3A_555, %get3A_556] {strides = array<i32>} : memref<128x64xf32, #tpu.memory_space<vmem>>, vector<16xf32>,
        %get3A_558 = arith.index_cast %add3A_543 : i32 to index
        %get3A_559 = arith.constant 16 : index
        %get3A_560 = tpu.vector_load %arg12[%get3A_558, %get3A_559] {strides = array<i32>} : memref<128x64xf32, #tpu.memory_space<vmem>>, vector<16xf32>,
        %add3A_561 = arith.addf %get3A_557, %get3A_560 : vector<16xf32>
        %add3A_562 = arith.constant 2048 : i32
        %add3A_563 = arith.addi %add3A_562, %add3A_543 : i32
        %add3A_564 = vector.broadcast %add3A_563 : i32 to vector<16xi32>
        %add3A_565 = arith.addi %mul3A_4, %add3A_564 : vector<16xi32>
        tpu.vector_store_idx %arg21[%add3A_565], %add3A_561 : memref<8192xf32, #tpu.memory_space<vmem>>[vector<16xi32>], vector<16xf32>,
        %get3A_566 = arith.index_cast %add3A_543 : i32 to index
        %get3A_567 = arith.constant 32 : index
        %get3A_568 = tpu.vector_load %arg11[%get3A_566, %get3A_567] {strides = array<i32>} : memref<128x64xf32, #tpu.memory_space<vmem>>, vector<16xf32>,
        %get3A_569 = arith.index_cast %add3A_543 : i32 to index
        %get3A_570 = arith.constant 32 : index
        %get3A_571 = tpu.vector_load %arg12[%get3A_569, %get3A_570] {strides = array<i32>} : memref<128x64xf32, #tpu.memory_space<vmem>>, vector<16xf32>,
        %add3A_572 = arith.addf %get3A_568, %get3A_571 : vector<16xf32>
        %add3A_573 = arith.constant 4096 : i32
        %add3A_574 = arith.addi %add3A_573, %add3A_543 : i32
        %add3A_575 = vector.broadcast %add3A_574 : i32 to vector<16xi32>
        %add3A_576 = arith.addi %mul3A_4, %add3A_575 : vector<16xi32>
        tpu.vector_store_idx %arg21[%add3A_576], %add3A_572 : memref<8192xf32, #tpu.memory_space<vmem>>[vector<16xi32>], vector<16xf32>,
        %get3A_577 = arith.index_cast %add3A_543 : i32 to index
        %get3A_578 = arith.constant 48 : index
        %get3A_579 = tpu.vector_load %arg11[%get3A_577, %get3A_578] {strides = array<i32>} : memref<128x64xf32, #tpu.memory_space<vmem>>, vector<16xf32>,
        %get3A_580 = arith.index_cast %add3A_543 : i32 to index
        %get3A_581 = arith.constant 48 : index
        %get3A_582 = tpu.vector_load %arg12[%get3A_580, %get3A_581] {strides = array<i32>} : memref<128x64xf32, #tpu.memory_space<vmem>>, vector<16xf32>,
        %add3A_583 = arith.addf %get3A_579, %get3A_582 : vector<16xf32>
        %add3A_584 = arith.constant 6144 : i32
        %add3A_585 = arith.addi %add3A_584, %add3A_543 : i32
        %add3A_586 = vector.broadcast %add3A_585 : i32 to vector<16xi32>
        %add3A_587 = arith.addi %mul3A_4, %add3A_586 : vector<16xi32>
        tpu.vector_store_idx %arg21[%add3A_587], %add3A_583 : memref<8192xf32, #tpu.memory_space<vmem>>[vector<16xi32>], vector<16xf32>,
        %add3A_588 = vector.broadcast %add3A_543 : i32 to vector<16xi32>
        %add3A_589 = arith.addi %mul3A_4, %add3A_588 : vector<16xi32>
        %get3A_590 = arith.index_cast %add3A_543 : i32 to index
        %get3A_591 = arith.constant 0 : index
        %get3A_592 = tpu.vector_load %arg13[%get3A_590, %get3A_591] {strides = array<i32>} : memref<128x16xf32, #tpu.memory_space<vmem>>, vector<16xf32>,
        tpu.vector_store_idx %arg22[%add3A_589], %get3A_592 : memref<2048xf32, #tpu.memory_space<vmem>>[vector<16xi32>], vector<16xf32>,
        %add3A_593 = vector.broadcast %add3A_543 : i32 to vector<16xi32>
        %add3A_594 = arith.addi %mul3A_4, %add3A_593 : vector<16xi32>
        %get3A_595 = arith.index_cast %add3A_543 : i32 to index
        %get3A_596 = arith.constant 0 : index
        %get3A_597 = tpu.vector_load %arg14[%get3A_595, %get3A_596] {strides = array<i32>} : memref<128x16xf32, #tpu.memory_space<vmem>>, vector<16xf32>,
        tpu.vector_store_idx %arg23[%add3A_594], %get3A_597 : memref<2048xf32, #tpu.memory_space<vmem>>[vector<16xi32>], vector<16xf32>,
      }
      %scan3A_87 = arith.constant 16 : i32
      %scan3A_88 = arith.constant 0 : i32
      %scan3A_89 = arith.constant 0 : i32
      %scan3A_90 = arith.constant 8 : i32
      %scan3A_91 = arith.addi %scan3A_89, %scan3A_90 : i32
      %scan3A_92 = arith.constant 1 : i32
      scf.for %scan3A_134 = %scan3A_89 to %scan3A_91 step %scan3A_92  : i32 {
        %mul3A_135 = arith.constant 16 : i32
        %mul3A_136 = arith.muli %scan3A_134, %mul3A_135 : i32
        %get3A = arith.index_cast %mul3A_136 : i32 to index
        %get3A_137 = tpu.vector_load %arg22[%get3A] {strides = array<i32>} : memref<2048xf32, #tpu.memory_space<vmem>>, vector<16xf32>,
        %get3A_138 = arith.index_cast %mul3A_136 : i32 to index
        %get3A_139 = tpu.vector_load %arg23[%get3A_138] {strides = array<i32>} : memref<2048xf32, #tpu.memory_space<vmem>>, vector<16xf32>,
        %mul3A_140 = arith.mulf %get3A_137, %get3A_139 : vector<16xf32>
        %add3A_141 = arith.constant 128 : i32
        %add3A_142 = arith.addi %add3A_141, %mul3A_136 : i32
        %get3A_143 = arith.index_cast %add3A_142 : i32 to index
        %get3A_144 = tpu.vector_load %arg22[%get3A_143] {strides = array<i32>} : memref<2048xf32, #tpu.memory_space<vmem>>, vector<16xf32>,
        %add3A_145 = arith.constant 128 : i32
        %add3A_146 = arith.addi %add3A_145, %mul3A_136 : i32
        %get3A_147 = arith.index_cast %add3A_146 : i32 to index
        %get3A_148 = tpu.vector_load %arg23[%get3A_147] {strides = array<i32>} : memref<2048xf32, #tpu.memory_space<vmem>>, vector<16xf32>,
        %mul3A_149 = arith.mulf %get3A_144, %get3A_148 : vector<16xf32>
        %add3A_150 = arith.addf %mul3A_140, %mul3A_149 : vector<16xf32>
        %add3A_151 = arith.constant 256 : i32
        %add3A_152 = arith.addi %add3A_151, %mul3A_136 : i32
        %get3A_153 = arith.index_cast %add3A_152 : i32 to index
        %get3A_154 = tpu.vector_load %arg22[%get3A_153] {strides = array<i32>} : memref<2048xf32, #tpu.memory_space<vmem>>, vector<16xf32>,
        %add3A_155 = arith.constant 256 : i32
        %add3A_156 = arith.addi %add3A_155, %mul3A_136 : i32
        %get3A_157 = arith.index_cast %add3A_156 : i32 to index
        %get3A_158 = tpu.vector_load %arg23[%get3A_157] {strides = array<i32>} : memref<2048xf32, #tpu.memory_space<vmem>>, vector<16xf32>,
        %mul3A_159 = arith.mulf %get3A_154, %get3A_158 : vector<16xf32>
        %add3A_160 = arith.addf %add3A_150, %mul3A_159 : vector<16xf32>
        %add3A_161 = arith.addf %add3A_160, %add3A_160 : vector<16xf32>
        %broadcast_in_dim3A_162 = arith.constant 1.000000e+00 : f32
        %broadcast_in_dim3A_163 = vector.broadcast %broadcast_in_dim3A_162 : f32 to vector<16xf32>
        %broadcast_in_dim3A_164 = arith.constant 0.000000e+00 : f32
        %broadcast_in_dim3A_165 = vector.broadcast %broadcast_in_dim3A_164 : f32 to vector<16xf32>
        %scan3A_166 = arith.constant 0 : i32
        %scan3A_167 = arith.constant 4 : i32
        %scan3A_168 = arith.addi %scan3A_166, %scan3A_167 : i32
        %scan3A_169 = arith.constant 1 : i32
        %scan3A_170:3 = scf.for %scan3A_173 = %scan3A_166 to %scan3A_168 step %scan3A_169 iter_args(%scan3A_174 = %add3A_160, %scan3A_175 = %broadcast_in_dim3A_163, %scan3A_176 = %broadcast_in_dim3A_165) -> (vector<16xf32>, vector<16xf32>, vector<16xf32>)  : i32 {
          %mul3A_177 = arith.constant 16 : i32
          %mul3A_178 = arith.muli %scan3A_173, %mul3A_177 : i32
          %add3A_179 = arith.constant 0 : i32
          %add3A_180 = arith.addi %mul3A_178, %add3A_179 : i32
          %mul3A_181 = arith.constant 128 : i32
          %mul3A_182 = arith.muli %add3A_180, %mul3A_181 : i32
          %add3A_183 = arith.addi %mul3A_182, %mul3A_136 : i32
          %get3A_184 = arith.index_cast %add3A_183 : i32 to index
          %get3A_185 = tpu.vector_load %arg21[%get3A_184] {strides = array<i32>} : memref<8192xf32, #tpu.memory_space<vmem>>, vector<16xf32>,
          %add3A_186 = arith.addf %scan3A_175, %get3A_185 : vector<16xf32>
          %broadcast_in_dim3A_187 = vector.broadcast %add3A_180 : i32 to vector<16xi32>
          %gather3A = tpu.vector_load_idx %arg25[%broadcast_in_dim3A_187] : memref<64xf32, #tpu.memory_space<vmem>>[vector<16xi32>], vector<16xf32>,
          %neg3A = arith.constant 0.000000e+00 : f32
          %neg3A_188 = vector.broadcast %neg3A : f32 to vector<16xf32>
          %neg3A_189 = arith.subf %neg3A_188, %add3A_186 : vector<16xf32>
          %exp3A_190 = math.exp %neg3A_189 : vector<16xf32>
          %add3A_191 = arith.constant 1.000000e+00 : f32
          %add3A_192 = vector.broadcast %add3A_191 : f32 to vector<16xf32>
          %add3A_193 = arith.addf %add3A_192, %exp3A_190 : vector<16xf32>
          %div3A = arith.divf %add3A_186, %add3A_193 : vector<16xf32>
          %mul3A_194 = arith.mulf %gather3A, %div3A : vector<16xf32>
          %mul3A_195 = arith.mulf %add3A_161, %scan3A_175 : vector<16xf32>
          %sub3A = arith.subf %mul3A_195, %scan3A_174 : vector<16xf32>
          %mul3A_196 = arith.constant 16 : i32
          %mul3A_197 = arith.muli %scan3A_173, %mul3A_196 : i32
          %add3A_198 = arith.constant 1 : i32
          %add3A_199 = arith.addi %mul3A_197, %add3A_198 : i32
          %mul3A_200 = arith.constant 128 : i32
          %mul3A_201 = arith.muli %add3A_199, %mul3A_200 : i32
          %add3A_202 = arith.addi %mul3A_201, %mul3A_136 : i32
          %get3A_203 = arith.index_cast %add3A_202 : i32 to index
          %get3A_204 = tpu.vector_load %arg21[%get3A_203] {strides = array<i32>} : memref<8192xf32, #tpu.memory_space<vmem>>, vector<16xf32>,
          %add3A_205 = arith.addf %sub3A, %get3A_204 : vector<16xf32>
          %broadcast_in_dim3A_206 = vector.broadcast %add3A_199 : i32 to vector<16xi32>
          %gather3A_207 = tpu.vector_load_idx %arg25[%broadcast_in_dim3A_206] : memref<64xf32, #tpu.memory_space<vmem>>[vector<16xi32>], vector<16xf32>,
          %neg3A_208 = arith.constant 0.000000e+00 : f32
          %neg3A_209 = vector.broadcast %neg3A_208 : f32 to vector<16xf32>
          %neg3A_210 = arith.subf %neg3A_209, %add3A_205 : vector<16xf32>
          %exp3A_211 = math.exp %neg3A_210 : vector<16xf32>
          %add3A_212 = arith.constant 1.000000e+00 : f32
          %add3A_213 = vector.broadcast %add3A_212 : f32 to vector<16xf32>
          %add3A_214 = arith.addf %add3A_213, %exp3A_211 : vector<16xf32>
          %div3A_215 = arith.divf %add3A_205, %add3A_214 : vector<16xf32>
          %mul3A_216 = arith.mulf %gather3A_207, %div3A_215 : vector<16xf32>
          %mul3A_217 = arith.mulf %add3A_161, %sub3A : vector<16xf32>
          %sub3A_218 = arith.subf %mul3A_217, %scan3A_175 : vector<16xf32>
          %mul3A_219 = arith.constant 16 : i32
          %mul3A_220 = arith.muli %scan3A_173, %mul3A_219 : i32
          %add3A_221 = arith.constant 2 : i32
          %add3A_222 = arith.addi %mul3A_220, %add3A_221 : i32
          %mul3A_223 = arith.constant 128 : i32
          %mul3A_224 = arith.muli %add3A_222, %mul3A_223 : i32
          %add3A_225 = arith.addi %mul3A_224, %mul3A_136 : i32
          %get3A_226 = arith.index_cast %add3A_225 : i32 to index
          %get3A_227 = tpu.vector_load %arg21[%get3A_226] {strides = array<i32>} : memref<8192xf32, #tpu.memory_space<vmem>>, vector<16xf32>,
          %add3A_228 = arith.addf %sub3A_218, %get3A_227 : vector<16xf32>
          %broadcast_in_dim3A_229 = vector.broadcast %add3A_222 : i32 to vector<16xi32>
          %gather3A_230 = tpu.vector_load_idx %arg25[%broadcast_in_dim3A_229] : memref<64xf32, #tpu.memory_space<vmem>>[vector<16xi32>], vector<16xf32>,
          %neg3A_231 = arith.constant 0.000000e+00 : f32
          %neg3A_232 = vector.broadcast %neg3A_231 : f32 to vector<16xf32>
          %neg3A_233 = arith.subf %neg3A_232, %add3A_228 : vector<16xf32>
          %exp3A_234 = math.exp %neg3A_233 : vector<16xf32>
          %add3A_235 = arith.constant 1.000000e+00 : f32
          %add3A_236 = vector.broadcast %add3A_235 : f32 to vector<16xf32>
          %add3A_237 = arith.addf %add3A_236, %exp3A_234 : vector<16xf32>
          %div3A_238 = arith.divf %add3A_228, %add3A_237 : vector<16xf32>
          %mul3A_239 = arith.mulf %gather3A_230, %div3A_238 : vector<16xf32>
          %mul3A_240 = arith.mulf %add3A_161, %sub3A_218 : vector<16xf32>
          %sub3A_241 = arith.subf %mul3A_240, %sub3A : vector<16xf32>
          %mul3A_242 = arith.constant 16 : i32
          %mul3A_243 = arith.muli %scan3A_173, %mul3A_242 : i32
          %add3A_244 = arith.constant 3 : i32
          %add3A_245 = arith.addi %mul3A_243, %add3A_244 : i32
          %mul3A_246 = arith.constant 128 : i32
          %mul3A_247 = arith.muli %add3A_245, %mul3A_246 : i32
          %add3A_248 = arith.addi %mul3A_247, %mul3A_136 : i32
          %get3A_249 = arith.index_cast %add3A_248 : i32 to index
          %get3A_250 = tpu.vector_load %arg21[%get3A_249] {strides = array<i32>} : memref<8192xf32, #tpu.memory_space<vmem>>, vector<16xf32>,
          %add3A_251 = arith.addf %sub3A_241, %get3A_250 : vector<16xf32>
          %broadcast_in_dim3A_252 = vector.broadcast %add3A_245 : i32 to vector<16xi32>
          %gather3A_253 = tpu.vector_load_idx %arg25[%broadcast_in_dim3A_252] : memref<64xf32, #tpu.memory_space<vmem>>[vector<16xi32>], vector<16xf32>,
          %neg3A_254 = arith.constant 0.000000e+00 : f32
          %neg3A_255 = vector.broadcast %neg3A_254 : f32 to vector<16xf32>
          %neg3A_256 = arith.subf %neg3A_255, %add3A_251 : vector<16xf32>
          %exp3A_257 = math.exp %neg3A_256 : vector<16xf32>
          %add3A_258 = arith.constant 1.000000e+00 : f32
          %add3A_259 = vector.broadcast %add3A_258 : f32 to vector<16xf32>
          %add3A_260 = arith.addf %add3A_259, %exp3A_257 : vector<16xf32>
          %div3A_261 = arith.divf %add3A_251, %add3A_260 : vector<16xf32>
          %mul3A_262 = arith.mulf %gather3A_253, %div3A_261 : vector<16xf32>
          %mul3A_263 = arith.mulf %add3A_161, %sub3A_241 : vector<16xf32>
          %sub3A_264 = arith.subf %mul3A_263, %sub3A_218 : vector<16xf32>
          %mul3A_265 = arith.constant 16 : i32
          %mul3A_266 = arith.muli %scan3A_173, %mul3A_265 : i32
          %add3A_267 = arith.constant 4 : i32
          %add3A_268 = arith.addi %mul3A_266, %add3A_267 : i32
          %mul3A_269 = arith.constant 128 : i32
          %mul3A_270 = arith.muli %add3A_268, %mul3A_269 : i32
          %add3A_271 = arith.addi %mul3A_270, %mul3A_136 : i32
          %get3A_272 = arith.index_cast %add3A_271 : i32 to index
          %get3A_273 = tpu.vector_load %arg21[%get3A_272] {strides = array<i32>} : memref<8192xf32, #tpu.memory_space<vmem>>, vector<16xf32>,
          %add3A_274 = arith.addf %sub3A_264, %get3A_273 : vector<16xf32>
          %broadcast_in_dim3A_275 = vector.broadcast %add3A_268 : i32 to vector<16xi32>
          %gather3A_276 = tpu.vector_load_idx %arg25[%broadcast_in_dim3A_275] : memref<64xf32, #tpu.memory_space<vmem>>[vector<16xi32>], vector<16xf32>,
          %neg3A_277 = arith.constant 0.000000e+00 : f32
          %neg3A_278 = vector.broadcast %neg3A_277 : f32 to vector<16xf32>
          %neg3A_279 = arith.subf %neg3A_278, %add3A_274 : vector<16xf32>
          %exp3A_280 = math.exp %neg3A_279 : vector<16xf32>
          %add3A_281 = arith.constant 1.000000e+00 : f32
          %add3A_282 = vector.broadcast %add3A_281 : f32 to vector<16xf32>
          %add3A_283 = arith.addf %add3A_282, %exp3A_280 : vector<16xf32>
          %div3A_284 = arith.divf %add3A_274, %add3A_283 : vector<16xf32>
          %mul3A_285 = arith.mulf %gather3A_276, %div3A_284 : vector<16xf32>
          %mul3A_286 = arith.mulf %add3A_161, %sub3A_264 : vector<16xf32>
          %sub3A_287 = arith.subf %mul3A_286, %sub3A_241 : vector<16xf32>
          %mul3A_288 = arith.constant 16 : i32
          %mul3A_289 = arith.muli %scan3A_173, %mul3A_288 : i32
          %add3A_290 = arith.constant 5 : i32
          %add3A_291 = arith.addi %mul3A_289, %add3A_290 : i32
          %mul3A_292 = arith.constant 128 : i32
          %mul3A_293 = arith.muli %add3A_291, %mul3A_292 : i32
          %add3A_294 = arith.addi %mul3A_293, %mul3A_136 : i32
          %get3A_295 = arith.index_cast %add3A_294 : i32 to index
          %get3A_296 = tpu.vector_load %arg21[%get3A_295] {strides = array<i32>} : memref<8192xf32, #tpu.memory_space<vmem>>, vector<16xf32>,
          %add3A_297 = arith.addf %sub3A_287, %get3A_296 : vector<16xf32>
          %broadcast_in_dim3A_298 = vector.broadcast %add3A_291 : i32 to vector<16xi32>
          %gather3A_299 = tpu.vector_load_idx %arg25[%broadcast_in_dim3A_298] : memref<64xf32, #tpu.memory_space<vmem>>[vector<16xi32>], vector<16xf32>,
          %neg3A_300 = arith.constant 0.000000e+00 : f32
          %neg3A_301 = vector.broadcast %neg3A_300 : f32 to vector<16xf32>
          %neg3A_302 = arith.subf %neg3A_301, %add3A_297 : vector<16xf32>
          %exp3A_303 = math.exp %neg3A_302 : vector<16xf32>
          %add3A_304 = arith.constant 1.000000e+00 : f32
          %add3A_305 = vector.broadcast %add3A_304 : f32 to vector<16xf32>
          %add3A_306 = arith.addf %add3A_305, %exp3A_303 : vector<16xf32>
          %div3A_307 = arith.divf %add3A_297, %add3A_306 : vector<16xf32>
          %mul3A_308 = arith.mulf %gather3A_299, %div3A_307 : vector<16xf32>
          %mul3A_309 = arith.mulf %add3A_161, %sub3A_287 : vector<16xf32>
          %sub3A_310 = arith.subf %mul3A_309, %sub3A_264 : vector<16xf32>
          %mul3A_311 = arith.constant 16 : i32
          %mul3A_312 = arith.muli %scan3A_173, %mul3A_311 : i32
          %add3A_313 = arith.constant 6 : i32
          %add3A_314 = arith.addi %mul3A_312, %add3A_313 : i32
          %mul3A_315 = arith.constant 128 : i32
          %mul3A_316 = arith.muli %add3A_314, %mul3A_315 : i32
          %add3A_317 = arith.addi %mul3A_316, %mul3A_136 : i32
          %get3A_318 = arith.index_cast %add3A_317 : i32 to index
          %get3A_319 = tpu.vector_load %arg21[%get3A_318] {strides = array<i32>} : memref<8192xf32, #tpu.memory_space<vmem>>, vector<16xf32>,
          %add3A_320 = arith.addf %sub3A_310, %get3A_319 : vector<16xf32>
          %broadcast_in_dim3A_321 = vector.broadcast %add3A_314 : i32 to vector<16xi32>
          %gather3A_322 = tpu.vector_load_idx %arg25[%broadcast_in_dim3A_321] : memref<64xf32, #tpu.memory_space<vmem>>[vector<16xi32>], vector<16xf32>,
          %neg3A_323 = arith.constant 0.000000e+00 : f32
          %neg3A_324 = vector.broadcast %neg3A_323 : f32 to vector<16xf32>
          %neg3A_325 = arith.subf %neg3A_324, %add3A_320 : vector<16xf32>
          %exp3A_326 = math.exp %neg3A_325 : vector<16xf32>
          %add3A_327 = arith.constant 1.000000e+00 : f32
          %add3A_328 = vector.broadcast %add3A_327 : f32 to vector<16xf32>
          %add3A_329 = arith.addf %add3A_328, %exp3A_326 : vector<16xf32>
          %div3A_330 = arith.divf %add3A_320, %add3A_329 : vector<16xf32>
          %mul3A_331 = arith.mulf %gather3A_322, %div3A_330 : vector<16xf32>
          %mul3A_332 = arith.mulf %add3A_161, %sub3A_310 : vector<16xf32>
          %sub3A_333 = arith.subf %mul3A_332, %sub3A_287 : vector<16xf32>
          %mul3A_334 = arith.constant 16 : i32
          %mul3A_335 = arith.muli %scan3A_173, %mul3A_334 : i32
          %add3A_336 = arith.constant 7 : i32
          %add3A_337 = arith.addi %mul3A_335, %add3A_336 : i32
          %mul3A_338 = arith.constant 128 : i32
          %mul3A_339 = arith.muli %add3A_337, %mul3A_338 : i32
          %add3A_340 = arith.addi %mul3A_339, %mul3A_136 : i32
          %get3A_341 = arith.index_cast %add3A_340 : i32 to index
          %get3A_342 = tpu.vector_load %arg21[%get3A_341] {strides = array<i32>} : memref<8192xf32, #tpu.memory_space<vmem>>, vector<16xf32>,
          %add3A_343 = arith.addf %sub3A_333, %get3A_342 : vector<16xf32>
          %broadcast_in_dim3A_344 = vector.broadcast %add3A_337 : i32 to vector<16xi32>
          %gather3A_345 = tpu.vector_load_idx %arg25[%broadcast_in_dim3A_344] : memref<64xf32, #tpu.memory_space<vmem>>[vector<16xi32>], vector<16xf32>,
          %neg3A_346 = arith.constant 0.000000e+00 : f32
          %neg3A_347 = vector.broadcast %neg3A_346 : f32 to vector<16xf32>
          %neg3A_348 = arith.subf %neg3A_347, %add3A_343 : vector<16xf32>
          %exp3A_349 = math.exp %neg3A_348 : vector<16xf32>
          %add3A_350 = arith.constant 1.000000e+00 : f32
          %add3A_351 = vector.broadcast %add3A_350 : f32 to vector<16xf32>
          %add3A_352 = arith.addf %add3A_351, %exp3A_349 : vector<16xf32>
          %div3A_353 = arith.divf %add3A_343, %add3A_352 : vector<16xf32>
          %mul3A_354 = arith.mulf %gather3A_345, %div3A_353 : vector<16xf32>
          %mul3A_355 = arith.mulf %add3A_161, %sub3A_333 : vector<16xf32>
          %sub3A_356 = arith.subf %mul3A_355, %sub3A_310 : vector<16xf32>
          %mul3A_357 = arith.constant 16 : i32
          %mul3A_358 = arith.muli %scan3A_173, %mul3A_357 : i32
          %add3A_359 = arith.constant 8 : i32
          %add3A_360 = arith.addi %mul3A_358, %add3A_359 : i32
          %mul3A_361 = arith.constant 128 : i32
          %mul3A_362 = arith.muli %add3A_360, %mul3A_361 : i32
          %add3A_363 = arith.addi %mul3A_362, %mul3A_136 : i32
          %get3A_364 = arith.index_cast %add3A_363 : i32 to index
          %get3A_365 = tpu.vector_load %arg21[%get3A_364] {strides = array<i32>} : memref<8192xf32, #tpu.memory_space<vmem>>, vector<16xf32>,
          %add3A_366 = arith.addf %sub3A_356, %get3A_365 : vector<16xf32>
          %broadcast_in_dim3A_367 = vector.broadcast %add3A_360 : i32 to vector<16xi32>
          %gather3A_368 = tpu.vector_load_idx %arg25[%broadcast_in_dim3A_367] : memref<64xf32, #tpu.memory_space<vmem>>[vector<16xi32>], vector<16xf32>,
          %neg3A_369 = arith.constant 0.000000e+00 : f32
          %neg3A_370 = vector.broadcast %neg3A_369 : f32 to vector<16xf32>
          %neg3A_371 = arith.subf %neg3A_370, %add3A_366 : vector<16xf32>
          %exp3A_372 = math.exp %neg3A_371 : vector<16xf32>
          %add3A_373 = arith.constant 1.000000e+00 : f32
          %add3A_374 = vector.broadcast %add3A_373 : f32 to vector<16xf32>
          %add3A_375 = arith.addf %add3A_374, %exp3A_372 : vector<16xf32>
          %div3A_376 = arith.divf %add3A_366, %add3A_375 : vector<16xf32>
          %mul3A_377 = arith.mulf %gather3A_368, %div3A_376 : vector<16xf32>
          %mul3A_378 = arith.mulf %add3A_161, %sub3A_356 : vector<16xf32>
          %sub3A_379 = arith.subf %mul3A_378, %sub3A_333 : vector<16xf32>
          %mul3A_380 = arith.constant 16 : i32
          %mul3A_381 = arith.muli %scan3A_173, %mul3A_380 : i32
          %add3A_382 = arith.constant 9 : i32
          %add3A_383 = arith.addi %mul3A_381, %add3A_382 : i32
          %mul3A_384 = arith.constant 128 : i32
          %mul3A_385 = arith.muli %add3A_383, %mul3A_384 : i32
          %add3A_386 = arith.addi %mul3A_385, %mul3A_136 : i32
          %get3A_387 = arith.index_cast %add3A_386 : i32 to index
          %get3A_388 = tpu.vector_load %arg21[%get3A_387] {strides = array<i32>} : memref<8192xf32, #tpu.memory_space<vmem>>, vector<16xf32>,
          %add3A_389 = arith.addf %sub3A_379, %get3A_388 : vector<16xf32>
          %broadcast_in_dim3A_390 = vector.broadcast %add3A_383 : i32 to vector<16xi32>
          %gather3A_391 = tpu.vector_load_idx %arg25[%broadcast_in_dim3A_390] : memref<64xf32, #tpu.memory_space<vmem>>[vector<16xi32>], vector<16xf32>,
          %neg3A_392 = arith.constant 0.000000e+00 : f32
          %neg3A_393 = vector.broadcast %neg3A_392 : f32 to vector<16xf32>
          %neg3A_394 = arith.subf %neg3A_393, %add3A_389 : vector<16xf32>
          %exp3A_395 = math.exp %neg3A_394 : vector<16xf32>
          %add3A_396 = arith.constant 1.000000e+00 : f32
          %add3A_397 = vector.broadcast %add3A_396 : f32 to vector<16xf32>
          %add3A_398 = arith.addf %add3A_397, %exp3A_395 : vector<16xf32>
          %div3A_399 = arith.divf %add3A_389, %add3A_398 : vector<16xf32>
          %mul3A_400 = arith.mulf %gather3A_391, %div3A_399 : vector<16xf32>
          %mul3A_401 = arith.mulf %add3A_161, %sub3A_379 : vector<16xf32>
          %sub3A_402 = arith.subf %mul3A_401, %sub3A_356 : vector<16xf32>
          %mul3A_403 = arith.constant 16 : i32
          %mul3A_404 = arith.muli %scan3A_173, %mul3A_403 : i32
          %add3A_405 = arith.constant 10 : i32
          %add3A_406 = arith.addi %mul3A_404, %add3A_405 : i32
          %mul3A_407 = arith.constant 128 : i32
          %mul3A_408 = arith.muli %add3A_406, %mul3A_407 : i32
          %add3A_409 = arith.addi %mul3A_408, %mul3A_136 : i32
          %get3A_410 = arith.index_cast %add3A_409 : i32 to index
          %get3A_411 = tpu.vector_load %arg21[%get3A_410] {strides = array<i32>} : memref<8192xf32, #tpu.memory_space<vmem>>, vector<16xf32>,
          %add3A_412 = arith.addf %sub3A_402, %get3A_411 : vector<16xf32>
          %broadcast_in_dim3A_413 = vector.broadcast %add3A_406 : i32 to vector<16xi32>
          %gather3A_414 = tpu.vector_load_idx %arg25[%broadcast_in_dim3A_413] : memref<64xf32, #tpu.memory_space<vmem>>[vector<16xi32>], vector<16xf32>,
          %neg3A_415 = arith.constant 0.000000e+00 : f32
          %neg3A_416 = vector.broadcast %neg3A_415 : f32 to vector<16xf32>
          %neg3A_417 = arith.subf %neg3A_416, %add3A_412 : vector<16xf32>
          %exp3A_418 = math.exp %neg3A_417 : vector<16xf32>
          %add3A_419 = arith.constant 1.000000e+00 : f32
          %add3A_420 = vector.broadcast %add3A_419 : f32 to vector<16xf32>
          %add3A_421 = arith.addf %add3A_420, %exp3A_418 : vector<16xf32>
          %div3A_422 = arith.divf %add3A_412, %add3A_421 : vector<16xf32>
          %mul3A_423 = arith.mulf %gather3A_414, %div3A_422 : vector<16xf32>
          %mul3A_424 = arith.mulf %add3A_161, %sub3A_402 : vector<16xf32>
          %sub3A_425 = arith.subf %mul3A_424, %sub3A_379 : vector<16xf32>
          %mul3A_426 = arith.constant 16 : i32
          %mul3A_427 = arith.muli %scan3A_173, %mul3A_426 : i32
          %add3A_428 = arith.constant 11 : i32
          %add3A_429 = arith.addi %mul3A_427, %add3A_428 : i32
          %mul3A_430 = arith.constant 128 : i32
          %mul3A_431 = arith.muli %add3A_429, %mul3A_430 : i32
          %add3A_432 = arith.addi %mul3A_431, %mul3A_136 : i32
          %get3A_433 = arith.index_cast %add3A_432 : i32 to index
          %get3A_434 = tpu.vector_load %arg21[%get3A_433] {strides = array<i32>} : memref<8192xf32, #tpu.memory_space<vmem>>, vector<16xf32>,
          %add3A_435 = arith.addf %sub3A_425, %get3A_434 : vector<16xf32>
          %broadcast_in_dim3A_436 = vector.broadcast %add3A_429 : i32 to vector<16xi32>
          %gather3A_437 = tpu.vector_load_idx %arg25[%broadcast_in_dim3A_436] : memref<64xf32, #tpu.memory_space<vmem>>[vector<16xi32>], vector<16xf32>,
          %neg3A_438 = arith.constant 0.000000e+00 : f32
          %neg3A_439 = vector.broadcast %neg3A_438 : f32 to vector<16xf32>
          %neg3A_440 = arith.subf %neg3A_439, %add3A_435 : vector<16xf32>
          %exp3A_441 = math.exp %neg3A_440 : vector<16xf32>
          %add3A_442 = arith.constant 1.000000e+00 : f32
          %add3A_443 = vector.broadcast %add3A_442 : f32 to vector<16xf32>
          %add3A_444 = arith.addf %add3A_443, %exp3A_441 : vector<16xf32>
          %div3A_445 = arith.divf %add3A_435, %add3A_444 : vector<16xf32>
          %mul3A_446 = arith.mulf %gather3A_437, %div3A_445 : vector<16xf32>
          %mul3A_447 = arith.mulf %add3A_161, %sub3A_425 : vector<16xf32>
          %sub3A_448 = arith.subf %mul3A_447, %sub3A_402 : vector<16xf32>
          %mul3A_449 = arith.constant 16 : i32
          %mul3A_450 = arith.muli %scan3A_173, %mul3A_449 : i32
          %add3A_451 = arith.constant 12 : i32
          %add3A_452 = arith.addi %mul3A_450, %add3A_451 : i32
          %mul3A_453 = arith.constant 128 : i32
          %mul3A_454 = arith.muli %add3A_452, %mul3A_453 : i32
          %add3A_455 = arith.addi %mul3A_454, %mul3A_136 : i32
          %get3A_456 = arith.index_cast %add3A_455 : i32 to index
          %get3A_457 = tpu.vector_load %arg21[%get3A_456] {strides = array<i32>} : memref<8192xf32, #tpu.memory_space<vmem>>, vector<16xf32>,
          %add3A_458 = arith.addf %sub3A_448, %get3A_457 : vector<16xf32>
          %broadcast_in_dim3A_459 = vector.broadcast %add3A_452 : i32 to vector<16xi32>
          %gather3A_460 = tpu.vector_load_idx %arg25[%broadcast_in_dim3A_459] : memref<64xf32, #tpu.memory_space<vmem>>[vector<16xi32>], vector<16xf32>,
          %neg3A_461 = arith.constant 0.000000e+00 : f32
          %neg3A_462 = vector.broadcast %neg3A_461 : f32 to vector<16xf32>
          %neg3A_463 = arith.subf %neg3A_462, %add3A_458 : vector<16xf32>
          %exp3A_464 = math.exp %neg3A_463 : vector<16xf32>
          %add3A_465 = arith.constant 1.000000e+00 : f32
          %add3A_466 = vector.broadcast %add3A_465 : f32 to vector<16xf32>
          %add3A_467 = arith.addf %add3A_466, %exp3A_464 : vector<16xf32>
          %div3A_468 = arith.divf %add3A_458, %add3A_467 : vector<16xf32>
          %mul3A_469 = arith.mulf %gather3A_460, %div3A_468 : vector<16xf32>
          %mul3A_470 = arith.mulf %add3A_161, %sub3A_448 : vector<16xf32>
          %sub3A_471 = arith.subf %mul3A_470, %sub3A_425 : vector<16xf32>
          %mul3A_472 = arith.constant 16 : i32
          %mul3A_473 = arith.muli %scan3A_173, %mul3A_472 : i32
          %add3A_474 = arith.constant 13 : i32
          %add3A_475 = arith.addi %mul3A_473, %add3A_474 : i32
          %mul3A_476 = arith.constant 128 : i32
          %mul3A_477 = arith.muli %add3A_475, %mul3A_476 : i32
          %add3A_478 = arith.addi %mul3A_477, %mul3A_136 : i32
          %get3A_479 = arith.index_cast %add3A_478 : i32 to index
          %get3A_480 = tpu.vector_load %arg21[%get3A_479] {strides = array<i32>} : memref<8192xf32, #tpu.memory_space<vmem>>, vector<16xf32>,
          %add3A_481 = arith.addf %sub3A_471, %get3A_480 : vector<16xf32>
          %broadcast_in_dim3A_482 = vector.broadcast %add3A_475 : i32 to vector<16xi32>
          %gather3A_483 = tpu.vector_load_idx %arg25[%broadcast_in_dim3A_482] : memref<64xf32, #tpu.memory_space<vmem>>[vector<16xi32>], vector<16xf32>,
          %neg3A_484 = arith.constant 0.000000e+00 : f32
          %neg3A_485 = vector.broadcast %neg3A_484 : f32 to vector<16xf32>
          %neg3A_486 = arith.subf %neg3A_485, %add3A_481 : vector<16xf32>
          %exp3A_487 = math.exp %neg3A_486 : vector<16xf32>
          %add3A_488 = arith.constant 1.000000e+00 : f32
          %add3A_489 = vector.broadcast %add3A_488 : f32 to vector<16xf32>
          %add3A_490 = arith.addf %add3A_489, %exp3A_487 : vector<16xf32>
          %div3A_491 = arith.divf %add3A_481, %add3A_490 : vector<16xf32>
          %mul3A_492 = arith.mulf %gather3A_483, %div3A_491 : vector<16xf32>
          %mul3A_493 = arith.mulf %add3A_161, %sub3A_471 : vector<16xf32>
          %sub3A_494 = arith.subf %mul3A_493, %sub3A_448 : vector<16xf32>
          %mul3A_495 = arith.constant 16 : i32
          %mul3A_496 = arith.muli %scan3A_173, %mul3A_495 : i32
          %add3A_497 = arith.constant 14 : i32
          %add3A_498 = arith.addi %mul3A_496, %add3A_497 : i32
          %mul3A_499 = arith.constant 128 : i32
          %mul3A_500 = arith.muli %add3A_498, %mul3A_499 : i32
          %add3A_501 = arith.addi %mul3A_500, %mul3A_136 : i32
          %get3A_502 = arith.index_cast %add3A_501 : i32 to index
          %get3A_503 = tpu.vector_load %arg21[%get3A_502] {strides = array<i32>} : memref<8192xf32, #tpu.memory_space<vmem>>, vector<16xf32>,
          %add3A_504 = arith.addf %sub3A_494, %get3A_503 : vector<16xf32>
          %broadcast_in_dim3A_505 = vector.broadcast %add3A_498 : i32 to vector<16xi32>
          %gather3A_506 = tpu.vector_load_idx %arg25[%broadcast_in_dim3A_505] : memref<64xf32, #tpu.memory_space<vmem>>[vector<16xi32>], vector<16xf32>,
          %neg3A_507 = arith.constant 0.000000e+00 : f32
          %neg3A_508 = vector.broadcast %neg3A_507 : f32 to vector<16xf32>
          %neg3A_509 = arith.subf %neg3A_508, %add3A_504 : vector<16xf32>
          %exp3A_510 = math.exp %neg3A_509 : vector<16xf32>
          %add3A_511 = arith.constant 1.000000e+00 : f32
          %add3A_512 = vector.broadcast %add3A_511 : f32 to vector<16xf32>
          %add3A_513 = arith.addf %add3A_512, %exp3A_510 : vector<16xf32>
          %div3A_514 = arith.divf %add3A_504, %add3A_513 : vector<16xf32>
          %mul3A_515 = arith.mulf %gather3A_506, %div3A_514 : vector<16xf32>
          %mul3A_516 = arith.mulf %add3A_161, %sub3A_494 : vector<16xf32>
          %sub3A_517 = arith.subf %mul3A_516, %sub3A_471 : vector<16xf32>
          %mul3A_518 = arith.constant 16 : i32
          %mul3A_519 = arith.muli %scan3A_173, %mul3A_518 : i32
          %add3A_520 = arith.constant 15 : i32
          %add3A_521 = arith.addi %mul3A_519, %add3A_520 : i32
          %mul3A_522 = arith.constant 128 : i32
          %mul3A_523 = arith.muli %add3A_521, %mul3A_522 : i32
          %add3A_524 = arith.addi %mul3A_523, %mul3A_136 : i32
          %get3A_525 = arith.index_cast %add3A_524 : i32 to index
          %get3A_526 = tpu.vector_load %arg21[%get3A_525] {strides = array<i32>} : memref<8192xf32, #tpu.memory_space<vmem>>, vector<16xf32>,
          %add3A_527 = arith.addf %sub3A_517, %get3A_526 : vector<16xf32>
          %broadcast_in_dim3A_528 = vector.broadcast %add3A_521 : i32 to vector<16xi32>
          %gather3A_529 = tpu.vector_load_idx %arg25[%broadcast_in_dim3A_528] : memref<64xf32, #tpu.memory_space<vmem>>[vector<16xi32>], vector<16xf32>,
          %neg3A_530 = arith.constant 0.000000e+00 : f32
          %neg3A_531 = vector.broadcast %neg3A_530 : f32 to vector<16xf32>
          %neg3A_532 = arith.subf %neg3A_531, %add3A_527 : vector<16xf32>
          %exp3A_533 = math.exp %neg3A_532 : vector<16xf32>
          %add3A_534 = arith.constant 1.000000e+00 : f32
          %add3A_535 = vector.broadcast %add3A_534 : f32 to vector<16xf32>
          %add3A_536 = arith.addf %add3A_535, %exp3A_533 : vector<16xf32>
          %div3A_537 = arith.divf %add3A_527, %add3A_536 : vector<16xf32>
          %mul3A_538 = arith.mulf %gather3A_529, %div3A_537 : vector<16xf32>
          %mul3A_539 = arith.mulf %add3A_161, %sub3A_517 : vector<16xf32>
          %sub3A_540 = arith.subf %mul3A_539, %sub3A_494 : vector<16xf32>
          %add3A_541 = arith.addf %mul3A_194, %mul3A_216 : vector<16xf32>
          %add3A_542 = arith.addf %mul3A_239, %mul3A_262 : vector<16xf32>
          %add3A_543 = arith.addf %mul3A_285, %mul3A_308 : vector<16xf32>
          %add3A_544 = arith.addf %mul3A_331, %mul3A_354 : vector<16xf32>
          %add3A_545 = arith.addf %mul3A_377, %mul3A_400 : vector<16xf32>
          %add3A_546 = arith.addf %mul3A_423, %mul3A_446 : vector<16xf32>
          %add3A_547 = arith.addf %mul3A_469, %mul3A_492 : vector<16xf32>
          %add3A_548 = arith.addf %mul3A_515, %mul3A_538 : vector<16xf32>
          %add3A_549 = arith.addf %add3A_541, %add3A_542 : vector<16xf32>
          %add3A_550 = arith.addf %add3A_543, %add3A_544 : vector<16xf32>
          %add3A_551 = arith.addf %add3A_545, %add3A_546 : vector<16xf32>
          %add3A_552 = arith.addf %add3A_547, %add3A_548 : vector<16xf32>
          %add3A_553 = arith.addf %add3A_549, %add3A_550 : vector<16xf32>
          %add3A_554 = arith.addf %add3A_551, %add3A_552 : vector<16xf32>
          %add3A_555 = arith.addf %add3A_553, %add3A_554 : vector<16xf32>
          %add3A_556 = arith.addf %scan3A_176, %add3A_555 : vector<16xf32>
          scf.yield %sub3A_517, %sub3A_540, %add3A_556 : vector<16xf32>, vector<16xf32>, vector<16xf32>
        }
        %scan3A_171 = arith.constant 4 : i32
        %exp3A = math.exp %scan3A_170#2 : vector<16xf32>
        %swap3A = arith.index_cast %mul3A_136 : i32 to index
        %swap3A_172 = tpu.vector_load %arg24[%swap3A] {strides = array<i32>} : memref<128xf32, #tpu.memory_space<vmem>>, vector<16xf32>,
        tpu.vector_store %arg24[%swap3A], %exp3A {strides = array<i32>} : memref<128xf32, #tpu.memory_space<vmem>>, vector<16xf32>,
      }
      %scan3A_93 = arith.constant 8 : i32
      "tpu.region"() ({
        %run_scoped3A = tpu.sem_alloc : memref<!tpu.dma_semaphore, #tpu.memory_space<semaphore_mem>>
        %dma_start3A_134 = tpu.memref_slice %arg7[%add3A_55] : memref<802816xf32, #tpu.memory_space<hbm>> -> memref<128xf32, #tpu.memory_space<hbm>>
        %dma_start3A_135 = tpu.memref_slice %arg7[%add3A_55] : memref<802816xf32, #tpu.memory_space<hbm>> -> memref<128xf32, #tpu.memory_space<hbm>>
        tpu.enqueue_dma source(%arg24 : memref<128xf32, #tpu.memory_space<vmem>>) target(%dma_start3A_135 : memref<128xf32, #tpu.memory_space<hbm>>) target_semaphore(%run_scoped3A : memref<!tpu.dma_semaphore, #tpu.memory_space<semaphore_mem>>)
        %dma_wait3A_136 = tpu.memref_slice %arg7[%add3A_55] : memref<802816xf32, #tpu.memory_space<hbm>> -> memref<128xf32, #tpu.memory_space<hbm>>
        %dma_wait3A_137 = tpu.memref_slice %arg7[%add3A_55] : memref<802816xf32, #tpu.memory_space<hbm>> -> memref<128xf32, #tpu.memory_space<hbm>>
        tpu.wait_dma2 semaphore(%run_scoped3A : memref<!tpu.dma_semaphore, #tpu.memory_space<semaphore_mem>>) src(%arg24 : memref<128xf32, #tpu.memory_space<vmem>>) dst(%dma_wait3A_137 : memref<128xf32, #tpu.memory_space<hbm>>)
        tpu.yield
      }) : () -> ()
      "tpu.region"() ({
        %run_scoped3A = tpu.sem_alloc : memref<!tpu.dma_semaphore, #tpu.memory_space<semaphore_mem>>
        %dma_start3A_134 = arith.constant 0 : i32
        %dma_start3A_135 = tpu.memref_slice %arg27[%dma_start3A_134] : memref<50176xf32, #tpu.memory_space<vmem_shared>> -> memref<50176xf32, #tpu.memory_space<vmem_shared>>
        tpu.enqueue_indirect_dma source(%arg24 : memref<128xf32, #tpu.memory_space<vmem>>) target(%dma_start3A_135 : memref<50176xf32, #tpu.memory_space<vmem_shared>>) offsets(%arg10 : memref<128xi32, #tpu.memory_space<vmem>>) semaphore(%run_scoped3A : memref<!tpu.dma_semaphore, #tpu.memory_space<semaphore_mem>>) {add = true}
        %dma_wait3A_136 = arith.constant 0 : i32
        %dma_wait3A_137 = tpu.memref_slice %arg27[%dma_wait3A_136] : memref<50176xf32, #tpu.memory_space<vmem_shared>> -> memref<50176xf32, #tpu.memory_space<vmem_shared>>
        tpu.wait_indirect_dma semaphore(%run_scoped3A : memref<!tpu.dma_semaphore, #tpu.memory_space<semaphore_mem>>) src(%arg24 : memref<128xf32, #tpu.memory_space<vmem>>) dst(%dma_wait3A_137 : memref<50176xf32, #tpu.memory_space<vmem_shared>>)
        tpu.yield
      }) : () -> ()
      %add3A_94 = arith.constant 256 : i32
      %add3A_95 = arith.addi %add3A_55, %add3A_94 : i32
      "tpu.region"() ({
        %run_scoped3A = tpu.sem_alloc : memref<!tpu.dma_semaphore, #tpu.memory_space<semaphore_mem>>
        %dma_start3A_134 = tpu.memref_slice %arg2[%add3A_95] : memref<802944xi32, #tpu.memory_space<hbm>> -> memref<128xi32, #tpu.memory_space<hbm>>
        %dma_start3A_135 = tpu.memref_slice %arg2[%add3A_95] : memref<802944xi32, #tpu.memory_space<hbm>> -> memref<128xi32, #tpu.memory_space<hbm>>
        tpu.enqueue_dma source(%dma_start3A_135 : memref<128xi32, #tpu.memory_space<hbm>>) target(%arg9 : memref<128xi32, #tpu.memory_space<vmem>>) target_semaphore(%run_scoped3A : memref<!tpu.dma_semaphore, #tpu.memory_space<semaphore_mem>>)
        %dma_wait3A_136 = tpu.memref_slice %arg2[%add3A_95] : memref<802944xi32, #tpu.memory_space<hbm>> -> memref<128xi32, #tpu.memory_space<hbm>>
        %dma_wait3A_137 = tpu.memref_slice %arg2[%add3A_95] : memref<802944xi32, #tpu.memory_space<hbm>> -> memref<128xi32, #tpu.memory_space<hbm>>
        tpu.wait_dma2 semaphore(%run_scoped3A : memref<!tpu.dma_semaphore, #tpu.memory_space<semaphore_mem>>) src(%dma_wait3A_137 : memref<128xi32, #tpu.memory_space<hbm>>) dst(%arg9 : memref<128xi32, #tpu.memory_space<vmem>>)
        tpu.yield
      }) : () -> ()
      "tpu.region"() ({
        %run_scoped3A = tpu.sem_alloc : memref<!tpu.dma_semaphore, #tpu.memory_space<semaphore_mem>>
        %dma_start3A_134 = tpu.memref_slice %arg3[%add3A_95] : memref<802944xi32, #tpu.memory_space<hbm>> -> memref<128xi32, #tpu.memory_space<hbm>>
        %dma_start3A_135 = tpu.memref_slice %arg3[%add3A_95] : memref<802944xi32, #tpu.memory_space<hbm>> -> memref<128xi32, #tpu.memory_space<hbm>>
        tpu.enqueue_dma source(%dma_start3A_135 : memref<128xi32, #tpu.memory_space<hbm>>) target(%arg10 : memref<128xi32, #tpu.memory_space<vmem>>) target_semaphore(%run_scoped3A : memref<!tpu.dma_semaphore, #tpu.memory_space<semaphore_mem>>)
        %dma_wait3A_136 = tpu.memref_slice %arg3[%add3A_95] : memref<802944xi32, #tpu.memory_space<hbm>> -> memref<128xi32, #tpu.memory_space<hbm>>
        %dma_wait3A_137 = tpu.memref_slice %arg3[%add3A_95] : memref<802944xi32, #tpu.memory_space<hbm>> -> memref<128xi32, #tpu.memory_space<hbm>>
        tpu.wait_dma2 semaphore(%run_scoped3A : memref<!tpu.dma_semaphore, #tpu.memory_space<semaphore_mem>>) src(%dma_wait3A_137 : memref<128xi32, #tpu.memory_space<hbm>>) dst(%arg10 : memref<128xi32, #tpu.memory_space<vmem>>)
        tpu.yield
      }) : () -> ()
      %dma_start3A_96 = arith.constant 0 : i32
      %dma_start3A_97 = arith.constant 0 : i32
      %dma_start3A_98 = tpu.memref_slice %arg4[%dma_start3A_96, %dma_start3A_97] : memref<50176x64xf32, #tpu.memory_space<hbm>> -> memref<50176x64xf32, #tpu.memory_space<hbm>>
      tpu.enqueue_indirect_dma source(%dma_start3A_98 : memref<50176x64xf32, #tpu.memory_space<hbm>>) target(%arg11 : memref<128x64xf32, #tpu.memory_space<vmem>>) offsets(%arg9 : memref<128xi32, #tpu.memory_space<vmem>>) semaphore(%arg28 : memref<!tpu.dma_semaphore, #tpu.memory_space<semaphore_mem>>)
      %dma_start3A_99 = arith.constant 0 : i32
      %dma_start3A_100 = arith.constant 0 : i32
      %dma_start3A_101 = tpu.memref_slice %arg4[%dma_start3A_99, %dma_start3A_100] : memref<50176x64xf32, #tpu.memory_space<hbm>> -> memref<50176x64xf32, #tpu.memory_space<hbm>>
      tpu.enqueue_indirect_dma source(%dma_start3A_101 : memref<50176x64xf32, #tpu.memory_space<hbm>>) target(%arg12 : memref<128x64xf32, #tpu.memory_space<vmem>>) offsets(%arg10 : memref<128xi32, #tpu.memory_space<vmem>>) semaphore(%arg28 : memref<!tpu.dma_semaphore, #tpu.memory_space<semaphore_mem>>)
      %dma_start3A_102 = arith.constant 0 : i32
      %dma_start3A_103 = arith.constant 0 : i32
      %dma_start3A_104 = tpu.memref_slice %arg5[%dma_start3A_102, %dma_start3A_103] : memref<50176x16xf32, #tpu.memory_space<hbm>> -> memref<50176x16xf32, #tpu.memory_space<hbm>>
      tpu.enqueue_indirect_dma source(%dma_start3A_104 : memref<50176x16xf32, #tpu.memory_space<hbm>>) target(%arg13 : memref<128x16xf32, #tpu.memory_space<vmem>>) offsets(%arg9 : memref<128xi32, #tpu.memory_space<vmem>>) semaphore(%arg28 : memref<!tpu.dma_semaphore, #tpu.memory_space<semaphore_mem>>)
      %dma_start3A_105 = arith.constant 0 : i32
      %dma_start3A_106 = arith.constant 0 : i32
      %dma_start3A_107 = tpu.memref_slice %arg5[%dma_start3A_105, %dma_start3A_106] : memref<50176x16xf32, #tpu.memory_space<hbm>> -> memref<50176x16xf32, #tpu.memory_space<hbm>>
      tpu.enqueue_indirect_dma source(%dma_start3A_107 : memref<50176x16xf32, #tpu.memory_space<hbm>>) target(%arg14 : memref<128x16xf32, #tpu.memory_space<vmem>>) offsets(%arg10 : memref<128xi32, #tpu.memory_space<vmem>>) semaphore(%arg28 : memref<!tpu.dma_semaphore, #tpu.memory_space<semaphore_mem>>)
      %dma_wait3A_108 = arith.constant 0 : i32
      %dma_wait3A_109 = arith.constant 0 : i32
      %dma_wait3A_110 = tpu.memref_slice %arg4[%dma_wait3A_108, %dma_wait3A_109] : memref<50176x64xf32, #tpu.memory_space<hbm>> -> memref<50176x64xf32, #tpu.memory_space<hbm>>
      tpu.wait_indirect_dma semaphore(%arg29 : memref<!tpu.dma_semaphore, #tpu.memory_space<semaphore_mem>>) src(%dma_wait3A_110 : memref<50176x64xf32, #tpu.memory_space<hbm>>) dst(%arg17 : memref<128x64xf32, #tpu.memory_space<vmem>>)
      %dma_wait3A_111 = arith.constant 0 : i32
      %dma_wait3A_112 = arith.constant 0 : i32
      %dma_wait3A_113 = tpu.memref_slice %arg4[%dma_wait3A_111, %dma_wait3A_112] : memref<50176x64xf32, #tpu.memory_space<hbm>> -> memref<50176x64xf32, #tpu.memory_space<hbm>>
      tpu.wait_indirect_dma semaphore(%arg29 : memref<!tpu.dma_semaphore, #tpu.memory_space<semaphore_mem>>) src(%dma_wait3A_113 : memref<50176x64xf32, #tpu.memory_space<hbm>>) dst(%arg18 : memref<128x64xf32, #tpu.memory_space<vmem>>)
      %dma_wait3A_114 = arith.constant 0 : i32
      %dma_wait3A_115 = arith.constant 0 : i32
      %dma_wait3A_116 = tpu.memref_slice %arg5[%dma_wait3A_114, %dma_wait3A_115] : memref<50176x16xf32, #tpu.memory_space<hbm>> -> memref<50176x16xf32, #tpu.memory_space<hbm>>
      tpu.wait_indirect_dma semaphore(%arg29 : memref<!tpu.dma_semaphore, #tpu.memory_space<semaphore_mem>>) src(%dma_wait3A_116 : memref<50176x16xf32, #tpu.memory_space<hbm>>) dst(%arg19 : memref<128x16xf32, #tpu.memory_space<vmem>>)
      %dma_wait3A_117 = arith.constant 0 : i32
      %dma_wait3A_118 = arith.constant 0 : i32
      %dma_wait3A_119 = tpu.memref_slice %arg5[%dma_wait3A_117, %dma_wait3A_118] : memref<50176x16xf32, #tpu.memory_space<hbm>> -> memref<50176x16xf32, #tpu.memory_space<hbm>>
      tpu.wait_indirect_dma semaphore(%arg29 : memref<!tpu.dma_semaphore, #tpu.memory_space<semaphore_mem>>) src(%dma_wait3A_119 : memref<50176x16xf32, #tpu.memory_space<hbm>>) dst(%arg20 : memref<128x16xf32, #tpu.memory_space<vmem>>)
      %add3A_120 = arith.constant 128 : i32
      %add3A_121 = arith.addi %add3A_55, %add3A_120 : i32
      %scan3A_122 = arith.constant 0 : i32
      %scan3A_123 = arith.constant 0 : i32
      %scan3A_124 = arith.constant 16 : i32
      %scan3A_125 = arith.addi %scan3A_123, %scan3A_124 : i32
      %scan3A_126 = arith.constant 1 : i32
      scf.for %scan3A_134 = %scan3A_123 to %scan3A_125 step %scan3A_126  : i32 {
        %mul3A_135 = arith.constant 8 : i32
        %mul3A_136 = arith.muli %scan3A_134, %mul3A_135 : i32
        %add3A_137 = arith.constant 0 : i32
        %add3A_138 = arith.addi %mul3A_136, %add3A_137 : i32
        %get3A = arith.index_cast %add3A_138 : i32 to index
        %get3A_139 = arith.constant 0 : index
        %get3A_140 = tpu.vector_load %arg17[%get3A, %get3A_139] {strides = array<i32>} : memref<128x64xf32, #tpu.memory_space<vmem>>, vector<16xf32>,
        %get3A_141 = arith.index_cast %add3A_138 : i32 to index
        %get3A_142 = arith.constant 0 : index
        %get3A_143 = tpu.vector_load %arg18[%get3A_141, %get3A_142] {strides = array<i32>} : memref<128x64xf32, #tpu.memory_space<vmem>>, vector<16xf32>,
        %add3A_144 = arith.addf %get3A_140, %get3A_143 : vector<16xf32>
        %add3A_145 = arith.constant 0 : i32
        %add3A_146 = arith.addi %add3A_145, %add3A_138 : i32
        %add3A_147 = vector.broadcast %add3A_146 : i32 to vector<16xi32>
        %add3A_148 = arith.addi %mul3A_4, %add3A_147 : vector<16xi32>
        tpu.vector_store_idx %arg21[%add3A_148], %add3A_144 : memref<8192xf32, #tpu.memory_space<vmem>>[vector<16xi32>], vector<16xf32>,
        %get3A_149 = arith.index_cast %add3A_138 : i32 to index
        %get3A_150 = arith.constant 16 : index
        %get3A_151 = tpu.vector_load %arg17[%get3A_149, %get3A_150] {strides = array<i32>} : memref<128x64xf32, #tpu.memory_space<vmem>>, vector<16xf32>,
        %get3A_152 = arith.index_cast %add3A_138 : i32 to index
        %get3A_153 = arith.constant 16 : index
        %get3A_154 = tpu.vector_load %arg18[%get3A_152, %get3A_153] {strides = array<i32>} : memref<128x64xf32, #tpu.memory_space<vmem>>, vector<16xf32>,
        %add3A_155 = arith.addf %get3A_151, %get3A_154 : vector<16xf32>
        %add3A_156 = arith.constant 2048 : i32
        %add3A_157 = arith.addi %add3A_156, %add3A_138 : i32
        %add3A_158 = vector.broadcast %add3A_157 : i32 to vector<16xi32>
        %add3A_159 = arith.addi %mul3A_4, %add3A_158 : vector<16xi32>
        tpu.vector_store_idx %arg21[%add3A_159], %add3A_155 : memref<8192xf32, #tpu.memory_space<vmem>>[vector<16xi32>], vector<16xf32>,
        %get3A_160 = arith.index_cast %add3A_138 : i32 to index
        %get3A_161 = arith.constant 32 : index
        %get3A_162 = tpu.vector_load %arg17[%get3A_160, %get3A_161] {strides = array<i32>} : memref<128x64xf32, #tpu.memory_space<vmem>>, vector<16xf32>,
        %get3A_163 = arith.index_cast %add3A_138 : i32 to index
        %get3A_164 = arith.constant 32 : index
        %get3A_165 = tpu.vector_load %arg18[%get3A_163, %get3A_164] {strides = array<i32>} : memref<128x64xf32, #tpu.memory_space<vmem>>, vector<16xf32>,
        %add3A_166 = arith.addf %get3A_162, %get3A_165 : vector<16xf32>
        %add3A_167 = arith.constant 4096 : i32
        %add3A_168 = arith.addi %add3A_167, %add3A_138 : i32
        %add3A_169 = vector.broadcast %add3A_168 : i32 to vector<16xi32>
        %add3A_170 = arith.addi %mul3A_4, %add3A_169 : vector<16xi32>
        tpu.vector_store_idx %arg21[%add3A_170], %add3A_166 : memref<8192xf32, #tpu.memory_space<vmem>>[vector<16xi32>], vector<16xf32>,
        %get3A_171 = arith.index_cast %add3A_138 : i32 to index
        %get3A_172 = arith.constant 48 : index
        %get3A_173 = tpu.vector_load %arg17[%get3A_171, %get3A_172] {strides = array<i32>} : memref<128x64xf32, #tpu.memory_space<vmem>>, vector<16xf32>,
        %get3A_174 = arith.index_cast %add3A_138 : i32 to index
        %get3A_175 = arith.constant 48 : index
        %get3A_176 = tpu.vector_load %arg18[%get3A_174, %get3A_175] {strides = array<i32>} : memref<128x64xf32, #tpu.memory_space<vmem>>, vector<16xf32>,
        %add3A_177 = arith.addf %get3A_173, %get3A_176 : vector<16xf32>
        %add3A_178 = arith.constant 6144 : i32
        %add3A_179 = arith.addi %add3A_178, %add3A_138 : i32
        %add3A_180 = vector.broadcast %add3A_179 : i32 to vector<16xi32>
        %add3A_181 = arith.addi %mul3A_4, %add3A_180 : vector<16xi32>
        tpu.vector_store_idx %arg21[%add3A_181], %add3A_177 : memref<8192xf32, #tpu.memory_space<vmem>>[vector<16xi32>], vector<16xf32>,
        %add3A_182 = vector.broadcast %add3A_138 : i32 to vector<16xi32>
        %add3A_183 = arith.addi %mul3A_4, %add3A_182 : vector<16xi32>
        %get3A_184 = arith.index_cast %add3A_138 : i32 to index
        %get3A_185 = arith.constant 0 : index
        %get3A_186 = tpu.vector_load %arg19[%get3A_184, %get3A_185] {strides = array<i32>} : memref<128x16xf32, #tpu.memory_space<vmem>>, vector<16xf32>,
        tpu.vector_store_idx %arg22[%add3A_183], %get3A_186 : memref<2048xf32, #tpu.memory_space<vmem>>[vector<16xi32>], vector<16xf32>,
        %add3A_187 = vector.broadcast %add3A_138 : i32 to vector<16xi32>
        %add3A_188 = arith.addi %mul3A_4, %add3A_187 : vector<16xi32>
        %get3A_189 = arith.index_cast %add3A_138 : i32 to index
        %get3A_190 = arith.constant 0 : index
        %get3A_191 = tpu.vector_load %arg20[%get3A_189, %get3A_190] {strides = array<i32>} : memref<128x16xf32, #tpu.memory_space<vmem>>, vector<16xf32>,
        tpu.vector_store_idx %arg23[%add3A_188], %get3A_191 : memref<2048xf32, #tpu.memory_space<vmem>>[vector<16xi32>], vector<16xf32>,
        %mul3A_192 = arith.constant 8 : i32
        %mul3A_193 = arith.muli %scan3A_134, %mul3A_192 : i32
        %add3A_194 = arith.constant 1 : i32
        %add3A_195 = arith.addi %mul3A_193, %add3A_194 : i32
        %get3A_196 = arith.index_cast %add3A_195 : i32 to index
        %get3A_197 = arith.constant 0 : index
        %get3A_198 = tpu.vector_load %arg17[%get3A_196, %get3A_197] {strides = array<i32>} : memref<128x64xf32, #tpu.memory_space<vmem>>, vector<16xf32>,
        %get3A_199 = arith.index_cast %add3A_195 : i32 to index
        %get3A_200 = arith.constant 0 : index
        %get3A_201 = tpu.vector_load %arg18[%get3A_199, %get3A_200] {strides = array<i32>} : memref<128x64xf32, #tpu.memory_space<vmem>>, vector<16xf32>,
        %add3A_202 = arith.addf %get3A_198, %get3A_201 : vector<16xf32>
        %add3A_203 = arith.constant 0 : i32
        %add3A_204 = arith.addi %add3A_203, %add3A_195 : i32
        %add3A_205 = vector.broadcast %add3A_204 : i32 to vector<16xi32>
        %add3A_206 = arith.addi %mul3A_4, %add3A_205 : vector<16xi32>
        tpu.vector_store_idx %arg21[%add3A_206], %add3A_202 : memref<8192xf32, #tpu.memory_space<vmem>>[vector<16xi32>], vector<16xf32>,
        %get3A_207 = arith.index_cast %add3A_195 : i32 to index
        %get3A_208 = arith.constant 16 : index
        %get3A_209 = tpu.vector_load %arg17[%get3A_207, %get3A_208] {strides = array<i32>} : memref<128x64xf32, #tpu.memory_space<vmem>>, vector<16xf32>,
        %get3A_210 = arith.index_cast %add3A_195 : i32 to index
        %get3A_211 = arith.constant 16 : index
        %get3A_212 = tpu.vector_load %arg18[%get3A_210, %get3A_211] {strides = array<i32>} : memref<128x64xf32, #tpu.memory_space<vmem>>, vector<16xf32>,
        %add3A_213 = arith.addf %get3A_209, %get3A_212 : vector<16xf32>
        %add3A_214 = arith.constant 2048 : i32
        %add3A_215 = arith.addi %add3A_214, %add3A_195 : i32
        %add3A_216 = vector.broadcast %add3A_215 : i32 to vector<16xi32>
        %add3A_217 = arith.addi %mul3A_4, %add3A_216 : vector<16xi32>
        tpu.vector_store_idx %arg21[%add3A_217], %add3A_213 : memref<8192xf32, #tpu.memory_space<vmem>>[vector<16xi32>], vector<16xf32>,
        %get3A_218 = arith.index_cast %add3A_195 : i32 to index
        %get3A_219 = arith.constant 32 : index
        %get3A_220 = tpu.vector_load %arg17[%get3A_218, %get3A_219] {strides = array<i32>} : memref<128x64xf32, #tpu.memory_space<vmem>>, vector<16xf32>,
        %get3A_221 = arith.index_cast %add3A_195 : i32 to index
        %get3A_222 = arith.constant 32 : index
        %get3A_223 = tpu.vector_load %arg18[%get3A_221, %get3A_222] {strides = array<i32>} : memref<128x64xf32, #tpu.memory_space<vmem>>, vector<16xf32>,
        %add3A_224 = arith.addf %get3A_220, %get3A_223 : vector<16xf32>
        %add3A_225 = arith.constant 4096 : i32
        %add3A_226 = arith.addi %add3A_225, %add3A_195 : i32
        %add3A_227 = vector.broadcast %add3A_226 : i32 to vector<16xi32>
        %add3A_228 = arith.addi %mul3A_4, %add3A_227 : vector<16xi32>
        tpu.vector_store_idx %arg21[%add3A_228], %add3A_224 : memref<8192xf32, #tpu.memory_space<vmem>>[vector<16xi32>], vector<16xf32>,
        %get3A_229 = arith.index_cast %add3A_195 : i32 to index
        %get3A_230 = arith.constant 48 : index
        %get3A_231 = tpu.vector_load %arg17[%get3A_229, %get3A_230] {strides = array<i32>} : memref<128x64xf32, #tpu.memory_space<vmem>>, vector<16xf32>,
        %get3A_232 = arith.index_cast %add3A_195 : i32 to index
        %get3A_233 = arith.constant 48 : index
        %get3A_234 = tpu.vector_load %arg18[%get3A_232, %get3A_233] {strides = array<i32>} : memref<128x64xf32, #tpu.memory_space<vmem>>, vector<16xf32>,
        %add3A_235 = arith.addf %get3A_231, %get3A_234 : vector<16xf32>
        %add3A_236 = arith.constant 6144 : i32
        %add3A_237 = arith.addi %add3A_236, %add3A_195 : i32
        %add3A_238 = vector.broadcast %add3A_237 : i32 to vector<16xi32>
        %add3A_239 = arith.addi %mul3A_4, %add3A_238 : vector<16xi32>
        tpu.vector_store_idx %arg21[%add3A_239], %add3A_235 : memref<8192xf32, #tpu.memory_space<vmem>>[vector<16xi32>], vector<16xf32>,
        %add3A_240 = vector.broadcast %add3A_195 : i32 to vector<16xi32>
        %add3A_241 = arith.addi %mul3A_4, %add3A_240 : vector<16xi32>
        %get3A_242 = arith.index_cast %add3A_195 : i32 to index
        %get3A_243 = arith.constant 0 : index
        %get3A_244 = tpu.vector_load %arg19[%get3A_242, %get3A_243] {strides = array<i32>} : memref<128x16xf32, #tpu.memory_space<vmem>>, vector<16xf32>,
        tpu.vector_store_idx %arg22[%add3A_241], %get3A_244 : memref<2048xf32, #tpu.memory_space<vmem>>[vector<16xi32>], vector<16xf32>,
        %add3A_245 = vector.broadcast %add3A_195 : i32 to vector<16xi32>
        %add3A_246 = arith.addi %mul3A_4, %add3A_245 : vector<16xi32>
        %get3A_247 = arith.index_cast %add3A_195 : i32 to index
        %get3A_248 = arith.constant 0 : index
        %get3A_249 = tpu.vector_load %arg20[%get3A_247, %get3A_248] {strides = array<i32>} : memref<128x16xf32, #tpu.memory_space<vmem>>, vector<16xf32>,
        tpu.vector_store_idx %arg23[%add3A_246], %get3A_249 : memref<2048xf32, #tpu.memory_space<vmem>>[vector<16xi32>], vector<16xf32>,
        %mul3A_250 = arith.constant 8 : i32
        %mul3A_251 = arith.muli %scan3A_134, %mul3A_250 : i32
        %add3A_252 = arith.constant 2 : i32
        %add3A_253 = arith.addi %mul3A_251, %add3A_252 : i32
        %get3A_254 = arith.index_cast %add3A_253 : i32 to index
        %get3A_255 = arith.constant 0 : index
        %get3A_256 = tpu.vector_load %arg17[%get3A_254, %get3A_255] {strides = array<i32>} : memref<128x64xf32, #tpu.memory_space<vmem>>, vector<16xf32>,
        %get3A_257 = arith.index_cast %add3A_253 : i32 to index
        %get3A_258 = arith.constant 0 : index
        %get3A_259 = tpu.vector_load %arg18[%get3A_257, %get3A_258] {strides = array<i32>} : memref<128x64xf32, #tpu.memory_space<vmem>>, vector<16xf32>,
        %add3A_260 = arith.addf %get3A_256, %get3A_259 : vector<16xf32>
        %add3A_261 = arith.constant 0 : i32
        %add3A_262 = arith.addi %add3A_261, %add3A_253 : i32
        %add3A_263 = vector.broadcast %add3A_262 : i32 to vector<16xi32>
        %add3A_264 = arith.addi %mul3A_4, %add3A_263 : vector<16xi32>
        tpu.vector_store_idx %arg21[%add3A_264], %add3A_260 : memref<8192xf32, #tpu.memory_space<vmem>>[vector<16xi32>], vector<16xf32>,
        %get3A_265 = arith.index_cast %add3A_253 : i32 to index
        %get3A_266 = arith.constant 16 : index
        %get3A_267 = tpu.vector_load %arg17[%get3A_265, %get3A_266] {strides = array<i32>} : memref<128x64xf32, #tpu.memory_space<vmem>>, vector<16xf32>,
        %get3A_268 = arith.index_cast %add3A_253 : i32 to index
        %get3A_269 = arith.constant 16 : index
        %get3A_270 = tpu.vector_load %arg18[%get3A_268, %get3A_269] {strides = array<i32>} : memref<128x64xf32, #tpu.memory_space<vmem>>, vector<16xf32>,
        %add3A_271 = arith.addf %get3A_267, %get3A_270 : vector<16xf32>
        %add3A_272 = arith.constant 2048 : i32
        %add3A_273 = arith.addi %add3A_272, %add3A_253 : i32
        %add3A_274 = vector.broadcast %add3A_273 : i32 to vector<16xi32>
        %add3A_275 = arith.addi %mul3A_4, %add3A_274 : vector<16xi32>
        tpu.vector_store_idx %arg21[%add3A_275], %add3A_271 : memref<8192xf32, #tpu.memory_space<vmem>>[vector<16xi32>], vector<16xf32>,
        %get3A_276 = arith.index_cast %add3A_253 : i32 to index
        %get3A_277 = arith.constant 32 : index
        %get3A_278 = tpu.vector_load %arg17[%get3A_276, %get3A_277] {strides = array<i32>} : memref<128x64xf32, #tpu.memory_space<vmem>>, vector<16xf32>,
        %get3A_279 = arith.index_cast %add3A_253 : i32 to index
        %get3A_280 = arith.constant 32 : index
        %get3A_281 = tpu.vector_load %arg18[%get3A_279, %get3A_280] {strides = array<i32>} : memref<128x64xf32, #tpu.memory_space<vmem>>, vector<16xf32>,
        %add3A_282 = arith.addf %get3A_278, %get3A_281 : vector<16xf32>
        %add3A_283 = arith.constant 4096 : i32
        %add3A_284 = arith.addi %add3A_283, %add3A_253 : i32
        %add3A_285 = vector.broadcast %add3A_284 : i32 to vector<16xi32>
        %add3A_286 = arith.addi %mul3A_4, %add3A_285 : vector<16xi32>
        tpu.vector_store_idx %arg21[%add3A_286], %add3A_282 : memref<8192xf32, #tpu.memory_space<vmem>>[vector<16xi32>], vector<16xf32>,
        %get3A_287 = arith.index_cast %add3A_253 : i32 to index
        %get3A_288 = arith.constant 48 : index
        %get3A_289 = tpu.vector_load %arg17[%get3A_287, %get3A_288] {strides = array<i32>} : memref<128x64xf32, #tpu.memory_space<vmem>>, vector<16xf32>,
        %get3A_290 = arith.index_cast %add3A_253 : i32 to index
        %get3A_291 = arith.constant 48 : index
        %get3A_292 = tpu.vector_load %arg18[%get3A_290, %get3A_291] {strides = array<i32>} : memref<128x64xf32, #tpu.memory_space<vmem>>, vector<16xf32>,
        %add3A_293 = arith.addf %get3A_289, %get3A_292 : vector<16xf32>
        %add3A_294 = arith.constant 6144 : i32
        %add3A_295 = arith.addi %add3A_294, %add3A_253 : i32
        %add3A_296 = vector.broadcast %add3A_295 : i32 to vector<16xi32>
        %add3A_297 = arith.addi %mul3A_4, %add3A_296 : vector<16xi32>
        tpu.vector_store_idx %arg21[%add3A_297], %add3A_293 : memref<8192xf32, #tpu.memory_space<vmem>>[vector<16xi32>], vector<16xf32>,
        %add3A_298 = vector.broadcast %add3A_253 : i32 to vector<16xi32>
        %add3A_299 = arith.addi %mul3A_4, %add3A_298 : vector<16xi32>
        %get3A_300 = arith.index_cast %add3A_253 : i32 to index
        %get3A_301 = arith.constant 0 : index
        %get3A_302 = tpu.vector_load %arg19[%get3A_300, %get3A_301] {strides = array<i32>} : memref<128x16xf32, #tpu.memory_space<vmem>>, vector<16xf32>,
        tpu.vector_store_idx %arg22[%add3A_299], %get3A_302 : memref<2048xf32, #tpu.memory_space<vmem>>[vector<16xi32>], vector<16xf32>,
        %add3A_303 = vector.broadcast %add3A_253 : i32 to vector<16xi32>
        %add3A_304 = arith.addi %mul3A_4, %add3A_303 : vector<16xi32>
        %get3A_305 = arith.index_cast %add3A_253 : i32 to index
        %get3A_306 = arith.constant 0 : index
        %get3A_307 = tpu.vector_load %arg20[%get3A_305, %get3A_306] {strides = array<i32>} : memref<128x16xf32, #tpu.memory_space<vmem>>, vector<16xf32>,
        tpu.vector_store_idx %arg23[%add3A_304], %get3A_307 : memref<2048xf32, #tpu.memory_space<vmem>>[vector<16xi32>], vector<16xf32>,
        %mul3A_308 = arith.constant 8 : i32
        %mul3A_309 = arith.muli %scan3A_134, %mul3A_308 : i32
        %add3A_310 = arith.constant 3 : i32
        %add3A_311 = arith.addi %mul3A_309, %add3A_310 : i32
        %get3A_312 = arith.index_cast %add3A_311 : i32 to index
        %get3A_313 = arith.constant 0 : index
        %get3A_314 = tpu.vector_load %arg17[%get3A_312, %get3A_313] {strides = array<i32>} : memref<128x64xf32, #tpu.memory_space<vmem>>, vector<16xf32>,
        %get3A_315 = arith.index_cast %add3A_311 : i32 to index
        %get3A_316 = arith.constant 0 : index
        %get3A_317 = tpu.vector_load %arg18[%get3A_315, %get3A_316] {strides = array<i32>} : memref<128x64xf32, #tpu.memory_space<vmem>>, vector<16xf32>,
        %add3A_318 = arith.addf %get3A_314, %get3A_317 : vector<16xf32>
        %add3A_319 = arith.constant 0 : i32
        %add3A_320 = arith.addi %add3A_319, %add3A_311 : i32
        %add3A_321 = vector.broadcast %add3A_320 : i32 to vector<16xi32>
        %add3A_322 = arith.addi %mul3A_4, %add3A_321 : vector<16xi32>
        tpu.vector_store_idx %arg21[%add3A_322], %add3A_318 : memref<8192xf32, #tpu.memory_space<vmem>>[vector<16xi32>], vector<16xf32>,
        %get3A_323 = arith.index_cast %add3A_311 : i32 to index
        %get3A_324 = arith.constant 16 : index
        %get3A_325 = tpu.vector_load %arg17[%get3A_323, %get3A_324] {strides = array<i32>} : memref<128x64xf32, #tpu.memory_space<vmem>>, vector<16xf32>,
        %get3A_326 = arith.index_cast %add3A_311 : i32 to index
        %get3A_327 = arith.constant 16 : index
        %get3A_328 = tpu.vector_load %arg18[%get3A_326, %get3A_327] {strides = array<i32>} : memref<128x64xf32, #tpu.memory_space<vmem>>, vector<16xf32>,
        %add3A_329 = arith.addf %get3A_325, %get3A_328 : vector<16xf32>
        %add3A_330 = arith.constant 2048 : i32
        %add3A_331 = arith.addi %add3A_330, %add3A_311 : i32
        %add3A_332 = vector.broadcast %add3A_331 : i32 to vector<16xi32>
        %add3A_333 = arith.addi %mul3A_4, %add3A_332 : vector<16xi32>
        tpu.vector_store_idx %arg21[%add3A_333], %add3A_329 : memref<8192xf32, #tpu.memory_space<vmem>>[vector<16xi32>], vector<16xf32>,
        %get3A_334 = arith.index_cast %add3A_311 : i32 to index
        %get3A_335 = arith.constant 32 : index
        %get3A_336 = tpu.vector_load %arg17[%get3A_334, %get3A_335] {strides = array<i32>} : memref<128x64xf32, #tpu.memory_space<vmem>>, vector<16xf32>,
        %get3A_337 = arith.index_cast %add3A_311 : i32 to index
        %get3A_338 = arith.constant 32 : index
        %get3A_339 = tpu.vector_load %arg18[%get3A_337, %get3A_338] {strides = array<i32>} : memref<128x64xf32, #tpu.memory_space<vmem>>, vector<16xf32>,
        %add3A_340 = arith.addf %get3A_336, %get3A_339 : vector<16xf32>
        %add3A_341 = arith.constant 4096 : i32
        %add3A_342 = arith.addi %add3A_341, %add3A_311 : i32
        %add3A_343 = vector.broadcast %add3A_342 : i32 to vector<16xi32>
        %add3A_344 = arith.addi %mul3A_4, %add3A_343 : vector<16xi32>
        tpu.vector_store_idx %arg21[%add3A_344], %add3A_340 : memref<8192xf32, #tpu.memory_space<vmem>>[vector<16xi32>], vector<16xf32>,
        %get3A_345 = arith.index_cast %add3A_311 : i32 to index
        %get3A_346 = arith.constant 48 : index
        %get3A_347 = tpu.vector_load %arg17[%get3A_345, %get3A_346] {strides = array<i32>} : memref<128x64xf32, #tpu.memory_space<vmem>>, vector<16xf32>,
        %get3A_348 = arith.index_cast %add3A_311 : i32 to index
        %get3A_349 = arith.constant 48 : index
        %get3A_350 = tpu.vector_load %arg18[%get3A_348, %get3A_349] {strides = array<i32>} : memref<128x64xf32, #tpu.memory_space<vmem>>, vector<16xf32>,
        %add3A_351 = arith.addf %get3A_347, %get3A_350 : vector<16xf32>
        %add3A_352 = arith.constant 6144 : i32
        %add3A_353 = arith.addi %add3A_352, %add3A_311 : i32
        %add3A_354 = vector.broadcast %add3A_353 : i32 to vector<16xi32>
        %add3A_355 = arith.addi %mul3A_4, %add3A_354 : vector<16xi32>
        tpu.vector_store_idx %arg21[%add3A_355], %add3A_351 : memref<8192xf32, #tpu.memory_space<vmem>>[vector<16xi32>], vector<16xf32>,
        %add3A_356 = vector.broadcast %add3A_311 : i32 to vector<16xi32>
        %add3A_357 = arith.addi %mul3A_4, %add3A_356 : vector<16xi32>
        %get3A_358 = arith.index_cast %add3A_311 : i32 to index
        %get3A_359 = arith.constant 0 : index
        %get3A_360 = tpu.vector_load %arg19[%get3A_358, %get3A_359] {strides = array<i32>} : memref<128x16xf32, #tpu.memory_space<vmem>>, vector<16xf32>,
        tpu.vector_store_idx %arg22[%add3A_357], %get3A_360 : memref<2048xf32, #tpu.memory_space<vmem>>[vector<16xi32>], vector<16xf32>,
        %add3A_361 = vector.broadcast %add3A_311 : i32 to vector<16xi32>
        %add3A_362 = arith.addi %mul3A_4, %add3A_361 : vector<16xi32>
        %get3A_363 = arith.index_cast %add3A_311 : i32 to index
        %get3A_364 = arith.constant 0 : index
        %get3A_365 = tpu.vector_load %arg20[%get3A_363, %get3A_364] {strides = array<i32>} : memref<128x16xf32, #tpu.memory_space<vmem>>, vector<16xf32>,
        tpu.vector_store_idx %arg23[%add3A_362], %get3A_365 : memref<2048xf32, #tpu.memory_space<vmem>>[vector<16xi32>], vector<16xf32>,
        %mul3A_366 = arith.constant 8 : i32
        %mul3A_367 = arith.muli %scan3A_134, %mul3A_366 : i32
        %add3A_368 = arith.constant 4 : i32
        %add3A_369 = arith.addi %mul3A_367, %add3A_368 : i32
        %get3A_370 = arith.index_cast %add3A_369 : i32 to index
        %get3A_371 = arith.constant 0 : index
        %get3A_372 = tpu.vector_load %arg17[%get3A_370, %get3A_371] {strides = array<i32>} : memref<128x64xf32, #tpu.memory_space<vmem>>, vector<16xf32>,
        %get3A_373 = arith.index_cast %add3A_369 : i32 to index
        %get3A_374 = arith.constant 0 : index
        %get3A_375 = tpu.vector_load %arg18[%get3A_373, %get3A_374] {strides = array<i32>} : memref<128x64xf32, #tpu.memory_space<vmem>>, vector<16xf32>,
        %add3A_376 = arith.addf %get3A_372, %get3A_375 : vector<16xf32>
        %add3A_377 = arith.constant 0 : i32
        %add3A_378 = arith.addi %add3A_377, %add3A_369 : i32
        %add3A_379 = vector.broadcast %add3A_378 : i32 to vector<16xi32>
        %add3A_380 = arith.addi %mul3A_4, %add3A_379 : vector<16xi32>
        tpu.vector_store_idx %arg21[%add3A_380], %add3A_376 : memref<8192xf32, #tpu.memory_space<vmem>>[vector<16xi32>], vector<16xf32>,
        %get3A_381 = arith.index_cast %add3A_369 : i32 to index
        %get3A_382 = arith.constant 16 : index
        %get3A_383 = tpu.vector_load %arg17[%get3A_381, %get3A_382] {strides = array<i32>} : memref<128x64xf32, #tpu.memory_space<vmem>>, vector<16xf32>,
        %get3A_384 = arith.index_cast %add3A_369 : i32 to index
        %get3A_385 = arith.constant 16 : index
        %get3A_386 = tpu.vector_load %arg18[%get3A_384, %get3A_385] {strides = array<i32>} : memref<128x64xf32, #tpu.memory_space<vmem>>, vector<16xf32>,
        %add3A_387 = arith.addf %get3A_383, %get3A_386 : vector<16xf32>
        %add3A_388 = arith.constant 2048 : i32
        %add3A_389 = arith.addi %add3A_388, %add3A_369 : i32
        %add3A_390 = vector.broadcast %add3A_389 : i32 to vector<16xi32>
        %add3A_391 = arith.addi %mul3A_4, %add3A_390 : vector<16xi32>
        tpu.vector_store_idx %arg21[%add3A_391], %add3A_387 : memref<8192xf32, #tpu.memory_space<vmem>>[vector<16xi32>], vector<16xf32>,
        %get3A_392 = arith.index_cast %add3A_369 : i32 to index
        %get3A_393 = arith.constant 32 : index
        %get3A_394 = tpu.vector_load %arg17[%get3A_392, %get3A_393] {strides = array<i32>} : memref<128x64xf32, #tpu.memory_space<vmem>>, vector<16xf32>,
        %get3A_395 = arith.index_cast %add3A_369 : i32 to index
        %get3A_396 = arith.constant 32 : index
        %get3A_397 = tpu.vector_load %arg18[%get3A_395, %get3A_396] {strides = array<i32>} : memref<128x64xf32, #tpu.memory_space<vmem>>, vector<16xf32>,
        %add3A_398 = arith.addf %get3A_394, %get3A_397 : vector<16xf32>
        %add3A_399 = arith.constant 4096 : i32
        %add3A_400 = arith.addi %add3A_399, %add3A_369 : i32
        %add3A_401 = vector.broadcast %add3A_400 : i32 to vector<16xi32>
        %add3A_402 = arith.addi %mul3A_4, %add3A_401 : vector<16xi32>
        tpu.vector_store_idx %arg21[%add3A_402], %add3A_398 : memref<8192xf32, #tpu.memory_space<vmem>>[vector<16xi32>], vector<16xf32>,
        %get3A_403 = arith.index_cast %add3A_369 : i32 to index
        %get3A_404 = arith.constant 48 : index
        %get3A_405 = tpu.vector_load %arg17[%get3A_403, %get3A_404] {strides = array<i32>} : memref<128x64xf32, #tpu.memory_space<vmem>>, vector<16xf32>,
        %get3A_406 = arith.index_cast %add3A_369 : i32 to index
        %get3A_407 = arith.constant 48 : index
        %get3A_408 = tpu.vector_load %arg18[%get3A_406, %get3A_407] {strides = array<i32>} : memref<128x64xf32, #tpu.memory_space<vmem>>, vector<16xf32>,
        %add3A_409 = arith.addf %get3A_405, %get3A_408 : vector<16xf32>
        %add3A_410 = arith.constant 6144 : i32
        %add3A_411 = arith.addi %add3A_410, %add3A_369 : i32
        %add3A_412 = vector.broadcast %add3A_411 : i32 to vector<16xi32>
        %add3A_413 = arith.addi %mul3A_4, %add3A_412 : vector<16xi32>
        tpu.vector_store_idx %arg21[%add3A_413], %add3A_409 : memref<8192xf32, #tpu.memory_space<vmem>>[vector<16xi32>], vector<16xf32>,
        %add3A_414 = vector.broadcast %add3A_369 : i32 to vector<16xi32>
        %add3A_415 = arith.addi %mul3A_4, %add3A_414 : vector<16xi32>
        %get3A_416 = arith.index_cast %add3A_369 : i32 to index
        %get3A_417 = arith.constant 0 : index
        %get3A_418 = tpu.vector_load %arg19[%get3A_416, %get3A_417] {strides = array<i32>} : memref<128x16xf32, #tpu.memory_space<vmem>>, vector<16xf32>,
        tpu.vector_store_idx %arg22[%add3A_415], %get3A_418 : memref<2048xf32, #tpu.memory_space<vmem>>[vector<16xi32>], vector<16xf32>,
        %add3A_419 = vector.broadcast %add3A_369 : i32 to vector<16xi32>
        %add3A_420 = arith.addi %mul3A_4, %add3A_419 : vector<16xi32>
        %get3A_421 = arith.index_cast %add3A_369 : i32 to index
        %get3A_422 = arith.constant 0 : index
        %get3A_423 = tpu.vector_load %arg20[%get3A_421, %get3A_422] {strides = array<i32>} : memref<128x16xf32, #tpu.memory_space<vmem>>, vector<16xf32>,
        tpu.vector_store_idx %arg23[%add3A_420], %get3A_423 : memref<2048xf32, #tpu.memory_space<vmem>>[vector<16xi32>], vector<16xf32>,
        %mul3A_424 = arith.constant 8 : i32
        %mul3A_425 = arith.muli %scan3A_134, %mul3A_424 : i32
        %add3A_426 = arith.constant 5 : i32
        %add3A_427 = arith.addi %mul3A_425, %add3A_426 : i32
        %get3A_428 = arith.index_cast %add3A_427 : i32 to index
        %get3A_429 = arith.constant 0 : index
        %get3A_430 = tpu.vector_load %arg17[%get3A_428, %get3A_429] {strides = array<i32>} : memref<128x64xf32, #tpu.memory_space<vmem>>, vector<16xf32>,
        %get3A_431 = arith.index_cast %add3A_427 : i32 to index
        %get3A_432 = arith.constant 0 : index
        %get3A_433 = tpu.vector_load %arg18[%get3A_431, %get3A_432] {strides = array<i32>} : memref<128x64xf32, #tpu.memory_space<vmem>>, vector<16xf32>,
        %add3A_434 = arith.addf %get3A_430, %get3A_433 : vector<16xf32>
        %add3A_435 = arith.constant 0 : i32
        %add3A_436 = arith.addi %add3A_435, %add3A_427 : i32
        %add3A_437 = vector.broadcast %add3A_436 : i32 to vector<16xi32>
        %add3A_438 = arith.addi %mul3A_4, %add3A_437 : vector<16xi32>
        tpu.vector_store_idx %arg21[%add3A_438], %add3A_434 : memref<8192xf32, #tpu.memory_space<vmem>>[vector<16xi32>], vector<16xf32>,
        %get3A_439 = arith.index_cast %add3A_427 : i32 to index
        %get3A_440 = arith.constant 16 : index
        %get3A_441 = tpu.vector_load %arg17[%get3A_439, %get3A_440] {strides = array<i32>} : memref<128x64xf32, #tpu.memory_space<vmem>>, vector<16xf32>,
        %get3A_442 = arith.index_cast %add3A_427 : i32 to index
        %get3A_443 = arith.constant 16 : index
        %get3A_444 = tpu.vector_load %arg18[%get3A_442, %get3A_443] {strides = array<i32>} : memref<128x64xf32, #tpu.memory_space<vmem>>, vector<16xf32>,
        %add3A_445 = arith.addf %get3A_441, %get3A_444 : vector<16xf32>
        %add3A_446 = arith.constant 2048 : i32
        %add3A_447 = arith.addi %add3A_446, %add3A_427 : i32
        %add3A_448 = vector.broadcast %add3A_447 : i32 to vector<16xi32>
        %add3A_449 = arith.addi %mul3A_4, %add3A_448 : vector<16xi32>
        tpu.vector_store_idx %arg21[%add3A_449], %add3A_445 : memref<8192xf32, #tpu.memory_space<vmem>>[vector<16xi32>], vector<16xf32>,
        %get3A_450 = arith.index_cast %add3A_427 : i32 to index
        %get3A_451 = arith.constant 32 : index
        %get3A_452 = tpu.vector_load %arg17[%get3A_450, %get3A_451] {strides = array<i32>} : memref<128x64xf32, #tpu.memory_space<vmem>>, vector<16xf32>,
        %get3A_453 = arith.index_cast %add3A_427 : i32 to index
        %get3A_454 = arith.constant 32 : index
        %get3A_455 = tpu.vector_load %arg18[%get3A_453, %get3A_454] {strides = array<i32>} : memref<128x64xf32, #tpu.memory_space<vmem>>, vector<16xf32>,
        %add3A_456 = arith.addf %get3A_452, %get3A_455 : vector<16xf32>
        %add3A_457 = arith.constant 4096 : i32
        %add3A_458 = arith.addi %add3A_457, %add3A_427 : i32
        %add3A_459 = vector.broadcast %add3A_458 : i32 to vector<16xi32>
        %add3A_460 = arith.addi %mul3A_4, %add3A_459 : vector<16xi32>
        tpu.vector_store_idx %arg21[%add3A_460], %add3A_456 : memref<8192xf32, #tpu.memory_space<vmem>>[vector<16xi32>], vector<16xf32>,
        %get3A_461 = arith.index_cast %add3A_427 : i32 to index
        %get3A_462 = arith.constant 48 : index
        %get3A_463 = tpu.vector_load %arg17[%get3A_461, %get3A_462] {strides = array<i32>} : memref<128x64xf32, #tpu.memory_space<vmem>>, vector<16xf32>,
        %get3A_464 = arith.index_cast %add3A_427 : i32 to index
        %get3A_465 = arith.constant 48 : index
        %get3A_466 = tpu.vector_load %arg18[%get3A_464, %get3A_465] {strides = array<i32>} : memref<128x64xf32, #tpu.memory_space<vmem>>, vector<16xf32>,
        %add3A_467 = arith.addf %get3A_463, %get3A_466 : vector<16xf32>
        %add3A_468 = arith.constant 6144 : i32
        %add3A_469 = arith.addi %add3A_468, %add3A_427 : i32
        %add3A_470 = vector.broadcast %add3A_469 : i32 to vector<16xi32>
        %add3A_471 = arith.addi %mul3A_4, %add3A_470 : vector<16xi32>
        tpu.vector_store_idx %arg21[%add3A_471], %add3A_467 : memref<8192xf32, #tpu.memory_space<vmem>>[vector<16xi32>], vector<16xf32>,
        %add3A_472 = vector.broadcast %add3A_427 : i32 to vector<16xi32>
        %add3A_473 = arith.addi %mul3A_4, %add3A_472 : vector<16xi32>
        %get3A_474 = arith.index_cast %add3A_427 : i32 to index
        %get3A_475 = arith.constant 0 : index
        %get3A_476 = tpu.vector_load %arg19[%get3A_474, %get3A_475] {strides = array<i32>} : memref<128x16xf32, #tpu.memory_space<vmem>>, vector<16xf32>,
        tpu.vector_store_idx %arg22[%add3A_473], %get3A_476 : memref<2048xf32, #tpu.memory_space<vmem>>[vector<16xi32>], vector<16xf32>,
        %add3A_477 = vector.broadcast %add3A_427 : i32 to vector<16xi32>
        %add3A_478 = arith.addi %mul3A_4, %add3A_477 : vector<16xi32>
        %get3A_479 = arith.index_cast %add3A_427 : i32 to index
        %get3A_480 = arith.constant 0 : index
        %get3A_481 = tpu.vector_load %arg20[%get3A_479, %get3A_480] {strides = array<i32>} : memref<128x16xf32, #tpu.memory_space<vmem>>, vector<16xf32>,
        tpu.vector_store_idx %arg23[%add3A_478], %get3A_481 : memref<2048xf32, #tpu.memory_space<vmem>>[vector<16xi32>], vector<16xf32>,
        %mul3A_482 = arith.constant 8 : i32
        %mul3A_483 = arith.muli %scan3A_134, %mul3A_482 : i32
        %add3A_484 = arith.constant 6 : i32
        %add3A_485 = arith.addi %mul3A_483, %add3A_484 : i32
        %get3A_486 = arith.index_cast %add3A_485 : i32 to index
        %get3A_487 = arith.constant 0 : index
        %get3A_488 = tpu.vector_load %arg17[%get3A_486, %get3A_487] {strides = array<i32>} : memref<128x64xf32, #tpu.memory_space<vmem>>, vector<16xf32>,
        %get3A_489 = arith.index_cast %add3A_485 : i32 to index
        %get3A_490 = arith.constant 0 : index
        %get3A_491 = tpu.vector_load %arg18[%get3A_489, %get3A_490] {strides = array<i32>} : memref<128x64xf32, #tpu.memory_space<vmem>>, vector<16xf32>,
        %add3A_492 = arith.addf %get3A_488, %get3A_491 : vector<16xf32>
        %add3A_493 = arith.constant 0 : i32
        %add3A_494 = arith.addi %add3A_493, %add3A_485 : i32
        %add3A_495 = vector.broadcast %add3A_494 : i32 to vector<16xi32>
        %add3A_496 = arith.addi %mul3A_4, %add3A_495 : vector<16xi32>
        tpu.vector_store_idx %arg21[%add3A_496], %add3A_492 : memref<8192xf32, #tpu.memory_space<vmem>>[vector<16xi32>], vector<16xf32>,
        %get3A_497 = arith.index_cast %add3A_485 : i32 to index
        %get3A_498 = arith.constant 16 : index
        %get3A_499 = tpu.vector_load %arg17[%get3A_497, %get3A_498] {strides = array<i32>} : memref<128x64xf32, #tpu.memory_space<vmem>>, vector<16xf32>,
        %get3A_500 = arith.index_cast %add3A_485 : i32 to index
        %get3A_501 = arith.constant 16 : index
        %get3A_502 = tpu.vector_load %arg18[%get3A_500, %get3A_501] {strides = array<i32>} : memref<128x64xf32, #tpu.memory_space<vmem>>, vector<16xf32>,
        %add3A_503 = arith.addf %get3A_499, %get3A_502 : vector<16xf32>
        %add3A_504 = arith.constant 2048 : i32
        %add3A_505 = arith.addi %add3A_504, %add3A_485 : i32
        %add3A_506 = vector.broadcast %add3A_505 : i32 to vector<16xi32>
        %add3A_507 = arith.addi %mul3A_4, %add3A_506 : vector<16xi32>
        tpu.vector_store_idx %arg21[%add3A_507], %add3A_503 : memref<8192xf32, #tpu.memory_space<vmem>>[vector<16xi32>], vector<16xf32>,
        %get3A_508 = arith.index_cast %add3A_485 : i32 to index
        %get3A_509 = arith.constant 32 : index
        %get3A_510 = tpu.vector_load %arg17[%get3A_508, %get3A_509] {strides = array<i32>} : memref<128x64xf32, #tpu.memory_space<vmem>>, vector<16xf32>,
        %get3A_511 = arith.index_cast %add3A_485 : i32 to index
        %get3A_512 = arith.constant 32 : index
        %get3A_513 = tpu.vector_load %arg18[%get3A_511, %get3A_512] {strides = array<i32>} : memref<128x64xf32, #tpu.memory_space<vmem>>, vector<16xf32>,
        %add3A_514 = arith.addf %get3A_510, %get3A_513 : vector<16xf32>
        %add3A_515 = arith.constant 4096 : i32
        %add3A_516 = arith.addi %add3A_515, %add3A_485 : i32
        %add3A_517 = vector.broadcast %add3A_516 : i32 to vector<16xi32>
        %add3A_518 = arith.addi %mul3A_4, %add3A_517 : vector<16xi32>
        tpu.vector_store_idx %arg21[%add3A_518], %add3A_514 : memref<8192xf32, #tpu.memory_space<vmem>>[vector<16xi32>], vector<16xf32>,
        %get3A_519 = arith.index_cast %add3A_485 : i32 to index
        %get3A_520 = arith.constant 48 : index
        %get3A_521 = tpu.vector_load %arg17[%get3A_519, %get3A_520] {strides = array<i32>} : memref<128x64xf32, #tpu.memory_space<vmem>>, vector<16xf32>,
        %get3A_522 = arith.index_cast %add3A_485 : i32 to index
        %get3A_523 = arith.constant 48 : index
        %get3A_524 = tpu.vector_load %arg18[%get3A_522, %get3A_523] {strides = array<i32>} : memref<128x64xf32, #tpu.memory_space<vmem>>, vector<16xf32>,
        %add3A_525 = arith.addf %get3A_521, %get3A_524 : vector<16xf32>
        %add3A_526 = arith.constant 6144 : i32
        %add3A_527 = arith.addi %add3A_526, %add3A_485 : i32
        %add3A_528 = vector.broadcast %add3A_527 : i32 to vector<16xi32>
        %add3A_529 = arith.addi %mul3A_4, %add3A_528 : vector<16xi32>
        tpu.vector_store_idx %arg21[%add3A_529], %add3A_525 : memref<8192xf32, #tpu.memory_space<vmem>>[vector<16xi32>], vector<16xf32>,
        %add3A_530 = vector.broadcast %add3A_485 : i32 to vector<16xi32>
        %add3A_531 = arith.addi %mul3A_4, %add3A_530 : vector<16xi32>
        %get3A_532 = arith.index_cast %add3A_485 : i32 to index
        %get3A_533 = arith.constant 0 : index
        %get3A_534 = tpu.vector_load %arg19[%get3A_532, %get3A_533] {strides = array<i32>} : memref<128x16xf32, #tpu.memory_space<vmem>>, vector<16xf32>,
        tpu.vector_store_idx %arg22[%add3A_531], %get3A_534 : memref<2048xf32, #tpu.memory_space<vmem>>[vector<16xi32>], vector<16xf32>,
        %add3A_535 = vector.broadcast %add3A_485 : i32 to vector<16xi32>
        %add3A_536 = arith.addi %mul3A_4, %add3A_535 : vector<16xi32>
        %get3A_537 = arith.index_cast %add3A_485 : i32 to index
        %get3A_538 = arith.constant 0 : index
        %get3A_539 = tpu.vector_load %arg20[%get3A_537, %get3A_538] {strides = array<i32>} : memref<128x16xf32, #tpu.memory_space<vmem>>, vector<16xf32>,
        tpu.vector_store_idx %arg23[%add3A_536], %get3A_539 : memref<2048xf32, #tpu.memory_space<vmem>>[vector<16xi32>], vector<16xf32>,
        %mul3A_540 = arith.constant 8 : i32
        %mul3A_541 = arith.muli %scan3A_134, %mul3A_540 : i32
        %add3A_542 = arith.constant 7 : i32
        %add3A_543 = arith.addi %mul3A_541, %add3A_542 : i32
        %get3A_544 = arith.index_cast %add3A_543 : i32 to index
        %get3A_545 = arith.constant 0 : index
        %get3A_546 = tpu.vector_load %arg17[%get3A_544, %get3A_545] {strides = array<i32>} : memref<128x64xf32, #tpu.memory_space<vmem>>, vector<16xf32>,
        %get3A_547 = arith.index_cast %add3A_543 : i32 to index
        %get3A_548 = arith.constant 0 : index
        %get3A_549 = tpu.vector_load %arg18[%get3A_547, %get3A_548] {strides = array<i32>} : memref<128x64xf32, #tpu.memory_space<vmem>>, vector<16xf32>,
        %add3A_550 = arith.addf %get3A_546, %get3A_549 : vector<16xf32>
        %add3A_551 = arith.constant 0 : i32
        %add3A_552 = arith.addi %add3A_551, %add3A_543 : i32
        %add3A_553 = vector.broadcast %add3A_552 : i32 to vector<16xi32>
        %add3A_554 = arith.addi %mul3A_4, %add3A_553 : vector<16xi32>
        tpu.vector_store_idx %arg21[%add3A_554], %add3A_550 : memref<8192xf32, #tpu.memory_space<vmem>>[vector<16xi32>], vector<16xf32>,
        %get3A_555 = arith.index_cast %add3A_543 : i32 to index
        %get3A_556 = arith.constant 16 : index
        %get3A_557 = tpu.vector_load %arg17[%get3A_555, %get3A_556] {strides = array<i32>} : memref<128x64xf32, #tpu.memory_space<vmem>>, vector<16xf32>,
        %get3A_558 = arith.index_cast %add3A_543 : i32 to index
        %get3A_559 = arith.constant 16 : index
        %get3A_560 = tpu.vector_load %arg18[%get3A_558, %get3A_559] {strides = array<i32>} : memref<128x64xf32, #tpu.memory_space<vmem>>, vector<16xf32>,
        %add3A_561 = arith.addf %get3A_557, %get3A_560 : vector<16xf32>
        %add3A_562 = arith.constant 2048 : i32
        %add3A_563 = arith.addi %add3A_562, %add3A_543 : i32
        %add3A_564 = vector.broadcast %add3A_563 : i32 to vector<16xi32>
        %add3A_565 = arith.addi %mul3A_4, %add3A_564 : vector<16xi32>
        tpu.vector_store_idx %arg21[%add3A_565], %add3A_561 : memref<8192xf32, #tpu.memory_space<vmem>>[vector<16xi32>], vector<16xf32>,
        %get3A_566 = arith.index_cast %add3A_543 : i32 to index
        %get3A_567 = arith.constant 32 : index
        %get3A_568 = tpu.vector_load %arg17[%get3A_566, %get3A_567] {strides = array<i32>} : memref<128x64xf32, #tpu.memory_space<vmem>>, vector<16xf32>,
        %get3A_569 = arith.index_cast %add3A_543 : i32 to index
        %get3A_570 = arith.constant 32 : index
        %get3A_571 = tpu.vector_load %arg18[%get3A_569, %get3A_570] {strides = array<i32>} : memref<128x64xf32, #tpu.memory_space<vmem>>, vector<16xf32>,
        %add3A_572 = arith.addf %get3A_568, %get3A_571 : vector<16xf32>
        %add3A_573 = arith.constant 4096 : i32
        %add3A_574 = arith.addi %add3A_573, %add3A_543 : i32
        %add3A_575 = vector.broadcast %add3A_574 : i32 to vector<16xi32>
        %add3A_576 = arith.addi %mul3A_4, %add3A_575 : vector<16xi32>
        tpu.vector_store_idx %arg21[%add3A_576], %add3A_572 : memref<8192xf32, #tpu.memory_space<vmem>>[vector<16xi32>], vector<16xf32>,
        %get3A_577 = arith.index_cast %add3A_543 : i32 to index
        %get3A_578 = arith.constant 48 : index
        %get3A_579 = tpu.vector_load %arg17[%get3A_577, %get3A_578] {strides = array<i32>} : memref<128x64xf32, #tpu.memory_space<vmem>>, vector<16xf32>,
        %get3A_580 = arith.index_cast %add3A_543 : i32 to index
        %get3A_581 = arith.constant 48 : index
        %get3A_582 = tpu.vector_load %arg18[%get3A_580, %get3A_581] {strides = array<i32>} : memref<128x64xf32, #tpu.memory_space<vmem>>, vector<16xf32>,
        %add3A_583 = arith.addf %get3A_579, %get3A_582 : vector<16xf32>
        %add3A_584 = arith.constant 6144 : i32
        %add3A_585 = arith.addi %add3A_584, %add3A_543 : i32
        %add3A_586 = vector.broadcast %add3A_585 : i32 to vector<16xi32>
        %add3A_587 = arith.addi %mul3A_4, %add3A_586 : vector<16xi32>
        tpu.vector_store_idx %arg21[%add3A_587], %add3A_583 : memref<8192xf32, #tpu.memory_space<vmem>>[vector<16xi32>], vector<16xf32>,
        %add3A_588 = vector.broadcast %add3A_543 : i32 to vector<16xi32>
        %add3A_589 = arith.addi %mul3A_4, %add3A_588 : vector<16xi32>
        %get3A_590 = arith.index_cast %add3A_543 : i32 to index
        %get3A_591 = arith.constant 0 : index
        %get3A_592 = tpu.vector_load %arg19[%get3A_590, %get3A_591] {strides = array<i32>} : memref<128x16xf32, #tpu.memory_space<vmem>>, vector<16xf32>,
        tpu.vector_store_idx %arg22[%add3A_589], %get3A_592 : memref<2048xf32, #tpu.memory_space<vmem>>[vector<16xi32>], vector<16xf32>,
        %add3A_593 = vector.broadcast %add3A_543 : i32 to vector<16xi32>
        %add3A_594 = arith.addi %mul3A_4, %add3A_593 : vector<16xi32>
        %get3A_595 = arith.index_cast %add3A_543 : i32 to index
        %get3A_596 = arith.constant 0 : index
        %get3A_597 = tpu.vector_load %arg20[%get3A_595, %get3A_596] {strides = array<i32>} : memref<128x16xf32, #tpu.memory_space<vmem>>, vector<16xf32>,
        tpu.vector_store_idx %arg23[%add3A_594], %get3A_597 : memref<2048xf32, #tpu.memory_space<vmem>>[vector<16xi32>], vector<16xf32>,
      }
      %scan3A_127 = arith.constant 16 : i32
      %scan3A_128 = arith.constant 0 : i32
      %scan3A_129 = arith.constant 0 : i32
      %scan3A_130 = arith.constant 8 : i32
      %scan3A_131 = arith.addi %scan3A_129, %scan3A_130 : i32
      %scan3A_132 = arith.constant 1 : i32
      scf.for %scan3A_134 = %scan3A_129 to %scan3A_131 step %scan3A_132  : i32 {
        %mul3A_135 = arith.constant 16 : i32
        %mul3A_136 = arith.muli %scan3A_134, %mul3A_135 : i32
        %get3A = arith.index_cast %mul3A_136 : i32 to index
        %get3A_137 = tpu.vector_load %arg22[%get3A] {strides = array<i32>} : memref<2048xf32, #tpu.memory_space<vmem>>, vector<16xf32>,
        %get3A_138 = arith.index_cast %mul3A_136 : i32 to index
        %get3A_139 = tpu.vector_load %arg23[%get3A_138] {strides = array<i32>} : memref<2048xf32, #tpu.memory_space<vmem>>, vector<16xf32>,
        %mul3A_140 = arith.mulf %get3A_137, %get3A_139 : vector<16xf32>
        %add3A_141 = arith.constant 128 : i32
        %add3A_142 = arith.addi %add3A_141, %mul3A_136 : i32
        %get3A_143 = arith.index_cast %add3A_142 : i32 to index
        %get3A_144 = tpu.vector_load %arg22[%get3A_143] {strides = array<i32>} : memref<2048xf32, #tpu.memory_space<vmem>>, vector<16xf32>,
        %add3A_145 = arith.constant 128 : i32
        %add3A_146 = arith.addi %add3A_145, %mul3A_136 : i32
        %get3A_147 = arith.index_cast %add3A_146 : i32 to index
        %get3A_148 = tpu.vector_load %arg23[%get3A_147] {strides = array<i32>} : memref<2048xf32, #tpu.memory_space<vmem>>, vector<16xf32>,
        %mul3A_149 = arith.mulf %get3A_144, %get3A_148 : vector<16xf32>
        %add3A_150 = arith.addf %mul3A_140, %mul3A_149 : vector<16xf32>
        %add3A_151 = arith.constant 256 : i32
        %add3A_152 = arith.addi %add3A_151, %mul3A_136 : i32
        %get3A_153 = arith.index_cast %add3A_152 : i32 to index
        %get3A_154 = tpu.vector_load %arg22[%get3A_153] {strides = array<i32>} : memref<2048xf32, #tpu.memory_space<vmem>>, vector<16xf32>,
        %add3A_155 = arith.constant 256 : i32
        %add3A_156 = arith.addi %add3A_155, %mul3A_136 : i32
        %get3A_157 = arith.index_cast %add3A_156 : i32 to index
        %get3A_158 = tpu.vector_load %arg23[%get3A_157] {strides = array<i32>} : memref<2048xf32, #tpu.memory_space<vmem>>, vector<16xf32>,
        %mul3A_159 = arith.mulf %get3A_154, %get3A_158 : vector<16xf32>
        %add3A_160 = arith.addf %add3A_150, %mul3A_159 : vector<16xf32>
        %add3A_161 = arith.addf %add3A_160, %add3A_160 : vector<16xf32>
        %broadcast_in_dim3A_162 = arith.constant 1.000000e+00 : f32
        %broadcast_in_dim3A_163 = vector.broadcast %broadcast_in_dim3A_162 : f32 to vector<16xf32>
        %broadcast_in_dim3A_164 = arith.constant 0.000000e+00 : f32
        %broadcast_in_dim3A_165 = vector.broadcast %broadcast_in_dim3A_164 : f32 to vector<16xf32>
        %scan3A_166 = arith.constant 0 : i32
        %scan3A_167 = arith.constant 4 : i32
        %scan3A_168 = arith.addi %scan3A_166, %scan3A_167 : i32
        %scan3A_169 = arith.constant 1 : i32
        %scan3A_170:3 = scf.for %scan3A_173 = %scan3A_166 to %scan3A_168 step %scan3A_169 iter_args(%scan3A_174 = %add3A_160, %scan3A_175 = %broadcast_in_dim3A_163, %scan3A_176 = %broadcast_in_dim3A_165) -> (vector<16xf32>, vector<16xf32>, vector<16xf32>)  : i32 {
          %mul3A_177 = arith.constant 16 : i32
          %mul3A_178 = arith.muli %scan3A_173, %mul3A_177 : i32
          %add3A_179 = arith.constant 0 : i32
          %add3A_180 = arith.addi %mul3A_178, %add3A_179 : i32
          %mul3A_181 = arith.constant 128 : i32
          %mul3A_182 = arith.muli %add3A_180, %mul3A_181 : i32
          %add3A_183 = arith.addi %mul3A_182, %mul3A_136 : i32
          %get3A_184 = arith.index_cast %add3A_183 : i32 to index
          %get3A_185 = tpu.vector_load %arg21[%get3A_184] {strides = array<i32>} : memref<8192xf32, #tpu.memory_space<vmem>>, vector<16xf32>,
          %add3A_186 = arith.addf %scan3A_175, %get3A_185 : vector<16xf32>
          %broadcast_in_dim3A_187 = vector.broadcast %add3A_180 : i32 to vector<16xi32>
          %gather3A = tpu.vector_load_idx %arg25[%broadcast_in_dim3A_187] : memref<64xf32, #tpu.memory_space<vmem>>[vector<16xi32>], vector<16xf32>,
          %neg3A = arith.constant 0.000000e+00 : f32
          %neg3A_188 = vector.broadcast %neg3A : f32 to vector<16xf32>
          %neg3A_189 = arith.subf %neg3A_188, %add3A_186 : vector<16xf32>
          %exp3A_190 = math.exp %neg3A_189 : vector<16xf32>
          %add3A_191 = arith.constant 1.000000e+00 : f32
          %add3A_192 = vector.broadcast %add3A_191 : f32 to vector<16xf32>
          %add3A_193 = arith.addf %add3A_192, %exp3A_190 : vector<16xf32>
          %div3A = arith.divf %add3A_186, %add3A_193 : vector<16xf32>
          %mul3A_194 = arith.mulf %gather3A, %div3A : vector<16xf32>
          %mul3A_195 = arith.mulf %add3A_161, %scan3A_175 : vector<16xf32>
          %sub3A = arith.subf %mul3A_195, %scan3A_174 : vector<16xf32>
          %mul3A_196 = arith.constant 16 : i32
          %mul3A_197 = arith.muli %scan3A_173, %mul3A_196 : i32
          %add3A_198 = arith.constant 1 : i32
          %add3A_199 = arith.addi %mul3A_197, %add3A_198 : i32
          %mul3A_200 = arith.constant 128 : i32
          %mul3A_201 = arith.muli %add3A_199, %mul3A_200 : i32
          %add3A_202 = arith.addi %mul3A_201, %mul3A_136 : i32
          %get3A_203 = arith.index_cast %add3A_202 : i32 to index
          %get3A_204 = tpu.vector_load %arg21[%get3A_203] {strides = array<i32>} : memref<8192xf32, #tpu.memory_space<vmem>>, vector<16xf32>,
          %add3A_205 = arith.addf %sub3A, %get3A_204 : vector<16xf32>
          %broadcast_in_dim3A_206 = vector.broadcast %add3A_199 : i32 to vector<16xi32>
          %gather3A_207 = tpu.vector_load_idx %arg25[%broadcast_in_dim3A_206] : memref<64xf32, #tpu.memory_space<vmem>>[vector<16xi32>], vector<16xf32>,
          %neg3A_208 = arith.constant 0.000000e+00 : f32
          %neg3A_209 = vector.broadcast %neg3A_208 : f32 to vector<16xf32>
          %neg3A_210 = arith.subf %neg3A_209, %add3A_205 : vector<16xf32>
          %exp3A_211 = math.exp %neg3A_210 : vector<16xf32>
          %add3A_212 = arith.constant 1.000000e+00 : f32
          %add3A_213 = vector.broadcast %add3A_212 : f32 to vector<16xf32>
          %add3A_214 = arith.addf %add3A_213, %exp3A_211 : vector<16xf32>
          %div3A_215 = arith.divf %add3A_205, %add3A_214 : vector<16xf32>
          %mul3A_216 = arith.mulf %gather3A_207, %div3A_215 : vector<16xf32>
          %mul3A_217 = arith.mulf %add3A_161, %sub3A : vector<16xf32>
          %sub3A_218 = arith.subf %mul3A_217, %scan3A_175 : vector<16xf32>
          %mul3A_219 = arith.constant 16 : i32
          %mul3A_220 = arith.muli %scan3A_173, %mul3A_219 : i32
          %add3A_221 = arith.constant 2 : i32
          %add3A_222 = arith.addi %mul3A_220, %add3A_221 : i32
          %mul3A_223 = arith.constant 128 : i32
          %mul3A_224 = arith.muli %add3A_222, %mul3A_223 : i32
          %add3A_225 = arith.addi %mul3A_224, %mul3A_136 : i32
          %get3A_226 = arith.index_cast %add3A_225 : i32 to index
          %get3A_227 = tpu.vector_load %arg21[%get3A_226] {strides = array<i32>} : memref<8192xf32, #tpu.memory_space<vmem>>, vector<16xf32>,
          %add3A_228 = arith.addf %sub3A_218, %get3A_227 : vector<16xf32>
          %broadcast_in_dim3A_229 = vector.broadcast %add3A_222 : i32 to vector<16xi32>
          %gather3A_230 = tpu.vector_load_idx %arg25[%broadcast_in_dim3A_229] : memref<64xf32, #tpu.memory_space<vmem>>[vector<16xi32>], vector<16xf32>,
          %neg3A_231 = arith.constant 0.000000e+00 : f32
          %neg3A_232 = vector.broadcast %neg3A_231 : f32 to vector<16xf32>
          %neg3A_233 = arith.subf %neg3A_232, %add3A_228 : vector<16xf32>
          %exp3A_234 = math.exp %neg3A_233 : vector<16xf32>
          %add3A_235 = arith.constant 1.000000e+00 : f32
          %add3A_236 = vector.broadcast %add3A_235 : f32 to vector<16xf32>
          %add3A_237 = arith.addf %add3A_236, %exp3A_234 : vector<16xf32>
          %div3A_238 = arith.divf %add3A_228, %add3A_237 : vector<16xf32>
          %mul3A_239 = arith.mulf %gather3A_230, %div3A_238 : vector<16xf32>
          %mul3A_240 = arith.mulf %add3A_161, %sub3A_218 : vector<16xf32>
          %sub3A_241 = arith.subf %mul3A_240, %sub3A : vector<16xf32>
          %mul3A_242 = arith.constant 16 : i32
          %mul3A_243 = arith.muli %scan3A_173, %mul3A_242 : i32
          %add3A_244 = arith.constant 3 : i32
          %add3A_245 = arith.addi %mul3A_243, %add3A_244 : i32
          %mul3A_246 = arith.constant 128 : i32
          %mul3A_247 = arith.muli %add3A_245, %mul3A_246 : i32
          %add3A_248 = arith.addi %mul3A_247, %mul3A_136 : i32
          %get3A_249 = arith.index_cast %add3A_248 : i32 to index
          %get3A_250 = tpu.vector_load %arg21[%get3A_249] {strides = array<i32>} : memref<8192xf32, #tpu.memory_space<vmem>>, vector<16xf32>,
          %add3A_251 = arith.addf %sub3A_241, %get3A_250 : vector<16xf32>
          %broadcast_in_dim3A_252 = vector.broadcast %add3A_245 : i32 to vector<16xi32>
          %gather3A_253 = tpu.vector_load_idx %arg25[%broadcast_in_dim3A_252] : memref<64xf32, #tpu.memory_space<vmem>>[vector<16xi32>], vector<16xf32>,
          %neg3A_254 = arith.constant 0.000000e+00 : f32
          %neg3A_255 = vector.broadcast %neg3A_254 : f32 to vector<16xf32>
          %neg3A_256 = arith.subf %neg3A_255, %add3A_251 : vector<16xf32>
          %exp3A_257 = math.exp %neg3A_256 : vector<16xf32>
          %add3A_258 = arith.constant 1.000000e+00 : f32
          %add3A_259 = vector.broadcast %add3A_258 : f32 to vector<16xf32>
          %add3A_260 = arith.addf %add3A_259, %exp3A_257 : vector<16xf32>
          %div3A_261 = arith.divf %add3A_251, %add3A_260 : vector<16xf32>
          %mul3A_262 = arith.mulf %gather3A_253, %div3A_261 : vector<16xf32>
          %mul3A_263 = arith.mulf %add3A_161, %sub3A_241 : vector<16xf32>
          %sub3A_264 = arith.subf %mul3A_263, %sub3A_218 : vector<16xf32>
          %mul3A_265 = arith.constant 16 : i32
          %mul3A_266 = arith.muli %scan3A_173, %mul3A_265 : i32
          %add3A_267 = arith.constant 4 : i32
          %add3A_268 = arith.addi %mul3A_266, %add3A_267 : i32
          %mul3A_269 = arith.constant 128 : i32
          %mul3A_270 = arith.muli %add3A_268, %mul3A_269 : i32
          %add3A_271 = arith.addi %mul3A_270, %mul3A_136 : i32
          %get3A_272 = arith.index_cast %add3A_271 : i32 to index
          %get3A_273 = tpu.vector_load %arg21[%get3A_272] {strides = array<i32>} : memref<8192xf32, #tpu.memory_space<vmem>>, vector<16xf32>,
          %add3A_274 = arith.addf %sub3A_264, %get3A_273 : vector<16xf32>
          %broadcast_in_dim3A_275 = vector.broadcast %add3A_268 : i32 to vector<16xi32>
          %gather3A_276 = tpu.vector_load_idx %arg25[%broadcast_in_dim3A_275] : memref<64xf32, #tpu.memory_space<vmem>>[vector<16xi32>], vector<16xf32>,
          %neg3A_277 = arith.constant 0.000000e+00 : f32
          %neg3A_278 = vector.broadcast %neg3A_277 : f32 to vector<16xf32>
          %neg3A_279 = arith.subf %neg3A_278, %add3A_274 : vector<16xf32>
          %exp3A_280 = math.exp %neg3A_279 : vector<16xf32>
          %add3A_281 = arith.constant 1.000000e+00 : f32
          %add3A_282 = vector.broadcast %add3A_281 : f32 to vector<16xf32>
          %add3A_283 = arith.addf %add3A_282, %exp3A_280 : vector<16xf32>
          %div3A_284 = arith.divf %add3A_274, %add3A_283 : vector<16xf32>
          %mul3A_285 = arith.mulf %gather3A_276, %div3A_284 : vector<16xf32>
          %mul3A_286 = arith.mulf %add3A_161, %sub3A_264 : vector<16xf32>
          %sub3A_287 = arith.subf %mul3A_286, %sub3A_241 : vector<16xf32>
          %mul3A_288 = arith.constant 16 : i32
          %mul3A_289 = arith.muli %scan3A_173, %mul3A_288 : i32
          %add3A_290 = arith.constant 5 : i32
          %add3A_291 = arith.addi %mul3A_289, %add3A_290 : i32
          %mul3A_292 = arith.constant 128 : i32
          %mul3A_293 = arith.muli %add3A_291, %mul3A_292 : i32
          %add3A_294 = arith.addi %mul3A_293, %mul3A_136 : i32
          %get3A_295 = arith.index_cast %add3A_294 : i32 to index
          %get3A_296 = tpu.vector_load %arg21[%get3A_295] {strides = array<i32>} : memref<8192xf32, #tpu.memory_space<vmem>>, vector<16xf32>,
          %add3A_297 = arith.addf %sub3A_287, %get3A_296 : vector<16xf32>
          %broadcast_in_dim3A_298 = vector.broadcast %add3A_291 : i32 to vector<16xi32>
          %gather3A_299 = tpu.vector_load_idx %arg25[%broadcast_in_dim3A_298] : memref<64xf32, #tpu.memory_space<vmem>>[vector<16xi32>], vector<16xf32>,
          %neg3A_300 = arith.constant 0.000000e+00 : f32
          %neg3A_301 = vector.broadcast %neg3A_300 : f32 to vector<16xf32>
          %neg3A_302 = arith.subf %neg3A_301, %add3A_297 : vector<16xf32>
          %exp3A_303 = math.exp %neg3A_302 : vector<16xf32>
          %add3A_304 = arith.constant 1.000000e+00 : f32
          %add3A_305 = vector.broadcast %add3A_304 : f32 to vector<16xf32>
          %add3A_306 = arith.addf %add3A_305, %exp3A_303 : vector<16xf32>
          %div3A_307 = arith.divf %add3A_297, %add3A_306 : vector<16xf32>
          %mul3A_308 = arith.mulf %gather3A_299, %div3A_307 : vector<16xf32>
          %mul3A_309 = arith.mulf %add3A_161, %sub3A_287 : vector<16xf32>
          %sub3A_310 = arith.subf %mul3A_309, %sub3A_264 : vector<16xf32>
          %mul3A_311 = arith.constant 16 : i32
          %mul3A_312 = arith.muli %scan3A_173, %mul3A_311 : i32
          %add3A_313 = arith.constant 6 : i32
          %add3A_314 = arith.addi %mul3A_312, %add3A_313 : i32
          %mul3A_315 = arith.constant 128 : i32
          %mul3A_316 = arith.muli %add3A_314, %mul3A_315 : i32
          %add3A_317 = arith.addi %mul3A_316, %mul3A_136 : i32
          %get3A_318 = arith.index_cast %add3A_317 : i32 to index
          %get3A_319 = tpu.vector_load %arg21[%get3A_318] {strides = array<i32>} : memref<8192xf32, #tpu.memory_space<vmem>>, vector<16xf32>,
          %add3A_320 = arith.addf %sub3A_310, %get3A_319 : vector<16xf32>
          %broadcast_in_dim3A_321 = vector.broadcast %add3A_314 : i32 to vector<16xi32>
          %gather3A_322 = tpu.vector_load_idx %arg25[%broadcast_in_dim3A_321] : memref<64xf32, #tpu.memory_space<vmem>>[vector<16xi32>], vector<16xf32>,
          %neg3A_323 = arith.constant 0.000000e+00 : f32
          %neg3A_324 = vector.broadcast %neg3A_323 : f32 to vector<16xf32>
          %neg3A_325 = arith.subf %neg3A_324, %add3A_320 : vector<16xf32>
          %exp3A_326 = math.exp %neg3A_325 : vector<16xf32>
          %add3A_327 = arith.constant 1.000000e+00 : f32
          %add3A_328 = vector.broadcast %add3A_327 : f32 to vector<16xf32>
          %add3A_329 = arith.addf %add3A_328, %exp3A_326 : vector<16xf32>
          %div3A_330 = arith.divf %add3A_320, %add3A_329 : vector<16xf32>
          %mul3A_331 = arith.mulf %gather3A_322, %div3A_330 : vector<16xf32>
          %mul3A_332 = arith.mulf %add3A_161, %sub3A_310 : vector<16xf32>
          %sub3A_333 = arith.subf %mul3A_332, %sub3A_287 : vector<16xf32>
          %mul3A_334 = arith.constant 16 : i32
          %mul3A_335 = arith.muli %scan3A_173, %mul3A_334 : i32
          %add3A_336 = arith.constant 7 : i32
          %add3A_337 = arith.addi %mul3A_335, %add3A_336 : i32
          %mul3A_338 = arith.constant 128 : i32
          %mul3A_339 = arith.muli %add3A_337, %mul3A_338 : i32
          %add3A_340 = arith.addi %mul3A_339, %mul3A_136 : i32
          %get3A_341 = arith.index_cast %add3A_340 : i32 to index
          %get3A_342 = tpu.vector_load %arg21[%get3A_341] {strides = array<i32>} : memref<8192xf32, #tpu.memory_space<vmem>>, vector<16xf32>,
          %add3A_343 = arith.addf %sub3A_333, %get3A_342 : vector<16xf32>
          %broadcast_in_dim3A_344 = vector.broadcast %add3A_337 : i32 to vector<16xi32>
          %gather3A_345 = tpu.vector_load_idx %arg25[%broadcast_in_dim3A_344] : memref<64xf32, #tpu.memory_space<vmem>>[vector<16xi32>], vector<16xf32>,
          %neg3A_346 = arith.constant 0.000000e+00 : f32
          %neg3A_347 = vector.broadcast %neg3A_346 : f32 to vector<16xf32>
          %neg3A_348 = arith.subf %neg3A_347, %add3A_343 : vector<16xf32>
          %exp3A_349 = math.exp %neg3A_348 : vector<16xf32>
          %add3A_350 = arith.constant 1.000000e+00 : f32
          %add3A_351 = vector.broadcast %add3A_350 : f32 to vector<16xf32>
          %add3A_352 = arith.addf %add3A_351, %exp3A_349 : vector<16xf32>
          %div3A_353 = arith.divf %add3A_343, %add3A_352 : vector<16xf32>
          %mul3A_354 = arith.mulf %gather3A_345, %div3A_353 : vector<16xf32>
          %mul3A_355 = arith.mulf %add3A_161, %sub3A_333 : vector<16xf32>
          %sub3A_356 = arith.subf %mul3A_355, %sub3A_310 : vector<16xf32>
          %mul3A_357 = arith.constant 16 : i32
          %mul3A_358 = arith.muli %scan3A_173, %mul3A_357 : i32
          %add3A_359 = arith.constant 8 : i32
          %add3A_360 = arith.addi %mul3A_358, %add3A_359 : i32
          %mul3A_361 = arith.constant 128 : i32
          %mul3A_362 = arith.muli %add3A_360, %mul3A_361 : i32
          %add3A_363 = arith.addi %mul3A_362, %mul3A_136 : i32
          %get3A_364 = arith.index_cast %add3A_363 : i32 to index
          %get3A_365 = tpu.vector_load %arg21[%get3A_364] {strides = array<i32>} : memref<8192xf32, #tpu.memory_space<vmem>>, vector<16xf32>,
          %add3A_366 = arith.addf %sub3A_356, %get3A_365 : vector<16xf32>
          %broadcast_in_dim3A_367 = vector.broadcast %add3A_360 : i32 to vector<16xi32>
          %gather3A_368 = tpu.vector_load_idx %arg25[%broadcast_in_dim3A_367] : memref<64xf32, #tpu.memory_space<vmem>>[vector<16xi32>], vector<16xf32>,
          %neg3A_369 = arith.constant 0.000000e+00 : f32
          %neg3A_370 = vector.broadcast %neg3A_369 : f32 to vector<16xf32>
          %neg3A_371 = arith.subf %neg3A_370, %add3A_366 : vector<16xf32>
          %exp3A_372 = math.exp %neg3A_371 : vector<16xf32>
          %add3A_373 = arith.constant 1.000000e+00 : f32
          %add3A_374 = vector.broadcast %add3A_373 : f32 to vector<16xf32>
          %add3A_375 = arith.addf %add3A_374, %exp3A_372 : vector<16xf32>
          %div3A_376 = arith.divf %add3A_366, %add3A_375 : vector<16xf32>
          %mul3A_377 = arith.mulf %gather3A_368, %div3A_376 : vector<16xf32>
          %mul3A_378 = arith.mulf %add3A_161, %sub3A_356 : vector<16xf32>
          %sub3A_379 = arith.subf %mul3A_378, %sub3A_333 : vector<16xf32>
          %mul3A_380 = arith.constant 16 : i32
          %mul3A_381 = arith.muli %scan3A_173, %mul3A_380 : i32
          %add3A_382 = arith.constant 9 : i32
          %add3A_383 = arith.addi %mul3A_381, %add3A_382 : i32
          %mul3A_384 = arith.constant 128 : i32
          %mul3A_385 = arith.muli %add3A_383, %mul3A_384 : i32
          %add3A_386 = arith.addi %mul3A_385, %mul3A_136 : i32
          %get3A_387 = arith.index_cast %add3A_386 : i32 to index
          %get3A_388 = tpu.vector_load %arg21[%get3A_387] {strides = array<i32>} : memref<8192xf32, #tpu.memory_space<vmem>>, vector<16xf32>,
          %add3A_389 = arith.addf %sub3A_379, %get3A_388 : vector<16xf32>
          %broadcast_in_dim3A_390 = vector.broadcast %add3A_383 : i32 to vector<16xi32>
          %gather3A_391 = tpu.vector_load_idx %arg25[%broadcast_in_dim3A_390] : memref<64xf32, #tpu.memory_space<vmem>>[vector<16xi32>], vector<16xf32>,
          %neg3A_392 = arith.constant 0.000000e+00 : f32
          %neg3A_393 = vector.broadcast %neg3A_392 : f32 to vector<16xf32>
          %neg3A_394 = arith.subf %neg3A_393, %add3A_389 : vector<16xf32>
          %exp3A_395 = math.exp %neg3A_394 : vector<16xf32>
          %add3A_396 = arith.constant 1.000000e+00 : f32
          %add3A_397 = vector.broadcast %add3A_396 : f32 to vector<16xf32>
          %add3A_398 = arith.addf %add3A_397, %exp3A_395 : vector<16xf32>
          %div3A_399 = arith.divf %add3A_389, %add3A_398 : vector<16xf32>
          %mul3A_400 = arith.mulf %gather3A_391, %div3A_399 : vector<16xf32>
          %mul3A_401 = arith.mulf %add3A_161, %sub3A_379 : vector<16xf32>
          %sub3A_402 = arith.subf %mul3A_401, %sub3A_356 : vector<16xf32>
          %mul3A_403 = arith.constant 16 : i32
          %mul3A_404 = arith.muli %scan3A_173, %mul3A_403 : i32
          %add3A_405 = arith.constant 10 : i32
          %add3A_406 = arith.addi %mul3A_404, %add3A_405 : i32
          %mul3A_407 = arith.constant 128 : i32
          %mul3A_408 = arith.muli %add3A_406, %mul3A_407 : i32
          %add3A_409 = arith.addi %mul3A_408, %mul3A_136 : i32
          %get3A_410 = arith.index_cast %add3A_409 : i32 to index
          %get3A_411 = tpu.vector_load %arg21[%get3A_410] {strides = array<i32>} : memref<8192xf32, #tpu.memory_space<vmem>>, vector<16xf32>,
          %add3A_412 = arith.addf %sub3A_402, %get3A_411 : vector<16xf32>
          %broadcast_in_dim3A_413 = vector.broadcast %add3A_406 : i32 to vector<16xi32>
          %gather3A_414 = tpu.vector_load_idx %arg25[%broadcast_in_dim3A_413] : memref<64xf32, #tpu.memory_space<vmem>>[vector<16xi32>], vector<16xf32>,
          %neg3A_415 = arith.constant 0.000000e+00 : f32
          %neg3A_416 = vector.broadcast %neg3A_415 : f32 to vector<16xf32>
          %neg3A_417 = arith.subf %neg3A_416, %add3A_412 : vector<16xf32>
          %exp3A_418 = math.exp %neg3A_417 : vector<16xf32>
          %add3A_419 = arith.constant 1.000000e+00 : f32
          %add3A_420 = vector.broadcast %add3A_419 : f32 to vector<16xf32>
          %add3A_421 = arith.addf %add3A_420, %exp3A_418 : vector<16xf32>
          %div3A_422 = arith.divf %add3A_412, %add3A_421 : vector<16xf32>
          %mul3A_423 = arith.mulf %gather3A_414, %div3A_422 : vector<16xf32>
          %mul3A_424 = arith.mulf %add3A_161, %sub3A_402 : vector<16xf32>
          %sub3A_425 = arith.subf %mul3A_424, %sub3A_379 : vector<16xf32>
          %mul3A_426 = arith.constant 16 : i32
          %mul3A_427 = arith.muli %scan3A_173, %mul3A_426 : i32
          %add3A_428 = arith.constant 11 : i32
          %add3A_429 = arith.addi %mul3A_427, %add3A_428 : i32
          %mul3A_430 = arith.constant 128 : i32
          %mul3A_431 = arith.muli %add3A_429, %mul3A_430 : i32
          %add3A_432 = arith.addi %mul3A_431, %mul3A_136 : i32
          %get3A_433 = arith.index_cast %add3A_432 : i32 to index
          %get3A_434 = tpu.vector_load %arg21[%get3A_433] {strides = array<i32>} : memref<8192xf32, #tpu.memory_space<vmem>>, vector<16xf32>,
          %add3A_435 = arith.addf %sub3A_425, %get3A_434 : vector<16xf32>
          %broadcast_in_dim3A_436 = vector.broadcast %add3A_429 : i32 to vector<16xi32>
          %gather3A_437 = tpu.vector_load_idx %arg25[%broadcast_in_dim3A_436] : memref<64xf32, #tpu.memory_space<vmem>>[vector<16xi32>], vector<16xf32>,
          %neg3A_438 = arith.constant 0.000000e+00 : f32
          %neg3A_439 = vector.broadcast %neg3A_438 : f32 to vector<16xf32>
          %neg3A_440 = arith.subf %neg3A_439, %add3A_435 : vector<16xf32>
          %exp3A_441 = math.exp %neg3A_440 : vector<16xf32>
          %add3A_442 = arith.constant 1.000000e+00 : f32
          %add3A_443 = vector.broadcast %add3A_442 : f32 to vector<16xf32>
          %add3A_444 = arith.addf %add3A_443, %exp3A_441 : vector<16xf32>
          %div3A_445 = arith.divf %add3A_435, %add3A_444 : vector<16xf32>
          %mul3A_446 = arith.mulf %gather3A_437, %div3A_445 : vector<16xf32>
          %mul3A_447 = arith.mulf %add3A_161, %sub3A_425 : vector<16xf32>
          %sub3A_448 = arith.subf %mul3A_447, %sub3A_402 : vector<16xf32>
          %mul3A_449 = arith.constant 16 : i32
          %mul3A_450 = arith.muli %scan3A_173, %mul3A_449 : i32
          %add3A_451 = arith.constant 12 : i32
          %add3A_452 = arith.addi %mul3A_450, %add3A_451 : i32
          %mul3A_453 = arith.constant 128 : i32
          %mul3A_454 = arith.muli %add3A_452, %mul3A_453 : i32
          %add3A_455 = arith.addi %mul3A_454, %mul3A_136 : i32
          %get3A_456 = arith.index_cast %add3A_455 : i32 to index
          %get3A_457 = tpu.vector_load %arg21[%get3A_456] {strides = array<i32>} : memref<8192xf32, #tpu.memory_space<vmem>>, vector<16xf32>,
          %add3A_458 = arith.addf %sub3A_448, %get3A_457 : vector<16xf32>
          %broadcast_in_dim3A_459 = vector.broadcast %add3A_452 : i32 to vector<16xi32>
          %gather3A_460 = tpu.vector_load_idx %arg25[%broadcast_in_dim3A_459] : memref<64xf32, #tpu.memory_space<vmem>>[vector<16xi32>], vector<16xf32>,
          %neg3A_461 = arith.constant 0.000000e+00 : f32
          %neg3A_462 = vector.broadcast %neg3A_461 : f32 to vector<16xf32>
          %neg3A_463 = arith.subf %neg3A_462, %add3A_458 : vector<16xf32>
          %exp3A_464 = math.exp %neg3A_463 : vector<16xf32>
          %add3A_465 = arith.constant 1.000000e+00 : f32
          %add3A_466 = vector.broadcast %add3A_465 : f32 to vector<16xf32>
          %add3A_467 = arith.addf %add3A_466, %exp3A_464 : vector<16xf32>
          %div3A_468 = arith.divf %add3A_458, %add3A_467 : vector<16xf32>
          %mul3A_469 = arith.mulf %gather3A_460, %div3A_468 : vector<16xf32>
          %mul3A_470 = arith.mulf %add3A_161, %sub3A_448 : vector<16xf32>
          %sub3A_471 = arith.subf %mul3A_470, %sub3A_425 : vector<16xf32>
          %mul3A_472 = arith.constant 16 : i32
          %mul3A_473 = arith.muli %scan3A_173, %mul3A_472 : i32
          %add3A_474 = arith.constant 13 : i32
          %add3A_475 = arith.addi %mul3A_473, %add3A_474 : i32
          %mul3A_476 = arith.constant 128 : i32
          %mul3A_477 = arith.muli %add3A_475, %mul3A_476 : i32
          %add3A_478 = arith.addi %mul3A_477, %mul3A_136 : i32
          %get3A_479 = arith.index_cast %add3A_478 : i32 to index
          %get3A_480 = tpu.vector_load %arg21[%get3A_479] {strides = array<i32>} : memref<8192xf32, #tpu.memory_space<vmem>>, vector<16xf32>,
          %add3A_481 = arith.addf %sub3A_471, %get3A_480 : vector<16xf32>
          %broadcast_in_dim3A_482 = vector.broadcast %add3A_475 : i32 to vector<16xi32>
          %gather3A_483 = tpu.vector_load_idx %arg25[%broadcast_in_dim3A_482] : memref<64xf32, #tpu.memory_space<vmem>>[vector<16xi32>], vector<16xf32>,
          %neg3A_484 = arith.constant 0.000000e+00 : f32
          %neg3A_485 = vector.broadcast %neg3A_484 : f32 to vector<16xf32>
          %neg3A_486 = arith.subf %neg3A_485, %add3A_481 : vector<16xf32>
          %exp3A_487 = math.exp %neg3A_486 : vector<16xf32>
          %add3A_488 = arith.constant 1.000000e+00 : f32
          %add3A_489 = vector.broadcast %add3A_488 : f32 to vector<16xf32>
          %add3A_490 = arith.addf %add3A_489, %exp3A_487 : vector<16xf32>
          %div3A_491 = arith.divf %add3A_481, %add3A_490 : vector<16xf32>
          %mul3A_492 = arith.mulf %gather3A_483, %div3A_491 : vector<16xf32>
          %mul3A_493 = arith.mulf %add3A_161, %sub3A_471 : vector<16xf32>
          %sub3A_494 = arith.subf %mul3A_493, %sub3A_448 : vector<16xf32>
          %mul3A_495 = arith.constant 16 : i32
          %mul3A_496 = arith.muli %scan3A_173, %mul3A_495 : i32
          %add3A_497 = arith.constant 14 : i32
          %add3A_498 = arith.addi %mul3A_496, %add3A_497 : i32
          %mul3A_499 = arith.constant 128 : i32
          %mul3A_500 = arith.muli %add3A_498, %mul3A_499 : i32
          %add3A_501 = arith.addi %mul3A_500, %mul3A_136 : i32
          %get3A_502 = arith.index_cast %add3A_501 : i32 to index
          %get3A_503 = tpu.vector_load %arg21[%get3A_502] {strides = array<i32>} : memref<8192xf32, #tpu.memory_space<vmem>>, vector<16xf32>,
          %add3A_504 = arith.addf %sub3A_494, %get3A_503 : vector<16xf32>
          %broadcast_in_dim3A_505 = vector.broadcast %add3A_498 : i32 to vector<16xi32>
          %gather3A_506 = tpu.vector_load_idx %arg25[%broadcast_in_dim3A_505] : memref<64xf32, #tpu.memory_space<vmem>>[vector<16xi32>], vector<16xf32>,
          %neg3A_507 = arith.constant 0.000000e+00 : f32
          %neg3A_508 = vector.broadcast %neg3A_507 : f32 to vector<16xf32>
          %neg3A_509 = arith.subf %neg3A_508, %add3A_504 : vector<16xf32>
          %exp3A_510 = math.exp %neg3A_509 : vector<16xf32>
          %add3A_511 = arith.constant 1.000000e+00 : f32
          %add3A_512 = vector.broadcast %add3A_511 : f32 to vector<16xf32>
          %add3A_513 = arith.addf %add3A_512, %exp3A_510 : vector<16xf32>
          %div3A_514 = arith.divf %add3A_504, %add3A_513 : vector<16xf32>
          %mul3A_515 = arith.mulf %gather3A_506, %div3A_514 : vector<16xf32>
          %mul3A_516 = arith.mulf %add3A_161, %sub3A_494 : vector<16xf32>
          %sub3A_517 = arith.subf %mul3A_516, %sub3A_471 : vector<16xf32>
          %mul3A_518 = arith.constant 16 : i32
          %mul3A_519 = arith.muli %scan3A_173, %mul3A_518 : i32
          %add3A_520 = arith.constant 15 : i32
          %add3A_521 = arith.addi %mul3A_519, %add3A_520 : i32
          %mul3A_522 = arith.constant 128 : i32
          %mul3A_523 = arith.muli %add3A_521, %mul3A_522 : i32
          %add3A_524 = arith.addi %mul3A_523, %mul3A_136 : i32
          %get3A_525 = arith.index_cast %add3A_524 : i32 to index
          %get3A_526 = tpu.vector_load %arg21[%get3A_525] {strides = array<i32>} : memref<8192xf32, #tpu.memory_space<vmem>>, vector<16xf32>,
          %add3A_527 = arith.addf %sub3A_517, %get3A_526 : vector<16xf32>
          %broadcast_in_dim3A_528 = vector.broadcast %add3A_521 : i32 to vector<16xi32>
          %gather3A_529 = tpu.vector_load_idx %arg25[%broadcast_in_dim3A_528] : memref<64xf32, #tpu.memory_space<vmem>>[vector<16xi32>], vector<16xf32>,
          %neg3A_530 = arith.constant 0.000000e+00 : f32
          %neg3A_531 = vector.broadcast %neg3A_530 : f32 to vector<16xf32>
          %neg3A_532 = arith.subf %neg3A_531, %add3A_527 : vector<16xf32>
          %exp3A_533 = math.exp %neg3A_532 : vector<16xf32>
          %add3A_534 = arith.constant 1.000000e+00 : f32
          %add3A_535 = vector.broadcast %add3A_534 : f32 to vector<16xf32>
          %add3A_536 = arith.addf %add3A_535, %exp3A_533 : vector<16xf32>
          %div3A_537 = arith.divf %add3A_527, %add3A_536 : vector<16xf32>
          %mul3A_538 = arith.mulf %gather3A_529, %div3A_537 : vector<16xf32>
          %mul3A_539 = arith.mulf %add3A_161, %sub3A_517 : vector<16xf32>
          %sub3A_540 = arith.subf %mul3A_539, %sub3A_494 : vector<16xf32>
          %add3A_541 = arith.addf %mul3A_194, %mul3A_216 : vector<16xf32>
          %add3A_542 = arith.addf %mul3A_239, %mul3A_262 : vector<16xf32>
          %add3A_543 = arith.addf %mul3A_285, %mul3A_308 : vector<16xf32>
          %add3A_544 = arith.addf %mul3A_331, %mul3A_354 : vector<16xf32>
          %add3A_545 = arith.addf %mul3A_377, %mul3A_400 : vector<16xf32>
          %add3A_546 = arith.addf %mul3A_423, %mul3A_446 : vector<16xf32>
          %add3A_547 = arith.addf %mul3A_469, %mul3A_492 : vector<16xf32>
          %add3A_548 = arith.addf %mul3A_515, %mul3A_538 : vector<16xf32>
          %add3A_549 = arith.addf %add3A_541, %add3A_542 : vector<16xf32>
          %add3A_550 = arith.addf %add3A_543, %add3A_544 : vector<16xf32>
          %add3A_551 = arith.addf %add3A_545, %add3A_546 : vector<16xf32>
          %add3A_552 = arith.addf %add3A_547, %add3A_548 : vector<16xf32>
          %add3A_553 = arith.addf %add3A_549, %add3A_550 : vector<16xf32>
          %add3A_554 = arith.addf %add3A_551, %add3A_552 : vector<16xf32>
          %add3A_555 = arith.addf %add3A_553, %add3A_554 : vector<16xf32>
          %add3A_556 = arith.addf %scan3A_176, %add3A_555 : vector<16xf32>
          scf.yield %sub3A_517, %sub3A_540, %add3A_556 : vector<16xf32>, vector<16xf32>, vector<16xf32>
        }
        %scan3A_171 = arith.constant 4 : i32
        %exp3A = math.exp %scan3A_170#2 : vector<16xf32>
        %swap3A = arith.index_cast %mul3A_136 : i32 to index
        %swap3A_172 = tpu.vector_load %arg24[%swap3A] {strides = array<i32>} : memref<128xf32, #tpu.memory_space<vmem>>, vector<16xf32>,
        tpu.vector_store %arg24[%swap3A], %exp3A {strides = array<i32>} : memref<128xf32, #tpu.memory_space<vmem>>, vector<16xf32>,
      }
      %scan3A_133 = arith.constant 8 : i32
      "tpu.region"() ({
        %run_scoped3A = tpu.sem_alloc : memref<!tpu.dma_semaphore, #tpu.memory_space<semaphore_mem>>
        %dma_start3A_134 = tpu.memref_slice %arg7[%add3A_121] : memref<802816xf32, #tpu.memory_space<hbm>> -> memref<128xf32, #tpu.memory_space<hbm>>
        %dma_start3A_135 = tpu.memref_slice %arg7[%add3A_121] : memref<802816xf32, #tpu.memory_space<hbm>> -> memref<128xf32, #tpu.memory_space<hbm>>
        tpu.enqueue_dma source(%arg24 : memref<128xf32, #tpu.memory_space<vmem>>) target(%dma_start3A_135 : memref<128xf32, #tpu.memory_space<hbm>>) target_semaphore(%run_scoped3A : memref<!tpu.dma_semaphore, #tpu.memory_space<semaphore_mem>>)
        %dma_wait3A_136 = tpu.memref_slice %arg7[%add3A_121] : memref<802816xf32, #tpu.memory_space<hbm>> -> memref<128xf32, #tpu.memory_space<hbm>>
        %dma_wait3A_137 = tpu.memref_slice %arg7[%add3A_121] : memref<802816xf32, #tpu.memory_space<hbm>> -> memref<128xf32, #tpu.memory_space<hbm>>
        tpu.wait_dma2 semaphore(%run_scoped3A : memref<!tpu.dma_semaphore, #tpu.memory_space<semaphore_mem>>) src(%arg24 : memref<128xf32, #tpu.memory_space<vmem>>) dst(%dma_wait3A_137 : memref<128xf32, #tpu.memory_space<hbm>>)
        tpu.yield
      }) : () -> ()
      "tpu.region"() ({
        %run_scoped3A = tpu.sem_alloc : memref<!tpu.dma_semaphore, #tpu.memory_space<semaphore_mem>>
        %dma_start3A_134 = arith.constant 0 : i32
        %dma_start3A_135 = tpu.memref_slice %arg27[%dma_start3A_134] : memref<50176xf32, #tpu.memory_space<vmem_shared>> -> memref<50176xf32, #tpu.memory_space<vmem_shared>>
        tpu.enqueue_indirect_dma source(%arg24 : memref<128xf32, #tpu.memory_space<vmem>>) target(%dma_start3A_135 : memref<50176xf32, #tpu.memory_space<vmem_shared>>) offsets(%arg16 : memref<128xi32, #tpu.memory_space<vmem>>) semaphore(%run_scoped3A : memref<!tpu.dma_semaphore, #tpu.memory_space<semaphore_mem>>) {add = true}
        %dma_wait3A_136 = arith.constant 0 : i32
        %dma_wait3A_137 = tpu.memref_slice %arg27[%dma_wait3A_136] : memref<50176xf32, #tpu.memory_space<vmem_shared>> -> memref<50176xf32, #tpu.memory_space<vmem_shared>>
        tpu.wait_indirect_dma semaphore(%run_scoped3A : memref<!tpu.dma_semaphore, #tpu.memory_space<semaphore_mem>>) src(%arg24 : memref<128xf32, #tpu.memory_space<vmem>>) dst(%dma_wait3A_137 : memref<50176xf32, #tpu.memory_space<vmem_shared>>)
        tpu.yield
      }) : () -> ()
    }
    %scan3A_30 = arith.constant 98 : i32
    %dma_wait3A = arith.constant 0 : i32
    %dma_wait3A_31 = arith.constant 0 : i32
    %dma_wait3A_32 = tpu.memref_slice %arg4[%dma_wait3A, %dma_wait3A_31] : memref<50176x64xf32, #tpu.memory_space<hbm>> -> memref<50176x64xf32, #tpu.memory_space<hbm>>
    tpu.wait_indirect_dma semaphore(%arg28 : memref<!tpu.dma_semaphore, #tpu.memory_space<semaphore_mem>>) src(%dma_wait3A_32 : memref<50176x64xf32, #tpu.memory_space<hbm>>) dst(%arg11 : memref<128x64xf32, #tpu.memory_space<vmem>>)
    %dma_wait3A_33 = arith.constant 0 : i32
    %dma_wait3A_34 = arith.constant 0 : i32
    %dma_wait3A_35 = tpu.memref_slice %arg4[%dma_wait3A_33, %dma_wait3A_34] : memref<50176x64xf32, #tpu.memory_space<hbm>> -> memref<50176x64xf32, #tpu.memory_space<hbm>>
    tpu.wait_indirect_dma semaphore(%arg28 : memref<!tpu.dma_semaphore, #tpu.memory_space<semaphore_mem>>) src(%dma_wait3A_35 : memref<50176x64xf32, #tpu.memory_space<hbm>>) dst(%arg12 : memref<128x64xf32, #tpu.memory_space<vmem>>)
    %dma_wait3A_36 = arith.constant 0 : i32
    %dma_wait3A_37 = arith.constant 0 : i32
    %dma_wait3A_38 = tpu.memref_slice %arg5[%dma_wait3A_36, %dma_wait3A_37] : memref<50176x16xf32, #tpu.memory_space<hbm>> -> memref<50176x16xf32, #tpu.memory_space<hbm>>
    tpu.wait_indirect_dma semaphore(%arg28 : memref<!tpu.dma_semaphore, #tpu.memory_space<semaphore_mem>>) src(%dma_wait3A_38 : memref<50176x16xf32, #tpu.memory_space<hbm>>) dst(%arg13 : memref<128x16xf32, #tpu.memory_space<vmem>>)
    %dma_wait3A_39 = arith.constant 0 : i32
    %dma_wait3A_40 = arith.constant 0 : i32
    %dma_wait3A_41 = tpu.memref_slice %arg5[%dma_wait3A_39, %dma_wait3A_40] : memref<50176x16xf32, #tpu.memory_space<hbm>> -> memref<50176x16xf32, #tpu.memory_space<hbm>>
    tpu.wait_indirect_dma semaphore(%arg28 : memref<!tpu.dma_semaphore, #tpu.memory_space<semaphore_mem>>) src(%dma_wait3A_41 : memref<50176x16xf32, #tpu.memory_space<hbm>>) dst(%arg14 : memref<128x16xf32, #tpu.memory_space<vmem>>)
    %barrier3A_42 = arith.constant 0 : index
    tpu.barrier barrier_id(%barrier3A_42)
    %mul3A_43 = arith.constant 3136 : i32
    %mul3A_44 = arith.muli %arg1, %mul3A_43 : i32
    %mul3A_45 = arith.constant 50176 : i32
    %mul3A_46 = arith.muli %arg0, %mul3A_45 : i32
    %mul3A_47 = arith.constant 3136 : i32
    %mul3A_48 = arith.muli %arg1, %mul3A_47 : i32
    %add3A_49 = arith.addi %mul3A_46, %mul3A_48 : i32
    "tpu.region"() ({
      %run_scoped3A = tpu.sem_alloc : memref<!tpu.dma_semaphore, #tpu.memory_space<semaphore_mem>>
      %dma_start3A_50 = tpu.memref_slice %arg8[%add3A_49] : memref<100352xf32, #tpu.memory_space<hbm>> -> memref<3136xf32, #tpu.memory_space<hbm>>
      %dma_start3A_51 = tpu.memref_slice %arg27[%mul3A_44] : memref<50176xf32, #tpu.memory_space<vmem_shared>> -> memref<3136xf32, #tpu.memory_space<vmem_shared>>
      tpu.enqueue_dma source(%dma_start3A_51 : memref<3136xf32, #tpu.memory_space<vmem_shared>>) target(%dma_start3A_50 : memref<3136xf32, #tpu.memory_space<hbm>>) target_semaphore(%run_scoped3A : memref<!tpu.dma_semaphore, #tpu.memory_space<semaphore_mem>>)
      %dma_wait3A_52 = tpu.memref_slice %arg8[%add3A_49] : memref<100352xf32, #tpu.memory_space<hbm>> -> memref<3136xf32, #tpu.memory_space<hbm>>
      %dma_wait3A_53 = tpu.memref_slice %arg27[%mul3A_44] : memref<50176xf32, #tpu.memory_space<vmem_shared>> -> memref<3136xf32, #tpu.memory_space<vmem_shared>>
      tpu.wait_dma2 semaphore(%run_scoped3A : memref<!tpu.dma_semaphore, #tpu.memory_space<semaphore_mem>>) src(%dma_wait3A_53 : memref<3136xf32, #tpu.memory_space<vmem_shared>>) dst(%dma_wait3A_52 : memref<3136xf32, #tpu.memory_space<hbm>>)
      tpu.yield
    }) : () -> ()
    return
  }
}

#map = affine_map<(d0, d1) -> (0)>
#map1 = affine_map<(d0, d1) -> (0, 0)>
module attributes {stable_mosaic.version = 14 : i64} {
  func.func @body(%arg0: i32, %arg1: i32, %arg2: memref<1605632xi32, #tpu.memory_space<hbm>>, %arg3: memref<802816xi32, #tpu.memory_space<hbm>>, %arg4: memref<802816xf32, #tpu.memory_space<hbm>>, %arg5: memref<50176x16xf32, #tpu.memory_space<hbm>>, %arg6: memref<100352x32xf32, #tpu.memory_space<hbm>>, %arg7: memref<100352x32xf32, #tpu.memory_space<hbm>>, %arg8: memref<128xi32, #tpu.memory_space<vmem>>, %arg9: memref<128xi32, #tpu.memory_space<vmem>>, %arg10: memref<128xf32, #tpu.memory_space<vmem>>, %arg11: memref<128x16xf32, #tpu.memory_space<vmem>>, %arg12: memref<128x32xf32, #tpu.memory_space<vmem>>, %arg13: memref<128x32xf32, #tpu.memory_space<vmem>>, %arg14: memref<64x32xf32, #tpu.memory_space<vmem>>, %arg15: memref<50176x32xf32, #tpu.memory_space<vmem_shared>>, %arg16: memref<!tpu.dma_semaphore, #tpu.memory_space<semaphore_mem>>) attributes {dimension_semantics = [#tpu.dimension_semantics<core_parallel>, #tpu.dimension_semantics<subcore_parallel>], iteration_bounds = array<i64: 2, 16>, scalar_prefetch = 0 : i64, scratch_operands = 9 : i64, tpu.core_type = #tpu.core_type<sc_vector_subcore>, window_params = [{transform_indices = #map}, {transform_indices = #map}, {transform_indices = #map}, {transform_indices = #map1}, {transform_indices = #map1}, {transform_indices = #map1}]} {
    %broadcast_in_dim3A = arith.constant 0.000000e+00 : f32
    %broadcast_in_dim3A_0 = vector.broadcast %broadcast_in_dim3A : f32 to vector<16xf32>
    %scan3A = arith.constant 0 : i32
    %scan3A_1 = arith.constant 0 : i32
    %scan3A_2 = arith.constant 64 : i32
    %scan3A_3 = arith.addi %scan3A_1, %scan3A_2 : i32
    %scan3A_4 = arith.constant 1 : i32
    scf.for %scan3A_24 = %scan3A_1 to %scan3A_3 step %scan3A_4  : i32 {
      %swap3A = arith.index_cast %scan3A_24 : i32 to index
      %swap3A_25 = arith.constant 0 : index
      %swap3A_26 = tpu.vector_load %arg14[%swap3A, %swap3A_25] {strides = array<i32>} : memref<64x32xf32, #tpu.memory_space<vmem>>, vector<16xf32>,
      tpu.vector_store %arg14[%swap3A, %swap3A_25], %broadcast_in_dim3A_0 {strides = array<i32>} : memref<64x32xf32, #tpu.memory_space<vmem>>, vector<16xf32>,
      %swap3A_27 = arith.index_cast %scan3A_24 : i32 to index
      %swap3A_28 = arith.constant 16 : index
      %swap3A_29 = tpu.vector_load %arg14[%swap3A_27, %swap3A_28] {strides = array<i32>} : memref<64x32xf32, #tpu.memory_space<vmem>>, vector<16xf32>,
      tpu.vector_store %arg14[%swap3A_27, %swap3A_28], %broadcast_in_dim3A_0 {strides = array<i32>} : memref<64x32xf32, #tpu.memory_space<vmem>>, vector<16xf32>,
    }
    %scan3A_5 = arith.constant 64 : i32
    %scan3A_6 = arith.constant 0 : i32
    %scan3A_7 = arith.constant 0 : i32
    %scan3A_8 = arith.constant 49 : i32
    %scan3A_9 = arith.addi %scan3A_7, %scan3A_8 : i32
    %scan3A_10 = arith.constant 1 : i32
    scf.for %scan3A_24 = %scan3A_7 to %scan3A_9 step %scan3A_10  : i32 {
      %mul3A_25 = arith.constant 3136 : i32
      %mul3A_26 = arith.muli %arg1, %mul3A_25 : i32
      %mul3A_27 = arith.constant 64 : i32
      %mul3A_28 = arith.muli %scan3A_24, %mul3A_27 : i32
      %add3A_29 = arith.addi %mul3A_26, %mul3A_28 : i32
      "tpu.region"() ({
        %run_scoped3A = tpu.sem_alloc : memref<!tpu.dma_semaphore, #tpu.memory_space<semaphore_mem>>
        %dma_start3A = arith.constant 0 : i32
        %dma_start3A_30 = tpu.memref_slice %arg15[%add3A_29, %dma_start3A] : memref<50176x32xf32, #tpu.memory_space<vmem_shared>> -> memref<64x32xf32, #tpu.memory_space<vmem_shared>>
        %dma_start3A_31 = arith.constant 0 : i32
        %dma_start3A_32 = tpu.memref_slice %arg15[%add3A_29, %dma_start3A_31] : memref<50176x32xf32, #tpu.memory_space<vmem_shared>> -> memref<64x32xf32, #tpu.memory_space<vmem_shared>>
        tpu.enqueue_dma source(%arg14 : memref<64x32xf32, #tpu.memory_space<vmem>>) target(%dma_start3A_32 : memref<64x32xf32, #tpu.memory_space<vmem_shared>>) target_semaphore(%run_scoped3A : memref<!tpu.dma_semaphore, #tpu.memory_space<semaphore_mem>>)
        %dma_wait3A = arith.constant 0 : i32
        %dma_wait3A_33 = tpu.memref_slice %arg15[%add3A_29, %dma_wait3A] : memref<50176x32xf32, #tpu.memory_space<vmem_shared>> -> memref<64x32xf32, #tpu.memory_space<vmem_shared>>
        %dma_wait3A_34 = arith.constant 0 : i32
        %dma_wait3A_35 = tpu.memref_slice %arg15[%add3A_29, %dma_wait3A_34] : memref<50176x32xf32, #tpu.memory_space<vmem_shared>> -> memref<64x32xf32, #tpu.memory_space<vmem_shared>>
        tpu.wait_dma2 semaphore(%run_scoped3A : memref<!tpu.dma_semaphore, #tpu.memory_space<semaphore_mem>>) src(%arg14 : memref<64x32xf32, #tpu.memory_space<vmem>>) dst(%dma_wait3A_35 : memref<64x32xf32, #tpu.memory_space<vmem_shared>>)
        tpu.yield
      }) : () -> ()
    }
    %scan3A_11 = arith.constant 49 : i32
    %barrier3A = arith.constant 0 : index
    tpu.barrier barrier_id(%barrier3A)
    %scan3A_12 = arith.constant 0 : i32
    %scan3A_13 = arith.constant 0 : i32
    %scan3A_14 = arith.constant 392 : i32
    %scan3A_15 = arith.addi %scan3A_13, %scan3A_14 : i32
    %scan3A_16 = arith.constant 1 : i32
    scf.for %scan3A_24 = %scan3A_13 to %scan3A_15 step %scan3A_16  : i32 {
      %mul3A_25 = arith.constant 50176 : i32
      %mul3A_26 = arith.muli %arg1, %mul3A_25 : i32
      %mul3A_27 = arith.constant 128 : i32
      %mul3A_28 = arith.muli %scan3A_24, %mul3A_27 : i32
      %add3A_29 = arith.addi %mul3A_26, %mul3A_28 : i32
      %mul3A_30 = arith.constant 802816 : i32
      %mul3A_31 = arith.muli %arg0, %mul3A_30 : i32
      %add3A_32 = arith.addi %mul3A_31, %add3A_29 : i32
      "tpu.region"() ({
        %run_scoped3A = tpu.sem_alloc : memref<!tpu.dma_semaphore, #tpu.memory_space<semaphore_mem>>
        %dma_start3A_49 = tpu.memref_slice %arg2[%add3A_32] : memref<1605632xi32, #tpu.memory_space<hbm>> -> memref<128xi32, #tpu.memory_space<hbm>>
        %dma_start3A_50 = tpu.memref_slice %arg2[%add3A_32] : memref<1605632xi32, #tpu.memory_space<hbm>> -> memref<128xi32, #tpu.memory_space<hbm>>
        tpu.enqueue_dma source(%dma_start3A_50 : memref<128xi32, #tpu.memory_space<hbm>>) target(%arg8 : memref<128xi32, #tpu.memory_space<vmem>>) target_semaphore(%run_scoped3A : memref<!tpu.dma_semaphore, #tpu.memory_space<semaphore_mem>>)
        %dma_wait3A_51 = tpu.memref_slice %arg2[%add3A_32] : memref<1605632xi32, #tpu.memory_space<hbm>> -> memref<128xi32, #tpu.memory_space<hbm>>
        %dma_wait3A_52 = tpu.memref_slice %arg2[%add3A_32] : memref<1605632xi32, #tpu.memory_space<hbm>> -> memref<128xi32, #tpu.memory_space<hbm>>
        tpu.wait_dma2 semaphore(%run_scoped3A : memref<!tpu.dma_semaphore, #tpu.memory_space<semaphore_mem>>) src(%dma_wait3A_52 : memref<128xi32, #tpu.memory_space<hbm>>) dst(%arg8 : memref<128xi32, #tpu.memory_space<vmem>>)
        tpu.yield
      }) : () -> ()
      "tpu.region"() ({
        %run_scoped3A = tpu.sem_alloc : memref<!tpu.dma_semaphore, #tpu.memory_space<semaphore_mem>>
        %dma_start3A_49 = tpu.memref_slice %arg3[%add3A_29] : memref<802816xi32, #tpu.memory_space<hbm>> -> memref<128xi32, #tpu.memory_space<hbm>>
        %dma_start3A_50 = tpu.memref_slice %arg3[%add3A_29] : memref<802816xi32, #tpu.memory_space<hbm>> -> memref<128xi32, #tpu.memory_space<hbm>>
        tpu.enqueue_dma source(%dma_start3A_50 : memref<128xi32, #tpu.memory_space<hbm>>) target(%arg9 : memref<128xi32, #tpu.memory_space<vmem>>) target_semaphore(%run_scoped3A : memref<!tpu.dma_semaphore, #tpu.memory_space<semaphore_mem>>)
        %dma_wait3A_51 = tpu.memref_slice %arg3[%add3A_29] : memref<802816xi32, #tpu.memory_space<hbm>> -> memref<128xi32, #tpu.memory_space<hbm>>
        %dma_wait3A_52 = tpu.memref_slice %arg3[%add3A_29] : memref<802816xi32, #tpu.memory_space<hbm>> -> memref<128xi32, #tpu.memory_space<hbm>>
        tpu.wait_dma2 semaphore(%run_scoped3A : memref<!tpu.dma_semaphore, #tpu.memory_space<semaphore_mem>>) src(%dma_wait3A_52 : memref<128xi32, #tpu.memory_space<hbm>>) dst(%arg9 : memref<128xi32, #tpu.memory_space<vmem>>)
        tpu.yield
      }) : () -> ()
      "tpu.region"() ({
        %run_scoped3A = tpu.sem_alloc : memref<!tpu.dma_semaphore, #tpu.memory_space<semaphore_mem>>
        %dma_start3A_49 = tpu.memref_slice %arg4[%add3A_29] : memref<802816xf32, #tpu.memory_space<hbm>> -> memref<128xf32, #tpu.memory_space<hbm>>
        %dma_start3A_50 = tpu.memref_slice %arg4[%add3A_29] : memref<802816xf32, #tpu.memory_space<hbm>> -> memref<128xf32, #tpu.memory_space<hbm>>
        tpu.enqueue_dma source(%dma_start3A_50 : memref<128xf32, #tpu.memory_space<hbm>>) target(%arg10 : memref<128xf32, #tpu.memory_space<vmem>>) target_semaphore(%run_scoped3A : memref<!tpu.dma_semaphore, #tpu.memory_space<semaphore_mem>>)
        %dma_wait3A_51 = tpu.memref_slice %arg4[%add3A_29] : memref<802816xf32, #tpu.memory_space<hbm>> -> memref<128xf32, #tpu.memory_space<hbm>>
        %dma_wait3A_52 = tpu.memref_slice %arg4[%add3A_29] : memref<802816xf32, #tpu.memory_space<hbm>> -> memref<128xf32, #tpu.memory_space<hbm>>
        tpu.wait_dma2 semaphore(%run_scoped3A : memref<!tpu.dma_semaphore, #tpu.memory_space<semaphore_mem>>) src(%dma_wait3A_52 : memref<128xf32, #tpu.memory_space<hbm>>) dst(%arg10 : memref<128xf32, #tpu.memory_space<vmem>>)
        tpu.yield
      }) : () -> ()
      %dma_start3A = arith.constant 0 : i32
      %dma_start3A_33 = arith.constant 0 : i32
      %dma_start3A_34 = tpu.memref_slice %arg5[%dma_start3A, %dma_start3A_33] : memref<50176x16xf32, #tpu.memory_space<hbm>> -> memref<50176x16xf32, #tpu.memory_space<hbm>>
      tpu.enqueue_indirect_dma source(%dma_start3A_34 : memref<50176x16xf32, #tpu.memory_space<hbm>>) target(%arg11 : memref<128x16xf32, #tpu.memory_space<vmem>>) offsets(%arg9 : memref<128xi32, #tpu.memory_space<vmem>>) semaphore(%arg16 : memref<!tpu.dma_semaphore, #tpu.memory_space<semaphore_mem>>)
      %dma_start3A_35 = arith.constant 0 : i32
      %dma_start3A_36 = arith.constant 0 : i32
      %dma_start3A_37 = tpu.memref_slice %arg6[%dma_start3A_35, %dma_start3A_36] : memref<100352x32xf32, #tpu.memory_space<hbm>> -> memref<100352x32xf32, #tpu.memory_space<hbm>>
      tpu.enqueue_indirect_dma source(%dma_start3A_37 : memref<100352x32xf32, #tpu.memory_space<hbm>>) target(%arg12 : memref<128x32xf32, #tpu.memory_space<vmem>>) offsets(%arg8 : memref<128xi32, #tpu.memory_space<vmem>>) semaphore(%arg16 : memref<!tpu.dma_semaphore, #tpu.memory_space<semaphore_mem>>)
      %dma_wait3A = arith.constant 0 : i32
      %dma_wait3A_38 = arith.constant 0 : i32
      %dma_wait3A_39 = tpu.memref_slice %arg5[%dma_wait3A, %dma_wait3A_38] : memref<50176x16xf32, #tpu.memory_space<hbm>> -> memref<50176x16xf32, #tpu.memory_space<hbm>>
      tpu.wait_indirect_dma semaphore(%arg16 : memref<!tpu.dma_semaphore, #tpu.memory_space<semaphore_mem>>) src(%dma_wait3A_39 : memref<50176x16xf32, #tpu.memory_space<hbm>>) dst(%arg11 : memref<128x16xf32, #tpu.memory_space<vmem>>)
      %dma_wait3A_40 = arith.constant 0 : i32
      %dma_wait3A_41 = arith.constant 0 : i32
      %dma_wait3A_42 = tpu.memref_slice %arg6[%dma_wait3A_40, %dma_wait3A_41] : memref<100352x32xf32, #tpu.memory_space<hbm>> -> memref<100352x32xf32, #tpu.memory_space<hbm>>
      tpu.wait_indirect_dma semaphore(%arg16 : memref<!tpu.dma_semaphore, #tpu.memory_space<semaphore_mem>>) src(%dma_wait3A_42 : memref<100352x32xf32, #tpu.memory_space<hbm>>) dst(%arg12 : memref<128x32xf32, #tpu.memory_space<vmem>>)
      %scan3A_43 = arith.constant 0 : i32
      %scan3A_44 = arith.constant 0 : i32
      %scan3A_45 = arith.constant 32 : i32
      %scan3A_46 = arith.addi %scan3A_44, %scan3A_45 : i32
      %scan3A_47 = arith.constant 1 : i32
      scf.for %scan3A_49 = %scan3A_44 to %scan3A_46 step %scan3A_47  : i32 {
        %mul3A_50 = arith.constant 4 : i32
        %mul3A_51 = arith.muli %scan3A_49, %mul3A_50 : i32
        %add3A_52 = arith.constant 0 : i32
        %add3A_53 = arith.addi %mul3A_51, %add3A_52 : i32
        %broadcast_in_dim3A_54 = vector.broadcast %add3A_53 : i32 to vector<16xi32>
        %gather3A = tpu.vector_load_idx %arg10[%broadcast_in_dim3A_54] : memref<128xf32, #tpu.memory_space<vmem>>[vector<16xi32>], vector<16xf32>,
        %get3A = arith.index_cast %add3A_53 : i32 to index
        %get3A_55 = arith.constant 0 : index
        %get3A_56 = tpu.vector_load %arg11[%get3A, %get3A_55] {strides = array<i32>} : memref<128x16xf32, #tpu.memory_space<vmem>>, vector<16xf32>,
        %mul3A_57 = arith.mulf %gather3A, %get3A_56 : vector<16xf32>
        %get3A_58 = arith.index_cast %add3A_53 : i32 to index
        %get3A_59 = arith.constant 0 : index
        %get3A_60 = tpu.vector_load %arg12[%get3A_58, %get3A_59] {strides = array<i32>} : memref<128x32xf32, #tpu.memory_space<vmem>>, vector<16xf32>,
        %mul3A_61 = arith.mulf %get3A_60, %mul3A_57 : vector<16xf32>
        %swap3A = arith.index_cast %add3A_53 : i32 to index
        %swap3A_62 = arith.constant 0 : index
        %swap3A_63 = tpu.vector_load %arg13[%swap3A, %swap3A_62] {strides = array<i32>} : memref<128x32xf32, #tpu.memory_space<vmem>>, vector<16xf32>,
        tpu.vector_store %arg13[%swap3A, %swap3A_62], %mul3A_61 {strides = array<i32>} : memref<128x32xf32, #tpu.memory_space<vmem>>, vector<16xf32>,
        %get3A_64 = arith.index_cast %add3A_53 : i32 to index
        %get3A_65 = arith.constant 16 : index
        %get3A_66 = tpu.vector_load %arg12[%get3A_64, %get3A_65] {strides = array<i32>} : memref<128x32xf32, #tpu.memory_space<vmem>>, vector<16xf32>,
        %mul3A_67 = arith.mulf %get3A_66, %mul3A_57 : vector<16xf32>
        %swap3A_68 = arith.index_cast %add3A_53 : i32 to index
        %swap3A_69 = arith.constant 16 : index
        %swap3A_70 = tpu.vector_load %arg13[%swap3A_68, %swap3A_69] {strides = array<i32>} : memref<128x32xf32, #tpu.memory_space<vmem>>, vector<16xf32>,
        tpu.vector_store %arg13[%swap3A_68, %swap3A_69], %mul3A_67 {strides = array<i32>} : memref<128x32xf32, #tpu.memory_space<vmem>>, vector<16xf32>,
        %mul3A_71 = arith.constant 4 : i32
        %mul3A_72 = arith.muli %scan3A_49, %mul3A_71 : i32
        %add3A_73 = arith.constant 1 : i32
        %add3A_74 = arith.addi %mul3A_72, %add3A_73 : i32
        %broadcast_in_dim3A_75 = vector.broadcast %add3A_74 : i32 to vector<16xi32>
        %gather3A_76 = tpu.vector_load_idx %arg10[%broadcast_in_dim3A_75] : memref<128xf32, #tpu.memory_space<vmem>>[vector<16xi32>], vector<16xf32>,
        %get3A_77 = arith.index_cast %add3A_74 : i32 to index
        %get3A_78 = arith.constant 0 : index
        %get3A_79 = tpu.vector_load %arg11[%get3A_77, %get3A_78] {strides = array<i32>} : memref<128x16xf32, #tpu.memory_space<vmem>>, vector<16xf32>,
        %mul3A_80 = arith.mulf %gather3A_76, %get3A_79 : vector<16xf32>
        %get3A_81 = arith.index_cast %add3A_74 : i32 to index
        %get3A_82 = arith.constant 0 : index
        %get3A_83 = tpu.vector_load %arg12[%get3A_81, %get3A_82] {strides = array<i32>} : memref<128x32xf32, #tpu.memory_space<vmem>>, vector<16xf32>,
        %mul3A_84 = arith.mulf %get3A_83, %mul3A_80 : vector<16xf32>
        %swap3A_85 = arith.index_cast %add3A_74 : i32 to index
        %swap3A_86 = arith.constant 0 : index
        %swap3A_87 = tpu.vector_load %arg13[%swap3A_85, %swap3A_86] {strides = array<i32>} : memref<128x32xf32, #tpu.memory_space<vmem>>, vector<16xf32>,
        tpu.vector_store %arg13[%swap3A_85, %swap3A_86], %mul3A_84 {strides = array<i32>} : memref<128x32xf32, #tpu.memory_space<vmem>>, vector<16xf32>,
        %get3A_88 = arith.index_cast %add3A_74 : i32 to index
        %get3A_89 = arith.constant 16 : index
        %get3A_90 = tpu.vector_load %arg12[%get3A_88, %get3A_89] {strides = array<i32>} : memref<128x32xf32, #tpu.memory_space<vmem>>, vector<16xf32>,
        %mul3A_91 = arith.mulf %get3A_90, %mul3A_80 : vector<16xf32>
        %swap3A_92 = arith.index_cast %add3A_74 : i32 to index
        %swap3A_93 = arith.constant 16 : index
        %swap3A_94 = tpu.vector_load %arg13[%swap3A_92, %swap3A_93] {strides = array<i32>} : memref<128x32xf32, #tpu.memory_space<vmem>>, vector<16xf32>,
        tpu.vector_store %arg13[%swap3A_92, %swap3A_93], %mul3A_91 {strides = array<i32>} : memref<128x32xf32, #tpu.memory_space<vmem>>, vector<16xf32>,
        %mul3A_95 = arith.constant 4 : i32
        %mul3A_96 = arith.muli %scan3A_49, %mul3A_95 : i32
        %add3A_97 = arith.constant 2 : i32
        %add3A_98 = arith.addi %mul3A_96, %add3A_97 : i32
        %broadcast_in_dim3A_99 = vector.broadcast %add3A_98 : i32 to vector<16xi32>
        %gather3A_100 = tpu.vector_load_idx %arg10[%broadcast_in_dim3A_99] : memref<128xf32, #tpu.memory_space<vmem>>[vector<16xi32>], vector<16xf32>,
        %get3A_101 = arith.index_cast %add3A_98 : i32 to index
        %get3A_102 = arith.constant 0 : index
        %get3A_103 = tpu.vector_load %arg11[%get3A_101, %get3A_102] {strides = array<i32>} : memref<128x16xf32, #tpu.memory_space<vmem>>, vector<16xf32>,
        %mul3A_104 = arith.mulf %gather3A_100, %get3A_103 : vector<16xf32>
        %get3A_105 = arith.index_cast %add3A_98 : i32 to index
        %get3A_106 = arith.constant 0 : index
        %get3A_107 = tpu.vector_load %arg12[%get3A_105, %get3A_106] {strides = array<i32>} : memref<128x32xf32, #tpu.memory_space<vmem>>, vector<16xf32>,
        %mul3A_108 = arith.mulf %get3A_107, %mul3A_104 : vector<16xf32>
        %swap3A_109 = arith.index_cast %add3A_98 : i32 to index
        %swap3A_110 = arith.constant 0 : index
        %swap3A_111 = tpu.vector_load %arg13[%swap3A_109, %swap3A_110] {strides = array<i32>} : memref<128x32xf32, #tpu.memory_space<vmem>>, vector<16xf32>,
        tpu.vector_store %arg13[%swap3A_109, %swap3A_110], %mul3A_108 {strides = array<i32>} : memref<128x32xf32, #tpu.memory_space<vmem>>, vector<16xf32>,
        %get3A_112 = arith.index_cast %add3A_98 : i32 to index
        %get3A_113 = arith.constant 16 : index
        %get3A_114 = tpu.vector_load %arg12[%get3A_112, %get3A_113] {strides = array<i32>} : memref<128x32xf32, #tpu.memory_space<vmem>>, vector<16xf32>,
        %mul3A_115 = arith.mulf %get3A_114, %mul3A_104 : vector<16xf32>
        %swap3A_116 = arith.index_cast %add3A_98 : i32 to index
        %swap3A_117 = arith.constant 16 : index
        %swap3A_118 = tpu.vector_load %arg13[%swap3A_116, %swap3A_117] {strides = array<i32>} : memref<128x32xf32, #tpu.memory_space<vmem>>, vector<16xf32>,
        tpu.vector_store %arg13[%swap3A_116, %swap3A_117], %mul3A_115 {strides = array<i32>} : memref<128x32xf32, #tpu.memory_space<vmem>>, vector<16xf32>,
        %mul3A_119 = arith.constant 4 : i32
        %mul3A_120 = arith.muli %scan3A_49, %mul3A_119 : i32
        %add3A_121 = arith.constant 3 : i32
        %add3A_122 = arith.addi %mul3A_120, %add3A_121 : i32
        %broadcast_in_dim3A_123 = vector.broadcast %add3A_122 : i32 to vector<16xi32>
        %gather3A_124 = tpu.vector_load_idx %arg10[%broadcast_in_dim3A_123] : memref<128xf32, #tpu.memory_space<vmem>>[vector<16xi32>], vector<16xf32>,
        %get3A_125 = arith.index_cast %add3A_122 : i32 to index
        %get3A_126 = arith.constant 0 : index
        %get3A_127 = tpu.vector_load %arg11[%get3A_125, %get3A_126] {strides = array<i32>} : memref<128x16xf32, #tpu.memory_space<vmem>>, vector<16xf32>,
        %mul3A_128 = arith.mulf %gather3A_124, %get3A_127 : vector<16xf32>
        %get3A_129 = arith.index_cast %add3A_122 : i32 to index
        %get3A_130 = arith.constant 0 : index
        %get3A_131 = tpu.vector_load %arg12[%get3A_129, %get3A_130] {strides = array<i32>} : memref<128x32xf32, #tpu.memory_space<vmem>>, vector<16xf32>,
        %mul3A_132 = arith.mulf %get3A_131, %mul3A_128 : vector<16xf32>
        %swap3A_133 = arith.index_cast %add3A_122 : i32 to index
        %swap3A_134 = arith.constant 0 : index
        %swap3A_135 = tpu.vector_load %arg13[%swap3A_133, %swap3A_134] {strides = array<i32>} : memref<128x32xf32, #tpu.memory_space<vmem>>, vector<16xf32>,
        tpu.vector_store %arg13[%swap3A_133, %swap3A_134], %mul3A_132 {strides = array<i32>} : memref<128x32xf32, #tpu.memory_space<vmem>>, vector<16xf32>,
        %get3A_136 = arith.index_cast %add3A_122 : i32 to index
        %get3A_137 = arith.constant 16 : index
        %get3A_138 = tpu.vector_load %arg12[%get3A_136, %get3A_137] {strides = array<i32>} : memref<128x32xf32, #tpu.memory_space<vmem>>, vector<16xf32>,
        %mul3A_139 = arith.mulf %get3A_138, %mul3A_128 : vector<16xf32>
        %swap3A_140 = arith.index_cast %add3A_122 : i32 to index
        %swap3A_141 = arith.constant 16 : index
        %swap3A_142 = tpu.vector_load %arg13[%swap3A_140, %swap3A_141] {strides = array<i32>} : memref<128x32xf32, #tpu.memory_space<vmem>>, vector<16xf32>,
        tpu.vector_store %arg13[%swap3A_140, %swap3A_141], %mul3A_139 {strides = array<i32>} : memref<128x32xf32, #tpu.memory_space<vmem>>, vector<16xf32>,
      }
      %scan3A_48 = arith.constant 32 : i32
      "tpu.region"() ({
        %run_scoped3A = tpu.sem_alloc : memref<!tpu.dma_semaphore, #tpu.memory_space<semaphore_mem>>
        %dma_start3A_49 = arith.constant 0 : i32
        %dma_start3A_50 = arith.constant 0 : i32
        %dma_start3A_51 = tpu.memref_slice %arg15[%dma_start3A_49, %dma_start3A_50] : memref<50176x32xf32, #tpu.memory_space<vmem_shared>> -> memref<50176x32xf32, #tpu.memory_space<vmem_shared>>
        tpu.enqueue_indirect_dma source(%arg13 : memref<128x32xf32, #tpu.memory_space<vmem>>) target(%dma_start3A_51 : memref<50176x32xf32, #tpu.memory_space<vmem_shared>>) offsets(%arg9 : memref<128xi32, #tpu.memory_space<vmem>>) semaphore(%run_scoped3A : memref<!tpu.dma_semaphore, #tpu.memory_space<semaphore_mem>>) {add = true}
        %dma_wait3A_52 = arith.constant 0 : i32
        %dma_wait3A_53 = arith.constant 0 : i32
        %dma_wait3A_54 = tpu.memref_slice %arg15[%dma_wait3A_52, %dma_wait3A_53] : memref<50176x32xf32, #tpu.memory_space<vmem_shared>> -> memref<50176x32xf32, #tpu.memory_space<vmem_shared>>
        tpu.wait_indirect_dma semaphore(%run_scoped3A : memref<!tpu.dma_semaphore, #tpu.memory_space<semaphore_mem>>) src(%arg13 : memref<128x32xf32, #tpu.memory_space<vmem>>) dst(%dma_wait3A_54 : memref<50176x32xf32, #tpu.memory_space<vmem_shared>>)
        tpu.yield
      }) : () -> ()
    }
    %scan3A_17 = arith.constant 392 : i32
    %barrier3A_18 = arith.constant 0 : index
    tpu.barrier barrier_id(%barrier3A_18)
    %mul3A = arith.constant 3136 : i32
    %mul3A_19 = arith.muli %arg1, %mul3A : i32
    %mul3A_20 = arith.constant 50176 : i32
    %mul3A_21 = arith.muli %arg0, %mul3A_20 : i32
    %mul3A_22 = arith.constant 3136 : i32
    %mul3A_23 = arith.muli %arg1, %mul3A_22 : i32
    %add3A = arith.addi %mul3A_21, %mul3A_23 : i32
    "tpu.region"() ({
      %run_scoped3A = tpu.sem_alloc : memref<!tpu.dma_semaphore, #tpu.memory_space<semaphore_mem>>
      %dma_start3A = arith.constant 0 : i32
      %dma_start3A_24 = tpu.memref_slice %arg7[%add3A, %dma_start3A] : memref<100352x32xf32, #tpu.memory_space<hbm>> -> memref<3136x32xf32, #tpu.memory_space<hbm>>
      %dma_start3A_25 = arith.constant 0 : i32
      %dma_start3A_26 = tpu.memref_slice %arg15[%mul3A_19, %dma_start3A_25] : memref<50176x32xf32, #tpu.memory_space<vmem_shared>> -> memref<3136x32xf32, #tpu.memory_space<vmem_shared>>
      tpu.enqueue_dma source(%dma_start3A_26 : memref<3136x32xf32, #tpu.memory_space<vmem_shared>>) target(%dma_start3A_24 : memref<3136x32xf32, #tpu.memory_space<hbm>>) target_semaphore(%run_scoped3A : memref<!tpu.dma_semaphore, #tpu.memory_space<semaphore_mem>>)
      %dma_wait3A = arith.constant 0 : i32
      %dma_wait3A_27 = tpu.memref_slice %arg7[%add3A, %dma_wait3A] : memref<100352x32xf32, #tpu.memory_space<hbm>> -> memref<3136x32xf32, #tpu.memory_space<hbm>>
      %dma_wait3A_28 = arith.constant 0 : i32
      %dma_wait3A_29 = tpu.memref_slice %arg15[%mul3A_19, %dma_wait3A_28] : memref<50176x32xf32, #tpu.memory_space<vmem_shared>> -> memref<3136x32xf32, #tpu.memory_space<vmem_shared>>
      tpu.wait_dma2 semaphore(%run_scoped3A : memref<!tpu.dma_semaphore, #tpu.memory_space<semaphore_mem>>) src(%dma_wait3A_29 : memref<3136x32xf32, #tpu.memory_space<vmem_shared>>) dst(%dma_wait3A_27 : memref<3136x32xf32, #tpu.memory_space<hbm>>)
      tpu.yield
    }) : () -> ()
    return
  }
}

module attributes {stable_mosaic.version = 14 : i64} {
  func.func @body(%arg0: memref<3x50176xf32, #tpu.memory_space<vmem>>, %arg1: memref<3x50176xf32, #tpu.memory_space<vmem>>) attributes {dimension_semantics = [], scalar_prefetch = 0 : i64, scratch_operands = 0 : i64, tpu.core_type = #tpu.core_type<tc>} {
    %get3A = arith.constant 0 : index
    %get3A_0 = arith.constant 0 : index
    %get3A_1 = vector.load %arg0[%get3A, %get3A_0] : memref<3x50176xf32, #tpu.memory_space<vmem>>, vector<3x50176xf32>
    %slice3A = vector.extract_strided_slice %get3A_1 {offsets = [0, 0], sizes = [1, 50176], strides = [1, 1]} : vector<3x50176xf32> to vector<1x50176xf32>
    %slice3A_2 = vector.extract_strided_slice %get3A_1 {offsets = [0, 0], sizes = [1, 50176], strides = [1, 1]} : vector<3x50176xf32> to vector<1x50176xf32>
    %mul3A = arith.mulf %slice3A, %slice3A_2 : vector<1x50176xf32>
    %slice3A_3 = vector.extract_strided_slice %get3A_1 {offsets = [1, 0], sizes = [1, 50176], strides = [1, 1]} : vector<3x50176xf32> to vector<1x50176xf32>
    %slice3A_4 = vector.extract_strided_slice %get3A_1 {offsets = [1, 0], sizes = [1, 50176], strides = [1, 1]} : vector<3x50176xf32> to vector<1x50176xf32>
    %mul3A_5 = arith.mulf %slice3A_3, %slice3A_4 : vector<1x50176xf32>
    %add3A = arith.addf %mul3A, %mul3A_5 : vector<1x50176xf32>
    %slice3A_6 = vector.extract_strided_slice %get3A_1 {offsets = [2, 0], sizes = [1, 50176], strides = [1, 1]} : vector<3x50176xf32> to vector<1x50176xf32>
    %slice3A_7 = vector.extract_strided_slice %get3A_1 {offsets = [2, 0], sizes = [1, 50176], strides = [1, 1]} : vector<3x50176xf32> to vector<1x50176xf32>
    %mul3A_8 = arith.mulf %slice3A_6, %slice3A_7 : vector<1x50176xf32>
    %add3A_9 = arith.addf %add3A, %mul3A_8 : vector<1x50176xf32>
    %add3A_10 = arith.constant 1.000000e-35 : f32
    %add3A_11 = vector.broadcast %add3A_10 : f32 to vector<1x50176xf32>
    %add3A_12 = arith.addf %add3A_9, %add3A_11 : vector<1x50176xf32>
    %rsqrt3A = math.rsqrt %add3A_12 : vector<1x50176xf32>
    %mul3A_13 = vector.broadcast %rsqrt3A : vector<1x50176xf32> to vector<3x50176xf32>
    %mul3A_14 = arith.mulf %get3A_1, %mul3A_13 : vector<3x50176xf32>
    %swap3A = arith.constant 0 : index
    %swap3A_15 = arith.constant 0 : index
    %swap3A_16 = vector.load %arg1[%swap3A, %swap3A_15] : memref<3x50176xf32, #tpu.memory_space<vmem>>, vector<3x50176xf32>
    tpu.vector_store %arg1[%swap3A, %swap3A_15], %mul3A_14 {strides = array<i32>} : memref<3x50176xf32, #tpu.memory_space<vmem>>, vector<3x50176xf32>,
    return
  }
}

module attributes {stable_mosaic.version = 14 : i64} {
  func.func @body(%arg0: memref<392x128xf32, #tpu.memory_space<vmem>>, %arg1: memref<392x128xf32, #tpu.memory_space<vmem>>, %arg2: memref<392x128xf32, #tpu.memory_space<vmem>>) attributes {dimension_semantics = [], scalar_prefetch = 0 : i64, scratch_operands = 0 : i64, tpu.core_type = #tpu.core_type<tc>} {
    %get3A = arith.constant 0 : index
    %get3A_0 = arith.constant 0 : index
    %get3A_1 = vector.load %arg0[%get3A, %get3A_0] : memref<392x128xf32, #tpu.memory_space<vmem>>, vector<392x128xf32>
    %get3A_2 = arith.constant 0 : index
    %get3A_3 = arith.constant 0 : index
    %get3A_4 = vector.load %arg1[%get3A_2, %get3A_3] : memref<392x128xf32, #tpu.memory_space<vmem>>, vector<392x128xf32>
    %add3A = arith.addf %get3A_1, %get3A_4 : vector<392x128xf32>
    %add3A_5 = arith.constant 9.99999971E-10 : f32
    %add3A_6 = vector.broadcast %add3A_5 : f32 to vector<392x128xf32>
    %add3A_7 = arith.addf %add3A, %add3A_6 : vector<392x128xf32>
    %div3A = arith.constant 1.000000e+00 : f32
    %div3A_8 = vector.broadcast %div3A : f32 to vector<392x128xf32>
    %div3A_9 = arith.divf %div3A_8, %add3A_7 : vector<392x128xf32>
    %swap3A = arith.constant 0 : index
    %swap3A_10 = arith.constant 0 : index
    %swap3A_11 = vector.load %arg2[%swap3A, %swap3A_10] : memref<392x128xf32, #tpu.memory_space<vmem>>, vector<392x128xf32>
    tpu.vector_store %arg2[%swap3A, %swap3A_10], %div3A_9 {strides = array<i32>} : memref<392x128xf32, #tpu.memory_space<vmem>>, vector<392x128xf32>,
    return
  }
}

</mosaic_0001>

<sc_bundles>
// kernel: kernel.6.cloned.1.call-start
scs
__scs_entry_jumppad:
0x0: {  	(pc) =	sbr.rel $0x88, $3  }
0x1: {  	(tag) =	ssettag $0x0;
	lr =	simm.s32 $0x1  }
0x2: {  	[smem:$0x3F9D] =	sst lr;
	_ =	strace $0xD0000000  }
0x3: {  	_ = 	snop  }
0x4: {  	_ = 	snop  }
0x5: {  	_ = 	snop  }
0x6: {  	_ = 	snop  }
0x7: {  	_ = 	snop  }
__scs_overlays_trampoline_lowered:
0x8: {  	[smem:$0x3FAC] =	sst s0  }
0x9: {  	[smem:$0x3FAD] =	sst s1  }
0xa: {  	[smem:$0x3FAE] =	sst s2  }
0xb: {  	[smem:$0x3FAF] =	sst s3  }
0xc: {  	[smem:$0x3FB0] =	sst s4  }
0xd: {  	[smem:$0x3FB1] =	sst s5  }
0xe: {  	[smem:$0x3FB2] =	sst s6  }
0xf: {  	[smem:$0x3FB3] =	sst s7  }
0x10: {  	[smem:$0x3FB4] =	sst s8  }
0x11: {  	[smem:$0x3FB5] =	sst s9;
	s0 =	simm.s32 @!p0 $0x0  }
0x12: {  	s1 =	sld [smem:$0x3F9B];
	s0 =	simm.s32 @p0 $0x1  }
0x13: {  	[smem:$0x3FB6] =	sst s0;
	s0 =	simm.s32 @!p1 $0x0  }
0x14: {  	s2 =	sld [smem:$0x3F9A];
	s0 =	simm.s32 @p1 $0x1  }
0x15: {  	[smem:$0x3FB7] =	sst s0;
	s0 =	simm.s32 @!p2 $0x0  }
0x16: {  	s3 =	sld [smem:$0x3FDB];
	s0 =	simm.s32 @p2 $0x1  }
0x17: {  	s4 =	simm.s32 $0x1BF5;
	[smem:$0x3FB9] =	sst s0  }
0x18: {  	s0 =	sld [smem:$0x3F9C];
	_ =	swait.ge [sflag:s4], $0x0  }
0x19: {  	s7 =	sld [smem:$0x3F9D]  }
0x1a: {  	s8 =	sadd.s32 $0xFFFFE003, lr  }
0x1b: {  	s9 =	sadd.s32 $0xFFFFFEF7, lr;
	s5 =	simm.s32 $0xFFFFFFFF;
	p2 =	slt.u32 s8, $0xFFFFF086  }
0x1c: {  	p1 =	slt.u32 s9, $0xF7A;
	s5 =	simm.s32 @!p2 $0x0  }
0x1d: {  	s5 =	simm.s32 @p1 $0x1;
	p0 =	seq.s32 s7, s2  }
0x1e: {  	s7 =	smul.u32 @!p0 $0xF7A, s2;
	p2 =	seq.s32 @!p0 s5, $0x0  }
0x1f: {  	s9 =	smul.u32 $0xF7A, s1;
	s8 =	simm.s32 @!p0 $0x1BF5;
	p2 =	por !p2, p0  }
0x20: {  	[sflag:s8] =	ssyncset.s32 @!p0 $0xFFFFF086;
	s6 =	sadd.s32 @!p0 s3, s7;
	s7 =	simm.s32 @!p0 $0x108  }
0x21: {  	s3 =	sadd.s32 s3, s9;
	s6 =	sadd.s32 @!p0 $0x88, s6;
	s7 =	simm.s32 @p2 $0x1082  }
0x22: {  	[simem:s7], [sflag:s8] =	dma.local @!p0 [hbm:s6], $0xF7A  }
0x23: {  	s9 =	sor.u32 $0xD0000000, s2;
	s6 =	simm.s32 $0x108;
	_ =	swait.ge @!p0 [sflag:s8], $0x0  }
0x24: {  	s3 =	sadd.s32 $0x88, s3;
	s6 =	simm.s32 @!p1 $0x1082;
	[sflag:s4] =	ssyncset.s32 $0xFFFFF086  }
0x25: {  	[simem:s6], [sflag:s4] =	dma.local [hbm:s3], $0xF7A  }
0x26: {  	[smem:$0x3F9D] =	sst s1;
	(tag) =	ssettag s2;
	_ =	strace s9  }
0x27: {  	s1 =	sld [smem:$0x3FAD]  }
0x28: {  	s2 =	sld [smem:$0x3FAE]  }
0x29: {  	s4 =	sld [smem:$0x3FB0]  }
0x2a: {  	p0 =	seq.s32 s5, $0x0;
	s5 =	sld [smem:$0x3FB1]  }
0x2b: {  	s6 =	sld [smem:$0x3FB2]  }
0x2c: {  	s7 =	sld [smem:$0x3FB3]  }
0x2d: {  	s3 =	simm.s32 $0x108;
	s8 =	sld [smem:$0x3FB4]  }
0x2e: {  	s3 =	simm.s32 @!p0 $0x1082;
	s9 =	sld [smem:$0x3FB5]  }
0x2f: {  	lr =	sadd.s32 s0, s3;
	s0 =	sld [smem:$0x3FAC]  }
0x30: {  	s3 =	sld [smem:$0x3FAF]  }
0x31: {  	[smem:$0x3FB8] =	sst s10  }
0x32: {  	s10 =	sld [smem:$0x3FB6];
	_ =	sdelay $0x3  }
0x33: {  	p0 =	seq.s32 s10, $0x1;
	s10 =	sld [smem:$0x3FB8];
	_ =	sdelay $0x3  }
0x34: {  	[smem:$0x3FB8] =	sst s10  }
0x35: {  	s10 =	sld [smem:$0x3FB7];
	_ =	sdelay $0x3  }
0x36: {  	p1 =	seq.s32 s10, $0x1;
	s10 =	sld [smem:$0x3FB8];
	_ =	sdelay $0x3  }
0x37: {  	[smem:$0x3FB8] =	sst s10  }
0x38: {  	s10 =	sld [smem:$0x3FB9]  }
0x39: {  	_ = 	snop;
	(pc) =	sbr.ind lr, $3  }
0x3a: {  	_ = 	snop  }
0x3b: {  	_ = 	snop  }
0x3c: {  	p2 =	seq.s32 s10, $0x1;
	s10 =	sld [smem:$0x3FB8]  }
0x3d: {  	_ =	shalt  }
0x3e: {  	_ =	shalt  }
0x3f: {  	_ =	shalt  }
0x40: {  	_ =	shalt  }
0x41: {  	_ =	shalt  }
0x42: {  	_ =	shalt  }
0x43: {  	_ =	shalt  }
0x44: {  	_ =	shalt  }
0x45: {  	_ =	shalt  }
0x46: {  	_ =	shalt  }
0x47: {  	_ =	shalt  }
0x48: {  	_ =	shalt  }
0x49: {  	_ =	shalt  }
0x4a: {  	_ =	shalt  }
0x4b: {  	_ =	shalt  }
0x4c: {  	_ =	shalt  }
0x4d: {  	_ =	shalt  }
0x4e: {  	_ =	shalt  }
0x4f: {  	_ =	shalt  }
0x50: {  	_ =	shalt  }
0x51: {  	_ =	shalt  }
0x52: {  	_ =	shalt  }
0x53: {  	_ =	shalt  }
0x54: {  	_ =	shalt  }
0x55: {  	_ =	shalt  }
0x56: {  	_ =	shalt  }
0x57: {  	_ =	shalt  }
0x58: {  	_ =	shalt  }
0x59: {  	_ =	shalt  }
0x5a: {  	_ =	shalt  }
0x5b: {  	_ =	shalt  }
0x5c: {  	_ =	shalt  }
0x5d: {  	_ =	shalt  }
0x5e: {  	_ =	shalt  }
0x5f: {  	_ =	shalt  }
0x60: {  	_ =	shalt  }
0x61: {  	_ =	shalt  }
0x62: {  	_ =	shalt  }
0x63: {  	_ =	shalt  }
0x64: {  	_ =	shalt  }
0x65: {  	_ =	shalt  }
0x66: {  	_ =	shalt  }
0x67: {  	_ =	shalt  }
0x68: {  	_ =	shalt  }
0x69: {  	_ =	shalt  }
0x6a: {  	_ =	shalt  }
0x6b: {  	_ =	shalt  }
0x6c: {  	_ =	shalt  }
0x6d: {  	_ =	shalt  }
0x6e: {  	_ =	shalt  }
0x6f: {  	_ =	shalt  }
0x70: {  	_ =	shalt  }
0x71: {  	_ =	shalt  }
0x72: {  	_ =	shalt  }
0x73: {  	_ =	shalt  }
0x74: {  	_ =	shalt  }
0x75: {  	_ =	shalt  }
0x76: {  	_ =	shalt  }
0x77: {  	_ =	shalt  }
0x78: {  	_ =	shalt  }
0x79: {  	_ =	shalt  }
0x7a: {  	_ =	shalt  }
0x7b: {  	_ =	shalt  }
0x7c: {  	_ =	shalt  }
0x7d: {  	_ =	shalt  }
0x7e: {  	_ =	shalt  }
0x7f: {  	_ =	shalt  }
0x80: {  	_ =	shalt  }
0x81: {  	_ =	shalt  }
0x82: {  	_ =	shalt  }
0x83: {  	_ =	shalt  }
0x84: {  	_ =	shalt  }
0x85: {  	_ =	shalt  }
0x86: {  	_ =	shalt  }
0x87: {  	_ =	shalt  }
.Lfunc_end0:
.L_simem_size_0:
called_computation_lowered:
.L_overlay_start_0:
0x88: {  	s2 =	sld [smem:$0x3FD9]  }
0x89: {  	s3 =	sld [smem:$0x3FFE];
	_ =	sdelay $0x1  }
0x8a: {  	s1 =	srdreg.scid  }
0x8b: {  	s0 =	sand.u32 $0x1, s1  }
0x8c: {  	s17 =	sshll.u32 s0, $0xA;
	s2 =	sadd.s32 s3, s2  }
0x8d: {  	s2 =	sadd.s32 s2, s17  }
0x8e: {  	[smem:$0x3FC4] =	sst s2  }
0x8f: {  	_ = 	snop  }
0x90: {  	s2 =	sld [smem:$0x3FC7];
	(tm) =	ssettm $0x1  }
0x91: {  	s18 =	sld [smem:$0x3FFB];
	_ =	sdelay $0x3  }
0x92: {  	_ =	strace s18  }
0x93: {  	s3 =	sld [smem:$0x3FFC];
	_ =	sdelay $0x3  }
0x94: {  	_ =	strace s3  }
0x95: {  	s3 =	sld [smem:$0x3FFD];
	_ =	sdelay $0x3  }
0x96: {  	_ =	strace s3  }
0x97: {  	_ =	strace $0x8FFFFFFF  }
0x98: {  	s19 =	sld [smem:$0x3FDB];
	_ =	sdelay $0x1  }
0x99: {  	s4 =	simm.s32 $_scs_section_size  }
0x9a: {  	s5 =	simm.s32 $_size__tile_overlayer_lowered;
	s6 =	simm.s32 $_tile_overlayer_lowered  }
0x9b: {  	s22 =	simm.s32 $0x1BFF;
	s21 =	sshll.u32 s6, $0x1;
	s3 =	sadd.s32 s4, s19  }
0x9c: {  	s7 =	simm.s32 $0x0;
	s20 =	sshll.u32 s5, $0x1;
	s5 =	sadd.s32 s21, s3  }
0x9d: {  	[timem:s7], [sflag:s22] =	dma.local [hbm:s5], s20  }
0x9e: {  	_ =	swait.ge [sflag:s22], s20  }
0x9f: {  	s4 =	ssub.s32 $0x0, s20;
	[sflag:s22] =	ssyncset.done $0x0  }
0xa0: {  	[sflag:s22] =	ssyncadd.s32 s4;
	_ =	sdelay $0x1  }
0xa1: {  	s23 =	simm.s32 $0x1B8B  }
0xa2: {  	_ =	swait.ge [sflag:s23], $0x1  }
0xa3: {  	[sflag:s23] =	ssyncset.done $0x0  }
0xa4: {  	s25 =	simm.s32 $0x1B8E;
	s24 =	sld [smem:$0x3FFE];
	[sflag:s23] =	ssyncadd.s32 $0xFFFFFFFF  }
0xa5: {  	s26 =	simm.s32 $execute0_lowered;
	[smem:$0x3FD2] =	sst s25  }
0xa6: {  	s5 =	sshll.u32 s26, $0x1;
	_ =	strace $0x80000046;
	[dreg:$0x1] =	wrdreg $0xFFFFFFFF  }
0xa7: {  	s28 =	simm.s32 $_size_execute0_lowered;
	s3 =	sadd.s32 s3, s5;
	[dreg:$0x0] =	wrdreg $0x0  }
0xa8: {  	s5 =	sshll.u32 s28, $0x1;
	[dreg:$0x2] =	wrdreg s3  }
0xa9: {  	[dreg:$0x3] =	wrdreg s5  }
0xaa: {  	[dreg:$0x4] =	wrdreg $0xC0  }
0xab: {  	_ =	task [dreg:s7], $0x5FFFF  }
0xac: {  	[dreg:$0x1] =	wrdreg $0xFFFFFFFF  }
0xad: {  	[dreg:$0x0] =	wrdreg $0x60  }
0xae: {  	[dreg:$0x2] =	wrdreg s24  }
0xaf: {  	[dreg:$0x3] =	wrdreg s2  }
0xb0: {  	[dreg:$0x4] =	wrdreg $0xDF000  }
0xb1: {  	[dreg:$0x5] =	wrdreg $0x9  }
0xb2: {  	_ =	task.clear_ibuf [dreg:s7], $0x6FFFF;
	_ =	strace $0x90000046  }
0xb3: {  	s29 =	simm.s32 $0x9;
	_ =	strace $0x80000048  }
0xb4: {  	_ =	swait.ge [sflag:s29], $0x1  }
0xb5: {  	[sflag:s29] =	ssyncadd.s32 $0xFFFFFFFF  }
0xb6: {  	_ =	strace $0x90000048  }
0xb7: {  	_ =	sfence  }
0xb8: {  	s30 =	sld [smem:$0x0];
	_ =	sdelay $0x2  }
0xb9: {  	s31 =	sshll.u32 s1, $0xD;
	s1 =	sshrl.u32 s1, $0x2  }
0xba: {  	s3 =	sand.u32 $0x4000, s31;
	s1 =	sadd.s32 s1, s30  }
0xbb: {  	s0 =	sor.u32 s3, s0;
	s1 =	sshll.u32 s1, $0x11  }
0xbc: {  	s0 =	sor.u32 s1, s0  }
0xbd: {  	s0 =	sadd.s32 $0x8F2B, s0  }
0xbe: {  	[sflag:s0] =	ssyncadd.remote.s32 $0x1  }
0xbf: {  	_ =	sfence.sel $0xFFFF  }
0xc0: {  	[dreg:$0x0] =	wrdreg $0xFFFFFFFF;
	(pc) =	sbr.abs _section_cstart, $3  }
0xc1: {  	[dreg:$0x1] =	wrdreg $0xFFFFFFFF  }
0xc2: {  	_ =	task.clear_ibuf [dreg:s7], $0x2FFFF;
	_ =	strace $0x9FFFFFFF  }
0xc3: {  	(tm) =	ssettm $0x7FFFFFFF  }
tec
execute0_lowered:
.L_overlay_start_1:
0x0: {  	(tag) =	ssettag $0x1  }
0x1: {  	s0 =	rddreg [dreg:$0x0]  }
0x2: {  	s2 =	rddreg [dreg:$0x2]  }
0x3: {  	s4 =	simm.s32 $0x0;
	s1 =	srdreg.scid;
	s10 =	stileid.u32  }
0x4: {  	s16 =	simm.s32 $0xD280;
	s17 =	simm.s32 $0x3;
	s19 =	simm.s32 $0x80  }
0x5: {  	s24 =	simm.s32 $0x5100;
	s25 =	simm.s32 $0x5180;
	s31 =	simm.s32 $0x1  }
0x6: {  	s18 =	simm.s32 $0xCA00;
	s13 =	simm.s32 $0x0;
	[smem:$0x7FF] =	sst s4  }
0x7: {  	s1 =	sand.u32 $0x1, s1;
	s3 =	smul.u32 $0xC40, s10;
	s5 =	sadd.s32 $0x31E00, s0  }
0x8: {  	s6 =	sadd.s32 $0x19400, s0;
	s7 =	sadd.s32 $0xC4C00, s0;
	_ =	strace $0x80000047  }
0x9: {  	s9 =	smul.u32 $0xC400, s1;
	s8 =	sshll.u32 s1, $0x4;
	s1 =	ssub.s32 $0x2, s1  }
0xa: {  	s10 =	sor.u32 s10, s8;
	s8 =	sadd.s32 $0xC00, s0;
	s26 =	sshrl.u32 s1, $0x1  }
0xb: {  	s14 =	sadd.s32 s3, s2;
	s11 =	sadd.s32 s3, s9;
	s9 =	smul.u32 $0x6200, s10  }
0xc: {  	s10 =	sadd.s32 $0x4DA00, s0;
	s1 =	ssub.s32 s1, s26;
	s3 =	simm.s32 $0xD200  }
0xd: {  	[dreg:$0x4] =	wrdreg s14;
	s30 =	smax.u32 s1, $0x1;
	s12 =	sshrl.u32 s9, $0x3  }
0xe: {  	s11 =	sshrl.u32 s11, $0x3;
	[dreg:$0x8] =	wrdreg s30;
	s28 =	sadd.s32 s5, s12  }
0xf: {  	s0 =	sadd.s32 s11, s0;
	s29 =	sadd.s32 s6, s12;
	[dreg:$0x5] =	wrdreg s28  }
0x10: {  	v1 =	vlaneseq.u32;
	v2 =	vimm.s32 $0x0;
	vm0 =	vcmask $0x300;
	s1 =	simm.s32 $0xC200;
	s0 =	sadd.s32 $0x4A800, s0;
	[dreg:$0x6] =	wrdreg s29  }
0x11: {  	v0 =	vimm.f32 $0.0e+00;
	v1 =	vmul.u32 $0x80, v1;
	v2 =	vsel vm0, $0x3, v2;
	s12 =	simm.s32 $0x2;
	[dreg:$0x7] =	wrdreg s0;
	s0 =	simm.s32 $0xA200  }
.LBB2_1:
0x12: {  	[dreg:$0x9] =	wrdreg s13  }
0x13: {  	s11 =	rddreg [dreg:$0x1]  }
0x14: {  	[tilespmem:s16], [sflag:$0x3] =	stream.linear.gather [hbm4b:s11+s4], $0x40, $0x38;
	[tilespmem:$0xEB40] =	vst v63  }
0x15: {  	_ =	swait.ge [sflag:s17], $0x40  }
0x16: {  	[sflag:s17] =	ssyncset.done $0x0  }
0x17: {  	s13 =	simm.s32 $0x0;
	s11 =	simm.s32 $0x40;
	[sflag:s17] =	ssyncadd.s32 $0xFFFFFFC0  }
.LBB2_2:
0x18: {  	p0 =	sne.s32 s11, $0x30C0;
	[tilespmem:s13+$0xD2C0] =	vst v0;
	s13 =	smov.u32 s11;
	s11 =	sadd.s32 $0x40, s11  }
.Ltmp0:
0x19: {  	(pc) =	sbr.rel @p0 .LBB2_2-.Ltmp0, $2  }
0x1a: {  	_ =	sdelay $0x2  }
0x1b: {  	s13 =	sshra.s32 s13, $0x2  }
0x1c: {  	[tilespmem:s13+$0xD2C0] =	vst v0;
	s11 =	simm.s32 $0xD2C0  }
0x1d: {  	[spmem:s14] =	stream.linear.scatter [tilespmem:s11], [sflag:$0x3], $0xC40, $0x38;
	[tilespmem:$0xEB40] =	vst v63  }
0x1e: {  	_ =	swait.ge [sflag:s17], $0xC40  }
0x1f: {  	[sflag:s17] =	ssyncset.done $0x0  }
0x20: {  	[sflag:s17] =	ssyncadd.s32 $0xFFFFF3C0  }
0x21: {  	[bflag:$0x0] =	sbarrier.arrive $0xFFFF  }
0x22: {  	s14 =	simm.s32 $0x0;
	s22 =	rddreg [dreg:$0x5]  }
0x23: {  	[tilespmem:s14], [sflag:$0x3] =	stream.linear.gather [hbm4b:s22+s14], $0x80, $0x38;
	[tilespmem:$0xEB40] =	vst v63  }
0x24: {  	_ =	swait.ge [sflag:s17], $0x80  }
0x25: {  	[sflag:s17] =	ssyncset.done $0x0  }
0x26: {  	s23 =	rddreg [dreg:$0x6];
	[sflag:s17] =	ssyncadd.s32 $0xFFFFFF80  }
0x27: {  	[tilespmem:s19], [sflag:$0x3] =	stream.linear.gather [hbm4b:s23+s14], $0x80, $0x38;
	[tilespmem:$0xEB40] =	vst v63  }
0x28: {  	_ =	swait.ge [sflag:s17], $0x80  }
0x29: {  	[sflag:s17] =	ssyncset.done $0x0  }
0x2a: {  	s26 =	simm.s32 $0x100;
	[sflag:s17] =	ssyncadd.s32 $0xFFFFFF80  }
0x2b: {  	[tilespmem:s26], [sflag:$0x1] =	stream.indirect.gather [hbm4b:s7+s19], $0x40, s14, s19, $0xb8;
	[tilespmem:$0xEB40] =	vst v63  }
0x2c: {  	s28 =	simm.s32 $0x2100  }
0x2d: {  	[tilespmem:s28], [sflag:$0x1] =	stream.indirect.gather [hbm4b:s7+s19], $0x40, s19, s19, $0xb8;
	[tilespmem:$0xEB40] =	vst v63  }
0x2e: {  	s29 =	simm.s32 $0x4100  }
0x2f: {  	[tilespmem:s29], [sflag:$0x1] =	stream.indirect.gather [hbm4b:s8+s19], $0x10, s14, s19, $0xb8;
	[tilespmem:$0xEB40] =	vst v63  }
0x30: {  	s30 =	simm.s32 $0x4900  }
0x31: {  	[tilespmem:s30], [sflag:$0x1] =	stream.indirect.gather [hbm4b:s8+s19], $0x10, s19, s19, $0xb8;
	[tilespmem:$0xEB40] =	vst v63  }
.LBB2_4:
0x32: {  	s11 =	sshll.u32 s14, $0x8  }
0x33: {  	s11 =	sadd.s32 s9, s11  }
0x34: {  	s11 =	sshrl.u32 s11, $0x3  }
0x35: {  	s15 =	sor.u32 $0x10, s11  }
0x36: {  	s13 =	sadd.s32 s5, s15  }
0x37: {  	[tilespmem:s24], [sflag:$0x3] =	stream.linear.gather [hbm4b:s13+s4], $0x80, $0x38;
	[tilespmem:$0xEB40] =	vst v63  }
0x38: {  	_ =	swait.ge [sflag:s17], $0x80  }
0x39: {  	[sflag:s17] =	ssyncset.done $0x0  }
0x3a: {  	s22 =	sadd.s32 s6, s15;
	[sflag:s17] =	ssyncadd.s32 $0xFFFFFF80  }
0x3b: {  	[tilespmem:s25], [sflag:$0x3] =	stream.linear.gather [hbm4b:s22+s4], $0x80, $0x38;
	[tilespmem:$0xEB40] =	vst v63  }
0x3c: {  	_ =	swait.ge [sflag:s17], $0x80  }
0x3d: {  	[sflag:s17] =	ssyncset.done $0x0  }
0x3e: {  	s23 =	simm.s32 $0x5200;
	[sflag:s17] =	ssyncadd.s32 $0xFFFFFF80  }
0x3f: {  	[tilespmem:s23], [sflag:$0x2] =	stream.indirect.gather [hbm4b:s7+s19], $0x40, s24, s19, $0xb8;
	[tilespmem:$0xEB40] =	vst v63  }
0x40: {  	s26 =	simm.s32 $0x7200  }
0x41: {  	[tilespmem:s26], [sflag:$0x2] =	stream.indirect.gather [hbm4b:s7+s19], $0x40, s25, s19, $0xb8;
	[tilespmem:$0xEB40] =	vst v63  }
0x42: {  	s29 =	simm.s32 $0x9200  }
0x43: {  	[tilespmem:s29], [sflag:$0x2] =	stream.indirect.gather [hbm4b:s8+s19], $0x10, s24, s19, $0xb8;
	[tilespmem:$0xEB40] =	vst v63  }
0x44: {  	s30 =	simm.s32 $0x9A00  }
0x45: {  	[tilespmem:s30], [sflag:$0x2] =	stream.indirect.gather [hbm4b:s8+s19], $0x10, s25, s19, $0xb8;
	[tilespmem:$0xEB40] =	vst v63  }
0x46: {  	_ =	swait.ge [sflag:s31], $0x2000  }
0x47: {  	[sflag:s31] =	ssyncset.done $0x0  }
0x48: {  	[sflag:s31] =	ssyncadd.s32 $0xFFFFE000  }
0x49: {  	_ =	swait.ge [sflag:s31], $0x2000  }
0x4a: {  	[sflag:s31] =	ssyncset.done $0x0  }
0x4b: {  	[sflag:s31] =	ssyncadd.s32 $0xFFFFE000  }
0x4c: {  	_ =	swait.ge [sflag:s31], $0x800  }
0x4d: {  	[sflag:s31] =	ssyncset.done $0x0  }
0x4e: {  	[sflag:s31] =	ssyncadd.s32 $0xFFFFF800  }
0x4f: {  	s20 =	simm.s32 $0x2200;
	_ =	swait.ge [sflag:s31], $0x800  }
0x50: {  	s21 =	simm.s32 $0x200;
	s28 =	simm.s32 $0x4940;
	[sflag:s31] =	ssyncset.done $0x0  }
0x51: {  	s13 =	simm.s32 $0x1807;
	s26 =	simm.s32 $0x4140;
	[sflag:s31] =	ssyncadd.s32 $0xFFFFF800  }
.LBB2_5:
0x52: {  	v3 =	vld [tilespmem:s21+$0xFFFFFF00]  }
0x53: {  	v4 =	vld [tilespmem:s20+$0xFFFFFF00]  }
0x54: {  	s29 =	sadd.s32 $0xFFFFE7F9, s13  }
0x55: {  	v5 =	vor.u32 s29, v1;
	_ =	sdelay $0x2  }
0x56: {  	v3 =	vadd.f32 v4, v3;
	_ =	sdelay $0x1  }
0x57: {  	[tilespmem:v5+s0+$0x0] =	vst.idx.msk $0xffff, v3  }
0x58: {  	v3 =	vld [tilespmem:s21+$0xFFFFFF10]  }
0x59: {  	v59 =	vld [tilespmem:s20+$0xFFFFFF10]  }
0x5a: {  	s22 =	sadd.s32 $0xFFFFEFF9, s13  }
0x5b: {  	v6 =	vor.u32 s22, v1;
	_ =	sdelay $0x2  }
0x5c: {  	v3 =	vadd.f32 v59, v3;
	_ =	sdelay $0x1  }
0x5d: {  	[tilespmem:v6+s0+$0x0] =	vst.idx.msk $0xffff, v3  }
0x5e: {  	v3 =	vld [tilespmem:s21+$0xFFFFFF20]  }
0x5f: {  	v60 =	vld [tilespmem:s20+$0xFFFFFF20]  }
0x60: {  	s23 =	sadd.s32 $0xFFFFF7F9, s13  }
0x61: {  	v61 =	vor.u32 s23, v1;
	_ =	sdelay $0x2  }
0x62: {  	v3 =	vadd.f32 v60, v3;
	_ =	sdelay $0x1  }
0x63: {  	[tilespmem:v61+s0+$0x0] =	vst.idx.msk $0xffff, v3  }
0x64: {  	v3 =	vld [tilespmem:s21+$0xFFFFFF30]  }
0x65: {  	v62 =	vld [tilespmem:s20+$0xFFFFFF30]  }
0x66: {  	s30 =	sadd.s32 $0xFFFFFFF9, s13  }
0x67: {  	v63 =	vor.u32 s30, v1;
	_ =	sdelay $0x2  }
0x68: {  	v3 =	vadd.f32 v62, v3;
	_ =	sdelay $0x1  }
0x69: {  	[tilespmem:v63+s0+$0x0] =	vst.idx.msk $0xffff, v3  }
0x6a: {  	v3 =	vld [tilespmem:s26+$0xFFFFFFC0];
	_ =	sdelay $0x4  }
0x6b: {  	[tilespmem:v5+s1+$0x0] =	vst.idx.msk $0xffff, v3  }
0x6c: {  	v3 =	vld [tilespmem:s28+$0xFFFFFFC0];
	_ =	sdelay $0x4  }
0x6d: {  	[tilespmem:v5+s18+$0x0] =	vst.idx.msk $0xffff, v3  }
0x6e: {  	v3 =	vld [tilespmem:s21+$0xFFFFFF40]  }
0x6f: {  	v8 =	vld [tilespmem:s20+$0xFFFFFF40]  }
0x70: {  	s22 =	sadd.s32 $0xFFFFE7FA, s13  }
0x71: {  	v9 =	vor.u32 s22, v1;
	_ =	sdelay $0x2  }
0x72: {  	v3 =	vadd.f32 v8, v3;
	_ =	sdelay $0x1  }
0x73: {  	[tilespmem:v9+s0+$0x0] =	vst.idx.msk $0xffff, v3  }
0x74: {  	v3 =	vld [tilespmem:s21+$0xFFFFFF50]  }
0x75: {  	v10 =	vld [tilespmem:s20+$0xFFFFFF50]  }
0x76: {  	s23 =	sadd.s32 $0xFFFFEFFA, s13  }
0x77: {  	v11 =	vor.u32 s23, v1;
	_ =	sdelay $0x2  }
0x78: {  	v3 =	vadd.f32 v10, v3;
	_ =	sdelay $0x1  }
0x79: {  	[tilespmem:v11+s0+$0x0] =	vst.idx.msk $0xffff, v3  }
0x7a: {  	v3 =	vld [tilespmem:s21+$0xFFFFFF60]  }
0x7b: {  	v12 =	vld [tilespmem:s20+$0xFFFFFF60]  }
0x7c: {  	s30 =	sadd.s32 $0xFFFFF7FA, s13  }
0x7d: {  	v13 =	vor.u32 s30, v1;
	_ =	sdelay $0x2  }
0x7e: {  	v3 =	vadd.f32 v12, v3;
	_ =	sdelay $0x1  }
0x7f: {  	[tilespmem:v13+s0+$0x0] =	vst.idx.msk $0xffff, v3  }
0x80: {  	v3 =	vld [tilespmem:s21+$0xFFFFFF70]  }
0x81: {  	v14 =	vld [tilespmem:s20+$0xFFFFFF70]  }
0x82: {  	s22 =	sadd.s32 $0xFFFFFFFA, s13  }
0x83: {  	v15 =	vor.u32 s22, v1;
	_ =	sdelay $0x2  }
0x84: {  	v3 =	vadd.f32 v14, v3;
	_ =	sdelay $0x1  }
0x85: {  	[tilespmem:v15+s0+$0x0] =	vst.idx.msk $0xffff, v3  }
0x86: {  	v3 =	vld [tilespmem:s26+$0xFFFFFFD0];
	_ =	sdelay $0x4  }
0x87: {  	[tilespmem:v9+s1+$0x0] =	vst.idx.msk $0xffff, v3  }
0x88: {  	v3 =	vld [tilespmem:s28+$0xFFFFFFD0];
	_ =	sdelay $0x4  }
0x89: {  	[tilespmem:v9+s18+$0x0] =	vst.idx.msk $0xffff, v3  }
0x8a: {  	v3 =	vld [tilespmem:s21+$0xFFFFFF80]  }
0x8b: {  	v16 =	vld [tilespmem:s20+$0xFFFFFF80]  }
0x8c: {  	s23 =	sadd.s32 $0xFFFFE7FB, s13  }
0x8d: {  	v17 =	vor.u32 s23, v1;
	_ =	sdelay $0x2  }
0x8e: {  	v3 =	vadd.f32 v16, v3;
	_ =	sdelay $0x1  }
0x8f: {  	[tilespmem:v17+s0+$0x0] =	vst.idx.msk $0xffff, v3  }
0x90: {  	v3 =	vld [tilespmem:s21+$0xFFFFFF90]  }
0x91: {  	v18 =	vld [tilespmem:s20+$0xFFFFFF90]  }
0x92: {  	s30 =	sadd.s32 $0xFFFFEFFB, s13  }
0x93: {  	v19 =	vor.u32 s30, v1;
	_ =	sdelay $0x2  }
0x94: {  	v3 =	vadd.f32 v18, v3;
	_ =	sdelay $0x1  }
0x95: {  	[tilespmem:v19+s0+$0x0] =	vst.idx.msk $0xffff, v3  }
0x96: {  	v3 =	vld [tilespmem:s21+$0xFFFFFFA0]  }
0x97: {  	v20 =	vld [tilespmem:s20+$0xFFFFFFA0]  }
0x98: {  	s22 =	sadd.s32 $0xFFFFF7FB, s13  }
0x99: {  	v21 =	vor.u32 s22, v1;
	_ =	sdelay $0x2  }
0x9a: {  	v3 =	vadd.f32 v20, v3;
	_ =	sdelay $0x1  }
0x9b: {  	[tilespmem:v21+s0+$0x0] =	vst.idx.msk $0xffff, v3  }
0x9c: {  	v3 =	vld [tilespmem:s21+$0xFFFFFFB0]  }
0x9d: {  	v22 =	vld [tilespmem:s20+$0xFFFFFFB0]  }
0x9e: {  	s23 =	sadd.s32 $0xFFFFFFFB, s13  }
0x9f: {  	v23 =	vor.u32 s23, v1;
	_ =	sdelay $0x2  }
0xa0: {  	v3 =	vadd.f32 v22, v3;
	_ =	sdelay $0x1  }
0xa1: {  	[tilespmem:v23+s0+$0x0] =	vst.idx.msk $0xffff, v3  }
0xa2: {  	v3 =	vld [tilespmem:s26+$0xFFFFFFE0];
	_ =	sdelay $0x4  }
0xa3: {  	[tilespmem:v17+s1+$0x0] =	vst.idx.msk $0xffff, v3  }
0xa4: {  	v3 =	vld [tilespmem:s28+$0xFFFFFFE0];
	_ =	sdelay $0x4  }
0xa5: {  	[tilespmem:v17+s18+$0x0] =	vst.idx.msk $0xffff, v3  }
0xa6: {  	v3 =	vld [tilespmem:s21+$0xFFFFFFC0]  }
0xa7: {  	v24 =	vld [tilespmem:s20+$0xFFFFFFC0]  }
0xa8: {  	s30 =	sadd.s32 $0xFFFFE7FC, s13  }
0xa9: {  	v25 =	vor.u32 s30, v1;
	_ =	sdelay $0x2  }
0xaa: {  	v3 =	vadd.f32 v24, v3;
	_ =	sdelay $0x1  }
0xab: {  	[tilespmem:v25+s0+$0x0] =	vst.idx.msk $0xffff, v3  }
0xac: {  	v3 =	vld [tilespmem:s21+$0xFFFFFFD0]  }
0xad: {  	v26 =	vld [tilespmem:s20+$0xFFFFFFD0]  }
0xae: {  	s22 =	sadd.s32 $0xFFFFEFFC, s13  }
0xaf: {  	v27 =	vor.u32 s22, v1;
	_ =	sdelay $0x2  }
0xb0: {  	v3 =	vadd.f32 v26, v3;
	_ =	sdelay $0x1  }
0xb1: {  	[tilespmem:v27+s0+$0x0] =	vst.idx.msk $0xffff, v3  }
0xb2: {  	v3 =	vld [tilespmem:s21+$0xFFFFFFE0]  }
0xb3: {  	v28 =	vld [tilespmem:s20+$0xFFFFFFE0]  }
0xb4: {  	s23 =	sadd.s32 $0xFFFFF7FC, s13  }
0xb5: {  	v29 =	vor.u32 s23, v1;
	_ =	sdelay $0x2  }
0xb6: {  	v3 =	vadd.f32 v28, v3;
	_ =	sdelay $0x1  }
0xb7: {  	[tilespmem:v29+s0+$0x0] =	vst.idx.msk $0xffff, v3  }
0xb8: {  	v3 =	vld [tilespmem:s21+$0xFFFFFFF0]  }
0xb9: {  	v30 =	vld [tilespmem:s20+$0xFFFFFFF0]  }
0xba: {  	s30 =	sadd.s32 $0xFFFFFFFC, s13  }
0xbb: {  	v31 =	vor.u32 s30, v1;
	_ =	sdelay $0x2  }
0xbc: {  	v3 =	vadd.f32 v30, v3;
	_ =	sdelay $0x1  }
0xbd: {  	[tilespmem:v31+s0+$0x0] =	vst.idx.msk $0xffff, v3  }
0xbe: {  	v3 =	vld [tilespmem:s26+$0xFFFFFFF0];
	_ =	sdelay $0x4  }
0xbf: {  	[tilespmem:v25+s1+$0x0] =	vst.idx.msk $0xffff, v3  }
0xc0: {  	v3 =	vld [tilespmem:s28+$0xFFFFFFF0];
	_ =	sdelay $0x4  }
0xc1: {  	[tilespmem:v25+s18+$0x0] =	vst.idx.msk $0xffff, v3  }
0xc2: {  	v3 =	vld [tilespmem:s21+$0x0]  }
0xc3: {  	v32 =	vld [tilespmem:s20+$0x0]  }
0xc4: {  	s22 =	sadd.s32 $0xFFFFE7FD, s13  }
0xc5: {  	v33 =	vor.u32 s22, v1;
	_ =	sdelay $0x2  }
0xc6: {  	v3 =	vadd.f32 v32, v3;
	_ =	sdelay $0x1  }
0xc7: {  	[tilespmem:v33+s0+$0x0] =	vst.idx.msk $0xffff, v3  }
0xc8: {  	v3 =	vld [tilespmem:s21+$0x10]  }
0xc9: {  	v34 =	vld [tilespmem:s20+$0x10]  }
0xca: {  	s23 =	sadd.s32 $0xFFFFEFFD, s13  }
0xcb: {  	v35 =	vor.u32 s23, v1;
	_ =	sdelay $0x2  }
0xcc: {  	v3 =	vadd.f32 v34, v3;
	_ =	sdelay $0x1  }
0xcd: {  	[tilespmem:v35+s0+$0x0] =	vst.idx.msk $0xffff, v3  }
0xce: {  	v3 =	vld [tilespmem:s21+$0x20]  }
0xcf: {  	v36 =	vld [tilespmem:s20+$0x20]  }
0xd0: {  	s30 =	sadd.s32 $0xFFFFF7FD, s13  }
0xd1: {  	v37 =	vor.u32 s30, v1;
	_ =	sdelay $0x2  }
0xd2: {  	v3 =	vadd.f32 v36, v3;
	_ =	sdelay $0x1  }
0xd3: {  	[tilespmem:v37+s0+$0x0] =	vst.idx.msk $0xffff, v3  }
0xd4: {  	v3 =	vld [tilespmem:s21+$0x30]  }
0xd5: {  	v38 =	vld [tilespmem:s20+$0x30]  }
0xd6: {  	s22 =	sadd.s32 $0xFFFFFFFD, s13  }
0xd7: {  	v39 =	vor.u32 s22, v1;
	_ =	sdelay $0x2  }
0xd8: {  	v3 =	vadd.f32 v38, v3;
	_ =	sdelay $0x1  }
0xd9: {  	[tilespmem:v39+s0+$0x0] =	vst.idx.msk $0xffff, v3  }
0xda: {  	v3 =	vld [tilespmem:s26+$0x0];
	_ =	sdelay $0x4  }
0xdb: {  	[tilespmem:v33+s1+$0x0] =	vst.idx.msk $0xffff, v3  }
0xdc: {  	v3 =	vld [tilespmem:s28+$0x0];
	_ =	sdelay $0x4  }
0xdd: {  	[tilespmem:v33+s18+$0x0] =	vst.idx.msk $0xffff, v3  }
0xde: {  	v3 =	vld [tilespmem:s21+$0x40]  }
0xdf: {  	v40 =	vld [tilespmem:s20+$0x40]  }
0xe0: {  	s23 =	sadd.s32 $0xFFFFE7FE, s13  }
0xe1: {  	v41 =	vor.u32 s23, v1;
	_ =	sdelay $0x2  }
0xe2: {  	v3 =	vadd.f32 v40, v3;
	_ =	sdelay $0x1  }
0xe3: {  	[tilespmem:v41+s0+$0x0] =	vst.idx.msk $0xffff, v3  }
0xe4: {  	v3 =	vld [tilespmem:s21+$0x50]  }
0xe5: {  	v42 =	vld [tilespmem:s20+$0x50]  }
0xe6: {  	s30 =	sadd.s32 $0xFFFFEFFE, s13  }
0xe7: {  	v43 =	vor.u32 s30, v1;
	_ =	sdelay $0x2  }
0xe8: {  	v3 =	vadd.f32 v42, v3;
	_ =	sdelay $0x1  }
0xe9: {  	[tilespmem:v43+s0+$0x0] =	vst.idx.msk $0xffff, v3  }
0xea: {  	v3 =	vld [tilespmem:s21+$0x60]  }
0xeb: {  	v44 =	vld [tilespmem:s20+$0x60]  }
0xec: {  	s22 =	sadd.s32 $0xFFFFF7FE, s13  }
0xed: {  	v45 =	vor.u32 s22, v1;
	_ =	sdelay $0x2  }
0xee: {  	v3 =	vadd.f32 v44, v3;
	_ =	sdelay $0x1  }
0xef: {  	[tilespmem:v45+s0+$0x0] =	vst.idx.msk $0xffff, v3  }
0xf0: {  	v3 =	vld [tilespmem:s21+$0x70]  }
0xf1: {  	v46 =	vld [tilespmem:s20+$0x70]  }
0xf2: {  	s23 =	sadd.s32 $0xFFFFFFFE, s13  }
0xf3: {  	v47 =	vor.u32 s23, v1;
	_ =	sdelay $0x2  }
0xf4: {  	v3 =	vadd.f32 v46, v3;
	_ =	sdelay $0x1  }
0xf5: {  	[tilespmem:v47+s0+$0x0] =	vst.idx.msk $0xffff, v3  }
0xf6: {  	v3 =	vld [tilespmem:s26+$0x10];
	_ =	sdelay $0x4  }
0xf7: {  	[tilespmem:v41+s1+$0x0] =	vst.idx.msk $0xffff, v3  }
0xf8: {  	v3 =	vld [tilespmem:s28+$0x10];
	_ =	sdelay $0x4  }
0xf9: {  	[tilespmem:v41+s18+$0x0] =	vst.idx.msk $0xffff, v3  }
0xfa: {  	v3 =	vld [tilespmem:s21+$0x80]  }
0xfb: {  	v48 =	vld [tilespmem:s20+$0x80]  }
0xfc: {  	s30 =	sadd.s32 $0xFFFFE7FF, s13  }
0xfd: {  	v49 =	vor.u32 s30, v1;
	_ =	sdelay $0x2  }
0xfe: {  	v3 =	vadd.f32 v48, v3;
	_ =	sdelay $0x1  }
0xff: {  	[tilespmem:v49+s0+$0x0] =	vst.idx.msk $0xffff, v3  }
0x100: {  	v3 =	vld [tilespmem:s21+$0x90]  }
0x101: {  	v50 =	vld [tilespmem:s20+$0x90]  }
0x102: {  	s22 =	sadd.s32 $0xFFFFEFFF, s13  }
0x103: {  	v51 =	vor.u32 s22, v1;
	_ =	sdelay $0x2  }
0x104: {  	v3 =	vadd.f32 v50, v3;
	_ =	sdelay $0x1  }
0x105: {  	[tilespmem:v51+s0+$0x0] =	vst.idx.msk $0xffff, v3  }
0x106: {  	v3 =	vld [tilespmem:s21+$0xA0]  }
0x107: {  	v52 =	vld [tilespmem:s20+$0xA0]  }
0x108: {  	s23 =	sadd.s32 $0xFFFFF7FF, s13  }
0x109: {  	v53 =	vor.u32 s23, v1;
	_ =	sdelay $0x2  }
0x10a: {  	v3 =	vadd.f32 v52, v3;
	_ =	sdelay $0x1  }
0x10b: {  	[tilespmem:v53+s0+$0x0] =	vst.idx.msk $0xffff, v3  }
0x10c: {  	v3 =	vld [tilespmem:s21+$0xB0]  }
0x10d: {  	v54 =	vld [tilespmem:s20+$0xB0]  }
0x10e: {  	s30 =	sadd.s32 $0xFFFFFFFF, s13  }
0x10f: {  	v55 =	vor.u32 s30, v1;
	_ =	sdelay $0x2  }
0x110: {  	v3 =	vadd.f32 v54, v3;
	_ =	sdelay $0x1  }
0x111: {  	[tilespmem:v55+s0+$0x0] =	vst.idx.msk $0xffff, v3  }
0x112: {  	v3 =	vld [tilespmem:s26+$0x20];
	_ =	sdelay $0x4  }
0x113: {  	[tilespmem:v49+s1+$0x0] =	vst.idx.msk $0xffff, v3  }
0x114: {  	v3 =	vld [tilespmem:s28+$0x20];
	_ =	sdelay $0x4  }
0x115: {  	[tilespmem:v49+s18+$0x0] =	vst.idx.msk $0xffff, v3  }
0x116: {  	v3 =	vld [tilespmem:s21+$0xC0]  }
0x117: {  	v56 =	vld [tilespmem:s20+$0xC0]  }
0x118: {  	s22 =	sadd.s32 $0xFFFFE800, s13  }
0x119: {  	v57 =	vor.u32 s22, v1;
	_ =	sdelay $0x2  }
0x11a: {  	v3 =	vadd.f32 v56, v3;
	_ =	sdelay $0x1  }
0x11b: {  	[tilespmem:v57+s0+$0x0] =	vst.idx.msk $0xffff, v3  }
0x11c: {  	v3 =	vld [tilespmem:s21+$0xD0]  }
0x11d: {  	v58 =	vld [tilespmem:s20+$0xD0]  }
0x11e: {  	s23 =	sadd.s32 $0xFFFFF000, s13  }
0x11f: {  	v59 =	vor.u32 s23, v1;
	_ =	sdelay $0x2  }
0x120: {  	v3 =	vadd.f32 v58, v3;
	_ =	sdelay $0x1  }
0x121: {  	[tilespmem:v59+s0+$0x0] =	vst.idx.msk $0xffff, v3  }
0x122: {  	v3 =	vld [tilespmem:s21+$0xE0]  }
0x123: {  	v60 =	vld [tilespmem:s20+$0xE0]  }
0x124: {  	s30 =	sadd.s32 $0xFFFFF800, s13  }
0x125: {  	v61 =	vor.u32 s30, v1;
	_ =	sdelay $0x2  }
0x126: {  	v3 =	vadd.f32 v60, v3;
	_ =	sdelay $0x1  }
0x127: {  	[tilespmem:v61+s0+$0x0] =	vst.idx.msk $0xffff, v3  }
0x128: {  	v3 =	vld [tilespmem:s21+$0xF0]  }
0x129: {  	v62 =	vld [tilespmem:s20+$0xF0];
	_ =	sdelay $0x1  }
0x12a: {  	v63 =	vor.u32 s13, v1;
	_ =	sdelay $0x2  }
0x12b: {  	v3 =	vadd.f32 v62, v3;
	_ =	sdelay $0x1  }
0x12c: {  	[tilespmem:v63+s0+$0x0] =	vst.idx.msk $0xffff, v3  }
0x12d: {  	v3 =	vld [tilespmem:s26+$0x30];
	_ =	sdelay $0x4  }
0x12e: {  	[tilespmem:v57+s1+$0x0] =	vst.idx.msk $0xffff, v3  }
0x12f: {  	p0 =	sne.s32 s13, $0x187F;
	v3 =	vld [tilespmem:s28+$0x30]  }
.Ltmp1:
0x130: {  	_ = 	snop;
	(pc) =	sbr.rel @p0 .LBB2_5-.Ltmp1, $3  }
0x131: {  	_ =	sdelay $0x1  }
0x132: {  	s13 =	sadd.s32 $0x8, s13;
	s20 =	sadd.s32 $0x200, s20  }
0x133: {  	s21 =	sadd.s32 $0x200, s21;
	s26 =	sadd.s32 $0x80, s26;
	s28 =	sadd.s32 $0x80, s28;
	[tilespmem:v57+s18+$0x0] =	vst.idx.msk $0xffff, v3  }
0x134: {  	s13 =	simm.s32 $0x0;
	s20 =	simm.s32 $0xA600  }
.LBB2_7:
0x135: {  	v3 =	vld [tilespmem:s20+$0xFFFFFC00];
	_ =	sdelay $0x3  }
0x136: {  	v6 =	vimm.f32 $1.000000000e+00  }
0x137: {  	s28 =	sshll.u32 s13, $0x4;
	v7 =	vadd.f32 v3, v6  }
0x138: {  	v4 =	vld [tilespmem:s28+$0xC200]  }
0x139: {  	v5 =	vld [tilespmem:s28+$0xCA00];
	v3 =	vsub.f32 $0.0e+00, v7  }
0x13a: {  	v8 =	vld [tilespmem:s28+$0xC280]  }
0x13b: {  	v9 =	vld [tilespmem:s28+$0xCA80];
	v3 =	vmul.f32 $1.442695020e+00, v3  }
0x13c: {  	v10 =	vld [tilespmem:s28+$0xCB00]  }
0x13d: {  	(erf) = vpow2.f32 v3;
	v3 =	vld [tilespmem:s28+$0xC300];
	_ =	sdelay $0x3  }
0x13e: {  	v4 =	vmul.f32 v5, v4  }
0x13f: {  	v5 =	vmul.f32 v9, v8;
	v3 =	vmul.f32 v10, v3;
	_ =	sdelay $0x1  }
0x140: {  	v4 =	vadd.f32 v5, v4;
	_ =	sdelay $0x1  }
0x141: {  	v5 =	vadd.f32 v3, v4;
	v3 =	vpop (erf)  }
0x142: {  	s21 =	simm.s32 $0x0;
	v9 =	vadd.f32 $1.000000000e+00, v3  }
0x143: {  	v8 =	vmov s21;
	v4 =	vadd.f32 v5, v5  }
0x144: {  	v13 =	vld [tilespmem:s20+$0xFFFFFC80];
	v8 =	vshrl.u32 v8, $0x3;
	(erf) = vrcp.f32 v9  }
0x145: {  	v8 =	vshll.u32 v8, v2;
	v14 =	vmul.f32 v6, v4  }
0x146: {  	v8 =	vbroadcast v8, $0x0  }
0x147: {  	v14 =	vsub.f32 v14, v5;
	_ =	sdelay $0x1  }
0x148: {  	v24 =	vmul.f32 v14, v4;
	v13 =	vadd.f32 v13, v14  }
0x149: {  	s22 =	simm.s32 $0x2;
	v23 =	vld [tilespmem:s20+$0xFFFFFD00]  }
0x14a: {  	s23 =	simm.s32 $0x8;
	s29 =	simm.s32 $0x6;
	v11 =	vmov s22;
	s22 =	simm.s32 $0x4;
	v6 =	vsub.f32 v24, v6;
	v24 =	vsub.f32 $0.0e+00, v13  }
0x14b: {  	v17 =	vmov s29;
	s29 =	simm.s32 $0xC;
	v15 =	vmov s22;
	v8 =	vld.idx.msk [tilespmem:v8+s16+$0x0], $0xffff;
	v9 =	vmov s23;
	s23 =	simm.s32 $0x3  }
0x14c: {  	v26 =	vld [tilespmem:s20+$0xFFFFFD80];
	v22 =	vmov s29;
	v12 =	vmov s23;
	s23 =	simm.s32 $0x5;
	v24 =	vmul.f32 $1.442695020e+00, v24;
	v25 =	vpop (erf)  }
0x14d: {  	v16 =	vmov s23;
	s23 =	simm.s32 $0x9;
	v7 =	vmul.f32 v25, v7;
	v25 =	vmul.f32 v6, v4  }
0x14e: {  	v11 =	vshrl.u32 v11, $0x3;
	v19 =	vmov s23;
	s23 =	simm.s32 $0xB;
	v23 =	vadd.f32 v23, v6  }
0x14f: {  	v21 =	vmov s23;
	(erf) = vpow2.f32 v24;
	v14 =	vsub.f32 v25, v14  }
0x150: {  	v24 =	vld [tilespmem:s20+$0xFFFFFE00];
	v27 =	vmul.f32 v7, v8;
	v8 =	vshrl.u32 v21, $0x3;
	v21 =	vsub.f32 $0.0e+00, v23  }
0x151: {  	s22 =	simm.s32 $0x7;
	v17 =	vshrl.u32 v17, $0x3;
	v25 =	vadd.f32 v26, v14;
	v26 =	vmul.f32 v14, v4  }
0x152: {  	v18 =	vmov s22;
	v15 =	vshrl.u32 v15, $0x3;
	v21 =	vmul.f32 $1.442695020e+00, v21  }
0x153: {  	v11 =	vshll.u32 v11, v2;
	v17 =	vshll.u32 v17, v2;
	v6 =	vsub.f32 v26, v6  }
0x154: {  	s26 =	simm.s32 $0x1;
	v7 =	vshrl.u32 v22, $0x3;
	v22 =	vsub.f32 $0.0e+00, v25;
	(erf) = vpow2.f32 v21;
	v21 =	vld [tilespmem:s20+$0xFFFFFE80]  }
0x155: {  	v10 =	vmov s26;
	v24 =	vadd.f32 v24, v6;
	v26 =	vmul.f32 v6, v4  }
0x156: {  	v16 =	vshrl.u32 v16, $0x3;
	v19 =	vshrl.u32 v19, $0x3;
	v22 =	vmul.f32 $1.442695020e+00, v22  }
0x157: {  	v28 =	vshll.u32 v16, v2;
	v16 =	vsub.f32 $0.0e+00, v24;
	v14 =	vsub.f32 v26, v14  }
0x158: {  	v10 =	vshrl.u32 v10, $0x3;
	(erf) = vpow2.f32 v22;
	v22 =	vld [tilespmem:s20+$0xFFFFFF00];
	v26 =	vshll.u32 v19, v2  }
0x159: {  	s22 =	simm.s32 $0xA;
	v19 =	vpop (erf);
	v29 =	vmul.f32 $1.442695020e+00, v16;
	v16 =	vadd.f32 v21, v14;
	v21 =	vmul.f32 v14, v4  }
0x15a: {  	v20 =	vmov s22;
	v10 =	vshll.u32 v10, v2;
	v19 =	vadd.f32 $1.000000000e+00, v19  }
0x15b: {  	v15 =	vshll.u32 v15, v2;
	v10 =	vadd.s32 $0x1, v10;
	v6 =	vsub.f32 v21, v6  }
0x15c: {  	v10 =	vbroadcast v10, $0x0;
	v30 =	vsub.f32 $0.0e+00, v16;
	(erf) = vpow2.f32 v29;
	v29 =	vld [tilespmem:s20+$0xFFFFFF80]  }
0x15d: {  	v21 =	vadd.s32 $0x4, v15;
	v15 =	vadd.f32 v22, v6;
	v22 =	vmul.f32 v6, v4  }
0x15e: {  	v12 =	vshrl.u32 v12, $0x3;
	(erf) = vrcp.f32 v19;
	v19 =	vpop (erf);
	v30 =	vmul.f32 $1.442695020e+00, v30  }
0x15f: {  	v12 =	vshll.u32 v12, v2;
	v19 =	vadd.f32 $1.000000000e+00, v19;
	v22 =	vsub.f32 v22, v14  }
0x160: {  	v18 =	vshrl.u32 v18, $0x3;
	v12 =	vadd.s32 $0x3, v12;
	(erf) = vpow2.f32 v30  }
0x161: {  	v31 =	vsub.f32 $0.0e+00, v15;
	(erf) = vrcp.f32 v19;
	v14 =	vadd.f32 v29, v22  }
0x162: {  	v11 =	vadd.s32 $0x2, v11;
	v20 =	vshrl.u32 v20, $0x3;
	v33 =	vld.idx.msk [tilespmem:v10+s16+$0x0], $0xffff;
	v30 =	vbroadcast v12, $0x0  }
0x163: {  	v12 =	vadd.s32 $0x6, v17;
	v17 =	vld [tilespmem:s20+$0x0];
	v31 =	vmul.f32 $1.442695020e+00, v31;
	v10 =	vsub.f32 $0.0e+00, v14  }
0x164: {  	v18 =	vshll.u32 v18, v2;
	v11 =	vbroadcast v11, $0x0;
	v19 =	vpop (erf);
	v29 =	vmul.f32 v22, v4  }
0x165: {  	v32 =	vadd.f32 $1.000000000e+00, v19;
	(erf) = vpow2.f32 v31;
	v31 =	vmul.f32 $1.442695020e+00, v10  }
0x166: {  	v20 =	vshll.u32 v20, v2;
	v6 =	vsub.f32 v29, v6  }
0x167: {  	v19 =	vbroadcast v12, $0x0;
	v12 =	vadd.s32 $0x7, v18;
	v29 =	vld [tilespmem:s20+$0x80];
	(erf) = vrcp.f32 v32;
	v18 =	vpop (erf)  }
0x168: {  	v3 =	vimm.f32 $0.0e+00;
	v10 =	vadd.f32 v17, v6;
	v17 =	vmul.f32 v6, v4;
	v58 =	vpop (erf)  }
0x169: {  	v59 =	vadd.f32 $1.000000000e+00, v18;
	v13 =	vmul.f32 v58, v13;
	(erf) = vpow2.f32 v31;
	v31 =	vpop (erf)  }
0x16a: {  	v11 =	vld.idx.msk [tilespmem:v11+s16+$0x0], $0xffff;
	v18 =	vbroadcast v12, $0x0;
	v12 =	vsub.f32 $0.0e+00, v10;
	v22 =	vsub.f32 v17, v22;
	v61 =	vpop (erf)  }
0x16b: {  	v9 =	vshrl.u32 v9, $0x3;
	v17 =	vld [tilespmem:s20+$0x100];
	v13 =	vmul.f32 v13, v33;
	v23 =	vmul.f32 v61, v23  }
0x16c: {  	v60 =	vmul.f32 $1.442695020e+00, v12;
	v12 =	vadd.f32 v29, v22;
	v29 =	vmul.f32 v22, v4  }
0x16d: {  	(erf) = vrcp.f32 v59;
	v31 =	vadd.f32 $1.000000000e+00, v31;
	v62 =	vadd.f32 v13, v27  }
0x16e: {  	v21 =	vbroadcast v21, $0x0;
	v13 =	vsub.f32 $0.0e+00, v12;
	v6 =	vsub.f32 v29, v6  }
0x16f: {  	v28 =	vadd.s32 $0x5, v28;
	(erf) = vpow2.f32 v60;
	v29 =	vmul.f32 v23, v11;
	v23 =	vpop (erf)  }
0x170: {  	v27 =	vld.idx.msk [tilespmem:v30+s16+$0x0], $0xffff;
	(erf) = vrcp.f32 v31;
	v30 =	vmul.f32 $1.442695020e+00, v13;
	v13 =	vadd.f32 v17, v6;
	v17 =	vpop (erf)  }
0x171: {  	s26 =	simm.s32 $0xD;
	v11 =	vadd.s32 $0x1, v26;
	v26 =	vld [tilespmem:s20+$0x180];
	v31 =	vmul.f32 v6, v4;
	v25 =	vmul.f32 v17, v25  }
0x172: {  	v5 =	vmov s26;
	v9 =	vshll.u32 v9, v2;
	v28 =	vbroadcast v28, $0x0  }
0x173: {  	v9 =	vbroadcast v9, $0x0;
	v22 =	vsub.f32 v31, v22;
	v63 =	vadd.f32 $1.000000000e+00, v23  }
0x174: {  	v34 =	vld.idx.msk [tilespmem:v21+s16+$0x0], $0xffff;
	(erf) = vpow2.f32 v30;
	v17 =	vbroadcast v11, $0x0;
	v11 =	vsub.f32 $0.0e+00, v13  }
0x175: {  	v23 =	vadd.s32 $0x2, v20;
	v20 =	vld [tilespmem:s20+$0x200];
	(erf) = vrcp.f32 v63;
	v21 =	vmul.f32 v25, v27;
	v25 =	vpop (erf)  }
0x176: {  	v30 =	vmul.f32 $1.442695020e+00, v11;
	v11 =	vadd.f32 v26, v22;
	v26 =	vmul.f32 v22, v4;
	v27 =	vpop (erf)  }
0x177: {  	v29 =	vadd.f32 v21, v29;
	v31 =	vadd.f32 $1.000000000e+00, v25;
	v24 =	vmul.f32 v27, v24  }
0x178: {  	s30 =	simm.s32 $0xF;
	v21 =	vsub.f32 v26, v6;
	(erf) = vpow2.f32 v30;
	v25 =	vld.idx.msk [tilespmem:v28+s16+$0x0], $0xffff;
	v27 =	vsub.f32 $0.0e+00, v11  }
0x179: {  	s29 =	simm.s32 $0x1F;
	s21 =	simm.s32 $0x2F;
	s26 =	smov.u32 s20;
	v26 =	vld [tilespmem:s20+$0x280];
	v6 =	vadd.f32 v29, v62;
	v28 =	vpop (erf);
	(erf) = vrcp.f32 v31;
	v24 =	vmul.f32 v24, v34  }
.LBB2_8:
0x17a: {  	p0 =	sne.s32 s21, $0x3F;
	v27 =	vmul.f32 $1.442695020e+00, v27;
	v20 =	vadd.f32 v20, v21;
	v29 =	vmul.f32 v21, v4;
	v30 =	vpop (erf)  }
0x17b: {  	v31 =	vadd.f32 $1.000000000e+00, v28;
	v23 =	vbroadcast v23, $0x0;
	v16 =	vmul.f32 v30, v16;
	v19 =	vld.idx.msk [tilespmem:v19+s16+$0x0], $0xffff  }
0x17c: {  	v32 =	vsub.f32 $0.0e+00, v20;
	v22 =	vsub.f32 v29, v22;
	(erf) = vpow2.f32 v27  }
0x17d: {  	v8 =	vshll.u32 v8, v2;
	v25 =	vmul.f32 v16, v25;
	v27 =	vld [tilespmem:s26+$0x300];
	(erf) = vrcp.f32 v31;
	v28 =	vpop (erf)  }
0x17e: {  	v29 =	vmul.f32 $1.442695020e+00, v32;
	v16 =	vadd.f32 v26, v22;
	v26 =	vmul.f32 v22, v4;
	v30 =	vpop (erf)  }
0x17f: {  	v15 =	vmul.f32 v30, v15;
	v18 =	vld.idx.msk [tilespmem:v18+s16+$0x0], $0xffff;
	v30 =	vadd.f32 $1.000000000e+00, v28;
	v24 =	vadd.f32 v25, v24  }
0x180: {  	v25 =	vsub.f32 $0.0e+00, v16;
	v21 =	vsub.f32 v26, v21;
	(erf) = vpow2.f32 v29  }
0x181: {  	v8 =	vadd.s32 $0x3, v8;
	v19 =	vmul.f32 v15, v19;
	v26 =	vld [tilespmem:s26+$0x380];
	(erf) = vrcp.f32 v30;
	v28 =	vpop (erf)  }
0x182: {  	v25 =	vmul.f32 $1.442695020e+00, v25;
	v15 =	vadd.f32 v27, v21;
	v27 =	vmul.f32 v21, v4;
	v29 =	vpop (erf)  }
0x183: {  	v14 =	vmul.f32 v29, v14;
	v29 =	vld.idx.msk [tilespmem:v9+s16+$0x0], $0xffff;
	v9 =	vadd.f32 $1.000000000e+00, v28;
	v28 =	vbroadcast v8, $0x0  }
0x184: {  	s26 =	sadd.s32 $0x800, s26;
	v30 =	vsub.f32 $0.0e+00, v15;
	v8 =	vsub.f32 v27, v22;
	(erf) = vpow2.f32 v25  }
0x185: {  	v22 =	vld [tilespmem:s26+$0xFFFFFC00];
	v14 =	vmul.f32 v14, v18;
	v18 =	vshll.u32 v7, v2;
	(erf) = vrcp.f32 v9;
	v7 =	vpop (erf)  }
0x186: {  	v25 =	vmul.f32 $1.442695020e+00, v30;
	v9 =	vadd.f32 v26, v8;
	v26 =	vmul.f32 v8, v4;
	v27 =	vpop (erf)  }
0x187: {  	v10 =	vmul.f32 v27, v10;
	v17 =	vld.idx.msk [tilespmem:v17+s16+$0x0], $0xffff;
	v27 =	vadd.f32 $1.000000000e+00, v7;
	v14 =	vadd.f32 v14, v19  }
0x188: {  	v19 =	vsub.f32 $0.0e+00, v9;
	v7 =	vsub.f32 v26, v21;
	(erf) = vpow2.f32 v25  }
0x189: {  	v21 =	vmul.f32 v10, v29;
	v14 =	vadd.f32 v14, v24;
	(erf) = vrcp.f32 v27;
	v24 =	vpop (erf)  }
0x18a: {  	v10 =	vadd.f32 v22, v7;
	v22 =	vadd.f32 $1.000000000e+00, v24;
	v19 =	vmul.f32 $1.442695020e+00, v19;
	v24 =	vpop (erf)  }
0x18b: {  	v18 =	vadd.s32 $0x4, v18;
	v12 =	vmul.f32 v24, v12;
	v23 =	vld.idx.msk [tilespmem:v23+s16+$0x0], $0xffff;
	v6 =	vadd.f32 v14, v6  }
0x18c: {  	v18 =	vbroadcast v18, $0x0;
	v14 =	vsub.f32 $0.0e+00, v10;
	(erf) = vpow2.f32 v19  }
0x18d: {  	v5 =	vshrl.u32 v5, $0x3;
	v12 =	vmul.f32 v12, v17;
	(erf) = vrcp.f32 v22;
	v17 =	vpop (erf)  }
0x18e: {  	v5 =	vshll.u32 v5, v2;
	v14 =	vmul.f32 $1.442695020e+00, v14;
	v22 =	vadd.f32 $1.000000000e+00, v17;
	v19 =	vpop (erf)  }
0x18f: {  	s22 =	sadd.s32 $0xFFFFFFFF, s30;
	v5 =	vadd.s32 $0x5, v5;
	v13 =	vmul.f32 v19, v13;
	v19 =	vld.idx.msk [tilespmem:v28+s16+$0x0], $0xffff;
	v12 =	vadd.f32 v12, v21  }
0x190: {  	v5 =	vbroadcast v5, $0x0;
	(erf) = vpow2.f32 v14;
	v14 =	vmov s22  }
0x191: {  	v13 =	vmul.f32 v13, v23;
	v14 =	vshrl.u32 v14, $0x3;
	(erf) = vrcp.f32 v22;
	v17 =	vpop (erf)  }
0x192: {  	v14 =	vshll.u32 v14, v2;
	v17 =	vadd.f32 $1.000000000e+00, v17;
	v21 =	vpop (erf)  }
0x193: {  	s22 =	sadd.s32 $0xFFFFFFF1, s29;
	v23 =	vmov s30;
	s30 =	smov.u32 s29;
	s29 =	smov.u32 s21;
	v11 =	vmul.f32 v21, v11;
	v18 =	vld.idx.msk [tilespmem:v18+s16+$0x0], $0xffff;
	v14 =	vadd.s32 $0x6, v14  }
0x194: {  	v22 =	vmov s22;
	s22 =	sadd.s32 $0xFFFFFFF9, s30;
	v14 =	vbroadcast v14, $0x0;
	(erf) = vrcp.f32 v17  }
0x195: {  	s23 =	sadd.s32 $0xFFFFFFF2, s30;
	v17 =	vmov s22;
	v11 =	vmul.f32 v11, v19;
	v19 =	vshrl.u32 v23, $0x3;
	v21 =	vpop (erf)  }
0x196: {  	v23 =	vmov s23;
	v19 =	vshll.u32 v19, v2;
	v21 =	vadd.f32 $1.000000000e+00, v21;
	v24 =	vpop (erf)  }
0x197: {  	s22 =	sadd.s32 $0xFFFFFFF3, s30;
	v20 =	vmul.f32 v24, v20;
	v5 =	vld.idx.msk [tilespmem:v5+s16+$0x0], $0xffff;
	v19 =	vadd.s32 $0x7, v19;
	v11 =	vadd.f32 v11, v13  }
0x198: {  	v13 =	vmov s22;
	s22 =	sadd.s32 $0xFFFFFFF4, s30;
	v19 =	vbroadcast v19, $0x0;
	(erf) = vrcp.f32 v21  }
0x199: {  	v21 =	vmov s22;
	s22 =	sadd.s32 $0xFFFFFFF5, s30;
	v24 =	vpop (erf);
	v18 =	vmul.f32 v20, v18;
	v11 =	vadd.f32 v11, v12  }
0x19a: {  	v12 =	vshrl.u32 v22, $0x3;
	v22 =	vmov s22;
	s22 =	sadd.s32 $0xFFFFFFF6, s30;
	v20 =	vadd.f32 $1.000000000e+00, v24;
	v14 =	vld.idx.msk [tilespmem:v14+s16+$0x0], $0xffff;
	v24 =	vpop (erf)  }
0x19b: {  	v12 =	vshll.u32 v12, v2;
	v25 =	vmov s22;
	s22 =	sadd.s32 $0xFFFFFFF7, s30;
	v28 =	vmul.f32 v24, v16  }
0x19c: {  	s23 =	sadd.s32 $0xFFFFFFFA, s30;
	v12 =	vbroadcast v12, $0x0;
	v24 =	vmov s22;
	s22 =	sadd.s32 $0xFFFFFFF8, s30;
	(erf) = vrcp.f32 v20  }
0x19d: {  	v27 =	vmov s23;
	s23 =	sadd.s32 $0xFFFFFFFC, s30;
	v26 =	vmov s22;
	s22 =	sadd.s32 $0xFFFFFFFB, s30;
	v20 =	vld [tilespmem:s26+$0xFFFFFC80];
	v5 =	vmul.f32 v28, v5;
	v16 =	vpop (erf)  }
0x19e: {  	v29 =	vmov s23;
	v28 =	vmov s22;
	s22 =	sadd.s32 $0xFFFFFFFD, s30;
	v15 =	vmul.f32 v16, v15;
	v16 =	vld.idx.msk [tilespmem:v19+s16+$0x0], $0xffff  }
0x19f: {  	v19 =	vmul.f32 v7, v4;
	v30 =	vmov s22;
	s22 =	sadd.s32 $0xFFFFFFFE, s30;
	v18 =	vadd.f32 v5, v18  }
0x1a0: {  	v31 =	vshrl.u32 v17, $0x3;
	v5 =	vmov s22;
	v14 =	vmul.f32 v15, v14  }
0x1a1: {  	v15 =	vsub.f32 v19, v8;
	v19 =	vshrl.u32 v23, $0x3;
	v23 =	vshrl.u32 v13, $0x3;
	v8 =	vld [tilespmem:s26+$0xFFFFFD00];
	v13 =	vpop (erf)  }
0x1a2: {  	v21 =	vshrl.u32 v21, $0x3;
	v22 =	vshrl.u32 v22, $0x3;
	v32 =	vld.idx.msk [tilespmem:v12+s16+$0x0], $0xffff;
	v9 =	vmul.f32 v13, v9  }
0x1a3: {  	v12 =	vadd.f32 v20, v15;
	v13 =	vmul.f32 v15, v4;
	v20 =	vshrl.u32 v25, $0x3  }
0x1a4: {  	v24 =	vshrl.u32 v24, $0x3;
	v25 =	vshrl.u32 v26, $0x3;
	v9 =	vmul.f32 v9, v16  }
0x1a5: {  	v27 =	vshrl.u32 v27, $0x3;
	v16 =	vsub.f32 $0.0e+00, v12;
	v26 =	vsub.f32 v13, v7;
	v7 =	vpop (erf)  }
0x1a6: {  	v28 =	vshrl.u32 v28, $0x3;
	v7 =	vmul.f32 v7, v10;
	v10 =	vld [tilespmem:s26+$0xFFFFFD80];
	v9 =	vadd.f32 v9, v14  }
0x1a7: {  	v14 =	vmul.f32 $1.442695020e+00, v16;
	v17 =	vadd.f32 v8, v26;
	v16 =	vmul.f32 v26, v4  }
0x1a8: {  	v8 =	vshrl.u32 v29, $0x3;
	v13 =	vmul.f32 v7, v32;
	v9 =	vadd.f32 v9, v18  }
0x1a9: {  	v18 =	vsub.f32 $0.0e+00, v17;
	v15 =	vsub.f32 v16, v15;
	(erf) = vpow2.f32 v14  }
0x1aa: {  	v16 =	vshll.u32 v31, v2;
	v7 =	vshrl.u32 v30, $0x3;
	v14 =	vld [tilespmem:s26+$0xFFFFFE00];
	v9 =	vadd.f32 v9, v11  }
0x1ab: {  	v18 =	vmul.f32 $1.442695020e+00, v18;
	v11 =	vadd.f32 v10, v15;
	v10 =	vmul.f32 v15, v4  }
0x1ac: {  	v19 =	vshll.u32 v19, v2;
	v23 =	vshll.u32 v23, v2;
	v6 =	vadd.f32 v9, v6  }
0x1ad: {  	v9 =	vsub.f32 $0.0e+00, v11;
	v10 =	vsub.f32 v10, v26;
	(erf) = vpow2.f32 v18  }
0x1ae: {  	v18 =	vshll.u32 v21, v2;
	v21 =	vshll.u32 v22, v2;
	v22 =	vld [tilespmem:s26+$0xFFFFFE80];
	v3 =	vadd.f32 v6, v3  }
0x1af: {  	v9 =	vmul.f32 $1.442695020e+00, v9;
	v6 =	vadd.f32 v14, v10;
	v14 =	vmul.f32 v10, v4  }
0x1b0: {  	v24 =	vshll.u32 v24, v2;
	v20 =	vshll.u32 v20, v2;
	v25 =	vshll.u32 v25, v2  }
0x1b1: {  	v26 =	vsub.f32 $0.0e+00, v6;
	v14 =	vsub.f32 v14, v15;
	(erf) = vpow2.f32 v9  }
0x1b2: {  	v27 =	vshll.u32 v27, v2;
	v15 =	vadd.s32 $0x1, v19;
	v9 =	vbroadcast v16, $0x0;
	v19 =	vld [tilespmem:s26+$0xFFFFFF00];
	v29 =	vpop (erf)  }
0x1b3: {  	v26 =	vmul.f32 $1.442695020e+00, v26;
	v16 =	vadd.f32 v22, v14;
	v22 =	vmul.f32 v14, v4  }
0x1b4: {  	v23 =	vadd.s32 $0x2, v23;
	v18 =	vadd.s32 $0x3, v18;
	v31 =	vadd.f32 $1.000000000e+00, v29  }
0x1b5: {  	v30 =	vsub.f32 $0.0e+00, v16;
	v10 =	vsub.f32 v22, v10;
	(erf) = vpow2.f32 v26  }
0x1b6: {  	v21 =	vadd.s32 $0x4, v21;
	v22 =	vbroadcast v15, $0x0;
	v26 =	vld [tilespmem:s26+$0xFFFFFF80];
	(erf) = vrcp.f32 v31;
	v29 =	vpop (erf)  }
0x1b7: {  	v30 =	vmul.f32 $1.442695020e+00, v30;
	v15 =	vadd.f32 v19, v10;
	v33 =	vmul.f32 v10, v4  }
0x1b8: {  	v23 =	vbroadcast v23, $0x0;
	v20 =	vadd.s32 $0x5, v20;
	v29 =	vadd.f32 $1.000000000e+00, v29  }
0x1b9: {  	v31 =	vsub.f32 $0.0e+00, v15;
	v32 =	vsub.f32 v33, v14;
	(erf) = vpow2.f32 v30  }
0x1ba: {  	v30 =	vbroadcast v18, $0x0;
	v18 =	vadd.s32 $0x6, v24;
	v24 =	vld [tilespmem:s26+$0x0];
	(erf) = vrcp.f32 v29;
	v19 =	vpop (erf)  }
0x1bb: {  	v34 =	vmul.f32 $1.442695020e+00, v31;
	v14 =	vadd.f32 v26, v32;
	v26 =	vmul.f32 v32, v4  }
0x1bc: {  	v21 =	vbroadcast v21, $0x0;
	v33 =	vbroadcast v20, $0x0;
	v35 =	vadd.f32 $1.000000000e+00, v19;
	v22 =	vld.idx.msk [tilespmem:v22+s16+$0x0], $0xffff  }
0x1bd: {  	v20 =	vsub.f32 $0.0e+00, v14;
	v26 =	vsub.f32 v26, v10;
	(erf) = vpow2.f32 v34  }
0x1be: {  	v19 =	vbroadcast v18, $0x0;
	v18 =	vadd.s32 $0x7, v25;
	v25 =	vld [tilespmem:s26+$0x80];
	(erf) = vrcp.f32 v35;
	v29 =	vpop (erf)  }
0x1bf: {  	v20 =	vmul.f32 $1.442695020e+00, v20;
	v10 =	vadd.f32 v24, v26;
	v24 =	vmul.f32 v26, v4;
	v31 =	vpop (erf)  }
0x1c0: {  	v18 =	vbroadcast v18, $0x0;
	v34 =	vadd.f32 $1.000000000e+00, v29;
	v12 =	vmul.f32 v31, v12;
	v23 =	vld.idx.msk [tilespmem:v23+s16+$0x0], $0xffff  }
0x1c1: {  	v31 =	vsub.f32 $0.0e+00, v10;
	v24 =	vsub.f32 v24, v32;
	(erf) = vpow2.f32 v20  }
0x1c2: {  	v28 =	vshll.u32 v28, v2;
	v20 =	vmul.f32 v12, v22;
	v22 =	vld [tilespmem:s26+$0x100];
	(erf) = vrcp.f32 v34;
	v29 =	vpop (erf)  }
0x1c3: {  	v31 =	vmul.f32 $1.442695020e+00, v31;
	v12 =	vadd.f32 v25, v24;
	v25 =	vmul.f32 v24, v4;
	v32 =	vpop (erf)  }
0x1c4: {  	v29 =	vadd.f32 $1.000000000e+00, v29;
	v17 =	vmul.f32 v32, v17;
	v30 =	vld.idx.msk [tilespmem:v30+s16+$0x0], $0xffff;
	v32 =	vadd.f32 v20, v13  }
0x1c5: {  	v13 =	vsub.f32 $0.0e+00, v12;
	v26 =	vsub.f32 v25, v26;
	(erf) = vpow2.f32 v31  }
0x1c6: {  	v31 =	vmul.f32 v17, v23;
	v17 =	vadd.s32 $0x1, v27;
	v25 =	vld [tilespmem:s26+$0x180];
	(erf) = vrcp.f32 v29;
	v20 =	vpop (erf)  }
0x1c7: {  	v23 =	vmul.f32 $1.442695020e+00, v13;
	v13 =	vadd.f32 v22, v26;
	v22 =	vmul.f32 v26, v4;
	v27 =	vpop (erf)  }
0x1c8: {  	v34 =	vadd.f32 $1.000000000e+00, v20;
	v17 =	vbroadcast v17, $0x0;
	v11 =	vmul.f32 v27, v11;
	v29 =	vld.idx.msk [tilespmem:v21+s16+$0x0], $0xffff  }
0x1c9: {  	v27 =	vsub.f32 $0.0e+00, v13;
	v22 =	vsub.f32 v22, v24;
	(erf) = vpow2.f32 v23  }
.Ltmp2:
0x1ca: {  	v23 =	vadd.s32 $0x2, v28;
	v24 =	vmul.f32 v11, v30;
	v20 =	vld [tilespmem:s26+$0x200];
	(erf) = vrcp.f32 v34;
	v21 =	vpop (erf);
	(pc) =	sbr.rel @p0 .LBB2_8-.Ltmp2, $4  }
0x1cb: {  	v34 =	vmul.f32 $1.442695020e+00, v27;
	v11 =	vadd.f32 v25, v22;
	v30 =	vmul.f32 v22, v4;
	v25 =	vpop (erf)  }
0x1cc: {  	v6 =	vmul.f32 v25, v6;
	v25 =	vld.idx.msk [tilespmem:v33+s16+$0x0], $0xffff;
	v33 =	vadd.f32 $1.000000000e+00, v21;
	v31 =	vadd.f32 v24, v31  }
0x1cd: {  	v27 =	vsub.f32 $0.0e+00, v11;
	v21 =	vsub.f32 v30, v26;
	(erf) = vpow2.f32 v34  }
0x1ce: {  	s21 =	sadd.s32 $0x10, s21;
	v24 =	vmul.f32 v6, v29;
	v26 =	vld [tilespmem:s26+$0x280];
	v6 =	vadd.f32 v31, v32;
	(erf) = vrcp.f32 v33;
	v28 =	vpop (erf)  }
0x1cf: {  	v29 =	vmul.f32 v21, v4  }
0x1d0: {  	v27 =	vmul.f32 $1.442695020e+00, v27;
	v20 =	vadd.f32 v20, v21;
	v28 =	vadd.f32 $1.000000000e+00, v28  }
0x1d1: {  	v30 =	vpop (erf);
	v8 =	vshll.u32 v8, v2;
	v45 =	vshll.u32 v7, v2;
	v22 =	vsub.f32 v29, v22  }
0x1d2: {  	v5 =	vshrl.u32 v5, $0x3;
	v16 =	vmul.f32 v30, v16;
	v30 =	vbroadcast v23, $0x0  }
0x1d3: {  	v19 =	vld.idx.msk [tilespmem:v19+s16+$0x0], $0xffff;
	v8 =	vadd.s32 $0x3, v8;
	v58 =	vadd.s32 $0x4, v45;
	v32 =	vmul.f32 v22, v4  }
0x1d4: {  	v62 =	vld [tilespmem:s26+$0x300];
	v5 =	vshll.u32 v5, v2;
	v61 =	vsub.f32 $0.0e+00, v20;
	(erf) = vpow2.f32 v27  }
0x1d5: {  	v51 =	vld.idx.msk [tilespmem:v17+s16+$0x0], $0xffff;
	v41 =	vbroadcast v8, $0x0;
	v17 =	vbroadcast v58, $0x0;
	v63 =	vpop (erf);
	v36 =	vsub.f32 v32, v21  }
0x1d6: {  	(erf) = vrcp.f32 v28;
	v23 =	vmul.f32 $1.442695020e+00, v61;
	v26 =	vadd.f32 v26, v22;
	v33 =	vpop (erf)  }
0x1d7: {  	v5 =	vadd.s32 $0x5, v5;
	v15 =	vmul.f32 v33, v15;
	v39 =	vmul.f32 v36, v4  }
0x1d8: {  	v34 =	vld.idx.msk [tilespmem:v18+s16+$0x0], $0xffff;
	v16 =	vmul.f32 v16, v25;
	v27 =	vadd.f32 $1.000000000e+00, v63;
	v35 =	vsub.f32 $0.0e+00, v26  }
0x1d9: {  	v37 =	vld [tilespmem:s26+$0x380];
	(erf) = vpow2.f32 v23;
	v19 =	vmul.f32 v15, v19;
	v38 =	vpop (erf);
	v22 =	vsub.f32 v39, v22  }
0x1da: {  	(erf) = vrcp.f32 v27;
	v18 =	vmul.f32 $1.442695020e+00, v35;
	v15 =	vadd.f32 v62, v36;
	v40 =	vpop (erf)  }
0x1db: {  	v24 =	vadd.f32 v16, v24;
	v14 =	vmul.f32 v40, v14;
	v47 =	vmul.f32 v22, v4  }
0x1dc: {  	s21 =	sadd.s32 $0x800, s26;
	s22 =	sadd.s32 $0xFFFFFFFF, s30;
	v27 =	vadd.f32 $1.000000000e+00, v38;
	v43 =	vsub.f32 $0.0e+00, v15;
	(erf) = vpow2.f32 v18  }
0x1dd: {  	v44 =	vld [tilespmem:s21+$0xFFFFFC00];
	v35 =	vmov s22;
	v14 =	vmul.f32 v14, v34;
	v53 =	vsub.f32 v47, v36  }
0x1de: {  	v42 =	vld.idx.msk [tilespmem:v9+s16+$0x0], $0xffff;
	s26 =	sadd.s32 $0xFFFFFFF9, s29;
	(erf) = vrcp.f32 v27;
	v46 =	vpop (erf);
	v9 =	vmul.f32 $1.442695020e+00, v43;
	v16 =	vadd.f32 v37, v22  }
0x1df: {  	v27 =	vmov s26;
	v49 =	vadd.f32 $1.000000000e+00, v46;
	v59 =	vmul.f32 v53, v4  }
0x1e0: {  	s23 =	sadd.s32 $0xFFFFFFF1, s29;
	v48 =	vpop (erf);
	v37 =	vbroadcast v5, $0x0;
	v52 =	vsub.f32 $0.0e+00, v16;
	(erf) = vpow2.f32 v9  }
0x1e1: {  	v43 =	vmov s23;
	v10 =	vmul.f32 v48, v10;
	v63 =	vsub.f32 v59, v22  }
0x1e2: {  	(erf) = vrcp.f32 v49;
	v54 =	vpop (erf);
	v23 =	vadd.f32 v44, v53;
	v56 =	vmul.f32 $1.442695020e+00, v52  }
0x1e3: {  	s23 =	sadd.s32 $0xFFFFFFF2, s29;
	v50 =	vadd.f32 v14, v19;
	v55 =	vadd.f32 $1.000000000e+00, v54;
	v34 =	vmul.f32 v63, v4  }
0x1e4: {  	v29 =	vmov s23;
	v57 =	vpop (erf);
	v60 =	vsub.f32 $0.0e+00, v23;
	(erf) = vpow2.f32 v56  }
0x1e5: {  	v12 =	vmul.f32 v57, v12;
	v62 =	vpop (erf);
	(erf) = vrcp.f32 v55;
	v18 =	vsub.f32 v34, v53  }
0x1e6: {  	v47 =	vld [tilespmem:s21+$0xFFFFFC80];
	v8 =	vmul.f32 v10, v42;
	v7 =	vadd.f32 v50, v24;
	v32 =	vmul.f32 $1.442695020e+00, v60  }
0x1e7: {  	v36 =	vld.idx.msk [tilespmem:v41+s16+$0x0], $0xffff;
	v9 =	vmul.f32 v12, v51;
	v12 =	vadd.f32 $1.000000000e+00, v62;
	v41 =	vmul.f32 v18, v4  }
0x1e8: {  	v61 =	vld.idx.msk [tilespmem:v30+s16+$0x0], $0xffff;
	v10 =	vshrl.u32 v35, $0x3;
	v42 =	vmov s30;
	v33 =	vpop (erf);
	(erf) = vpow2.f32 v32  }
0x1e9: {  	s30 =	sadd.s32 $0xFFFFFFF3, s29;
	v10 =	vshll.u32 v10, v2;
	v38 =	vpop (erf);
	(erf) = vrcp.f32 v12;
	v12 =	vsub.f32 v41, v63  }
0x1ea: {  	v48 =	vshrl.u32 v42, $0x3;
	v30 =	vmov s30;
	v10 =	vadd.s32 $0x6, v10  }
0x1eb: {  	v17 =	vld.idx.msk [tilespmem:v17+s16+$0x0], $0xffff;
	v28 =	vadd.f32 v47, v63;
	v13 =	vmul.f32 v33, v13;
	v39 =	vpop (erf);
	v51 =	vmul.f32 v12, v4  }
0x1ec: {  	v52 =	vld [tilespmem:s21+$0xFFFFFD00];
	v54 =	vshrl.u32 v43, $0x3;
	v44 =	vbroadcast v10, $0x0;
	v11 =	vmul.f32 v39, v11  }
0x1ed: {  	v33 =	vsub.f32 $0.0e+00, v28;
	v34 =	vld [tilespmem:s21+$0xFFFFFD80];
	v5 =	vmul.f32 v13, v61;
	v49 =	vpop (erf);
	v32 =	vsub.f32 v51, v18  }
0x1ee: {  	v40 =	vadd.f32 $1.000000000e+00, v38;
	v10 =	vmul.f32 v11, v36;
	v11 =	vshll.u32 v48, v2;
	v50 =	vpop (erf)  }
0x1ef: {  	v11 =	vadd.s32 $0x7, v11;
	v20 =	vmul.f32 v50, v20;
	v55 =	vmul.f32 v32, v4  }
0x1f0: {  	(erf) = vrcp.f32 v40;
	v19 =	vadd.f32 $1.000000000e+00, v49;
	v31 =	vbroadcast v11, $0x0  }
0x1f1: {  	v53 =	vpop (erf);
	v11 =	vmul.f32 v20, v17;
	v20 =	vadd.f32 v52, v18;
	v35 =	vsub.f32 v55, v12  }
0x1f2: {  	v60 =	vld [tilespmem:s21+$0xFFFFFE00];
	v58 =	vmul.f32 $1.442695020e+00, v33;
	v17 =	vadd.f32 v34, v12;
	v13 =	vadd.f32 $1.000000000e+00, v53  }
0x1f3: {  	v22 =	vld.idx.msk [tilespmem:v37+s16+$0x0], $0xffff;
	(erf) = vrcp.f32 v19;
	v37 =	vsub.f32 $0.0e+00, v20;
	v61 =	vmul.f32 v35, v4  }
0x1f4: {  	v14 =	vshll.u32 v54, v2;
	v47 =	vsub.f32 $0.0e+00, v17;
	(erf) = vrcp.f32 v13  }
0x1f5: {  	s26 =	sadd.s32 $0xFFFFFFF5, s29;
	v46 =	vld [tilespmem:s21+$0xFFFFFE80];
	s23 =	sadd.s32 $0xFFFFFFF4, s29;
	(erf) = vpow2.f32 v58;
	v45 =	vmul.f32 $1.442695020e+00, v37;
	v63 =	vsub.f32 v61, v32  }
0x1f6: {  	v56 =	vmov s26;
	v19 =	vmov s23;
	v49 =	vmul.f32 $1.442695020e+00, v47  }
0x1f7: {  	s30 =	sadd.s32 $0xFFFFFFF6, s29;
	s23 =	sadd.s32 $0xFFFFFFF7, s29;
	v21 =	vadd.f32 v60, v32;
	(erf) = vpow2.f32 v45;
	v40 =	vmul.f32 v63, v4  }
0x1f8: {  	v59 =	vmov s30;
	v25 =	vld.idx.msk [tilespmem:v44+s16+$0x0], $0xffff;
	v36 =	vbroadcast v14, $0x0;
	v62 =	vmov s23;
	v57 =	vpop (erf)  }
0x1f9: {  	v52 =	vld [tilespmem:s21+$0xFFFFFF00];
	v51 =	vsub.f32 $0.0e+00, v21;
	v41 =	vpop (erf);
	(erf) = vpow2.f32 v49;
	v50 =	vsub.f32 v40, v35  }
0x1fa: {  	v34 =	vshrl.u32 v19, $0x3;
	v48 =	vmul.f32 v41, v15;
	v14 =	vadd.f32 v46, v35  }
0x1fb: {  	v33 =	vshrl.u32 v62, $0x3;
	v15 =	vmul.f32 $1.442695020e+00, v51;
	v45 =	vld [tilespmem:s21+$0xFFFFFF80];
	v54 =	vmul.f32 v50, v4  }
0x1fc: {  	v26 =	vmul.f32 v57, v26;
	v46 =	vshrl.u32 v56, $0x3;
	v44 =	vsub.f32 $0.0e+00, v14;
	v53 =	vpop (erf)  }
0x1fd: {  	v13 =	vmul.f32 v48, v25;
	(erf) = vpow2.f32 v15;
	v25 =	vpop (erf);
	v35 =	vsub.f32 v54, v63  }
0x1fe: {  	v32 =	vshrl.u32 v59, $0x3;
	v44 =	vmul.f32 $1.442695020e+00, v44;
	v15 =	vadd.f32 v52, v63;
	v43 =	vpop (erf)  }
0x1ff: {  	v41 =	vmul.f32 v53, v16;
	v43 =	vadd.f32 $1.000000000e+00, v43;
	v55 =	vmul.f32 v35, v4  }
0x200: {  	v40 =	vshrl.u32 v27, $0x3;
	v57 =	vsub.f32 $0.0e+00, v15;
	v16 =	vadd.f32 v45, v50;
	v56 =	vpop (erf)  }
0x201: {  	v58 =	vld [tilespmem:s21+$0x0];
	(erf) = vrcp.f32 v43;
	v19 =	vadd.f32 $1.000000000e+00, v56;
	v27 =	vsub.f32 v55, v50  }
0x202: {  	v31 =	vld.idx.msk [tilespmem:v31+s16+$0x0], $0xffff;
	v59 =	vmul.f32 $1.442695020e+00, v57;
	v62 =	vsub.f32 $0.0e+00, v16;
	v61 =	vpop (erf);
	(erf) = vpow2.f32 v44  }
0x203: {  	v47 =	vld [tilespmem:s21+$0x80];
	v63 =	vadd.f32 $1.000000000e+00, v61;
	(erf) = vrcp.f32 v19;
	v60 =	vmul.f32 v27, v4  }
0x204: {  	v52 =	vmul.f32 $1.442695020e+00, v62;
	(erf) = vpow2.f32 v59  }
0x205: {  	v29 =	vshrl.u32 v29, $0x3;
	(erf) = vrcp.f32 v63;
	v48 =	vsub.f32 v60, v35  }
0x206: {  	v30 =	vshrl.u32 v30, $0x3;
	s26 =	sadd.s32 $0xFFFFFFF8, s29;
	v18 =	vadd.f32 v58, v35;
	v55 =	vpop (erf);
	(erf) = vpow2.f32 v52  }
0x207: {  	v30 =	vshll.u32 v30, v2;
	v38 =	vmov s26;
	v36 =	vld.idx.msk [tilespmem:v36+s16+$0x0], $0xffff;
	v54 =	vmul.f32 v48, v4  }
0x208: {  	v53 =	vld [tilespmem:s21+$0x100];
	v19 =	vmul.f32 v41, v31;
	v43 =	vsub.f32 $0.0e+00, v18;
	v24 =	vadd.f32 v47, v27  }
0x209: {  	v31 =	vshrl.u32 v38, $0x3;
	v56 =	vadd.f32 $1.000000000e+00, v55;
	v38 =	vsub.f32 v54, v27  }
0x20a: {  	v30 =	vadd.s32 $0x2, v30;
	v23 =	vmul.f32 v25, v23;
	v43 =	vmul.f32 $1.442695020e+00, v43;
	v44 =	vpop (erf)  }
0x20b: {  	v58 =	vld [tilespmem:s21+$0x180];
	v47 =	vsub.f32 $0.0e+00, v24;
	v57 =	vpop (erf);
	(erf) = vrcp.f32 v56;
	v59 =	vmul.f32 v38, v4  }
0x20c: {  	v23 =	vmul.f32 v23, v36;
	v41 =	vadd.f32 $1.000000000e+00, v57;
	(erf) = vpow2.f32 v43;
	v36 =	vpop (erf)  }
0x20d: {  	v25 =	vadd.f32 v53, v48;
	v62 =	vmul.f32 $1.442695020e+00, v47;
	v61 =	vpop (erf);
	v60 =	vsub.f32 v59, v48  }
0x20e: {  	v30 =	vbroadcast v30, $0x0;
	v52 =	vld [tilespmem:s21+$0x200];
	(erf) = vrcp.f32 v41;
	v41 =	vadd.f32 $1.000000000e+00, v61;
	v49 =	vpop (erf)  }
0x20f: {  	v63 =	vsub.f32 $0.0e+00, v25;
	(erf) = vpow2.f32 v62;
	v54 =	vpop (erf);
	v48 =	vmul.f32 v60, v4  }
0x210: {  	s30 =	sadd.s32 $0xFFFFFFFA, s29;
	v27 =	vadd.f32 v58, v38;
	(erf) = vrcp.f32 v41;
	v41 =	vadd.f32 $1.000000000e+00, v54  }
0x211: {  	v39 =	vmov s30;
	s30 =	sadd.s32 $0xFFFFFFFC, s29;
	v53 =	vmul.f32 $1.442695020e+00, v63;
	v38 =	vsub.f32 v48, v38  }
0x212: {  	v42 =	vmov s30;
	v44 =	vmul.f32 v44, v28;
	v55 =	vsub.f32 $0.0e+00, v27  }
0x213: {  	(erf) = vpow2.f32 v53;
	v28 =	vadd.f32 v52, v60;
	v48 =	vmul.f32 v38, v4  }
0x214: {  	v39 =	vshrl.u32 v39, $0x3;
	v34 =	vshll.u32 v34, v2;
	v56 =	vld [tilespmem:s21+$0x280];
	(erf) = vrcp.f32 v41;
	v41 =	vpop (erf)  }
0x215: {  	v34 =	vadd.s32 $0x3, v34;
	v45 =	vmul.f32 $1.442695020e+00, v55;
	v59 =	vsub.f32 $0.0e+00, v28;
	v58 =	vpop (erf)  }
0x216: {  	v35 =	vshrl.u32 v42, $0x3;
	v42 =	vsub.f32 v48, v60;
	v60 =	vadd.f32 $1.000000000e+00, v58  }
0x217: {  	v33 =	vshll.u32 v33, v2;
	(erf) = vpow2.f32 v45;
	v45 =	vmul.f32 $1.442695020e+00, v59;
	v48 =	vpop (erf)  }
0x218: {  	v34 =	vbroadcast v34, $0x0;
	v50 =	vshll.u32 v29, v2;
	(erf) = vrcp.f32 v60;
	v63 =	vpop (erf)  }
0x219: {  	s26 =	sadd.s32 $0xFFFFFFFB, s29;
	v29 =	vadd.f32 v56, v38;
	(erf) = vpow2.f32 v45;
	v45 =	vadd.f32 $1.000000000e+00, v63  }
0x21a: {  	s23 =	sadd.s32 $0xFFFFFFFD, s29;
	v33 =	vadd.s32 $0x6, v33;
	v12 =	vmul.f32 v26, v22;
	v37 =	vmov s26  }
0x21b: {  	v26 =	vmov s23;
	s26 =	sadd.s32 $0xFFFFFFFE, s29;
	v33 =	vbroadcast v33, $0x0;
	v57 =	vld [tilespmem:s21+$0x300];
	v51 =	vsub.f32 $0.0e+00, v29  }
0x21c: {  	v22 =	vmov s26;
	v37 =	vshrl.u32 v37, $0x3;
	v26 =	vshrl.u32 v26, $0x3  }
0x21d: {  	v46 =	vshll.u32 v46, v2;
	v62 =	vld [tilespmem:s21+$0x380];
	v43 =	vmul.f32 $1.442695020e+00, v51;
	(erf) = vrcp.f32 v45;
	v45 =	vpop (erf)  }
0x21e: {  	v26 =	vshll.u32 v26, v2;
	v22 =	vshrl.u32 v22, $0x3;
	v61 =	vmul.f32 v42, v4;
	v53 =	vpop (erf)  }
0x21f: {  	v46 =	vadd.s32 $0x4, v46;
	(erf) = vpow2.f32 v43;
	v43 =	vadd.f32 $1.000000000e+00, v53  }
0x220: {  	v26 =	vadd.s32 $0x4, v26;
	v4 =	vadd.f32 v57, v42;
	v38 =	vsub.f32 v61, v38  }
0x221: {  	v22 =	vshll.u32 v22, v2;
	v46 =	vbroadcast v46, $0x0;
	v26 =	vbroadcast v26, $0x0  }
0x222: {  	v50 =	vadd.s32 $0x1, v50;
	v54 =	vsub.f32 $0.0e+00, v4;
	v38 =	vadd.f32 v62, v38  }
0x223: {  	v32 =	vshll.u32 v32, v2;
	v52 =	vbroadcast v50, $0x0;
	(erf) = vrcp.f32 v43;
	v43 =	vpop (erf)  }
0x224: {  	v22 =	vadd.s32 $0x5, v22;
	v42 =	vmul.f32 $1.442695020e+00, v54;
	v56 =	vsub.f32 $0.0e+00, v38;
	v55 =	vpop (erf)  }
0x225: {  	v22 =	vbroadcast v22, $0x0;
	v20 =	vmul.f32 v36, v20;
	v36 =	vadd.f32 $1.000000000e+00, v55  }
0x226: {  	v32 =	vadd.s32 $0x5, v32;
	(erf) = vpow2.f32 v42;
	v42 =	vmul.f32 $1.442695020e+00, v56  }
0x227: {  	v37 =	vshll.u32 v37, v2;
	v32 =	vbroadcast v32, $0x0;
	(erf) = vrcp.f32 v36  }
0x228: {  	v30 =	vld.idx.msk [tilespmem:v30+s16+$0x0], $0xffff;
	v40 =	vshll.u32 v40, v2;
	v57 =	vshll.u32 v39, v2;
	v39 =	vpop (erf);
	(erf) = vpow2.f32 v42  }
0x229: {  	v40 =	vbroadcast v40, $0x0;
	v31 =	vshll.u32 v31, v2;
	v35 =	vshll.u32 v35, v2;
	v47 =	vld.idx.msk [tilespmem:v52+s16+$0x0], $0xffff;
	v59 =	vpop (erf)  }
0x22a: {  	v34 =	vld.idx.msk [tilespmem:v34+s16+$0x0], $0xffff;
	v31 =	vadd.s32 $0x7, v31;
	v35 =	vadd.s32 $0x3, v35;
	v60 =	vadd.s32 $0x2, v37;
	v37 =	vpop (erf)  }
0x22b: {  	v31 =	vbroadcast v31, $0x0;
	v35 =	vbroadcast v35, $0x0;
	v61 =	vpop (erf)  }
0x22c: {  	v17 =	vmul.f32 v49, v17;
	v21 =	vmul.f32 v41, v21;
	v41 =	vadd.f32 $1.000000000e+00, v61  }
0x22d: {  	v20 =	vmul.f32 v20, v30;
	v58 =	vadd.s32 $0x1, v57;
	v36 =	vadd.f32 $1.000000000e+00, v59  }
0x22e: {  	v30 =	vbroadcast v58, $0x0;
	v42 =	vmul.f32 v44, v47;
	v44 =	vpop (erf)  }
0x22f: {  	s30 =	sadd.s32 $0xFFFFFFFF, s29;
	v17 =	vmul.f32 v17, v34;
	v52 =	vmov s29;
	(erf) = vrcp.f32 v36;
	v62 =	vpop (erf)  }
0x230: {  	v32 =	vld.idx.msk [tilespmem:v32+s16+$0x0], $0xffff;
	v49 =	vshrl.u32 v52, $0x3;
	v51 =	vmov s30;
	(erf) = vrcp.f32 v41;
	v41 =	vpop (erf)  }
0x231: {  	v33 =	vld.idx.msk [tilespmem:v33+s16+$0x0], $0xffff;
	v49 =	vshll.u32 v49, v2;
	v34 =	vbroadcast v60, $0x0;
	v63 =	vadd.f32 $1.000000000e+00, v62;
	v53 =	vpop (erf)  }
0x232: {  	v46 =	vld.idx.msk [tilespmem:v46+s16+$0x0], $0xffff;
	v57 =	vmul.f32 v48, v14;
	v47 =	vshrl.u32 v51, $0x3;
	v36 =	vadd.f32 $1.000000000e+00, v53  }
0x233: {  	v31 =	vld.idx.msk [tilespmem:v31+s16+$0x0], $0xffff;
	v56 =	vadd.s32 $0x7, v49;
	v47 =	vshll.u32 v47, v2;
	(erf) = vrcp.f32 v63  }
0x234: {  	v58 =	vld.idx.msk [tilespmem:v30+s16+$0x0], $0xffff;
	v59 =	vbroadcast v56, $0x0;
	v47 =	vadd.s32 $0x6, v47;
	(erf) = vrcp.f32 v36  }
0x235: {  	v8 =	vadd.f32 v9, v8;
	v9 =	vmul.f32 v57, v32;
	v32 =	vld.idx.msk [tilespmem:v35+s16+$0x0], $0xffff;
	v55 =	vbroadcast v47, $0x0  }
0x236: {  	v54 =	vld.idx.msk [tilespmem:v40+s16+$0x0], $0xffff;
	v60 =	vmul.f32 v45, v15;
	v35 =	vmul.f32 v39, v18  }
0x237: {  	v5 =	vadd.f32 v10, v5;
	v39 =	vmul.f32 v37, v24;
	v61 =	vmul.f32 v43, v16;
	v62 =	vld.idx.msk [tilespmem:v34+s16+$0x0], $0xffff  }
0x238: {  	v11 =	vadd.f32 v12, v11;
	v22 =	vld.idx.msk [tilespmem:v22+s16+$0x0], $0xffff;
	v13 =	vadd.f32 v19, v13;
	v10 =	vmul.f32 v60, v33  }
0x239: {  	v5 =	vadd.f32 v5, v8;
	v48 =	vmul.f32 v39, v58;
	v15 =	vmul.f32 v61, v31;
	v34 =	vld.idx.msk [tilespmem:v26+s16+$0x0], $0xffff  }
0x23a: {  	v11 =	vadd.f32 v13, v11;
	v43 =	vmul.f32 v44, v25;
	v50 =	vld.idx.msk [tilespmem:v59+s16+$0x0], $0xffff;
	v44 =	vmul.f32 v41, v27;
	v45 =	vpop (erf)  }
0x23b: {  	v6 =	vadd.f32 v7, v6;
	v47 =	vmul.f32 v35, v54;
	v63 =	vmul.f32 v21, v46;
	v46 =	vld.idx.msk [tilespmem:v55+s16+$0x0], $0xffff;
	v49 =	vpop (erf)  }
0x23c: {  	v5 =	vadd.f32 v11, v5;
	v51 =	vmul.f32 v43, v62;
	v52 =	vmul.f32 v44, v32;
	v53 =	vpop (erf)  }
0x23d: {  	v17 =	vadd.f32 v17, v20;
	v55 =	vmul.f32 v45, v28;
	v14 =	vmul.f32 v49, v29;
	v56 =	vpop (erf)  }
0x23e: {  	v54 =	vadd.f32 v42, v23;
	v4 =	vmul.f32 v53, v4;
	v57 =	vmul.f32 v56, v38  }
0x23f: {  	v10 =	vadd.f32 v15, v10;
	v58 =	vmul.f32 v55, v34;
	v14 =	vmul.f32 v14, v22  }
0x240: {  	v7 =	vadd.f32 v48, v47;
	v4 =	vmul.f32 v4, v46;
	v59 =	vmul.f32 v57, v50  }
0x241: {  	v9 =	vadd.f32 v9, v63;
	v60 =	vadd.f32 v52, v51  }
0x242: {  	v61 =	vadd.f32 v14, v58;
	v4 =	vadd.f32 v59, v4  }
0x243: {  	v62 =	vadd.f32 v17, v54;
	v9 =	vadd.f32 v10, v9  }
0x244: {  	v7 =	vadd.f32 v60, v7;
	v4 =	vadd.f32 v4, v61  }
0x245: {  	v5 =	vadd.f32 v5, v6  }
0x246: {  	v63 =	vadd.f32 v9, v62;
	v4 =	vadd.f32 v4, v7;
	_ =	sdelay $0x1  }
0x247: {  	v3 =	vadd.f32 v5, v3;
	v4 =	vadd.f32 v4, v63;
	_ =	sdelay $0x1  }
0x248: {  	v3 =	vadd.f32 v4, v3;
	_ =	sdelay $0x1  }
0x249: {  	v3 =	vmul.f32 $1.442695020e+00, v3;
	_ =	sdelay $0x1  }
0x24a: {  	(erf) = vpow2.f32 v3;
	_ =	sdelay $0x3  }
0x24b: {  	s13 =	sadd.s32 $0x1, s13  }
0x24c: {  	p0 =	sne.s32 s13, $0x8  }
.Ltmp3:
0x24d: {  	_ = 	snop;
	(pc) =	sbr.rel @p0 .LBB2_7-.Ltmp3, $3  }
0x24e: {  	_ =	sdelay $0x1  }
0x24f: {  	v3 =	vpop (erf)  }
0x250: {  	s20 =	sadd.s32 $0x10, s20;
	[tilespmem:s28+$0xD200] =	vst v3  }
0x251: {  	s13 =	sadd.s32 s10, s11  }
0x252: {  	[hbm4b:s13+s4] =	stream.linear.scatter [tilespmem:s3], [sflag:$0x3], $0x80, $0x38;
	[tilespmem:$0xEB40] =	vst v63  }
0x253: {  	_ =	swait.ge [sflag:s17], $0x80  }
0x254: {  	[sflag:s17] =	ssyncset.done $0x0  }
0x255: {  	[sflag:s17] =	ssyncadd.s32 $0xFFFFFF80  }
0x256: {  	[spmem:s2] =	stream.indirect.scatter.add.f32 [tilespmem:s3], [sflag:$0x3], $0x1, s19, s19, $0xb8;
	[tilespmem:$0xEB40] =	vst v63  }
0x257: {  	_ =	swait.ge [sflag:s17], $0x80  }
0x258: {  	s22 =	sadd.s32 $0x20, s11;
	[sflag:s17] =	ssyncset.done $0x0  }
0x259: {  	s23 =	sadd.s32 s5, s22;
	[sflag:s17] =	ssyncadd.s32 $0xFFFFFF80  }
0x25a: {  	[tilespmem:s4], [sflag:$0x3] =	stream.linear.gather [hbm4b:s23+s4], $0x80, $0x38;
	[tilespmem:$0xEB40] =	vst v63  }
0x25b: {  	_ =	swait.ge [sflag:s17], $0x80  }
0x25c: {  	[sflag:s17] =	ssyncset.done $0x0  }
0x25d: {  	s11 =	sadd.s32 s6, s22;
	[sflag:s17] =	ssyncadd.s32 $0xFFFFFF80  }
0x25e: {  	[tilespmem:s19], [sflag:$0x3] =	stream.linear.gather [hbm4b:s11+s4], $0x80, $0x38;
	[tilespmem:$0xEB40] =	vst v63  }
0x25f: {  	_ =	swait.ge [sflag:s17], $0x80  }
0x260: {  	[sflag:s17] =	ssyncset.done $0x0  }
0x261: {  	s26 =	simm.s32 $0x100;
	[sflag:s17] =	ssyncadd.s32 $0xFFFFFF80  }
0x262: {  	[tilespmem:s26], [sflag:$0x1] =	stream.indirect.gather [hbm4b:s7+s19], $0x40, s4, s19, $0xb8;
	[tilespmem:$0xEB40] =	vst v63  }
0x263: {  	s28 =	simm.s32 $0x2100  }
0x264: {  	[tilespmem:s28], [sflag:$0x1] =	stream.indirect.gather [hbm4b:s7+s19], $0x40, s19, s19, $0xb8;
	[tilespmem:$0xEB40] =	vst v63  }
0x265: {  	s29 =	simm.s32 $0x4100  }
0x266: {  	[tilespmem:s29], [sflag:$0x1] =	stream.indirect.gather [hbm4b:s8+s19], $0x10, s4, s19, $0xb8;
	[tilespmem:$0xEB40] =	vst v63  }
0x267: {  	s30 =	simm.s32 $0x4900  }
0x268: {  	[tilespmem:s30], [sflag:$0x1] =	stream.indirect.gather [hbm4b:s8+s19], $0x10, s19, s19, $0xb8;
	[tilespmem:$0xEB40] =	vst v63  }
0x269: {  	_ =	swait.ge [sflag:s12], $0x2000  }
0x26a: {  	[sflag:s12] =	ssyncset.done $0x0  }
0x26b: {  	[sflag:s12] =	ssyncadd.s32 $0xFFFFE000  }
0x26c: {  	_ =	swait.ge [sflag:s12], $0x2000  }
0x26d: {  	[sflag:s12] =	ssyncset.done $0x0  }
0x26e: {  	[sflag:s12] =	ssyncadd.s32 $0xFFFFE000  }
0x26f: {  	_ =	swait.ge [sflag:s12], $0x800  }
0x270: {  	[sflag:s12] =	ssyncset.done $0x0  }
0x271: {  	[sflag:s12] =	ssyncadd.s32 $0xFFFFF800  }
0x272: {  	s20 =	simm.s32 $0x5300;
	_ =	swait.ge [sflag:s12], $0x800  }
0x273: {  	s21 =	simm.s32 $0x9240;
	s13 =	simm.s32 $0x7300;
	[sflag:s12] =	ssyncset.done $0x0  }
0x274: {  	s11 =	simm.s32 $0x1807;
	s26 =	simm.s32 $0x9A40;
	[sflag:s12] =	ssyncadd.s32 $0xFFFFF800  }
.LBB2_11:
0x275: {  	v3 =	vld [tilespmem:s20+$0xFFFFFF00]  }
0x276: {  	v4 =	vld [tilespmem:s13+$0xFFFFFF00]  }
0x277: {  	s22 =	sadd.s32 $0xFFFFE7F9, s11  }
0x278: {  	v5 =	vor.u32 s22, v1;
	_ =	sdelay $0x2  }
0x279: {  	v3 =	vadd.f32 v4, v3;
	_ =	sdelay $0x1  }
0x27a: {  	[tilespmem:v5+s0+$0x0] =	vst.idx.msk $0xffff, v3  }
0x27b: {  	v3 =	vld [tilespmem:s20+$0xFFFFFF10]  }
0x27c: {  	v59 =	vld [tilespmem:s13+$0xFFFFFF10]  }
0x27d: {  	s29 =	sadd.s32 $0xFFFFEFF9, s11  }
0x27e: {  	v6 =	vor.u32 s29, v1;
	_ =	sdelay $0x2  }
0x27f: {  	v3 =	vadd.f32 v59, v3;
	_ =	sdelay $0x1  }
0x280: {  	[tilespmem:v6+s0+$0x0] =	vst.idx.msk $0xffff, v3  }
0x281: {  	v3 =	vld [tilespmem:s20+$0xFFFFFF20]  }
0x282: {  	v60 =	vld [tilespmem:s13+$0xFFFFFF20]  }
0x283: {  	s30 =	sadd.s32 $0xFFFFF7F9, s11  }
0x284: {  	v61 =	vor.u32 s30, v1;
	_ =	sdelay $0x2  }
0x285: {  	v3 =	vadd.f32 v60, v3;
	_ =	sdelay $0x1  }
0x286: {  	[tilespmem:v61+s0+$0x0] =	vst.idx.msk $0xffff, v3  }
0x287: {  	v3 =	vld [tilespmem:s20+$0xFFFFFF30]  }
0x288: {  	v62 =	vld [tilespmem:s13+$0xFFFFFF30]  }
0x289: {  	s23 =	sadd.s32 $0xFFFFFFF9, s11  }
0x28a: {  	v63 =	vor.u32 s23, v1;
	_ =	sdelay $0x2  }
0x28b: {  	v3 =	vadd.f32 v62, v3;
	_ =	sdelay $0x1  }
0x28c: {  	[tilespmem:v63+s0+$0x0] =	vst.idx.msk $0xffff, v3  }
0x28d: {  	v3 =	vld [tilespmem:s21+$0xFFFFFFC0];
	_ =	sdelay $0x4  }
0x28e: {  	[tilespmem:v5+s1+$0x0] =	vst.idx.msk $0xffff, v3  }
0x28f: {  	v3 =	vld [tilespmem:s26+$0xFFFFFFC0];
	_ =	sdelay $0x4  }
0x290: {  	[tilespmem:v5+s18+$0x0] =	vst.idx.msk $0xffff, v3  }
0x291: {  	v3 =	vld [tilespmem:s20+$0xFFFFFF40]  }
0x292: {  	v8 =	vld [tilespmem:s13+$0xFFFFFF40]  }
0x293: {  	s28 =	sadd.s32 $0xFFFFE7FA, s11  }
0x294: {  	v9 =	vor.u32 s28, v1;
	_ =	sdelay $0x2  }
0x295: {  	v3 =	vadd.f32 v8, v3;
	_ =	sdelay $0x1  }
0x296: {  	[tilespmem:v9+s0+$0x0] =	vst.idx.msk $0xffff, v3  }
0x297: {  	v3 =	vld [tilespmem:s20+$0xFFFFFF50]  }
0x298: {  	v10 =	vld [tilespmem:s13+$0xFFFFFF50]  }
0x299: {  	s29 =	sadd.s32 $0xFFFFEFFA, s11  }
0x29a: {  	v11 =	vor.u32 s29, v1;
	_ =	sdelay $0x2  }
0x29b: {  	v3 =	vadd.f32 v10, v3;
	_ =	sdelay $0x1  }
0x29c: {  	[tilespmem:v11+s0+$0x0] =	vst.idx.msk $0xffff, v3  }
0x29d: {  	v3 =	vld [tilespmem:s20+$0xFFFFFF60]  }
0x29e: {  	v12 =	vld [tilespmem:s13+$0xFFFFFF60]  }
0x29f: {  	s30 =	sadd.s32 $0xFFFFF7FA, s11  }
0x2a0: {  	v13 =	vor.u32 s30, v1;
	_ =	sdelay $0x2  }
0x2a1: {  	v3 =	vadd.f32 v12, v3;
	_ =	sdelay $0x1  }
0x2a2: {  	[tilespmem:v13+s0+$0x0] =	vst.idx.msk $0xffff, v3  }
0x2a3: {  	v3 =	vld [tilespmem:s20+$0xFFFFFF70]  }
0x2a4: {  	v14 =	vld [tilespmem:s13+$0xFFFFFF70]  }
0x2a5: {  	s23 =	sadd.s32 $0xFFFFFFFA, s11  }
0x2a6: {  	v15 =	vor.u32 s23, v1;
	_ =	sdelay $0x2  }
0x2a7: {  	v3 =	vadd.f32 v14, v3;
	_ =	sdelay $0x1  }
0x2a8: {  	[tilespmem:v15+s0+$0x0] =	vst.idx.msk $0xffff, v3  }
0x2a9: {  	v3 =	vld [tilespmem:s21+$0xFFFFFFD0];
	_ =	sdelay $0x4  }
0x2aa: {  	[tilespmem:v9+s1+$0x0] =	vst.idx.msk $0xffff, v3  }
0x2ab: {  	v3 =	vld [tilespmem:s26+$0xFFFFFFD0];
	_ =	sdelay $0x4  }
0x2ac: {  	[tilespmem:v9+s18+$0x0] =	vst.idx.msk $0xffff, v3  }
0x2ad: {  	v3 =	vld [tilespmem:s20+$0xFFFFFF80]  }
0x2ae: {  	v16 =	vld [tilespmem:s13+$0xFFFFFF80]  }
0x2af: {  	s28 =	sadd.s32 $0xFFFFE7FB, s11  }
0x2b0: {  	v17 =	vor.u32 s28, v1;
	_ =	sdelay $0x2  }
0x2b1: {  	v3 =	vadd.f32 v16, v3;
	_ =	sdelay $0x1  }
0x2b2: {  	[tilespmem:v17+s0+$0x0] =	vst.idx.msk $0xffff, v3  }
0x2b3: {  	v3 =	vld [tilespmem:s20+$0xFFFFFF90]  }
0x2b4: {  	v18 =	vld [tilespmem:s13+$0xFFFFFF90]  }
0x2b5: {  	s29 =	sadd.s32 $0xFFFFEFFB, s11  }
0x2b6: {  	v19 =	vor.u32 s29, v1;
	_ =	sdelay $0x2  }
0x2b7: {  	v3 =	vadd.f32 v18, v3;
	_ =	sdelay $0x1  }
0x2b8: {  	[tilespmem:v19+s0+$0x0] =	vst.idx.msk $0xffff, v3  }
0x2b9: {  	v3 =	vld [tilespmem:s20+$0xFFFFFFA0]  }
0x2ba: {  	v20 =	vld [tilespmem:s13+$0xFFFFFFA0]  }
0x2bb: {  	s30 =	sadd.s32 $0xFFFFF7FB, s11  }
0x2bc: {  	v21 =	vor.u32 s30, v1;
	_ =	sdelay $0x2  }
0x2bd: {  	v3 =	vadd.f32 v20, v3;
	_ =	sdelay $0x1  }
0x2be: {  	[tilespmem:v21+s0+$0x0] =	vst.idx.msk $0xffff, v3  }
0x2bf: {  	v3 =	vld [tilespmem:s20+$0xFFFFFFB0]  }
0x2c0: {  	v22 =	vld [tilespmem:s13+$0xFFFFFFB0]  }
0x2c1: {  	s23 =	sadd.s32 $0xFFFFFFFB, s11  }
0x2c2: {  	v23 =	vor.u32 s23, v1;
	_ =	sdelay $0x2  }
0x2c3: {  	v3 =	vadd.f32 v22, v3;
	_ =	sdelay $0x1  }
0x2c4: {  	[tilespmem:v23+s0+$0x0] =	vst.idx.msk $0xffff, v3  }
0x2c5: {  	v3 =	vld [tilespmem:s21+$0xFFFFFFE0];
	_ =	sdelay $0x4  }
0x2c6: {  	[tilespmem:v17+s1+$0x0] =	vst.idx.msk $0xffff, v3  }
0x2c7: {  	v3 =	vld [tilespmem:s26+$0xFFFFFFE0];
	_ =	sdelay $0x4  }
0x2c8: {  	[tilespmem:v17+s18+$0x0] =	vst.idx.msk $0xffff, v3  }
0x2c9: {  	v3 =	vld [tilespmem:s20+$0xFFFFFFC0]  }
0x2ca: {  	v24 =	vld [tilespmem:s13+$0xFFFFFFC0]  }
0x2cb: {  	s28 =	sadd.s32 $0xFFFFE7FC, s11  }
0x2cc: {  	v25 =	vor.u32 s28, v1;
	_ =	sdelay $0x2  }
0x2cd: {  	v3 =	vadd.f32 v24, v3;
	_ =	sdelay $0x1  }
0x2ce: {  	[tilespmem:v25+s0+$0x0] =	vst.idx.msk $0xffff, v3  }
0x2cf: {  	v3 =	vld [tilespmem:s20+$0xFFFFFFD0]  }
0x2d0: {  	v26 =	vld [tilespmem:s13+$0xFFFFFFD0]  }
0x2d1: {  	s29 =	sadd.s32 $0xFFFFEFFC, s11  }
0x2d2: {  	v27 =	vor.u32 s29, v1;
	_ =	sdelay $0x2  }
0x2d3: {  	v3 =	vadd.f32 v26, v3;
	_ =	sdelay $0x1  }
0x2d4: {  	[tilespmem:v27+s0+$0x0] =	vst.idx.msk $0xffff, v3  }
0x2d5: {  	v3 =	vld [tilespmem:s20+$0xFFFFFFE0]  }
0x2d6: {  	v28 =	vld [tilespmem:s13+$0xFFFFFFE0]  }
0x2d7: {  	s30 =	sadd.s32 $0xFFFFF7FC, s11  }
0x2d8: {  	v29 =	vor.u32 s30, v1;
	_ =	sdelay $0x2  }
0x2d9: {  	v3 =	vadd.f32 v28, v3;
	_ =	sdelay $0x1  }
0x2da: {  	[tilespmem:v29+s0+$0x0] =	vst.idx.msk $0xffff, v3  }
0x2db: {  	v3 =	vld [tilespmem:s20+$0xFFFFFFF0]  }
0x2dc: {  	v30 =	vld [tilespmem:s13+$0xFFFFFFF0]  }
0x2dd: {  	s23 =	sadd.s32 $0xFFFFFFFC, s11  }
0x2de: {  	v31 =	vor.u32 s23, v1;
	_ =	sdelay $0x2  }
0x2df: {  	v3 =	vadd.f32 v30, v3;
	_ =	sdelay $0x1  }
0x2e0: {  	[tilespmem:v31+s0+$0x0] =	vst.idx.msk $0xffff, v3  }
0x2e1: {  	v3 =	vld [tilespmem:s21+$0xFFFFFFF0];
	_ =	sdelay $0x4  }
0x2e2: {  	[tilespmem:v25+s1+$0x0] =	vst.idx.msk $0xffff, v3  }
0x2e3: {  	v3 =	vld [tilespmem:s26+$0xFFFFFFF0];
	_ =	sdelay $0x4  }
0x2e4: {  	[tilespmem:v25+s18+$0x0] =	vst.idx.msk $0xffff, v3  }
0x2e5: {  	v3 =	vld [tilespmem:s20+$0x0]  }
0x2e6: {  	v32 =	vld [tilespmem:s13+$0x0]  }
0x2e7: {  	s28 =	sadd.s32 $0xFFFFE7FD, s11  }
0x2e8: {  	v33 =	vor.u32 s28, v1;
	_ =	sdelay $0x2  }
0x2e9: {  	v3 =	vadd.f32 v32, v3;
	_ =	sdelay $0x1  }
0x2ea: {  	[tilespmem:v33+s0+$0x0] =	vst.idx.msk $0xffff, v3  }
0x2eb: {  	v3 =	vld [tilespmem:s20+$0x10]  }
0x2ec: {  	v34 =	vld [tilespmem:s13+$0x10]  }
0x2ed: {  	s29 =	sadd.s32 $0xFFFFEFFD, s11  }
0x2ee: {  	v35 =	vor.u32 s29, v1;
	_ =	sdelay $0x2  }
0x2ef: {  	v3 =	vadd.f32 v34, v3;
	_ =	sdelay $0x1  }
0x2f0: {  	[tilespmem:v35+s0+$0x0] =	vst.idx.msk $0xffff, v3  }
0x2f1: {  	v3 =	vld [tilespmem:s20+$0x20]  }
0x2f2: {  	v36 =	vld [tilespmem:s13+$0x20]  }
0x2f3: {  	s30 =	sadd.s32 $0xFFFFF7FD, s11  }
0x2f4: {  	v37 =	vor.u32 s30, v1;
	_ =	sdelay $0x2  }
0x2f5: {  	v3 =	vadd.f32 v36, v3;
	_ =	sdelay $0x1  }
0x2f6: {  	[tilespmem:v37+s0+$0x0] =	vst.idx.msk $0xffff, v3  }
0x2f7: {  	v3 =	vld [tilespmem:s20+$0x30]  }
0x2f8: {  	v38 =	vld [tilespmem:s13+$0x30]  }
0x2f9: {  	s23 =	sadd.s32 $0xFFFFFFFD, s11  }
0x2fa: {  	v39 =	vor.u32 s23, v1;
	_ =	sdelay $0x2  }
0x2fb: {  	v3 =	vadd.f32 v38, v3;
	_ =	sdelay $0x1  }
0x2fc: {  	[tilespmem:v39+s0+$0x0] =	vst.idx.msk $0xffff, v3  }
0x2fd: {  	v3 =	vld [tilespmem:s21+$0x0];
	_ =	sdelay $0x4  }
0x2fe: {  	[tilespmem:v33+s1+$0x0] =	vst.idx.msk $0xffff, v3  }
0x2ff: {  	v3 =	vld [tilespmem:s26+$0x0];
	_ =	sdelay $0x4  }
0x300: {  	[tilespmem:v33+s18+$0x0] =	vst.idx.msk $0xffff, v3  }
0x301: {  	v3 =	vld [tilespmem:s20+$0x40]  }
0x302: {  	v40 =	vld [tilespmem:s13+$0x40]  }
0x303: {  	s28 =	sadd.s32 $0xFFFFE7FE, s11  }
0x304: {  	v41 =	vor.u32 s28, v1;
	_ =	sdelay $0x2  }
0x305: {  	v3 =	vadd.f32 v40, v3;
	_ =	sdelay $0x1  }
0x306: {  	[tilespmem:v41+s0+$0x0] =	vst.idx.msk $0xffff, v3  }
0x307: {  	v3 =	vld [tilespmem:s20+$0x50]  }
0x308: {  	v42 =	vld [tilespmem:s13+$0x50]  }
0x309: {  	s29 =	sadd.s32 $0xFFFFEFFE, s11  }
0x30a: {  	v43 =	vor.u32 s29, v1;
	_ =	sdelay $0x2  }
0x30b: {  	v3 =	vadd.f32 v42, v3;
	_ =	sdelay $0x1  }
0x30c: {  	[tilespmem:v43+s0+$0x0] =	vst.idx.msk $0xffff, v3  }
0x30d: {  	v3 =	vld [tilespmem:s20+$0x60]  }
0x30e: {  	v44 =	vld [tilespmem:s13+$0x60]  }
0x30f: {  	s30 =	sadd.s32 $0xFFFFF7FE, s11  }
0x310: {  	v45 =	vor.u32 s30, v1;
	_ =	sdelay $0x2  }
0x311: {  	v3 =	vadd.f32 v44, v3;
	_ =	sdelay $0x1  }
0x312: {  	[tilespmem:v45+s0+$0x0] =	vst.idx.msk $0xffff, v3  }
0x313: {  	v3 =	vld [tilespmem:s20+$0x70]  }
0x314: {  	v46 =	vld [tilespmem:s13+$0x70]  }
0x315: {  	s23 =	sadd.s32 $0xFFFFFFFE, s11  }
0x316: {  	v47 =	vor.u32 s23, v1;
	_ =	sdelay $0x2  }
0x317: {  	v3 =	vadd.f32 v46, v3;
	_ =	sdelay $0x1  }
0x318: {  	[tilespmem:v47+s0+$0x0] =	vst.idx.msk $0xffff, v3  }
0x319: {  	v3 =	vld [tilespmem:s21+$0x10];
	_ =	sdelay $0x4  }
0x31a: {  	[tilespmem:v41+s1+$0x0] =	vst.idx.msk $0xffff, v3  }
0x31b: {  	v3 =	vld [tilespmem:s26+$0x10];
	_ =	sdelay $0x4  }
0x31c: {  	[tilespmem:v41+s18+$0x0] =	vst.idx.msk $0xffff, v3  }
0x31d: {  	v3 =	vld [tilespmem:s20+$0x80]  }
0x31e: {  	v48 =	vld [tilespmem:s13+$0x80]  }
0x31f: {  	s28 =	sadd.s32 $0xFFFFE7FF, s11  }
0x320: {  	v49 =	vor.u32 s28, v1;
	_ =	sdelay $0x2  }
0x321: {  	v3 =	vadd.f32 v48, v3;
	_ =	sdelay $0x1  }
0x322: {  	[tilespmem:v49+s0+$0x0] =	vst.idx.msk $0xffff, v3  }
0x323: {  	v3 =	vld [tilespmem:s20+$0x90]  }
0x324: {  	v50 =	vld [tilespmem:s13+$0x90]  }
0x325: {  	s29 =	sadd.s32 $0xFFFFEFFF, s11  }
0x326: {  	v51 =	vor.u32 s29, v1;
	_ =	sdelay $0x2  }
0x327: {  	v3 =	vadd.f32 v50, v3;
	_ =	sdelay $0x1  }
0x328: {  	[tilespmem:v51+s0+$0x0] =	vst.idx.msk $0xffff, v3  }
0x329: {  	v3 =	vld [tilespmem:s20+$0xA0]  }
0x32a: {  	v52 =	vld [tilespmem:s13+$0xA0]  }
0x32b: {  	s30 =	sadd.s32 $0xFFFFF7FF, s11  }
0x32c: {  	v53 =	vor.u32 s30, v1;
	_ =	sdelay $0x2  }
0x32d: {  	v3 =	vadd.f32 v52, v3;
	_ =	sdelay $0x1  }
0x32e: {  	[tilespmem:v53+s0+$0x0] =	vst.idx.msk $0xffff, v3  }
0x32f: {  	v3 =	vld [tilespmem:s20+$0xB0]  }
0x330: {  	v54 =	vld [tilespmem:s13+$0xB0]  }
0x331: {  	s23 =	sadd.s32 $0xFFFFFFFF, s11  }
0x332: {  	v55 =	vor.u32 s23, v1;
	_ =	sdelay $0x2  }
0x333: {  	v3 =	vadd.f32 v54, v3;
	_ =	sdelay $0x1  }
0x334: {  	[tilespmem:v55+s0+$0x0] =	vst.idx.msk $0xffff, v3  }
0x335: {  	v3 =	vld [tilespmem:s21+$0x20];
	_ =	sdelay $0x4  }
0x336: {  	[tilespmem:v49+s1+$0x0] =	vst.idx.msk $0xffff, v3  }
0x337: {  	v3 =	vld [tilespmem:s26+$0x20];
	_ =	sdelay $0x4  }
0x338: {  	[tilespmem:v49+s18+$0x0] =	vst.idx.msk $0xffff, v3  }
0x339: {  	v3 =	vld [tilespmem:s20+$0xC0]  }
0x33a: {  	v56 =	vld [tilespmem:s13+$0xC0]  }
0x33b: {  	s28 =	sadd.s32 $0xFFFFE800, s11  }
0x33c: {  	v57 =	vor.u32 s28, v1;
	_ =	sdelay $0x2  }
0x33d: {  	v3 =	vadd.f32 v56, v3;
	_ =	sdelay $0x1  }
0x33e: {  	[tilespmem:v57+s0+$0x0] =	vst.idx.msk $0xffff, v3  }
0x33f: {  	v3 =	vld [tilespmem:s20+$0xD0]  }
0x340: {  	v58 =	vld [tilespmem:s13+$0xD0]  }
0x341: {  	s29 =	sadd.s32 $0xFFFFF000, s11  }
0x342: {  	v59 =	vor.u32 s29, v1;
	_ =	sdelay $0x2  }
0x343: {  	v3 =	vadd.f32 v58, v3;
	_ =	sdelay $0x1  }
0x344: {  	[tilespmem:v59+s0+$0x0] =	vst.idx.msk $0xffff, v3  }
0x345: {  	v3 =	vld [tilespmem:s20+$0xE0]  }
0x346: {  	v60 =	vld [tilespmem:s13+$0xE0]  }
0x347: {  	s30 =	sadd.s32 $0xFFFFF800, s11  }
0x348: {  	v61 =	vor.u32 s30, v1;
	_ =	sdelay $0x2  }
0x349: {  	v3 =	vadd.f32 v60, v3;
	_ =	sdelay $0x1  }
0x34a: {  	[tilespmem:v61+s0+$0x0] =	vst.idx.msk $0xffff, v3  }
0x34b: {  	v3 =	vld [tilespmem:s20+$0xF0]  }
0x34c: {  	v62 =	vld [tilespmem:s13+$0xF0];
	_ =	sdelay $0x1  }
0x34d: {  	v63 =	vor.u32 s11, v1;
	_ =	sdelay $0x2  }
0x34e: {  	v3 =	vadd.f32 v62, v3;
	_ =	sdelay $0x1  }
0x34f: {  	[tilespmem:v63+s0+$0x0] =	vst.idx.msk $0xffff, v3  }
0x350: {  	v3 =	vld [tilespmem:s21+$0x30];
	_ =	sdelay $0x4  }
0x351: {  	[tilespmem:v57+s1+$0x0] =	vst.idx.msk $0xffff, v3  }
0x352: {  	p0 =	sne.s32 s11, $0x187F;
	v3 =	vld [tilespmem:s26+$0x30]  }
.Ltmp4:
0x353: {  	_ = 	snop;
	(pc) =	sbr.rel @p0 .LBB2_11-.Ltmp4, $3  }
0x354: {  	_ =	sdelay $0x1  }
0x355: {  	s11 =	sadd.s32 $0x8, s11;
	s13 =	sadd.s32 $0x200, s13  }
0x356: {  	s20 =	sadd.s32 $0x200, s20;
	s21 =	sadd.s32 $0x80, s21;
	s26 =	sadd.s32 $0x80, s26;
	[tilespmem:v57+s18+$0x0] =	vst.idx.msk $0xffff, v3  }
0x357: {  	s11 =	simm.s32 $0x0;
	s13 =	simm.s32 $0xA600  }
.LBB2_13:
0x358: {  	v3 =	vld [tilespmem:s13+$0xFFFFFC00];
	_ =	sdelay $0x3  }
0x359: {  	v6 =	vimm.f32 $1.000000000e+00  }
0x35a: {  	s26 =	sshll.u32 s11, $0x4;
	v7 =	vadd.f32 v3, v6  }
0x35b: {  	v4 =	vld [tilespmem:s26+$0xC200]  }
0x35c: {  	v5 =	vld [tilespmem:s26+$0xCA00];
	v3 =	vsub.f32 $0.0e+00, v7  }
0x35d: {  	v8 =	vld [tilespmem:s26+$0xC280]  }
0x35e: {  	v9 =	vld [tilespmem:s26+$0xCA80];
	v3 =	vmul.f32 $1.442695020e+00, v3  }
0x35f: {  	v10 =	vld [tilespmem:s26+$0xCB00]  }
0x360: {  	(erf) = vpow2.f32 v3;
	v3 =	vld [tilespmem:s26+$0xC300];
	_ =	sdelay $0x3  }
0x361: {  	v4 =	vmul.f32 v5, v4  }
0x362: {  	v5 =	vmul.f32 v9, v8;
	v3 =	vmul.f32 v10, v3;
	_ =	sdelay $0x1  }
0x363: {  	v4 =	vadd.f32 v5, v4;
	_ =	sdelay $0x1  }
0x364: {  	v5 =	vadd.f32 v3, v4;
	v3 =	vpop (erf)  }
0x365: {  	s20 =	simm.s32 $0x0;
	v9 =	vadd.f32 $1.000000000e+00, v3  }
0x366: {  	v8 =	vmov s20;
	v4 =	vadd.f32 v5, v5  }
0x367: {  	v13 =	vld [tilespmem:s13+$0xFFFFFC80];
	v8 =	vshrl.u32 v8, $0x3;
	(erf) = vrcp.f32 v9  }
0x368: {  	v8 =	vshll.u32 v8, v2;
	v14 =	vmul.f32 v6, v4  }
0x369: {  	v8 =	vbroadcast v8, $0x0  }
0x36a: {  	v14 =	vsub.f32 v14, v5;
	_ =	sdelay $0x1  }
0x36b: {  	s22 =	simm.s32 $0x3;
	v24 =	vmul.f32 v14, v4;
	v13 =	vadd.f32 v13, v14  }
0x36c: {  	s23 =	simm.s32 $0x4;
	v23 =	vld [tilespmem:s13+$0xFFFFFD00];
	v12 =	vmov s22  }
0x36d: {  	s22 =	simm.s32 $0x6;
	v15 =	vmov s23;
	s23 =	simm.s32 $0x7;
	v6 =	vsub.f32 v24, v6;
	v24 =	vsub.f32 $0.0e+00, v13  }
0x36e: {  	v17 =	vmov s22;
	v18 =	vmov s23;
	v8 =	vld.idx.msk [tilespmem:v8+s16+$0x0], $0xffff  }
0x36f: {  	v26 =	vld [tilespmem:s13+$0xFFFFFD80];
	s22 =	simm.s32 $0xB;
	v12 =	vshrl.u32 v12, $0x3;
	v15 =	vshrl.u32 v15, $0x3;
	v24 =	vmul.f32 $1.442695020e+00, v24;
	v25 =	vpop (erf)  }
0x370: {  	s23 =	simm.s32 $0xC;
	v21 =	vmov s22;
	v7 =	vmul.f32 v25, v7;
	v25 =	vmul.f32 v6, v4  }
0x371: {  	v22 =	vmov s23;
	v17 =	vshrl.u32 v17, $0x3;
	v23 =	vadd.f32 v23, v6  }
0x372: {  	v18 =	vshrl.u32 v18, $0x3;
	(erf) = vpow2.f32 v24;
	v14 =	vsub.f32 v25, v14  }
0x373: {  	v24 =	vld [tilespmem:s13+$0xFFFFFE00];
	v27 =	vmul.f32 v7, v8;
	v8 =	vshrl.u32 v21, $0x3;
	v21 =	vsub.f32 $0.0e+00, v23  }
0x374: {  	s30 =	simm.s32 $0x8;
	v12 =	vshll.u32 v12, v2;
	v25 =	vadd.f32 v26, v14;
	v26 =	vmul.f32 v14, v4  }
0x375: {  	s21 =	simm.s32 $0x1;
	v15 =	vshll.u32 v15, v2;
	v9 =	vmov s30;
	s30 =	simm.s32 $0x5;
	v21 =	vmul.f32 $1.442695020e+00, v21  }
0x376: {  	v10 =	vmov s21;
	v16 =	vmov s30;
	v6 =	vsub.f32 v26, v6  }
0x377: {  	s30 =	simm.s32 $0x9;
	v7 =	vshrl.u32 v22, $0x3;
	v22 =	vsub.f32 $0.0e+00, v25;
	(erf) = vpow2.f32 v21;
	v21 =	vld [tilespmem:s13+$0xFFFFFE80]  }
0x378: {  	v19 =	vmov s30;
	v24 =	vadd.f32 v24, v6;
	v26 =	vmul.f32 v6, v4  }
0x379: {  	v16 =	vshrl.u32 v16, $0x3;
	v19 =	vshrl.u32 v19, $0x3;
	v22 =	vmul.f32 $1.442695020e+00, v22  }
0x37a: {  	v28 =	vshll.u32 v16, v2;
	v16 =	vsub.f32 $0.0e+00, v24;
	v14 =	vsub.f32 v26, v14  }
0x37b: {  	v10 =	vshrl.u32 v10, $0x3;
	(erf) = vpow2.f32 v22;
	v22 =	vld [tilespmem:s13+$0xFFFFFF00];
	v26 =	vshll.u32 v19, v2  }
0x37c: {  	v19 =	vpop (erf);
	v29 =	vmul.f32 $1.442695020e+00, v16;
	v16 =	vadd.f32 v21, v14;
	v21 =	vmul.f32 v14, v4  }
0x37d: {  	v17 =	vshll.u32 v17, v2;
	v10 =	vshll.u32 v10, v2;
	v19 =	vadd.f32 $1.000000000e+00, v19  }
0x37e: {  	v18 =	vshll.u32 v18, v2;
	v10 =	vadd.s32 $0x1, v10;
	v6 =	vsub.f32 v21, v6  }
0x37f: {  	v10 =	vbroadcast v10, $0x0;
	v30 =	vsub.f32 $0.0e+00, v16;
	(erf) = vpow2.f32 v29;
	v29 =	vld [tilespmem:s13+$0xFFFFFF80]  }
0x380: {  	s21 =	simm.s32 $0x2;
	v21 =	vadd.s32 $0x4, v15;
	v15 =	vadd.f32 v22, v6;
	v22 =	vmul.f32 v6, v4  }
0x381: {  	v11 =	vmov s21;
	(erf) = vrcp.f32 v19;
	v19 =	vpop (erf);
	v30 =	vmul.f32 $1.442695020e+00, v30  }
0x382: {  	v11 =	vshrl.u32 v11, $0x3;
	v19 =	vadd.f32 $1.000000000e+00, v19;
	v22 =	vsub.f32 v22, v14  }
0x383: {  	v12 =	vadd.s32 $0x3, v12;
	v11 =	vshll.u32 v11, v2;
	(erf) = vpow2.f32 v30  }
0x384: {  	s21 =	simm.s32 $0xA;
	v31 =	vsub.f32 $0.0e+00, v15;
	(erf) = vrcp.f32 v19;
	v14 =	vadd.f32 v29, v22  }
0x385: {  	v20 =	vmov s21;
	v11 =	vadd.s32 $0x2, v11;
	v33 =	vld.idx.msk [tilespmem:v10+s16+$0x0], $0xffff;
	v30 =	vbroadcast v12, $0x0  }
0x386: {  	v12 =	vadd.s32 $0x6, v17;
	v17 =	vld [tilespmem:s13+$0x0];
	v31 =	vmul.f32 $1.442695020e+00, v31;
	v10 =	vsub.f32 $0.0e+00, v14  }
0x387: {  	v20 =	vshrl.u32 v20, $0x3;
	v11 =	vbroadcast v11, $0x0;
	v19 =	vpop (erf);
	v29 =	vmul.f32 v22, v4  }
0x388: {  	v32 =	vadd.f32 $1.000000000e+00, v19;
	(erf) = vpow2.f32 v31;
	v31 =	vmul.f32 $1.442695020e+00, v10  }
0x389: {  	v20 =	vshll.u32 v20, v2;
	v6 =	vsub.f32 v29, v6  }
0x38a: {  	v19 =	vbroadcast v12, $0x0;
	v12 =	vadd.s32 $0x7, v18;
	v29 =	vld [tilespmem:s13+$0x80];
	(erf) = vrcp.f32 v32;
	v18 =	vpop (erf)  }
0x38b: {  	v3 =	vimm.f32 $0.0e+00;
	v10 =	vadd.f32 v17, v6;
	v17 =	vmul.f32 v6, v4;
	v58 =	vpop (erf)  }
0x38c: {  	v59 =	vadd.f32 $1.000000000e+00, v18;
	v13 =	vmul.f32 v58, v13;
	(erf) = vpow2.f32 v31;
	v31 =	vpop (erf)  }
0x38d: {  	v11 =	vld.idx.msk [tilespmem:v11+s16+$0x0], $0xffff;
	v18 =	vbroadcast v12, $0x0;
	v12 =	vsub.f32 $0.0e+00, v10;
	v22 =	vsub.f32 v17, v22;
	v61 =	vpop (erf)  }
0x38e: {  	v9 =	vshrl.u32 v9, $0x3;
	v17 =	vld [tilespmem:s13+$0x100];
	v13 =	vmul.f32 v13, v33;
	v23 =	vmul.f32 v61, v23  }
0x38f: {  	v60 =	vmul.f32 $1.442695020e+00, v12;
	v12 =	vadd.f32 v29, v22;
	v29 =	vmul.f32 v22, v4  }
0x390: {  	(erf) = vrcp.f32 v59;
	v31 =	vadd.f32 $1.000000000e+00, v31;
	v62 =	vadd.f32 v13, v27  }
0x391: {  	v21 =	vbroadcast v21, $0x0;
	v13 =	vsub.f32 $0.0e+00, v12;
	v6 =	vsub.f32 v29, v6  }
0x392: {  	v28 =	vadd.s32 $0x5, v28;
	(erf) = vpow2.f32 v60;
	v29 =	vmul.f32 v23, v11;
	v23 =	vpop (erf)  }
0x393: {  	v27 =	vld.idx.msk [tilespmem:v30+s16+$0x0], $0xffff;
	(erf) = vrcp.f32 v31;
	v30 =	vmul.f32 $1.442695020e+00, v13;
	v13 =	vadd.f32 v17, v6;
	v17 =	vpop (erf)  }
0x394: {  	s30 =	simm.s32 $0xD;
	v11 =	vadd.s32 $0x1, v26;
	v26 =	vld [tilespmem:s13+$0x180];
	v31 =	vmul.f32 v6, v4;
	v25 =	vmul.f32 v17, v25  }
0x395: {  	v9 =	vshll.u32 v9, v2;
	v5 =	vmov s30;
	v28 =	vbroadcast v28, $0x0  }
0x396: {  	v9 =	vbroadcast v9, $0x0;
	v22 =	vsub.f32 v31, v22;
	v63 =	vadd.f32 $1.000000000e+00, v23  }
0x397: {  	v34 =	vld.idx.msk [tilespmem:v21+s16+$0x0], $0xffff;
	(erf) = vpow2.f32 v30;
	v17 =	vbroadcast v11, $0x0;
	v11 =	vsub.f32 $0.0e+00, v13  }
0x398: {  	v23 =	vadd.s32 $0x2, v20;
	v20 =	vld [tilespmem:s13+$0x200];
	(erf) = vrcp.f32 v63;
	v21 =	vmul.f32 v25, v27;
	v25 =	vpop (erf)  }
0x399: {  	v30 =	vmul.f32 $1.442695020e+00, v11;
	v11 =	vadd.f32 v26, v22;
	v26 =	vmul.f32 v22, v4;
	v27 =	vpop (erf)  }
0x39a: {  	v29 =	vadd.f32 v21, v29;
	v31 =	vadd.f32 $1.000000000e+00, v25;
	v24 =	vmul.f32 v27, v24  }
0x39b: {  	s29 =	simm.s32 $0xF;
	v21 =	vsub.f32 v26, v6;
	(erf) = vpow2.f32 v30;
	v25 =	vld.idx.msk [tilespmem:v28+s16+$0x0], $0xffff;
	v27 =	vsub.f32 $0.0e+00, v11  }
0x39c: {  	s28 =	simm.s32 $0x1F;
	s20 =	smov.u32 s13;
	s21 =	simm.s32 $0x2F;
	v26 =	vld [tilespmem:s13+$0x280];
	v6 =	vadd.f32 v29, v62;
	v28 =	vpop (erf);
	(erf) = vrcp.f32 v31;
	v24 =	vmul.f32 v24, v34  }
.LBB2_14:
0x39d: {  	p0 =	sne.s32 s21, $0x3F;
	v27 =	vmul.f32 $1.442695020e+00, v27;
	v20 =	vadd.f32 v20, v21;
	v29 =	vmul.f32 v21, v4;
	v30 =	vpop (erf)  }
0x39e: {  	v31 =	vadd.f32 $1.000000000e+00, v28;
	v23 =	vbroadcast v23, $0x0;
	v16 =	vmul.f32 v30, v16;
	v19 =	vld.idx.msk [tilespmem:v19+s16+$0x0], $0xffff  }
0x39f: {  	v32 =	vsub.f32 $0.0e+00, v20;
	v22 =	vsub.f32 v29, v22;
	(erf) = vpow2.f32 v27  }
0x3a0: {  	v8 =	vshll.u32 v8, v2;
	v25 =	vmul.f32 v16, v25;
	v27 =	vld [tilespmem:s20+$0x300];
	(erf) = vrcp.f32 v31;
	v28 =	vpop (erf)  }
0x3a1: {  	v29 =	vmul.f32 $1.442695020e+00, v32;
	v16 =	vadd.f32 v26, v22;
	v26 =	vmul.f32 v22, v4;
	v30 =	vpop (erf)  }
0x3a2: {  	v15 =	vmul.f32 v30, v15;
	v18 =	vld.idx.msk [tilespmem:v18+s16+$0x0], $0xffff;
	v30 =	vadd.f32 $1.000000000e+00, v28;
	v24 =	vadd.f32 v25, v24  }
0x3a3: {  	v25 =	vsub.f32 $0.0e+00, v16;
	v21 =	vsub.f32 v26, v21;
	(erf) = vpow2.f32 v29  }
0x3a4: {  	v8 =	vadd.s32 $0x3, v8;
	v19 =	vmul.f32 v15, v19;
	v26 =	vld [tilespmem:s20+$0x380];
	(erf) = vrcp.f32 v30;
	v28 =	vpop (erf)  }
0x3a5: {  	v25 =	vmul.f32 $1.442695020e+00, v25;
	v15 =	vadd.f32 v27, v21;
	v27 =	vmul.f32 v21, v4;
	v29 =	vpop (erf)  }
0x3a6: {  	v14 =	vmul.f32 v29, v14;
	v29 =	vld.idx.msk [tilespmem:v9+s16+$0x0], $0xffff;
	v9 =	vadd.f32 $1.000000000e+00, v28;
	v28 =	vbroadcast v8, $0x0  }
0x3a7: {  	s20 =	sadd.s32 $0x800, s20;
	v30 =	vsub.f32 $0.0e+00, v15;
	v8 =	vsub.f32 v27, v22;
	(erf) = vpow2.f32 v25  }
0x3a8: {  	v22 =	vld [tilespmem:s20+$0xFFFFFC00];
	v14 =	vmul.f32 v14, v18;
	v18 =	vshll.u32 v7, v2;
	(erf) = vrcp.f32 v9;
	v7 =	vpop (erf)  }
0x3a9: {  	v25 =	vmul.f32 $1.442695020e+00, v30;
	v9 =	vadd.f32 v26, v8;
	v26 =	vmul.f32 v8, v4;
	v27 =	vpop (erf)  }
0x3aa: {  	v10 =	vmul.f32 v27, v10;
	v17 =	vld.idx.msk [tilespmem:v17+s16+$0x0], $0xffff;
	v27 =	vadd.f32 $1.000000000e+00, v7;
	v14 =	vadd.f32 v14, v19  }
0x3ab: {  	v19 =	vsub.f32 $0.0e+00, v9;
	v7 =	vsub.f32 v26, v21;
	(erf) = vpow2.f32 v25  }
0x3ac: {  	v21 =	vmul.f32 v10, v29;
	v14 =	vadd.f32 v14, v24;
	(erf) = vrcp.f32 v27;
	v24 =	vpop (erf)  }
0x3ad: {  	v10 =	vadd.f32 v22, v7;
	v22 =	vadd.f32 $1.000000000e+00, v24;
	v19 =	vmul.f32 $1.442695020e+00, v19;
	v24 =	vpop (erf)  }
0x3ae: {  	v18 =	vadd.s32 $0x4, v18;
	v12 =	vmul.f32 v24, v12;
	v23 =	vld.idx.msk [tilespmem:v23+s16+$0x0], $0xffff;
	v6 =	vadd.f32 v14, v6  }
0x3af: {  	v18 =	vbroadcast v18, $0x0;
	v14 =	vsub.f32 $0.0e+00, v10;
	(erf) = vpow2.f32 v19  }
0x3b0: {  	v5 =	vshrl.u32 v5, $0x3;
	v12 =	vmul.f32 v12, v17;
	(erf) = vrcp.f32 v22;
	v17 =	vpop (erf)  }
0x3b1: {  	v5 =	vshll.u32 v5, v2;
	v14 =	vmul.f32 $1.442695020e+00, v14;
	v22 =	vadd.f32 $1.000000000e+00, v17;
	v19 =	vpop (erf)  }
0x3b2: {  	s22 =	sadd.s32 $0xFFFFFFFF, s29;
	v5 =	vadd.s32 $0x5, v5;
	v13 =	vmul.f32 v19, v13;
	v19 =	vld.idx.msk [tilespmem:v28+s16+$0x0], $0xffff;
	v12 =	vadd.f32 v12, v21  }
0x3b3: {  	v5 =	vbroadcast v5, $0x0;
	(erf) = vpow2.f32 v14;
	v14 =	vmov s22  }
0x3b4: {  	v13 =	vmul.f32 v13, v23;
	v14 =	vshrl.u32 v14, $0x3;
	(erf) = vrcp.f32 v22;
	v17 =	vpop (erf)  }
0x3b5: {  	v14 =	vshll.u32 v14, v2;
	v17 =	vadd.f32 $1.000000000e+00, v17;
	v21 =	vpop (erf)  }
0x3b6: {  	s22 =	sadd.s32 $0xFFFFFFF1, s28;
	v23 =	vmov s29;
	s29 =	smov.u32 s28;
	s28 =	smov.u32 s21;
	v11 =	vmul.f32 v21, v11;
	v18 =	vld.idx.msk [tilespmem:v18+s16+$0x0], $0xffff;
	v14 =	vadd.s32 $0x6, v14  }
0x3b7: {  	v22 =	vmov s22;
	s22 =	sadd.s32 $0xFFFFFFF9, s29;
	v14 =	vbroadcast v14, $0x0;
	(erf) = vrcp.f32 v17  }
0x3b8: {  	s23 =	sadd.s32 $0xFFFFFFF2, s29;
	v17 =	vmov s22;
	v11 =	vmul.f32 v11, v19;
	v19 =	vshrl.u32 v23, $0x3;
	v21 =	vpop (erf)  }
0x3b9: {  	v23 =	vmov s23;
	v19 =	vshll.u32 v19, v2;
	v21 =	vadd.f32 $1.000000000e+00, v21;
	v24 =	vpop (erf)  }
0x3ba: {  	s22 =	sadd.s32 $0xFFFFFFF3, s29;
	v20 =	vmul.f32 v24, v20;
	v5 =	vld.idx.msk [tilespmem:v5+s16+$0x0], $0xffff;
	v19 =	vadd.s32 $0x7, v19;
	v11 =	vadd.f32 v11, v13  }
0x3bb: {  	v13 =	vmov s22;
	s22 =	sadd.s32 $0xFFFFFFF4, s29;
	v19 =	vbroadcast v19, $0x0;
	(erf) = vrcp.f32 v21  }
0x3bc: {  	v21 =	vmov s22;
	s22 =	sadd.s32 $0xFFFFFFF5, s29;
	v24 =	vpop (erf);
	v18 =	vmul.f32 v20, v18;
	v11 =	vadd.f32 v11, v12  }
0x3bd: {  	v12 =	vshrl.u32 v22, $0x3;
	v22 =	vmov s22;
	s22 =	sadd.s32 $0xFFFFFFF6, s29;
	v20 =	vadd.f32 $1.000000000e+00, v24;
	v14 =	vld.idx.msk [tilespmem:v14+s16+$0x0], $0xffff;
	v24 =	vpop (erf)  }
0x3be: {  	v12 =	vshll.u32 v12, v2;
	v25 =	vmov s22;
	s22 =	sadd.s32 $0xFFFFFFF7, s29;
	v28 =	vmul.f32 v24, v16  }
0x3bf: {  	s23 =	sadd.s32 $0xFFFFFFFA, s29;
	v12 =	vbroadcast v12, $0x0;
	v24 =	vmov s22;
	s22 =	sadd.s32 $0xFFFFFFF8, s29;
	(erf) = vrcp.f32 v20  }
0x3c0: {  	v27 =	vmov s23;
	s23 =	sadd.s32 $0xFFFFFFFC, s29;
	v26 =	vmov s22;
	s22 =	sadd.s32 $0xFFFFFFFB, s29;
	v20 =	vld [tilespmem:s20+$0xFFFFFC80];
	v5 =	vmul.f32 v28, v5;
	v16 =	vpop (erf)  }
0x3c1: {  	v29 =	vmov s23;
	v28 =	vmov s22;
	s22 =	sadd.s32 $0xFFFFFFFD, s29;
	v15 =	vmul.f32 v16, v15;
	v16 =	vld.idx.msk [tilespmem:v19+s16+$0x0], $0xffff  }
0x3c2: {  	v19 =	vmul.f32 v7, v4;
	v30 =	vmov s22;
	s22 =	sadd.s32 $0xFFFFFFFE, s29;
	v18 =	vadd.f32 v5, v18  }
0x3c3: {  	v31 =	vshrl.u32 v17, $0x3;
	v5 =	vmov s22;
	v14 =	vmul.f32 v15, v14  }
0x3c4: {  	v15 =	vsub.f32 v19, v8;
	v19 =	vshrl.u32 v23, $0x3;
	v23 =	vshrl.u32 v13, $0x3;
	v8 =	vld [tilespmem:s20+$0xFFFFFD00];
	v13 =	vpop (erf)  }
0x3c5: {  	v21 =	vshrl.u32 v21, $0x3;
	v22 =	vshrl.u32 v22, $0x3;
	v32 =	vld.idx.msk [tilespmem:v12+s16+$0x0], $0xffff;
	v9 =	vmul.f32 v13, v9  }
0x3c6: {  	v12 =	vadd.f32 v20, v15;
	v13 =	vmul.f32 v15, v4;
	v20 =	vshrl.u32 v25, $0x3  }
0x3c7: {  	v24 =	vshrl.u32 v24, $0x3;
	v25 =	vshrl.u32 v26, $0x3;
	v9 =	vmul.f32 v9, v16  }
0x3c8: {  	v27 =	vshrl.u32 v27, $0x3;
	v16 =	vsub.f32 $0.0e+00, v12;
	v26 =	vsub.f32 v13, v7;
	v7 =	vpop (erf)  }
0x3c9: {  	v28 =	vshrl.u32 v28, $0x3;
	v7 =	vmul.f32 v7, v10;
	v10 =	vld [tilespmem:s20+$0xFFFFFD80];
	v9 =	vadd.f32 v9, v14  }
0x3ca: {  	v14 =	vmul.f32 $1.442695020e+00, v16;
	v17 =	vadd.f32 v8, v26;
	v16 =	vmul.f32 v26, v4  }
0x3cb: {  	v8 =	vshrl.u32 v29, $0x3;
	v13 =	vmul.f32 v7, v32;
	v9 =	vadd.f32 v9, v18  }
0x3cc: {  	v18 =	vsub.f32 $0.0e+00, v17;
	v15 =	vsub.f32 v16, v15;
	(erf) = vpow2.f32 v14  }
0x3cd: {  	v16 =	vshll.u32 v31, v2;
	v7 =	vshrl.u32 v30, $0x3;
	v14 =	vld [tilespmem:s20+$0xFFFFFE00];
	v9 =	vadd.f32 v9, v11  }
0x3ce: {  	v18 =	vmul.f32 $1.442695020e+00, v18;
	v11 =	vadd.f32 v10, v15;
	v10 =	vmul.f32 v15, v4  }
0x3cf: {  	v19 =	vshll.u32 v19, v2;
	v23 =	vshll.u32 v23, v2;
	v6 =	vadd.f32 v9, v6  }
0x3d0: {  	v9 =	vsub.f32 $0.0e+00, v11;
	v10 =	vsub.f32 v10, v26;
	(erf) = vpow2.f32 v18  }
0x3d1: {  	v18 =	vshll.u32 v21, v2;
	v21 =	vshll.u32 v22, v2;
	v22 =	vld [tilespmem:s20+$0xFFFFFE80];
	v3 =	vadd.f32 v6, v3  }
0x3d2: {  	v9 =	vmul.f32 $1.442695020e+00, v9;
	v6 =	vadd.f32 v14, v10;
	v14 =	vmul.f32 v10, v4  }
0x3d3: {  	v24 =	vshll.u32 v24, v2;
	v20 =	vshll.u32 v20, v2;
	v25 =	vshll.u32 v25, v2  }
0x3d4: {  	v26 =	vsub.f32 $0.0e+00, v6;
	v14 =	vsub.f32 v14, v15;
	(erf) = vpow2.f32 v9  }
0x3d5: {  	v27 =	vshll.u32 v27, v2;
	v15 =	vadd.s32 $0x1, v19;
	v9 =	vbroadcast v16, $0x0;
	v19 =	vld [tilespmem:s20+$0xFFFFFF00];
	v29 =	vpop (erf)  }
0x3d6: {  	v26 =	vmul.f32 $1.442695020e+00, v26;
	v16 =	vadd.f32 v22, v14;
	v22 =	vmul.f32 v14, v4  }
0x3d7: {  	v23 =	vadd.s32 $0x2, v23;
	v18 =	vadd.s32 $0x3, v18;
	v31 =	vadd.f32 $1.000000000e+00, v29  }
0x3d8: {  	v30 =	vsub.f32 $0.0e+00, v16;
	v10 =	vsub.f32 v22, v10;
	(erf) = vpow2.f32 v26  }
0x3d9: {  	v21 =	vadd.s32 $0x4, v21;
	v22 =	vbroadcast v15, $0x0;
	v26 =	vld [tilespmem:s20+$0xFFFFFF80];
	(erf) = vrcp.f32 v31;
	v29 =	vpop (erf)  }
0x3da: {  	v30 =	vmul.f32 $1.442695020e+00, v30;
	v15 =	vadd.f32 v19, v10;
	v33 =	vmul.f32 v10, v4  }
0x3db: {  	v23 =	vbroadcast v23, $0x0;
	v20 =	vadd.s32 $0x5, v20;
	v29 =	vadd.f32 $1.000000000e+00, v29  }
0x3dc: {  	v31 =	vsub.f32 $0.0e+00, v15;
	v32 =	vsub.f32 v33, v14;
	(erf) = vpow2.f32 v30  }
0x3dd: {  	v30 =	vbroadcast v18, $0x0;
	v18 =	vadd.s32 $0x6, v24;
	v24 =	vld [tilespmem:s20+$0x0];
	(erf) = vrcp.f32 v29;
	v19 =	vpop (erf)  }
0x3de: {  	v34 =	vmul.f32 $1.442695020e+00, v31;
	v14 =	vadd.f32 v26, v32;
	v26 =	vmul.f32 v32, v4  }
0x3df: {  	v21 =	vbroadcast v21, $0x0;
	v33 =	vbroadcast v20, $0x0;
	v35 =	vadd.f32 $1.000000000e+00, v19;
	v22 =	vld.idx.msk [tilespmem:v22+s16+$0x0], $0xffff  }
0x3e0: {  	v20 =	vsub.f32 $0.0e+00, v14;
	v26 =	vsub.f32 v26, v10;
	(erf) = vpow2.f32 v34  }
0x3e1: {  	v19 =	vbroadcast v18, $0x0;
	v18 =	vadd.s32 $0x7, v25;
	v25 =	vld [tilespmem:s20+$0x80];
	(erf) = vrcp.f32 v35;
	v29 =	vpop (erf)  }
0x3e2: {  	v20 =	vmul.f32 $1.442695020e+00, v20;
	v10 =	vadd.f32 v24, v26;
	v24 =	vmul.f32 v26, v4;
	v31 =	vpop (erf)  }
0x3e3: {  	v18 =	vbroadcast v18, $0x0;
	v34 =	vadd.f32 $1.000000000e+00, v29;
	v12 =	vmul.f32 v31, v12;
	v23 =	vld.idx.msk [tilespmem:v23+s16+$0x0], $0xffff  }
0x3e4: {  	v31 =	vsub.f32 $0.0e+00, v10;
	v24 =	vsub.f32 v24, v32;
	(erf) = vpow2.f32 v20  }
0x3e5: {  	v28 =	vshll.u32 v28, v2;
	v20 =	vmul.f32 v12, v22;
	v22 =	vld [tilespmem:s20+$0x100];
	(erf) = vrcp.f32 v34;
	v29 =	vpop (erf)  }
0x3e6: {  	v31 =	vmul.f32 $1.442695020e+00, v31;
	v12 =	vadd.f32 v25, v24;
	v25 =	vmul.f32 v24, v4;
	v32 =	vpop (erf)  }
0x3e7: {  	v29 =	vadd.f32 $1.000000000e+00, v29;
	v17 =	vmul.f32 v32, v17;
	v30 =	vld.idx.msk [tilespmem:v30+s16+$0x0], $0xffff;
	v32 =	vadd.f32 v20, v13  }
0x3e8: {  	v13 =	vsub.f32 $0.0e+00, v12;
	v26 =	vsub.f32 v25, v26;
	(erf) = vpow2.f32 v31  }
0x3e9: {  	v31 =	vmul.f32 v17, v23;
	v17 =	vadd.s32 $0x1, v27;
	v25 =	vld [tilespmem:s20+$0x180];
	(erf) = vrcp.f32 v29;
	v20 =	vpop (erf)  }
0x3ea: {  	v23 =	vmul.f32 $1.442695020e+00, v13;
	v13 =	vadd.f32 v22, v26;
	v22 =	vmul.f32 v26, v4;
	v27 =	vpop (erf)  }
0x3eb: {  	v34 =	vadd.f32 $1.000000000e+00, v20;
	v17 =	vbroadcast v17, $0x0;
	v11 =	vmul.f32 v27, v11;
	v29 =	vld.idx.msk [tilespmem:v21+s16+$0x0], $0xffff  }
0x3ec: {  	v27 =	vsub.f32 $0.0e+00, v13;
	v22 =	vsub.f32 v22, v24;
	(erf) = vpow2.f32 v23  }
.Ltmp5:
0x3ed: {  	v23 =	vadd.s32 $0x2, v28;
	v24 =	vmul.f32 v11, v30;
	v20 =	vld [tilespmem:s20+$0x200];
	(erf) = vrcp.f32 v34;
	v21 =	vpop (erf);
	(pc) =	sbr.rel @p0 .LBB2_14-.Ltmp5, $4  }
0x3ee: {  	v34 =	vmul.f32 $1.442695020e+00, v27;
	v11 =	vadd.f32 v25, v22;
	v30 =	vmul.f32 v22, v4;
	v25 =	vpop (erf)  }
0x3ef: {  	v6 =	vmul.f32 v25, v6;
	v25 =	vld.idx.msk [tilespmem:v33+s16+$0x0], $0xffff;
	v33 =	vadd.f32 $1.000000000e+00, v21;
	v31 =	vadd.f32 v24, v31  }
0x3f0: {  	v27 =	vsub.f32 $0.0e+00, v11;
	v21 =	vsub.f32 v30, v26;
	(erf) = vpow2.f32 v34  }
0x3f1: {  	s21 =	sadd.s32 $0x10, s21;
	v24 =	vmul.f32 v6, v29;
	v26 =	vld [tilespmem:s20+$0x280];
	v6 =	vadd.f32 v31, v32;
	(erf) = vrcp.f32 v33;
	v28 =	vpop (erf)  }
0x3f2: {  	v29 =	vmul.f32 v21, v4  }
0x3f3: {  	v27 =	vmul.f32 $1.442695020e+00, v27;
	v20 =	vadd.f32 v20, v21;
	v28 =	vadd.f32 $1.000000000e+00, v28  }
0x3f4: {  	v30 =	vpop (erf);
	v8 =	vshll.u32 v8, v2;
	v45 =	vshll.u32 v7, v2;
	v22 =	vsub.f32 v29, v22  }
0x3f5: {  	v5 =	vshrl.u32 v5, $0x3;
	v16 =	vmul.f32 v30, v16;
	v30 =	vbroadcast v23, $0x0  }
0x3f6: {  	v19 =	vld.idx.msk [tilespmem:v19+s16+$0x0], $0xffff;
	v8 =	vadd.s32 $0x3, v8;
	v58 =	vadd.s32 $0x4, v45;
	v32 =	vmul.f32 v22, v4  }
0x3f7: {  	v62 =	vld [tilespmem:s20+$0x300];
	v5 =	vshll.u32 v5, v2;
	v61 =	vsub.f32 $0.0e+00, v20;
	(erf) = vpow2.f32 v27  }
0x3f8: {  	v51 =	vld.idx.msk [tilespmem:v17+s16+$0x0], $0xffff;
	v41 =	vbroadcast v8, $0x0;
	v17 =	vbroadcast v58, $0x0;
	v36 =	vsub.f32 v32, v21  }
0x3f9: {  	s22 =	sadd.s32 $0xFFFFFFF2, s28;
	v5 =	vadd.s32 $0x5, v5;
	v16 =	vmul.f32 v16, v25;
	v63 =	vpop (erf);
	v26 =	vadd.f32 v26, v22  }
0x3fa: {  	v29 =	vmov s22;
	v23 =	vmul.f32 $1.442695020e+00, v61;
	v33 =	vpop (erf);
	v39 =	vmul.f32 v36, v4  }
0x3fb: {  	v34 =	vld.idx.msk [tilespmem:v18+s16+$0x0], $0xffff;
	(erf) = vrcp.f32 v28;
	v15 =	vmul.f32 v33, v15;
	v35 =	vsub.f32 $0.0e+00, v26  }
0x3fc: {  	v37 =	vld [tilespmem:s20+$0x380];
	v27 =	vadd.f32 $1.000000000e+00, v63;
	(erf) = vpow2.f32 v23;
	v22 =	vsub.f32 v39, v22  }
0x3fd: {  	v19 =	vmul.f32 v15, v19;
	v38 =	vpop (erf);
	v18 =	vmul.f32 $1.442695020e+00, v35;
	v15 =	vadd.f32 v62, v36  }
0x3fe: {  	s20 =	sadd.s32 $0x800, s20;
	v24 =	vadd.f32 v16, v24;
	(erf) = vrcp.f32 v27;
	v40 =	vpop (erf);
	v47 =	vmul.f32 v22, v4  }
0x3ff: {  	s30 =	sadd.s32 $0xFFFFFFF3, s28;
	v44 =	vld [tilespmem:s20+$0xFFFFFC00];
	v14 =	vmul.f32 v40, v14;
	v43 =	vsub.f32 $0.0e+00, v15;
	(erf) = vpow2.f32 v18  }
0x400: {  	v61 =	vld.idx.msk [tilespmem:v30+s16+$0x0], $0xffff;
	v30 =	vmov s30;
	v27 =	vadd.f32 $1.000000000e+00, v38;
	v53 =	vsub.f32 v47, v36  }
0x401: {  	v42 =	vld.idx.msk [tilespmem:v9+s16+$0x0], $0xffff;
	s21 =	sadd.s32 $0xFFFFFFFF, s29;
	v14 =	vmul.f32 v14, v34;
	v9 =	vmul.f32 $1.442695020e+00, v43;
	v16 =	vadd.f32 v37, v22  }
0x402: {  	v35 =	vmov s21;
	(erf) = vrcp.f32 v27;
	v46 =	vpop (erf);
	v59 =	vmul.f32 v53, v4  }
0x403: {  	s23 =	sadd.s32 $0xFFFFFFF1, s28;
	v49 =	vadd.f32 $1.000000000e+00, v46;
	v52 =	vsub.f32 $0.0e+00, v16;
	(erf) = vpow2.f32 v9  }
0x404: {  	v48 =	vpop (erf);
	v37 =	vbroadcast v5, $0x0;
	v43 =	vmov s23;
	v63 =	vsub.f32 v59, v22  }
0x405: {  	(erf) = vrcp.f32 v49;
	v54 =	vpop (erf);
	v23 =	vadd.f32 v44, v53;
	v56 =	vmul.f32 $1.442695020e+00, v52  }
0x406: {  	v10 =	vmul.f32 v48, v10;
	v55 =	vadd.f32 $1.000000000e+00, v54;
	v34 =	vmul.f32 v63, v4  }
0x407: {  	v50 =	vadd.f32 v14, v19;
	v57 =	vpop (erf);
	v60 =	vsub.f32 $0.0e+00, v23;
	(erf) = vpow2.f32 v56  }
0x408: {  	v12 =	vmul.f32 v57, v12;
	v62 =	vpop (erf);
	(erf) = vrcp.f32 v55;
	v18 =	vsub.f32 v34, v53  }
0x409: {  	v47 =	vld [tilespmem:s20+$0xFFFFFC80];
	v8 =	vmul.f32 v10, v42;
	v7 =	vadd.f32 v50, v24;
	v32 =	vmul.f32 $1.442695020e+00, v60  }
0x40a: {  	v36 =	vld.idx.msk [tilespmem:v41+s16+$0x0], $0xffff;
	v9 =	vmul.f32 v12, v51;
	v12 =	vadd.f32 $1.000000000e+00, v62;
	v41 =	vmul.f32 v18, v4  }
0x40b: {  	v10 =	vshrl.u32 v35, $0x3;
	v42 =	vmov s29;
	v33 =	vpop (erf);
	(erf) = vpow2.f32 v32  }
0x40c: {  	s29 =	sadd.s32 $0xFFFFFFF9, s28;
	v10 =	vshll.u32 v10, v2;
	v38 =	vpop (erf);
	(erf) = vrcp.f32 v12;
	v12 =	vsub.f32 v41, v63  }
0x40d: {  	v27 =	vmov s29;
	v48 =	vshrl.u32 v42, $0x3;
	v10 =	vadd.s32 $0x6, v10  }
0x40e: {  	v17 =	vld.idx.msk [tilespmem:v17+s16+$0x0], $0xffff;
	v28 =	vadd.f32 v47, v63;
	v13 =	vmul.f32 v33, v13;
	v39 =	vpop (erf);
	v51 =	vmul.f32 v12, v4  }
0x40f: {  	v52 =	vld [tilespmem:s20+$0xFFFFFD00];
	v54 =	vshrl.u32 v43, $0x3;
	v44 =	vbroadcast v10, $0x0;
	v11 =	vmul.f32 v39, v11  }
0x410: {  	v33 =	vsub.f32 $0.0e+00, v28;
	v34 =	vld [tilespmem:s20+$0xFFFFFD80];
	v5 =	vmul.f32 v13, v61;
	v49 =	vpop (erf);
	v32 =	vsub.f32 v51, v18  }
0x411: {  	v40 =	vadd.f32 $1.000000000e+00, v38;
	v10 =	vmul.f32 v11, v36;
	v11 =	vshll.u32 v48, v2;
	v50 =	vpop (erf)  }
0x412: {  	v11 =	vadd.s32 $0x7, v11;
	v20 =	vmul.f32 v50, v20;
	v55 =	vmul.f32 v32, v4  }
0x413: {  	(erf) = vrcp.f32 v40;
	v19 =	vadd.f32 $1.000000000e+00, v49;
	v31 =	vbroadcast v11, $0x0  }
0x414: {  	v53 =	vpop (erf);
	v11 =	vmul.f32 v20, v17;
	v20 =	vadd.f32 v52, v18;
	v35 =	vsub.f32 v55, v12  }
0x415: {  	v60 =	vld [tilespmem:s20+$0xFFFFFE00];
	v58 =	vmul.f32 $1.442695020e+00, v33;
	v17 =	vadd.f32 v34, v12;
	v13 =	vadd.f32 $1.000000000e+00, v53  }
0x416: {  	v22 =	vld.idx.msk [tilespmem:v37+s16+$0x0], $0xffff;
	(erf) = vrcp.f32 v19;
	v37 =	vsub.f32 $0.0e+00, v20;
	v61 =	vmul.f32 v35, v4  }
0x417: {  	v14 =	vshll.u32 v54, v2;
	v47 =	vsub.f32 $0.0e+00, v17;
	(erf) = vrcp.f32 v13  }
0x418: {  	s30 =	sadd.s32 $0xFFFFFFF7, s28;
	s23 =	sadd.s32 $0xFFFFFFF5, s28;
	v46 =	vld [tilespmem:s20+$0xFFFFFE80];
	(erf) = vpow2.f32 v58;
	v45 =	vmul.f32 $1.442695020e+00, v37;
	v63 =	vsub.f32 v61, v32  }
0x419: {  	v56 =	vmov s23;
	v62 =	vmov s30;
	v49 =	vmul.f32 $1.442695020e+00, v47  }
0x41a: {  	s29 =	sadd.s32 $0xFFFFFFF6, s28;
	v21 =	vadd.f32 v60, v32;
	(erf) = vpow2.f32 v45;
	v40 =	vmul.f32 v63, v4  }
0x41b: {  	v59 =	vmov s29;
	v25 =	vld.idx.msk [tilespmem:v44+s16+$0x0], $0xffff;
	v33 =	vshrl.u32 v62, $0x3;
	v36 =	vbroadcast v14, $0x0;
	v57 =	vpop (erf)  }
0x41c: {  	s22 =	sadd.s32 $0xFFFFFFF4, s28;
	v52 =	vld [tilespmem:s20+$0xFFFFFF00];
	v51 =	vsub.f32 $0.0e+00, v21;
	v41 =	vpop (erf);
	(erf) = vpow2.f32 v49;
	v50 =	vsub.f32 v40, v35  }
0x41d: {  	v19 =	vmov s22;
	v48 =	vmul.f32 v41, v15;
	v14 =	vadd.f32 v46, v35  }
0x41e: {  	v34 =	vshrl.u32 v19, $0x3;
	v15 =	vmul.f32 $1.442695020e+00, v51;
	v45 =	vld [tilespmem:s20+$0xFFFFFF80];
	v54 =	vmul.f32 v50, v4  }
0x41f: {  	v26 =	vmul.f32 v57, v26;
	v46 =	vshrl.u32 v56, $0x3;
	v44 =	vsub.f32 $0.0e+00, v14;
	v53 =	vpop (erf)  }
0x420: {  	v13 =	vmul.f32 v48, v25;
	(erf) = vpow2.f32 v15;
	v25 =	vpop (erf);
	v35 =	vsub.f32 v54, v63  }
0x421: {  	v32 =	vshrl.u32 v59, $0x3;
	v44 =	vmul.f32 $1.442695020e+00, v44;
	v15 =	vadd.f32 v52, v63;
	v43 =	vpop (erf)  }
0x422: {  	v41 =	vmul.f32 v53, v16;
	v43 =	vadd.f32 $1.000000000e+00, v43;
	v55 =	vmul.f32 v35, v4  }
0x423: {  	v40 =	vshrl.u32 v27, $0x3;
	v57 =	vsub.f32 $0.0e+00, v15;
	v16 =	vadd.f32 v45, v50;
	v56 =	vpop (erf)  }
0x424: {  	v58 =	vld [tilespmem:s20+$0x0];
	(erf) = vrcp.f32 v43;
	v19 =	vadd.f32 $1.000000000e+00, v56;
	v27 =	vsub.f32 v55, v50  }
0x425: {  	v31 =	vld.idx.msk [tilespmem:v31+s16+$0x0], $0xffff;
	v59 =	vmul.f32 $1.442695020e+00, v57;
	v62 =	vsub.f32 $0.0e+00, v16;
	v61 =	vpop (erf);
	(erf) = vpow2.f32 v44  }
0x426: {  	v47 =	vld [tilespmem:s20+$0x80];
	v63 =	vadd.f32 $1.000000000e+00, v61;
	(erf) = vrcp.f32 v19;
	v60 =	vmul.f32 v27, v4  }
0x427: {  	v52 =	vmul.f32 $1.442695020e+00, v62;
	(erf) = vpow2.f32 v59  }
0x428: {  	v29 =	vshrl.u32 v29, $0x3;
	(erf) = vrcp.f32 v63;
	v48 =	vsub.f32 v60, v35  }
0x429: {  	v30 =	vshrl.u32 v30, $0x3;
	s22 =	sadd.s32 $0xFFFFFFF8, s28;
	v18 =	vadd.f32 v58, v35;
	v55 =	vpop (erf);
	(erf) = vpow2.f32 v52  }
0x42a: {  	v30 =	vshll.u32 v30, v2;
	v38 =	vmov s22;
	v36 =	vld.idx.msk [tilespmem:v36+s16+$0x0], $0xffff;
	v54 =	vmul.f32 v48, v4  }
0x42b: {  	v53 =	vld [tilespmem:s20+$0x100];
	v19 =	vmul.f32 v41, v31;
	v43 =	vsub.f32 $0.0e+00, v18;
	v24 =	vadd.f32 v47, v27  }
0x42c: {  	v31 =	vshrl.u32 v38, $0x3;
	v56 =	vadd.f32 $1.000000000e+00, v55;
	v38 =	vsub.f32 v54, v27  }
0x42d: {  	v30 =	vadd.s32 $0x2, v30;
	v23 =	vmul.f32 v25, v23;
	v43 =	vmul.f32 $1.442695020e+00, v43;
	v44 =	vpop (erf)  }
0x42e: {  	v58 =	vld [tilespmem:s20+$0x180];
	v47 =	vsub.f32 $0.0e+00, v24;
	v57 =	vpop (erf);
	(erf) = vrcp.f32 v56;
	v59 =	vmul.f32 v38, v4  }
0x42f: {  	v23 =	vmul.f32 v23, v36;
	v41 =	vadd.f32 $1.000000000e+00, v57;
	(erf) = vpow2.f32 v43;
	v36 =	vpop (erf)  }
0x430: {  	v25 =	vadd.f32 v53, v48;
	v62 =	vmul.f32 $1.442695020e+00, v47;
	v61 =	vpop (erf);
	v60 =	vsub.f32 v59, v48  }
0x431: {  	v30 =	vbroadcast v30, $0x0;
	v52 =	vld [tilespmem:s20+$0x200];
	(erf) = vrcp.f32 v41;
	v41 =	vadd.f32 $1.000000000e+00, v61;
	v49 =	vpop (erf)  }
0x432: {  	v63 =	vsub.f32 $0.0e+00, v25;
	(erf) = vpow2.f32 v62;
	v54 =	vpop (erf);
	v48 =	vmul.f32 v60, v4  }
0x433: {  	s30 =	sadd.s32 $0xFFFFFFFC, s28;
	v27 =	vadd.f32 v58, v38;
	(erf) = vrcp.f32 v41;
	v41 =	vadd.f32 $1.000000000e+00, v54  }
0x434: {  	v42 =	vmov s30;
	v53 =	vmul.f32 $1.442695020e+00, v63;
	v38 =	vsub.f32 v48, v38  }
0x435: {  	v33 =	vshll.u32 v33, v2;
	v44 =	vmul.f32 v44, v28;
	v55 =	vsub.f32 $0.0e+00, v27  }
0x436: {  	s23 =	sadd.s32 $0xFFFFFFFA, s28;
	(erf) = vpow2.f32 v53;
	v28 =	vadd.f32 v52, v60;
	v48 =	vmul.f32 v38, v4  }
0x437: {  	v39 =	vmov s23;
	v33 =	vadd.s32 $0x6, v33;
	v56 =	vld [tilespmem:s20+$0x280];
	(erf) = vrcp.f32 v41;
	v41 =	vpop (erf)  }
0x438: {  	v33 =	vbroadcast v33, $0x0;
	v45 =	vmul.f32 $1.442695020e+00, v55;
	v59 =	vsub.f32 $0.0e+00, v28;
	v58 =	vpop (erf)  }
0x439: {  	v35 =	vshrl.u32 v42, $0x3;
	v42 =	vsub.f32 v48, v60;
	v60 =	vadd.f32 $1.000000000e+00, v58  }
0x43a: {  	v34 =	vshll.u32 v34, v2;
	(erf) = vpow2.f32 v45;
	v45 =	vmul.f32 $1.442695020e+00, v59;
	v48 =	vpop (erf)  }
0x43b: {  	v34 =	vadd.s32 $0x3, v34;
	v50 =	vshll.u32 v29, v2;
	(erf) = vrcp.f32 v60;
	v63 =	vpop (erf)  }
0x43c: {  	v29 =	vadd.f32 v56, v38;
	(erf) = vpow2.f32 v45;
	v45 =	vadd.f32 $1.000000000e+00, v63  }
0x43d: {  	s29 =	sadd.s32 $0xFFFFFFFB, s28;
	s23 =	sadd.s32 $0xFFFFFFFD, s28;
	v39 =	vshrl.u32 v39, $0x3;
	v34 =	vbroadcast v34, $0x0;
	v12 =	vmul.f32 v26, v22  }
0x43e: {  	v37 =	vmov s29;
	v26 =	vmov s23;
	s29 =	sadd.s32 $0xFFFFFFFE, s28;
	v57 =	vld [tilespmem:s20+$0x300];
	v51 =	vsub.f32 $0.0e+00, v29  }
0x43f: {  	v22 =	vmov s29;
	v37 =	vshrl.u32 v37, $0x3;
	v26 =	vshrl.u32 v26, $0x3  }
0x440: {  	v46 =	vshll.u32 v46, v2;
	v62 =	vld [tilespmem:s20+$0x380];
	v43 =	vmul.f32 $1.442695020e+00, v51;
	(erf) = vrcp.f32 v45;
	v45 =	vpop (erf)  }
0x441: {  	v26 =	vshll.u32 v26, v2;
	v22 =	vshrl.u32 v22, $0x3;
	v61 =	vmul.f32 v42, v4;
	v53 =	vpop (erf)  }
0x442: {  	v46 =	vadd.s32 $0x4, v46;
	(erf) = vpow2.f32 v43;
	v43 =	vadd.f32 $1.000000000e+00, v53  }
0x443: {  	v26 =	vadd.s32 $0x4, v26;
	v4 =	vadd.f32 v57, v42;
	v38 =	vsub.f32 v61, v38  }
0x444: {  	v22 =	vshll.u32 v22, v2;
	v46 =	vbroadcast v46, $0x0;
	v26 =	vbroadcast v26, $0x0  }
0x445: {  	v50 =	vadd.s32 $0x1, v50;
	v54 =	vsub.f32 $0.0e+00, v4;
	v38 =	vadd.f32 v62, v38  }
0x446: {  	v32 =	vshll.u32 v32, v2;
	v52 =	vbroadcast v50, $0x0;
	(erf) = vrcp.f32 v43;
	v43 =	vpop (erf)  }
0x447: {  	v22 =	vadd.s32 $0x5, v22;
	v42 =	vmul.f32 $1.442695020e+00, v54;
	v56 =	vsub.f32 $0.0e+00, v38;
	v55 =	vpop (erf)  }
0x448: {  	v22 =	vbroadcast v22, $0x0;
	v20 =	vmul.f32 v36, v20;
	v36 =	vadd.f32 $1.000000000e+00, v55  }
0x449: {  	v32 =	vadd.s32 $0x5, v32;
	(erf) = vpow2.f32 v42;
	v42 =	vmul.f32 $1.442695020e+00, v56  }
0x44a: {  	v37 =	vshll.u32 v37, v2;
	v32 =	vbroadcast v32, $0x0;
	(erf) = vrcp.f32 v36  }
0x44b: {  	v30 =	vld.idx.msk [tilespmem:v30+s16+$0x0], $0xffff;
	v40 =	vshll.u32 v40, v2;
	v57 =	vshll.u32 v39, v2;
	v39 =	vpop (erf);
	(erf) = vpow2.f32 v42  }
0x44c: {  	v40 =	vbroadcast v40, $0x0;
	v31 =	vshll.u32 v31, v2;
	v35 =	vshll.u32 v35, v2;
	v47 =	vld.idx.msk [tilespmem:v52+s16+$0x0], $0xffff;
	v59 =	vpop (erf)  }
0x44d: {  	v34 =	vld.idx.msk [tilespmem:v34+s16+$0x0], $0xffff;
	v31 =	vadd.s32 $0x7, v31;
	v35 =	vadd.s32 $0x3, v35;
	v60 =	vadd.s32 $0x2, v37;
	v37 =	vpop (erf)  }
0x44e: {  	v31 =	vbroadcast v31, $0x0;
	v35 =	vbroadcast v35, $0x0;
	v61 =	vpop (erf)  }
0x44f: {  	v17 =	vmul.f32 v49, v17;
	v21 =	vmul.f32 v41, v21;
	v41 =	vadd.f32 $1.000000000e+00, v61  }
0x450: {  	v20 =	vmul.f32 v20, v30;
	v58 =	vadd.s32 $0x1, v57;
	v36 =	vadd.f32 $1.000000000e+00, v59  }
0x451: {  	v30 =	vbroadcast v58, $0x0;
	v42 =	vmul.f32 v44, v47;
	v44 =	vpop (erf)  }
0x452: {  	s30 =	sadd.s32 $0xFFFFFFFF, s28;
	v17 =	vmul.f32 v17, v34;
	v52 =	vmov s28;
	(erf) = vrcp.f32 v36;
	v62 =	vpop (erf)  }
0x453: {  	v32 =	vld.idx.msk [tilespmem:v32+s16+$0x0], $0xffff;
	v49 =	vshrl.u32 v52, $0x3;
	v51 =	vmov s30;
	(erf) = vrcp.f32 v41;
	v41 =	vpop (erf)  }
0x454: {  	v33 =	vld.idx.msk [tilespmem:v33+s16+$0x0], $0xffff;
	v49 =	vshll.u32 v49, v2;
	v34 =	vbroadcast v60, $0x0;
	v63 =	vadd.f32 $1.000000000e+00, v62;
	v53 =	vpop (erf)  }
0x455: {  	v46 =	vld.idx.msk [tilespmem:v46+s16+$0x0], $0xffff;
	v57 =	vmul.f32 v48, v14;
	v47 =	vshrl.u32 v51, $0x3;
	v36 =	vadd.f32 $1.000000000e+00, v53  }
0x456: {  	v31 =	vld.idx.msk [tilespmem:v31+s16+$0x0], $0xffff;
	v56 =	vadd.s32 $0x7, v49;
	v47 =	vshll.u32 v47, v2;
	(erf) = vrcp.f32 v63  }
0x457: {  	v58 =	vld.idx.msk [tilespmem:v30+s16+$0x0], $0xffff;
	v59 =	vbroadcast v56, $0x0;
	v47 =	vadd.s32 $0x6, v47;
	(erf) = vrcp.f32 v36  }
0x458: {  	v8 =	vadd.f32 v9, v8;
	v9 =	vmul.f32 v57, v32;
	v32 =	vld.idx.msk [tilespmem:v35+s16+$0x0], $0xffff;
	v55 =	vbroadcast v47, $0x0  }
0x459: {  	v54 =	vld.idx.msk [tilespmem:v40+s16+$0x0], $0xffff;
	v60 =	vmul.f32 v45, v15;
	v35 =	vmul.f32 v39, v18  }
0x45a: {  	v5 =	vadd.f32 v10, v5;
	v39 =	vmul.f32 v37, v24;
	v61 =	vmul.f32 v43, v16;
	v62 =	vld.idx.msk [tilespmem:v34+s16+$0x0], $0xffff  }
0x45b: {  	v11 =	vadd.f32 v12, v11;
	v22 =	vld.idx.msk [tilespmem:v22+s16+$0x0], $0xffff;
	v13 =	vadd.f32 v19, v13;
	v10 =	vmul.f32 v60, v33  }
0x45c: {  	v5 =	vadd.f32 v5, v8;
	v48 =	vmul.f32 v39, v58;
	v15 =	vmul.f32 v61, v31;
	v34 =	vld.idx.msk [tilespmem:v26+s16+$0x0], $0xffff  }
0x45d: {  	v11 =	vadd.f32 v13, v11;
	v43 =	vmul.f32 v44, v25;
	v50 =	vld.idx.msk [tilespmem:v59+s16+$0x0], $0xffff;
	v44 =	vmul.f32 v41, v27;
	v45 =	vpop (erf)  }
0x45e: {  	v6 =	vadd.f32 v7, v6;
	v47 =	vmul.f32 v35, v54;
	v63 =	vmul.f32 v21, v46;
	v46 =	vld.idx.msk [tilespmem:v55+s16+$0x0], $0xffff;
	v49 =	vpop (erf)  }
0x45f: {  	v5 =	vadd.f32 v11, v5;
	v51 =	vmul.f32 v43, v62;
	v52 =	vmul.f32 v44, v32;
	v53 =	vpop (erf)  }
0x460: {  	v17 =	vadd.f32 v17, v20;
	v55 =	vmul.f32 v45, v28;
	v14 =	vmul.f32 v49, v29;
	v56 =	vpop (erf)  }
0x461: {  	v54 =	vadd.f32 v42, v23;
	v4 =	vmul.f32 v53, v4;
	v57 =	vmul.f32 v56, v38  }
0x462: {  	v10 =	vadd.f32 v15, v10;
	v58 =	vmul.f32 v55, v34;
	v14 =	vmul.f32 v14, v22  }
0x463: {  	v7 =	vadd.f32 v48, v47;
	v4 =	vmul.f32 v4, v46;
	v59 =	vmul.f32 v57, v50  }
0x464: {  	v9 =	vadd.f32 v9, v63;
	v60 =	vadd.f32 v52, v51  }
0x465: {  	v61 =	vadd.f32 v14, v58;
	v4 =	vadd.f32 v59, v4  }
0x466: {  	v62 =	vadd.f32 v17, v54;
	v9 =	vadd.f32 v10, v9  }
0x467: {  	v7 =	vadd.f32 v60, v7;
	v4 =	vadd.f32 v4, v61  }
0x468: {  	v5 =	vadd.f32 v5, v6  }
0x469: {  	v63 =	vadd.f32 v9, v62;
	v4 =	vadd.f32 v4, v7;
	_ =	sdelay $0x1  }
0x46a: {  	v3 =	vadd.f32 v5, v3;
	v4 =	vadd.f32 v4, v63;
	_ =	sdelay $0x1  }
0x46b: {  	v3 =	vadd.f32 v4, v3;
	_ =	sdelay $0x1  }
0x46c: {  	v3 =	vmul.f32 $1.442695020e+00, v3;
	_ =	sdelay $0x1  }
0x46d: {  	(erf) = vpow2.f32 v3;
	_ =	sdelay $0x3  }
0x46e: {  	s11 =	sadd.s32 $0x1, s11  }
0x46f: {  	p0 =	sne.s32 s11, $0x8  }
.Ltmp6:
0x470: {  	_ = 	snop;
	(pc) =	sbr.rel @p0 .LBB2_13-.Ltmp6, $3  }
0x471: {  	_ =	sdelay $0x1  }
0x472: {  	v3 =	vpop (erf)  }
0x473: {  	s13 =	sadd.s32 $0x10, s13;
	[tilespmem:s26+$0xD200] =	vst v3  }
0x474: {  	s11 =	sadd.s32 s10, s15  }
0x475: {  	[hbm4b:s11+s4] =	stream.linear.scatter [tilespmem:s3], [sflag:$0x3], $0x80, $0x38;
	[tilespmem:$0xEB40] =	vst v63  }
0x476: {  	s14 =	sadd.s32 $0x1, s14;
	_ =	swait.ge [sflag:s17], $0x80  }
0x477: {  	p0 =	sne.s32 s14, $0x62;
	[sflag:s17] =	ssyncset.done $0x0  }
.Ltmp7:
0x478: {  	[sflag:s17] =	ssyncadd.s32 $0xFFFFFF80;
	(pc) =	sbr.rel @p0 .LBB2_4-.Ltmp7, $4  }
0x479: {  	[spmem:s2] =	stream.indirect.scatter.add.f32 [tilespmem:s3], [sflag:$0x3], $0x1, s25, s19, $0xb8;
	[tilespmem:$0xEB40] =	vst v63  }
0x47a: {  	_ =	swait.ge [sflag:s17], $0x80  }
0x47b: {  	[sflag:s17] =	ssyncset.done $0x0  }
0x47c: {  	[sflag:s17] =	ssyncadd.s32 $0xFFFFFF80  }
0x47d: {  	_ =	swait.ge [sflag:s31], $0x2000  }
0x47e: {  	[sflag:s31] =	ssyncset.done $0x0  }
0x47f: {  	[sflag:s31] =	ssyncadd.s32 $0xFFFFE000  }
0x480: {  	_ =	swait.ge [sflag:s31], $0x2000  }
0x481: {  	[sflag:s31] =	ssyncset.done $0x0  }
0x482: {  	[sflag:s31] =	ssyncadd.s32 $0xFFFFE000  }
0x483: {  	_ =	swait.ge [sflag:s31], $0x800  }
0x484: {  	[sflag:s31] =	ssyncset.done $0x0  }
0x485: {  	[sflag:s31] =	ssyncadd.s32 $0xFFFFF800  }
0x486: {  	_ =	swait.ge [sflag:s31], $0x800  }
0x487: {  	[sflag:s31] =	ssyncset.done $0x0  }
0x488: {  	[sflag:s31] =	ssyncadd.s32 $0xFFFFF800  }
0x489: {  	s11 =	stileid.u32;
	[bflag:$0x0] =	sbarrier.arrive $0xFFFF  }
0x48a: {  	s11 =	sshll.u32 s11, $0x6;
	s14 =	rddreg [dreg:$0x4]  }
0x48b: {  	s11 =	sor.u32 $0x1C03, s11;
	s15 =	rddreg [dreg:$0x7];
	s13 =	sshrl.u32 s14, $0x3  }
0x48c: {  	[hbm:s15], [sflag:s11] =	dma.local [spmem:s13], $0x188  }
0x48d: {  	_ =	swait.ge [sflag:s17], $0x188  }
0x48e: {  	s29 =	rddreg [dreg:$0x9]  }
0x48f: {  	s30 =	rddreg [dreg:$0x8];
	s13 =	sadd.s32 $0x1, s29  }
0x490: {  	p0 =	sne.s32 s13, s30  }
.Ltmp8:
0x491: {  	_ = 	snop;
	(pc) =	sbr.rel @p0 .LBB2_1-.Ltmp8, $3  }
0x492: {  	_ =	sdelay $0x1  }
0x493: {  	[sflag:s17] =	ssyncset.done $0x0  }
0x494: {  	[sflag:s17] =	ssyncadd.s32 $0xFFFFFE78  }
0x495: {  	_ =	sfence.sel $0x180000  }
0x496: {  	[bflag:$0x0] =	sbarrier.arrive $0xFFFF  }
0x497: {  	_ =	strace $0x90000047  }
0x498: {  	s0 =	stileid.u32;
	[bflag:$0x2] =	sbarrier.arrive $0xFFFF  }
0x499: {  	p0 =	sne.s32 s0, $0x0;
	s0 =	rddreg [dreg:$0x3]  }
0x49a: {  	s0 =	sadd.s32 @!p0 $0x100000, s0  }
0x49b: {  	[sflag:s0] =	ssyncadd.tile.s32 @!p0 $0x1;
	_ =	shalt  }
.Lfunc_end2:
_tile_overlayer_lowered:
.L_overlay_start_2:
0x49c: {  	(tag) =	ssettag $0x2  }
0x49d: {  	s0 =	rddreg [dreg:$0x0];
	s2 =	stileid.u32  }
0x49e: {  	s1 =	rddreg [dreg:$0x1];
	p0 =	sne.s32 s2, $0x0  }
0x49f: {  	s3 =	rddreg [dreg:$0x2];
	[bflag:$0x3] =	sbarrier.arrive $0xFFFF;
	s2 =	simm.s32 @!p0 $0x1C03  }
0x4a0: {  	[timem:s3], [sflag:s2] =	dma.local @!p0 [hbm:s0], s1  }
0x4a1: {  	s0 =	simm.s32 @!p0 $0x3  }
0x4a2: {  	_ =	swait.ge @!p0 [sflag:s0], s1  }
0x4a3: {  	s1 =	ssub.s32 @!p0 $0x0, s1;
	[sflag:s0] =	ssyncset.done @!p0 $0x0  }
0x4a4: {  	[sflag:s0] =	ssyncadd.s32 @!p0 s1  }
0x4a5: {  	[bflag:$0x3] =	sbarrier.arrive $0xFFFF  }
0x4a6: {  	_ =	shalt  }

// kernel: kernel.9.cloned.1.call-start
scs
__scs_entry_jumppad:
0x0: {  	(pc) =	sbr.rel $0x88, $3  }
0x1: {  	(tag) =	ssettag $0x0;
	lr =	simm.s32 $0x1  }
0x2: {  	[smem:$0x3F9D] =	sst lr;
	_ =	strace $0xD0000000  }
0x3: {  	_ = 	snop  }
0x4: {  	_ = 	snop  }
0x5: {  	_ = 	snop  }
0x6: {  	_ = 	snop  }
0x7: {  	_ = 	snop  }
__scs_overlays_trampoline_lowered:
0x8: {  	[smem:$0x3FAC] =	sst s0  }
0x9: {  	[smem:$0x3FAD] =	sst s1  }
0xa: {  	[smem:$0x3FAE] =	sst s2  }
0xb: {  	[smem:$0x3FAF] =	sst s3  }
0xc: {  	[smem:$0x3FB0] =	sst s4  }
0xd: {  	[smem:$0x3FB1] =	sst s5  }
0xe: {  	[smem:$0x3FB2] =	sst s6  }
0xf: {  	[smem:$0x3FB3] =	sst s7  }
0x10: {  	[smem:$0x3FB4] =	sst s8  }
0x11: {  	[smem:$0x3FB5] =	sst s9;
	s0 =	simm.s32 @!p0 $0x0  }
0x12: {  	s1 =	sld [smem:$0x3F9B];
	s0 =	simm.s32 @p0 $0x1  }
0x13: {  	[smem:$0x3FB6] =	sst s0;
	s0 =	simm.s32 @!p1 $0x0  }
0x14: {  	s2 =	sld [smem:$0x3F9A];
	s0 =	simm.s32 @p1 $0x1  }
0x15: {  	[smem:$0x3FB7] =	sst s0;
	s0 =	simm.s32 @!p2 $0x0  }
0x16: {  	s3 =	sld [smem:$0x3FDB];
	s0 =	simm.s32 @p2 $0x1  }
0x17: {  	s4 =	simm.s32 $0x1BF5;
	[smem:$0x3FB9] =	sst s0  }
0x18: {  	s0 =	sld [smem:$0x3F9C];
	_ =	swait.ge [sflag:s4], $0x0  }
0x19: {  	s7 =	sld [smem:$0x3F9D]  }
0x1a: {  	s8 =	sadd.s32 $0xFFFFE003, lr  }
0x1b: {  	s9 =	sadd.s32 $0xFFFFFEF7, lr;
	s5 =	simm.s32 $0xFFFFFFFF;
	p2 =	slt.u32 s8, $0xFFFFF086  }
0x1c: {  	p1 =	slt.u32 s9, $0xF7A;
	s5 =	simm.s32 @!p2 $0x0  }
0x1d: {  	s5 =	simm.s32 @p1 $0x1;
	p0 =	seq.s32 s7, s2  }
0x1e: {  	s7 =	smul.u32 @!p0 $0xF7A, s2;
	p2 =	seq.s32 @!p0 s5, $0x0  }
0x1f: {  	s9 =	smul.u32 $0xF7A, s1;
	s8 =	simm.s32 @!p0 $0x1BF5;
	p2 =	por !p2, p0  }
0x20: {  	[sflag:s8] =	ssyncset.s32 @!p0 $0xFFFFF086;
	s6 =	sadd.s32 @!p0 s3, s7;
	s7 =	simm.s32 @!p0 $0x108  }
0x21: {  	s3 =	sadd.s32 s3, s9;
	s6 =	sadd.s32 @!p0 $0x88, s6;
	s7 =	simm.s32 @p2 $0x1082  }
0x22: {  	[simem:s7], [sflag:s8] =	dma.local @!p0 [hbm:s6], $0xF7A  }
0x23: {  	s9 =	sor.u32 $0xD0000000, s2;
	s6 =	simm.s32 $0x108;
	_ =	swait.ge @!p0 [sflag:s8], $0x0  }
0x24: {  	s3 =	sadd.s32 $0x88, s3;
	s6 =	simm.s32 @!p1 $0x1082;
	[sflag:s4] =	ssyncset.s32 $0xFFFFF086  }
0x25: {  	[simem:s6], [sflag:s4] =	dma.local [hbm:s3], $0xF7A  }
0x26: {  	[smem:$0x3F9D] =	sst s1;
	(tag) =	ssettag s2;
	_ =	strace s9  }
0x27: {  	s1 =	sld [smem:$0x3FAD]  }
0x28: {  	s2 =	sld [smem:$0x3FAE]  }
0x29: {  	s4 =	sld [smem:$0x3FB0]  }
0x2a: {  	p0 =	seq.s32 s5, $0x0;
	s5 =	sld [smem:$0x3FB1]  }
0x2b: {  	s6 =	sld [smem:$0x3FB2]  }
0x2c: {  	s7 =	sld [smem:$0x3FB3]  }
0x2d: {  	s3 =	simm.s32 $0x108;
	s8 =	sld [smem:$0x3FB4]  }
0x2e: {  	s3 =	simm.s32 @!p0 $0x1082;
	s9 =	sld [smem:$0x3FB5]  }
0x2f: {  	lr =	sadd.s32 s0, s3;
	s0 =	sld [smem:$0x3FAC]  }
0x30: {  	s3 =	sld [smem:$0x3FAF]  }
0x31: {  	[smem:$0x3FB8] =	sst s10  }
0x32: {  	s10 =	sld [smem:$0x3FB6];
	_ =	sdelay $0x3  }
0x33: {  	p0 =	seq.s32 s10, $0x1;
	s10 =	sld [smem:$0x3FB8];
	_ =	sdelay $0x3  }
0x34: {  	[smem:$0x3FB8] =	sst s10  }
0x35: {  	s10 =	sld [smem:$0x3FB7];
	_ =	sdelay $0x3  }
0x36: {  	p1 =	seq.s32 s10, $0x1;
	s10 =	sld [smem:$0x3FB8];
	_ =	sdelay $0x3  }
0x37: {  	[smem:$0x3FB8] =	sst s10  }
0x38: {  	s10 =	sld [smem:$0x3FB9]  }
0x39: {  	_ = 	snop;
	(pc) =	sbr.ind lr, $3  }
0x3a: {  	_ = 	snop  }
0x3b: {  	_ = 	snop  }
0x3c: {  	p2 =	seq.s32 s10, $0x1;
	s10 =	sld [smem:$0x3FB8]  }
0x3d: {  	_ =	shalt  }
0x3e: {  	_ =	shalt  }
0x3f: {  	_ =	shalt  }
0x40: {  	_ =	shalt  }
0x41: {  	_ =	shalt  }
0x42: {  	_ =	shalt  }
0x43: {  	_ =	shalt  }
0x44: {  	_ =	shalt  }
0x45: {  	_ =	shalt  }
0x46: {  	_ =	shalt  }
0x47: {  	_ =	shalt  }
0x48: {  	_ =	shalt  }
0x49: {  	_ =	shalt  }
0x4a: {  	_ =	shalt  }
0x4b: {  	_ =	shalt  }
0x4c: {  	_ =	shalt  }
0x4d: {  	_ =	shalt  }
0x4e: {  	_ =	shalt  }
0x4f: {  	_ =	shalt  }
0x50: {  	_ =	shalt  }
0x51: {  	_ =	shalt  }
0x52: {  	_ =	shalt  }
0x53: {  	_ =	shalt  }
0x54: {  	_ =	shalt  }
0x55: {  	_ =	shalt  }
0x56: {  	_ =	shalt  }
0x57: {  	_ =	shalt  }
0x58: {  	_ =	shalt  }
0x59: {  	_ =	shalt  }
0x5a: {  	_ =	shalt  }
0x5b: {  	_ =	shalt  }
0x5c: {  	_ =	shalt  }
0x5d: {  	_ =	shalt  }
0x5e: {  	_ =	shalt  }
0x5f: {  	_ =	shalt  }
0x60: {  	_ =	shalt  }
0x61: {  	_ =	shalt  }
0x62: {  	_ =	shalt  }
0x63: {  	_ =	shalt  }
0x64: {  	_ =	shalt  }
0x65: {  	_ =	shalt  }
0x66: {  	_ =	shalt  }
0x67: {  	_ =	shalt  }
0x68: {  	_ =	shalt  }
0x69: {  	_ =	shalt  }
0x6a: {  	_ =	shalt  }
0x6b: {  	_ =	shalt  }
0x6c: {  	_ =	shalt  }
0x6d: {  	_ =	shalt  }
0x6e: {  	_ =	shalt  }
0x6f: {  	_ =	shalt  }
0x70: {  	_ =	shalt  }
0x71: {  	_ =	shalt  }
0x72: {  	_ =	shalt  }
0x73: {  	_ =	shalt  }
0x74: {  	_ =	shalt  }
0x75: {  	_ =	shalt  }
0x76: {  	_ =	shalt  }
0x77: {  	_ =	shalt  }
0x78: {  	_ =	shalt  }
0x79: {  	_ =	shalt  }
0x7a: {  	_ =	shalt  }
0x7b: {  	_ =	shalt  }
0x7c: {  	_ =	shalt  }
0x7d: {  	_ =	shalt  }
0x7e: {  	_ =	shalt  }
0x7f: {  	_ =	shalt  }
0x80: {  	_ =	shalt  }
0x81: {  	_ =	shalt  }
0x82: {  	_ =	shalt  }
0x83: {  	_ =	shalt  }
0x84: {  	_ =	shalt  }
0x85: {  	_ =	shalt  }
0x86: {  	_ =	shalt  }
0x87: {  	_ =	shalt  }
.Lfunc_end0:
.L_simem_size_0:
called_computation.1_lowered:
.L_overlay_start_0:
0x88: {  	s2 =	sld [smem:$0x3FD9]  }
0x89: {  	s3 =	sld [smem:$0x3FFE];
	_ =	sdelay $0x1  }
0x8a: {  	s1 =	srdreg.scid  }
0x8b: {  	s0 =	sand.u32 $0x1, s1  }
0x8c: {  	s17 =	sshll.u32 s0, $0xA;
	s2 =	sadd.s32 s3, s2  }
0x8d: {  	s2 =	sadd.s32 s2, s17  }
0x8e: {  	[smem:$0x3FC4] =	sst s2  }
0x8f: {  	_ = 	snop  }
0x90: {  	s2 =	sld [smem:$0x3FD0];
	(tm) =	ssettm $0x1  }
0x91: {  	s18 =	sld [smem:$0x3FFB];
	_ =	sdelay $0x3  }
0x92: {  	_ =	strace s18  }
0x93: {  	s3 =	sld [smem:$0x3FFC];
	_ =	sdelay $0x3  }
0x94: {  	_ =	strace s3  }
0x95: {  	s3 =	sld [smem:$0x3FFD];
	_ =	sdelay $0x3  }
0x96: {  	_ =	strace s3  }
0x97: {  	_ =	strace $0x8FFFFFFF  }
0x98: {  	s19 =	sld [smem:$0x3FDB];
	_ =	sdelay $0x1  }
0x99: {  	s4 =	simm.s32 $_scs_section_size  }
0x9a: {  	s5 =	simm.s32 $_size__tile_overlayer_lowered;
	s6 =	simm.s32 $_tile_overlayer_lowered  }
0x9b: {  	s22 =	simm.s32 $0x1BFF;
	s21 =	sshll.u32 s6, $0x1;
	s3 =	sadd.s32 s4, s19  }
0x9c: {  	s7 =	simm.s32 $0x0;
	s20 =	sshll.u32 s5, $0x1;
	s5 =	sadd.s32 s21, s3  }
0x9d: {  	[timem:s7], [sflag:s22] =	dma.local [hbm:s5], s20  }
0x9e: {  	_ =	swait.ge [sflag:s22], s20  }
0x9f: {  	s4 =	ssub.s32 $0x0, s20;
	[sflag:s22] =	ssyncset.done $0x0  }
0xa0: {  	[sflag:s22] =	ssyncadd.s32 s4;
	_ =	sdelay $0x1  }
0xa1: {  	s23 =	simm.s32 $0x1B8B  }
0xa2: {  	_ =	swait.ge [sflag:s23], $0x1  }
0xa3: {  	[sflag:s23] =	ssyncset.done $0x0  }
0xa4: {  	s25 =	simm.s32 $0x1B8E;
	s24 =	sld [smem:$0x3FFE];
	[sflag:s23] =	ssyncadd.s32 $0xFFFFFFFF  }
0xa5: {  	s26 =	simm.s32 $execute0_lowered;
	[smem:$0x3FD2] =	sst s25  }
0xa6: {  	s5 =	sshll.u32 s26, $0x1;
	_ =	strace $0x80000049;
	[dreg:$0x1] =	wrdreg $0xFFFFFFFF  }
0xa7: {  	s28 =	simm.s32 $_size_execute0_lowered;
	s3 =	sadd.s32 s3, s5;
	[dreg:$0x0] =	wrdreg $0x0  }
0xa8: {  	s5 =	sshll.u32 s28, $0x1;
	[dreg:$0x2] =	wrdreg s3  }
0xa9: {  	[dreg:$0x3] =	wrdreg s5  }
0xaa: {  	[dreg:$0x4] =	wrdreg $0xC0  }
0xab: {  	_ =	task [dreg:s7], $0x5FFFF  }
0xac: {  	[dreg:$0x1] =	wrdreg $0xFFFFFFFF  }
0xad: {  	[dreg:$0x0] =	wrdreg $0x60  }
0xae: {  	[dreg:$0x2] =	wrdreg s2  }
0xaf: {  	[dreg:$0x3] =	wrdreg s24  }
0xb0: {  	[dreg:$0x4] =	wrdreg $0x31800  }
0xb1: {  	[dreg:$0x5] =	wrdreg $0x9  }
0xb2: {  	_ =	task.clear_ibuf [dreg:s7], $0x6FFFF;
	_ =	strace $0x90000049  }
0xb3: {  	s29 =	simm.s32 $0x9;
	_ =	strace $0x8000004B  }
0xb4: {  	_ =	swait.ge [sflag:s29], $0x1  }
0xb5: {  	[sflag:s29] =	ssyncadd.s32 $0xFFFFFFFF  }
0xb6: {  	_ =	strace $0x9000004B  }
0xb7: {  	_ =	sfence  }
0xb8: {  	s30 =	sld [smem:$0x0];
	_ =	sdelay $0x2  }
0xb9: {  	s31 =	sshll.u32 s1, $0xD;
	s1 =	sshrl.u32 s1, $0x2  }
0xba: {  	s3 =	sand.u32 $0x4000, s31;
	s1 =	sadd.s32 s1, s30  }
0xbb: {  	s0 =	sor.u32 s3, s0;
	s1 =	sshll.u32 s1, $0x11  }
0xbc: {  	s0 =	sor.u32 s1, s0  }
0xbd: {  	s0 =	sadd.s32 $0x8F2B, s0  }
0xbe: {  	[sflag:s0] =	ssyncadd.remote.s32 $0x1  }
0xbf: {  	_ =	sfence.sel $0xFFFF  }
0xc0: {  	[dreg:$0x0] =	wrdreg $0xFFFFFFFF;
	(pc) =	sbr.abs _section_cstart, $3  }
0xc1: {  	[dreg:$0x1] =	wrdreg $0xFFFFFFFF  }
0xc2: {  	_ =	task.clear_ibuf [dreg:s7], $0x2FFFF;
	_ =	strace $0x9FFFFFFF  }
0xc3: {  	(tm) =	ssettm $0x7FFFFFFF  }
tec
execute0_lowered:
.L_overlay_start_1:
0x0: {  	(tag) =	ssettag $0x1  }
0x1: {  	s1 =	rddreg [dreg:$0x0]  }
0x2: {  	s9 =	rddreg [dreg:$0x1]  }
0x3: {  	s2 =	rddreg [dreg:$0x2]  }
0x4: {  	s0 =	rddreg [dreg:$0x3]  }
0x5: {  	s4 =	simm.s32 $0x0;
	s3 =	srdreg.scid;
	s15 =	simm.s32 $0x2  }
0x6: {  	s16 =	simm.s32 $0x80;
	s17 =	simm.s32 $0x100;
	s18 =	simm.s32 $0x180  }
0x7: {  	s19 =	simm.s32 $0x980;
	s20 =	simm.s32 $0x1;
	s21 =	simm.s32 $0x1980  }
0x8: {  	s22 =	simm.s32 $0x0;
	[smem:$0x7FF] =	sst s4;
	s11 =	sand.u32 $0x1, s3  }
0x9: {  	s3 =	stileid.u32;
	s5 =	sadd.s32 $0x66200, s9;
	s10 =	smul.u32 $0x31000, s11  }
0xa: {  	s6 =	sadd.s32 $0x4DA00, s9;
	s7 =	sadd.s32 $0xC00, s9;
	s12 =	smul.u32 $0x3100, s3  }
0xb: {  	s8 =	sadd.s32 $0x126C00, s9;
	s13 =	smul.u32 $0x62000, s3;
	s28 =	ssub.s32 $0x2, s11  }
0xc: {  	_ =	strace $0x8000004A;
	s11 =	smul.u32 $0xC4000, s11;
	s29 =	sshrl.u32 s28, $0x1  }
0xd: {  	s10 =	sadd.s32 s12, s10;
	s30 =	sshrl.u32 s13, $0x2;
	s31 =	ssub.s32 s28, s29  }
0xe: {  	s14 =	sadd.s32 s10, s9;
	s9 =	sadd.s32 s30, s2;
	s10 =	smul.u32 $0xC400, s3  }
0xf: {  	v0 =	vimm.f32 $0.0e+00;
	s13 =	smax.u32 s31, $0x1;
	s12 =	sadd.s32 $0x7EA00, s14;
	s14 =	simm.s32 $0x2980  }
.LBB2_1:
0x10: {  	s23 =	simm.s32 $0x0  }
.LBB2_2:
0x11: {  	p0 =	sne.s32 s23, $0x1F80  }
.Ltmp0:
0x12: {  	_ = 	snop;
	(pc) =	sbr.rel @p0 .LBB2_2-.Ltmp0, $4  }
0x13: {  	_ = 	snop  }
0x14: {  	s24 =	sshra.s32 s23, $0x2  }
0x15: {  	[tilespmem:s24+$0x2980] =	vst v0  }
0x16: {  	s23 =	sadd.s32 $0x80, s23;
	[tilespmem:s24+$0x2990] =	vst v0  }
0x17: {  	s23 =	sadd.s32 $0x0, s9  }
0x18: {  	[spmem:s23] =	stream.linear.scatter [tilespmem:s14], [sflag:$0x2], $0x800, $0x38;
	[tilespmem:$0x1B980] =	vst v63  }
0x19: {  	s23 =	simm.s32 $0x2000;
	_ =	swait.ge [sflag:s15], $0x800  }
.LBB2_4:
0x1a: {  	s24 =	sshra.s32 s23, $0x2;
	[sflag:s15] =	ssyncset.done $0x0;
	p0 =	sne.s32 s23, $0x60000  }
.Ltmp1:
0x1b: {  	s24 =	sadd.s32 s24, s9;
	[sflag:s15] =	ssyncadd.s32 $0xFFFFF800;
	(pc) =	sbr.rel @p0 .LBB2_4-.Ltmp1, $3  }
0x1c: {  	[spmem:s24] =	stream.linear.scatter [tilespmem:s14], [sflag:$0x2], $0x800, $0x38;
	[tilespmem:$0x1B980] =	vst v63  }
0x1d: {  	s23 =	sadd.s32 $0x2000, s23;
	_ =	sdelay $0x1  }
0x1e: {  	_ =	swait.ge [sflag:s15], $0x800  }
0x1f: {  	[sflag:s15] =	ssyncset.done $0x0  }
0x20: {  	[sflag:s15] =	ssyncadd.s32 $0xFFFFF800  }
0x21: {  	s23 =	simm.s32 $0x0;
	[bflag:$0x0] =	sbarrier.arrive $0xFFFF  }
.LBB2_6:
0x22: {  	s24 =	sshll.u32 s23, $0x7  }
0x23: {  	s24 =	sadd.s32 s10, s24  }
0x24: {  	s25 =	sadd.s32 s11, s24  }
0x25: {  	s25 =	sshrl.u32 s25, $0x3  }
0x26: {  	s25 =	sadd.s32 s1, s25  }
0x27: {  	[tilespmem:s4], [sflag:$0x2] =	stream.linear.gather [hbm4b:s25+s4], $0x80, $0x38;
	[tilespmem:$0x1B980] =	vst v63  }
0x28: {  	_ =	swait.ge [sflag:s15], $0x80  }
0x29: {  	s24 =	sshrl.u32 s24, $0x3;
	[sflag:s15] =	ssyncset.done $0x0  }
0x2a: {  	s26 =	sadd.s32 s5, s24;
	[sflag:s15] =	ssyncadd.s32 $0xFFFFFF80  }
0x2b: {  	[tilespmem:s16], [sflag:$0x2] =	stream.linear.gather [hbm4b:s26+s4], $0x80, $0x38;
	[tilespmem:$0x1B980] =	vst v63  }
0x2c: {  	_ =	swait.ge [sflag:s15], $0x80  }
0x2d: {  	[sflag:s15] =	ssyncset.done $0x0  }
0x2e: {  	s24 =	sadd.s32 s6, s24;
	[sflag:s15] =	ssyncadd.s32 $0xFFFFFF80  }
0x2f: {  	[tilespmem:s17], [sflag:$0x2] =	stream.linear.gather [hbm4b:s24+s4], $0x80, $0x38;
	[tilespmem:$0x1B980] =	vst v63  }
0x30: {  	_ =	swait.ge [sflag:s15], $0x80  }
0x31: {  	[sflag:s15] =	ssyncset.done $0x0  }
0x32: {  	s31 =	simm.s32 $0x0;
	[sflag:s15] =	ssyncadd.s32 $0xFFFFFF80  }
0x33: {  	[tilespmem:s18], [sflag:$0x1] =	stream.indirect.gather [hbm4b:s7+s16], $0x10, s16, s16, $0xb8;
	[tilespmem:$0x1B980] =	vst v63  }
0x34: {  	v1 =	vmov s31  }
0x35: {  	v1 =	vand.u32 $0xFFFFFFFC, v1;
	[tilespmem:s19], [sflag:$0x1] =	stream.indirect.gather [hbm4b:s8+s16], $0x20, s4, s16, $0xb8;
	[tilespmem:$0x1B980] =	vst v63  }
0x36: {  	v1 =	vbroadcast v1, $0x0;
	_ =	swait.ge [sflag:s20], $0x800  }
0x37: {  	[sflag:s20] =	ssyncset.done $0x0  }
0x38: {  	[sflag:s20] =	ssyncadd.s32 $0xFFFFF800  }
0x39: {  	_ =	swait.ge [sflag:s20], $0x1000  }
0x3a: {  	[sflag:s20] =	ssyncset.done $0x0  }
0x3b: {  	[sflag:s20] =	ssyncadd.s32 $0xFFFFF000  }
0x3c: {  	s24 =	simm.s32 $0x1A0;
	v1 =	vld.idx.msk [tilespmem:v1+s17+$0x0], $0xffff  }
0x3d: {  	v2 =	vld [tilespmem:s24+$0xFFFFFFE0]  }
0x3e: {  	s25 =	simm.s32 $0x9C0  }
0x3f: {  	v3 =	vld [tilespmem:s25+$0xFFFFFFC0];
	_ =	sdelay $0x2  }
0x40: {  	v1 =	vmul.f32 v2, v1;
	_ =	sdelay $0x1  }
0x41: {  	v2 =	vmul.f32 v1, v3  }
0x42: {  	s26 =	simm.s32 $0x19C0  }
0x43: {  	s28 =	simm.s32 $0x1;
	[tilespmem:s26+$0xFFFFFFC0] =	vst v2  }
0x44: {  	v3 =	vmov s28;
	v2 =	vld [tilespmem:s25+$0xFFFFFFD0]  }
0x45: {  	v3 =	vand.u32 $0xFFFFFFFD, v3  }
0x46: {  	v3 =	vbroadcast v3, $0x0;
	_ =	sdelay $0x2  }
0x47: {  	v1 =	vmul.f32 v2, v1;
	_ =	sdelay $0x1  }
0x48: {  	[tilespmem:s26+$0xFFFFFFD0] =	vst v1  }
0x49: {  	v1 =	vld.idx.msk [tilespmem:v3+s17+$0x0], $0xffff  }
0x4a: {  	v2 =	vld [tilespmem:s24+$0xFFFFFFF0];
	_ =	sdelay $0x1  }
0x4b: {  	v3 =	vld [tilespmem:s25+$0xFFFFFFE0];
	_ =	sdelay $0x2  }
0x4c: {  	v1 =	vmul.f32 v2, v1;
	_ =	sdelay $0x1  }
0x4d: {  	v2 =	vmul.f32 v1, v3;
	_ =	sdelay $0x1  }
0x4e: {  	s28 =	simm.s32 $0x2;
	[tilespmem:s26+$0xFFFFFFE0] =	vst v2  }
0x4f: {  	v3 =	vmov s28;
	v2 =	vld [tilespmem:s25+$0xFFFFFFF0]  }
0x50: {  	v3 =	vand.u32 $0xFFFFFFFE, v3  }
0x51: {  	v3 =	vbroadcast v3, $0x0;
	_ =	sdelay $0x2  }
0x52: {  	v1 =	vmul.f32 v2, v1;
	_ =	sdelay $0x1  }
0x53: {  	[tilespmem:s26+$0xFFFFFFF0] =	vst v1  }
0x54: {  	v1 =	vld.idx.msk [tilespmem:v3+s17+$0x0], $0xffff  }
0x55: {  	v2 =	vld [tilespmem:s24+$0x0];
	_ =	sdelay $0x1  }
0x56: {  	v3 =	vld [tilespmem:s25+$0x0];
	_ =	sdelay $0x2  }
0x57: {  	v1 =	vmul.f32 v2, v1;
	_ =	sdelay $0x1  }
0x58: {  	v2 =	vmul.f32 v1, v3;
	_ =	sdelay $0x1  }
0x59: {  	[tilespmem:s26+$0x0] =	vst v2  }
0x5a: {  	v2 =	vld [tilespmem:s25+$0x10];
	_ =	sdelay $0x1  }
0x5b: {  	s28 =	simm.s32 $0x3  }
0x5c: {  	v3 =	vmov s28;
	_ =	sdelay $0x1  }
0x5d: {  	v1 =	vmul.f32 v2, v1;
	_ =	sdelay $0x1  }
0x5e: {  	[tilespmem:s26+$0x10] =	vst v1  }
0x5f: {  	v1 =	vld.idx.msk [tilespmem:v3+s17+$0x0], $0xffff  }
0x60: {  	v2 =	vld [tilespmem:s24+$0x10];
	_ =	sdelay $0x1  }
0x61: {  	v3 =	vld [tilespmem:s25+$0x20];
	_ =	sdelay $0x2  }
0x62: {  	v1 =	vmul.f32 v2, v1;
	_ =	sdelay $0x1  }
0x63: {  	v2 =	vmul.f32 v1, v3;
	_ =	sdelay $0x1  }
0x64: {  	s30 =	simm.s32 $0x4;
	s29 =	simm.s32 $0xB;
	s28 =	simm.s32 $0x7;
	[tilespmem:s26+$0x20] =	vst v2  }
.LBB2_7:
0x65: {  	p0 =	sne.s32 s29, $0x7F;
	v2 =	vmov s30;
	v3 =	vld [tilespmem:s25+$0x30]  }
0x66: {  	v2 =	vand.u32 $0xFFFFFFFC, v2  }
0x67: {  	v2 =	vbroadcast v2, $0x0;
	_ =	sdelay $0x2  }
0x68: {  	v1 =	vmul.f32 v3, v1;
	_ =	sdelay $0x1  }
0x69: {  	[tilespmem:s26+$0x30] =	vst v1  }
0x6a: {  	s24 =	sadd.s32 $0x40, s24;
	v1 =	vld.idx.msk [tilespmem:v2+s17+$0x0], $0xffff  }
0x6b: {  	s25 =	sadd.s32 $0x80, s25;
	v2 =	vld [tilespmem:s24+$0xFFFFFFE0]  }
0x6c: {  	v3 =	vld [tilespmem:s25+$0xFFFFFFC0];
	_ =	sdelay $0x3  }
0x6d: {  	v1 =	vmul.f32 v2, v1;
	_ =	sdelay $0x1  }
0x6e: {  	v2 =	vmul.f32 v1, v3  }
0x6f: {  	s26 =	sadd.s32 $0x80, s26  }
0x70: {  	s30 =	sadd.s32 $0xFFFFFFFE, s28;
	[tilespmem:s26+$0xFFFFFFC0] =	vst v2  }
0x71: {  	v3 =	vmov s30;
	v2 =	vld [tilespmem:s25+$0xFFFFFFD0]  }
0x72: {  	v3 =	vand.u32 $0xFFFFFFFD, v3  }
0x73: {  	v3 =	vbroadcast v3, $0x0;
	_ =	sdelay $0x2  }
0x74: {  	v1 =	vmul.f32 v2, v1;
	_ =	sdelay $0x1  }
0x75: {  	[tilespmem:s26+$0xFFFFFFD0] =	vst v1  }
0x76: {  	v1 =	vld.idx.msk [tilespmem:v3+s17+$0x0], $0xffff  }
0x77: {  	v2 =	vld [tilespmem:s24+$0xFFFFFFF0];
	_ =	sdelay $0x1  }
0x78: {  	v3 =	vld [tilespmem:s25+$0xFFFFFFE0];
	_ =	sdelay $0x2  }
0x79: {  	v1 =	vmul.f32 v2, v1;
	_ =	sdelay $0x1  }
0x7a: {  	v2 =	vmul.f32 v1, v3;
	_ =	sdelay $0x1  }
0x7b: {  	s30 =	sadd.s32 $0xFFFFFFFF, s28;
	[tilespmem:s26+$0xFFFFFFE0] =	vst v2  }
0x7c: {  	v3 =	vmov s30;
	v2 =	vld [tilespmem:s25+$0xFFFFFFF0]  }
0x7d: {  	v3 =	vand.u32 $0xFFFFFFFE, v3  }
0x7e: {  	v3 =	vbroadcast v3, $0x0;
	_ =	sdelay $0x2  }
0x7f: {  	v1 =	vmul.f32 v2, v1;
	_ =	sdelay $0x1  }
0x80: {  	[tilespmem:s26+$0xFFFFFFF0] =	vst v1  }
0x81: {  	v1 =	vld.idx.msk [tilespmem:v3+s17+$0x0], $0xffff  }
0x82: {  	v2 =	vld [tilespmem:s24+$0x0];
	_ =	sdelay $0x1  }
0x83: {  	v3 =	vld [tilespmem:s25+$0x0];
	_ =	sdelay $0x2  }
0x84: {  	v1 =	vmul.f32 v2, v1;
	_ =	sdelay $0x1  }
0x85: {  	v2 =	vmul.f32 v1, v3;
	_ =	sdelay $0x1  }
0x86: {  	[tilespmem:s26+$0x0] =	vst v2  }
0x87: {  	v2 =	vld [tilespmem:s25+$0x10];
	_ =	sdelay $0x2  }
0x88: {  	v3 =	vmov s28;
	s28 =	smov.u32 s29;
	_ =	sdelay $0x1  }
0x89: {  	v1 =	vmul.f32 v2, v1;
	_ =	sdelay $0x1  }
0x8a: {  	[tilespmem:s26+$0x10] =	vst v1  }
0x8b: {  	v1 =	vld.idx.msk [tilespmem:v3+s17+$0x0], $0xffff  }
0x8c: {  	v2 =	vld [tilespmem:s24+$0x10];
	_ =	sdelay $0x1  }
0x8d: {  	v3 =	vld [tilespmem:s25+$0x20];
	_ =	sdelay $0x2  }
.Ltmp2:
0x8e: {  	v1 =	vmul.f32 v2, v1;
	(pc) =	sbr.rel @p0 .LBB2_7-.Ltmp2, $3  }
0x8f: {  	_ = 	snop  }
0x90: {  	v2 =	vmul.f32 v1, v3;
	_ =	sdelay $0x1  }
0x91: {  	s29 =	sadd.s32 $0x4, s29;
	s30 =	sadd.s32 $0xFFFFFFFD, s28;
	[tilespmem:s26+$0x20] =	vst v2  }
0x92: {  	v2 =	vmov s30;
	v3 =	vld [tilespmem:s25+$0x30]  }
0x93: {  	v2 =	vand.u32 $0xFFFFFFFC, v2  }
0x94: {  	v2 =	vbroadcast v2, $0x0;
	_ =	sdelay $0x2  }
0x95: {  	v1 =	vmul.f32 v3, v1;
	_ =	sdelay $0x1  }
0x96: {  	[tilespmem:s26+$0x30] =	vst v1  }
0x97: {  	s24 =	sadd.s32 $0x40, s24;
	v1 =	vld.idx.msk [tilespmem:v2+s17+$0x0], $0xffff  }
0x98: {  	v2 =	vld [tilespmem:s24+$0xFFFFFFE0]  }
0x99: {  	s25 =	sadd.s32 $0x80, s25  }
0x9a: {  	v3 =	vld [tilespmem:s25+$0xFFFFFFC0];
	_ =	sdelay $0x2  }
0x9b: {  	v1 =	vmul.f32 v2, v1;
	_ =	sdelay $0x1  }
0x9c: {  	v2 =	vmul.f32 v1, v3  }
0x9d: {  	s30 =	sadd.s32 $0x80, s26  }
0x9e: {  	s29 =	sadd.s32 $0xFFFFFFFE, s28;
	[tilespmem:s30+$0xFFFFFFC0] =	vst v2  }
0x9f: {  	v3 =	vmov s29;
	v2 =	vld [tilespmem:s25+$0xFFFFFFD0]  }
0xa0: {  	v3 =	vand.u32 $0xFFFFFFFD, v3  }
0xa1: {  	v3 =	vbroadcast v3, $0x0;
	_ =	sdelay $0x2  }
0xa2: {  	v1 =	vmul.f32 v2, v1;
	_ =	sdelay $0x1  }
0xa3: {  	[tilespmem:s30+$0xFFFFFFD0] =	vst v1  }
0xa4: {  	v1 =	vld.idx.msk [tilespmem:v3+s17+$0x0], $0xffff  }
0xa5: {  	v2 =	vld [tilespmem:s24+$0xFFFFFFF0];
	_ =	sdelay $0x1  }
0xa6: {  	v3 =	vld [tilespmem:s25+$0xFFFFFFE0];
	_ =	sdelay $0x2  }
0xa7: {  	v1 =	vmul.f32 v2, v1;
	_ =	sdelay $0x1  }
0xa8: {  	v2 =	vmul.f32 v1, v3;
	_ =	sdelay $0x1  }
0xa9: {  	s31 =	sadd.s32 $0xFFFFFFFF, s28;
	[tilespmem:s30+$0xFFFFFFE0] =	vst v2  }
0xaa: {  	v3 =	vmov s31;
	v2 =	vld [tilespmem:s25+$0xFFFFFFF0]  }
0xab: {  	v3 =	vand.u32 $0xFFFFFFFE, v3  }
0xac: {  	v3 =	vbroadcast v3, $0x0;
	_ =	sdelay $0x2  }
0xad: {  	v1 =	vmul.f32 v2, v1;
	_ =	sdelay $0x1  }
0xae: {  	[tilespmem:s30+$0xFFFFFFF0] =	vst v1  }
0xaf: {  	v1 =	vld.idx.msk [tilespmem:v3+s17+$0x0], $0xffff  }
0xb0: {  	v2 =	vld [tilespmem:s24+$0x0];
	_ =	sdelay $0x1  }
0xb1: {  	v3 =	vld [tilespmem:s25+$0x0];
	_ =	sdelay $0x2  }
0xb2: {  	v1 =	vmul.f32 v2, v1;
	_ =	sdelay $0x1  }
0xb3: {  	v2 =	vmul.f32 v1, v3;
	_ =	sdelay $0x1  }
0xb4: {  	[tilespmem:s30+$0x0] =	vst v2  }
0xb5: {  	v2 =	vld [tilespmem:s25+$0x10];
	_ =	sdelay $0x2  }
0xb6: {  	v3 =	vmov s28;
	_ =	sdelay $0x1  }
0xb7: {  	v1 =	vmul.f32 v2, v1;
	_ =	sdelay $0x1  }
0xb8: {  	[tilespmem:s30+$0x10] =	vst v1  }
0xb9: {  	v1 =	vld.idx.msk [tilespmem:v3+s17+$0x0], $0xffff  }
0xba: {  	v2 =	vld [tilespmem:s24+$0x10];
	_ =	sdelay $0x1  }
0xbb: {  	v3 =	vld [tilespmem:s25+$0x20];
	_ =	sdelay $0x2  }
0xbc: {  	v1 =	vmul.f32 v2, v1;
	_ =	sdelay $0x1  }
0xbd: {  	v2 =	vmul.f32 v1, v3;
	_ =	sdelay $0x1  }
0xbe: {  	[tilespmem:s30+$0x20] =	vst v2  }
0xbf: {  	v2 =	vld [tilespmem:s25+$0x30];
	_ =	sdelay $0x4  }
0xc0: {  	s23 =	sadd.s32 $0x1, s23;
	v1 =	vmul.f32 v2, v1  }
0xc1: {  	p0 =	sne.s32 s23, $0x188  }
.Ltmp3:
0xc2: {  	[tilespmem:s30+$0x30] =	vst v1;
	(pc) =	sbr.rel @p0 .LBB2_6-.Ltmp3, $4  }
0xc3: {  	[spmem:s2] =	stream.indirect.scatter.add.f32 [tilespmem:s21], [sflag:$0x2], $0x20, s16, s16, $0xb8;
	[tilespmem:$0x1B980] =	vst v63  }
0xc4: {  	_ =	swait.ge [sflag:s15], $0x1000  }
0xc5: {  	[sflag:s15] =	ssyncset.done $0x0  }
0xc6: {  	[sflag:s15] =	ssyncadd.s32 $0xFFFFF000  }
0xc7: {  	s22 =	sadd.s32 $0x1, s22  }
0xc8: {  	s23 =	sshll.u32 s3, $0x6;
	[bflag:$0x0] =	sbarrier.arrive $0xFFFF;
	p0 =	sne.s32 s22, s13  }
.Ltmp4:
0xc9: {  	s24 =	sshrl.u32 s9, $0x3;
	s23 =	sor.u32 $0x1C02, s23;
	(pc) =	sbr.rel @p0 .LBB2_1-.Ltmp4, $4  }
0xca: {  	[hbm:s12], [sflag:s23] =	dma.local [spmem:s24], $0x3100  }
0xcb: {  	_ =	swait.ge [sflag:s15], $0x3100  }
0xcc: {  	[sflag:s15] =	ssyncset.done $0x0  }
0xcd: {  	[sflag:s15] =	ssyncadd.s32 $0xFFFFCF00  }
0xce: {  	_ =	sfence.sel $0x180000  }
0xcf: {  	[bflag:$0x0] =	sbarrier.arrive $0xFFFF  }
0xd0: {  	p0 =	sne.s32 s3, $0x0;
	_ =	strace $0x9000004A  }
0xd1: {  	s0 =	sadd.s32 @!p0 $0x100000, s0;
	[bflag:$0x2] =	sbarrier.arrive $0xFFFF  }
0xd2: {  	[sflag:s0] =	ssyncadd.tile.s32 @!p0 $0x1;
	_ =	shalt  }
.Lfunc_end2:
_tile_overlayer_lowered:
.L_overlay_start_2:
0xd3: {  	(tag) =	ssettag $0x2  }
0xd4: {  	s0 =	rddreg [dreg:$0x0];
	s2 =	stileid.u32  }
0xd5: {  	s1 =	rddreg [dreg:$0x1];
	p0 =	sne.s32 s2, $0x0  }
0xd6: {  	s3 =	rddreg [dreg:$0x2];
	[bflag:$0x3] =	sbarrier.arrive $0xFFFF;
	s2 =	simm.s32 @!p0 $0x1C02  }
0xd7: {  	[timem:s3], [sflag:s2] =	dma.local @!p0 [hbm:s0], s1  }
0xd8: {  	s0 =	simm.s32 @!p0 $0x2  }
0xd9: {  	_ =	swait.ge @!p0 [sflag:s0], s1  }
0xda: {  	s1 =	ssub.s32 @!p0 $0x0, s1;
	[sflag:s0] =	ssyncset.done @!p0 $0x0  }
0xdb: {  	[sflag:s0] =	ssyncadd.s32 @!p0 s1  }
0xdc: {  	[bflag:$0x3] =	sbarrier.arrive $0xFFFF  }
0xdd: {  	_ =	shalt  }

</sc_bundles>
